<compile_context>
chip_gen: v7x
topology: tpu7x:2x2x1
jax: 0.10.2.dev20260603
libtpu: 0.0.44.dev20260713+nightly
codegen_flags: <defaults>
</compile_context>

<pallas_src>
import functools

import jax
import jax.numpy as jnp
from jax import lax
from jax.experimental import pallas as pl
from jax.experimental.pallas import tpu as pltpu
import jax.experimental.pallas.tpu_sc as plsc

N = 10000
E = 320000
D = 128
DO = 128
DREAL = 50
B = 1024
WD = 5e-4

NC, NS = 2, 16
NW = NC * NS
RT = 640
NPAD = RT * NS
DUMMY = N + 8
CH = 128
KW = 79
EWP = KW * CH
BT = B // NW

_mesh = plsc.VectorSubcoreMesh(core_axis_name="c", subcore_axis_name="s",
                               num_cores=NC, num_subcores=NS)


def _sc_msg_body(feats, srcp, dstp, zer, z128, ones,
                 feats2, aggp, rs_out,
                 src_v, dst_v, rows_v, fbuf, degv, rsv, ones_v, zer_v,
                 agg_s, deg_s, sem):
    cid = lax.axis_index("c")
    sid = lax.axis_index("s")
    wid = sid * NC + cid
    r0 = sid * RT

    pltpu.sync_copy(zer, zer_v)
    pltpu.sync_copy(ones, ones_v)
    pltpu.sync_copy(z128, rows_v)
    pltpu.sync_copy(zer_v, deg_s.at[pl.ds(r0, RT)])
    for j in range(RT // CH):
        pltpu.sync_copy(rows_v, agg_s.at[pl.ds(r0 + j * CH, CH)])
    plsc.subcore_barrier()

    for w0 in (0, NS):
        pltpu.sync_copy(dstp.at[sid + w0], dst_v)

        @pl.loop(0, KW)
        def _deg(k):
            pltpu.async_copy(ones_v, deg_s.at[dst_v.at[k]], sem, add=True)

        @pl.loop(0, KW)
        def _drain(k):
            pltpu.make_async_copy(ones_v, deg_s.at[dst_v.at[0]], sem).wait()
    plsc.subcore_barrier()

    pltpu.sync_copy(deg_s.at[pl.ds(r0, RT)], degv)

    @pl.loop(0, RT // 16)
    def _rs(i):
        x = jnp.maximum(degv[pl.ds(i * 16, 16)], 1.0)
        h = jnp.int32(0x5F3759DF) - (lax.bitcast_convert_type(x, jnp.int32) >> 1)
        y = lax.bitcast_convert_type(h, jnp.float32)
        y = y * (1.5 - 0.5 * x * y * y)
        y = y * (1.5 - 0.5 * x * y * y)
        y = y * (1.5 - 0.5 * x * y * y)
        rsv[pl.ds(i * 16, 16)] = y

    pltpu.sync_copy(rsv, rs_out.at[cid, pl.ds(r0, RT)])

    nrows = jnp.minimum(RT, N - r0)

    @pl.loop(0, nrows // 16)
    def _scale(k):
        g0 = r0 + k * 16
        pltpu.sync_copy(feats.at[pl.ds(g0, 16)], fbuf)
        rv = rsv[pl.ds(k * 16, 16)]
        for r in range(16):
            sv = lax.broadcast(rv[r], (16,))
            for v in range(D // 16):
                fbuf[r, pl.ds(v * 16, 16)] = fbuf[r, pl.ds(v * 16, 16)] * sv
        pltpu.sync_copy(fbuf, feats2.at[pl.ds(g0, 16)])
    plsc.subcore_barrier()

    pltpu.sync_copy(srcp.at[wid], src_v)
    pltpu.sync_copy(dstp.at[wid], dst_v)

    @pl.loop(0, KW)
    def _edge(k):
        pltpu.async_copy(feats2.at[src_v.at[k]], rows_v, sem).wait()
        pltpu.sync_copy(rows_v, agg_s.at[dst_v.at[k]], add=True)
    plsc.subcore_barrier()

    for j in range(RT // CH):
        pltpu.sync_copy(agg_s.at[pl.ds(r0 + j * CH, CH)], rows_v)
        pltpu.sync_copy(rows_v, aggp.at[cid, pl.ds(r0 + j * CH, CH)])


_sc_msg = functools.partial(
    pl.kernel,
    out_type=(
        jax.ShapeDtypeStruct((N, D), jnp.float32),
        jax.ShapeDtypeStruct((NC, NPAD, D), jnp.float32),
        jax.ShapeDtypeStruct((NC, NPAD), jnp.float32),
    ),
    mesh=_mesh,
    scratch_types=[
        pltpu.VMEM((KW, CH), jnp.int32),
        pltpu.VMEM((KW, CH), jnp.int32),
        pltpu.VMEM((CH, D), jnp.float32),
        pltpu.VMEM((16, D), jnp.float32),
        pltpu.VMEM((RT,), jnp.float32),
        pltpu.VMEM((RT,), jnp.float32),
        pltpu.VMEM((CH,), jnp.float32),
        pltpu.VMEM((RT,), jnp.float32),
        pltpu.VMEM_SHARED((NPAD, D), jnp.float32),
        pltpu.VMEM_SHARED((NPAD,), jnp.float32),
        pltpu.SemaphoreType.DMA,
    ],
)(_sc_msg_body)


def _tc_embed_body(aggp_ref, rs_ref, w_ref, emb_ref, wd_ref):
    a = aggp_ref[0, :N, :] + aggp_ref[1, :N, :]
    a = a * rs_ref[0, :N][:, None]
    h = jnp.tanh(jnp.dot(a, w_ref[...], preferred_element_type=jnp.float32))
    ss = jnp.sum(h * h, axis=1, keepdims=True)
    e = h * lax.rsqrt(ss + 1e-12)
    emb_ref[...] = e
    wd_ref[...] = jnp.sum(e * e).reshape(1, 1)


_tc_embed = pl.pallas_call(
    _tc_embed_body,
    out_shape=(
        jax.ShapeDtypeStruct((N, DO), jnp.float32),
        jax.ShapeDtypeStruct((1, 1), jnp.float32),
    ),
)


def _sc_gather_body(emb, bidx, outs, idxv, buf, sem):
    cid = lax.axis_index("c")
    sid = lax.axis_index("s")
    wid = sid * NC + cid
    o = wid * BT
    for b in range(3):
        pltpu.sync_copy(bidx.at[b, pl.ds(o, BT)], idxv)
        pltpu.async_copy(emb.at[idxv], buf, sem).wait()
        pltpu.sync_copy(buf, outs.at[b, pl.ds(o, BT)])


_sc_gather = functools.partial(
    pl.kernel,
    out_type=jax.ShapeDtypeStruct((3, B, DO), jnp.float32),
    mesh=_mesh,
    scratch_types=[
        pltpu.VMEM((BT,), jnp.int32),
        pltpu.VMEM((BT, DO), jnp.float32),
        pltpu.SemaphoreType.DMA,
    ],
)(_sc_gather_body)


def _tc_loss_body(o_ref, wd_ref, out_ref):
    o1 = o_ref[0]
    o2 = o_ref[1]
    o3 = o_ref[2]
    y_ui = jnp.sum(o1 * o2, axis=1)
    y_uj = jnp.sum(o1 * o3, axis=1)
    d = y_ui - y_uj
    sig = 1.0 / (1.0 + jnp.exp(-d))
    loss = jnp.sum(-jnp.log(sig + 1e-12))
    loss = loss + WD * 0.5 * wd_ref[0, 0]
    out_ref[...] = (loss / B).reshape(1, 1)


_tc_loss = pl.pallas_call(
    _tc_loss_body,
    out_shape=jax.ShapeDtypeStruct((1, 1), jnp.float32),
)


def kernel(feats, W, edge_index, batch1, batch2, batch3):
    src = edge_index[0]
    dst = edge_index[1]
    pad = NW * EWP - E
    srcp = jnp.concatenate([src, jnp.zeros((pad,), jnp.int32)]).reshape(NW, KW, CH)
    dstp = jnp.concatenate([dst, jnp.full((pad,), DUMMY, jnp.int32)]).reshape(NW, KW, CH)
    zer = jnp.zeros((RT,), jnp.float32)
    z128 = jnp.zeros((CH, D), jnp.float32)
    ones = jnp.ones((CH,), jnp.float32)
    feats2, aggp, rs = _sc_msg(feats, srcp, dstp, zer, z128, ones)
    del feats2
    Wp = jnp.zeros((D, DO), jnp.float32).at[:, :DREAL].set(W)
    emb, wd = _tc_embed(aggp, rs, Wp)
    bidx = jnp.stack([batch1, batch2, batch3])
    outs = _sc_gather(emb, bidx)
    loss = _tc_loss(outs, wd)
    return loss[0, 0]

# --- scband reference (transcript-rebuilt; emitter-appended) ---
"""Pipeline reference for scband-light-gcn-10849087390119 (READ-ONLY COPY).

The authoritative reference and input builder live on the scoring server;
editing this copy changes nothing except your own understanding.
"""

import jax, jax.numpy as jnp
import numpy as np

N = 10000
E = 320000
D_IN = 128
D_OUT = 50
B = 1024
WEIGHT_DECAY = 5e-4


def setup_inputs(seed: int = 0) -> dict:
    key = jax.random.key(seed)
    k1, k2, k3, k4, k5, k6 = jax.random.split(key, 6)
    feats = jax.random.normal(k1, (N, D_IN), dtype=jnp.float32)
    edge_index = jax.random.randint(k2, (2, E), 0, N, dtype=jnp.int32)
    batch1 = jax.random.randint(k3, (B,), 0, N, dtype=jnp.int32)
    batch2 = jax.random.randint(k4, (B,), 0, N, dtype=jnp.int32)
    batch3 = jax.random.randint(k5, (B,), 0, N, dtype=jnp.int32)
    # GraphConvolution weight (glorot-ish init)
    W = jax.random.normal(k6, (D_IN, D_OUT), dtype=jnp.float32) * (1.0 / np.sqrt(D_IN))
    return {"feats": feats, "W": W, "edge_index": edge_index,
            "batch1": batch1, "batch2": batch2, "batch3": batch3}


def reference(feats, W, edge_index, batch1, batch2, batch3):
    src = edge_index[0]
    dst = edge_index[1]
    # symmetric-normalized adjacency aggregation (GraphConvolution, sparse_inputs=True)
    ones = jnp.ones((edge_index.shape[1],), dtype=feats.dtype)
    deg = jax.ops.segment_sum(ones, dst, num_segments=N)
    deg = jnp.maximum(deg, 1.0)
    norm = jax.lax.rsqrt(jnp.take(deg, src)) * jax.lax.rsqrt(jnp.take(deg, dst))
    msgs = jnp.take(feats, src, axis=0) * norm[:, None]
    agg = jax.ops.segment_sum(msgs, dst, num_segments=N)
    hidden = jnp.tanh(agg @ W)
    # l2 normalize node embeddings (axis=1)
    embedding = hidden * jax.lax.rsqrt(jnp.sum(hidden * hidden, axis=1, keepdims=True) + 1e-12)
    # embedding lookups for positive/negative batches
    outputs1 = jnp.take(embedding, batch1, axis=0)
    outputs2 = jnp.take(embedding, batch2, axis=0)
    neg_outputs = jnp.take(embedding, batch3, axis=0)
    # BPR loss + weight decay on embedding (tf.nn.l2_loss = 0.5*sum(v^2))
    y_ui = jnp.sum(outputs1 * outputs2, axis=1)
    y_uj = jnp.sum(outputs1 * neg_outputs, axis=1)
    loss = jnp.sum(-jnp.log(jax.nn.sigmoid(y_ui - y_uj) + 1e-12))
    loss = loss + WEIGHT_DECAY * 0.5 * jnp.sum(embedding * embedding)
    loss = loss / jnp.float32(B)
    return loss

if __name__ == "__main__":
    import jax
    _d = setup_inputs()
    print(jax.jit(kernel)(*tuple(_d.values())))

</pallas_src>

<mosaic_0001>
#map = affine_map<(d0, d1) -> (0, 0)>
#map1 = affine_map<(d0, d1) -> (0, 0, 0)>
module attributes {stable_mosaic.version = 14 : i64} {
  func.func @_sc_gather_body(%arg0: i32, %arg1: i32, %arg2: memref<10000x128xf32, #tpu.memory_space<hbm>>, %arg3: memref<3x1024xi32, #tpu.memory_space<hbm>>, %arg4: memref<3x1024x128xf32, #tpu.memory_space<hbm>>, %arg5: memref<32xi32, #tpu.memory_space<vmem>>, %arg6: memref<32x128xf32, #tpu.memory_space<vmem>>, %arg7: memref<!tpu.dma_semaphore, #tpu.memory_space<semaphore_mem>>) attributes {dimension_semantics = [#tpu.dimension_semantics<core_parallel>, #tpu.dimension_semantics<subcore_parallel>], iteration_bounds = array<i64: 2, 16>, scalar_prefetch = 0 : i64, scratch_operands = 3 : i64, tpu.core_type = #tpu.core_type<sc_vector_subcore>, window_params = [{transform_indices = #map}, {transform_indices = #map}, {transform_indices = #map1}]} {
    %mul3A = arith.constant 2 : i32
    %mul3A_0 = arith.muli %arg1, %mul3A : i32
    %add3A = arith.addi %mul3A_0, %arg0 : i32
    %mul3A_1 = arith.constant 32 : i32
    %mul3A_2 = arith.muli %add3A, %mul3A_1 : i32
    %run_scoped3A = arith.constant 0 : i32
    "tpu.region"() ({
      %run_scoped3A_24 = tpu.sem_alloc : memref<!tpu.dma_semaphore, #tpu.memory_space<semaphore_mem>>
      %dma_start3A_25 = tpu.memref_slice %arg3[%run_scoped3A, %mul3A_2] : memref<3x1024xi32, #tpu.memory_space<hbm>> -> memref<1x32xi32, #tpu.memory_space<hbm>>
      %dma_start3A_26 = tpu.memref_squeeze %dma_start3A_25 : memref<1x32xi32, #tpu.memory_space<hbm>> -> memref<32xi32, #tpu.memory_space<hbm>>
      %dma_start3A_27 = tpu.memref_slice %arg3[%run_scoped3A, %mul3A_2] : memref<3x1024xi32, #tpu.memory_space<hbm>> -> memref<1x32xi32, #tpu.memory_space<hbm>>
      %dma_start3A_28 = tpu.memref_squeeze %dma_start3A_27 : memref<1x32xi32, #tpu.memory_space<hbm>> -> memref<32xi32, #tpu.memory_space<hbm>>
      tpu.enqueue_dma source(%dma_start3A_28 : memref<32xi32, #tpu.memory_space<hbm>>) target(%arg5 : memref<32xi32, #tpu.memory_space<vmem>>) target_semaphore(%run_scoped3A_24 : memref<!tpu.dma_semaphore, #tpu.memory_space<semaphore_mem>>)
      %dma_wait3A_29 = tpu.memref_slice %arg3[%run_scoped3A, %mul3A_2] : memref<3x1024xi32, #tpu.memory_space<hbm>> -> memref<1x32xi32, #tpu.memory_space<hbm>>
      %dma_wait3A_30 = tpu.memref_squeeze %dma_wait3A_29 : memref<1x32xi32, #tpu.memory_space<hbm>> -> memref<32xi32, #tpu.memory_space<hbm>>
      %dma_wait3A_31 = tpu.memref_slice %arg3[%run_scoped3A, %mul3A_2] : memref<3x1024xi32, #tpu.memory_space<hbm>> -> memref<1x32xi32, #tpu.memory_space<hbm>>
      %dma_wait3A_32 = tpu.memref_squeeze %dma_wait3A_31 : memref<1x32xi32, #tpu.memory_space<hbm>> -> memref<32xi32, #tpu.memory_space<hbm>>
      tpu.wait_dma2 semaphore(%run_scoped3A_24 : memref<!tpu.dma_semaphore, #tpu.memory_space<semaphore_mem>>) src(%dma_wait3A_32 : memref<32xi32, #tpu.memory_space<hbm>>) dst(%arg5 : memref<32xi32, #tpu.memory_space<vmem>>)
      tpu.yield
    }) : () -> ()
    %dma_start3A = arith.constant 0 : i32
    %dma_start3A_3 = arith.constant 0 : i32
    %dma_start3A_4 = tpu.memref_slice %arg2[%dma_start3A, %dma_start3A_3] : memref<10000x128xf32, #tpu.memory_space<hbm>> -> memref<10000x128xf32, #tpu.memory_space<hbm>>
    tpu.enqueue_indirect_dma source(%dma_start3A_4 : memref<10000x128xf32, #tpu.memory_space<hbm>>) target(%arg6 : memref<32x128xf32, #tpu.memory_space<vmem>>) offsets(%arg5 : memref<32xi32, #tpu.memory_space<vmem>>) semaphore(%arg7 : memref<!tpu.dma_semaphore, #tpu.memory_space<semaphore_mem>>)
    %dma_wait3A = arith.constant 0 : i32
    %dma_wait3A_5 = arith.constant 0 : i32
    %dma_wait3A_6 = tpu.memref_slice %arg2[%dma_wait3A, %dma_wait3A_5] : memref<10000x128xf32, #tpu.memory_space<hbm>> -> memref<10000x128xf32, #tpu.memory_space<hbm>>
    tpu.wait_indirect_dma semaphore(%arg7 : memref<!tpu.dma_semaphore, #tpu.memory_space<semaphore_mem>>) src(%dma_wait3A_6 : memref<10000x128xf32, #tpu.memory_space<hbm>>) dst(%arg6 : memref<32x128xf32, #tpu.memory_space<vmem>>)
    %run_scoped3A_7 = arith.constant 0 : i32
    "tpu.region"() ({
      %run_scoped3A_24 = tpu.sem_alloc : memref<!tpu.dma_semaphore, #tpu.memory_space<semaphore_mem>>
      %dma_start3A_25 = arith.constant 0 : i32
      %dma_start3A_26 = tpu.memref_slice %arg4[%run_scoped3A_7, %mul3A_2, %dma_start3A_25] : memref<3x1024x128xf32, #tpu.memory_space<hbm>> -> memref<1x32x128xf32, #tpu.memory_space<hbm>>
      %dma_start3A_27 = tpu.memref_squeeze %dma_start3A_26 : memref<1x32x128xf32, #tpu.memory_space<hbm>> -> memref<32x128xf32, #tpu.memory_space<hbm>>
      %dma_start3A_28 = arith.constant 0 : i32
      %dma_start3A_29 = tpu.memref_slice %arg4[%run_scoped3A_7, %mul3A_2, %dma_start3A_28] : memref<3x1024x128xf32, #tpu.memory_space<hbm>> -> memref<1x32x128xf32, #tpu.memory_space<hbm>>
      %dma_start3A_30 = tpu.memref_squeeze %dma_start3A_29 : memref<1x32x128xf32, #tpu.memory_space<hbm>> -> memref<32x128xf32, #tpu.memory_space<hbm>>
      tpu.enqueue_dma source(%arg6 : memref<32x128xf32, #tpu.memory_space<vmem>>) target(%dma_start3A_30 : memref<32x128xf32, #tpu.memory_space<hbm>>) target_semaphore(%run_scoped3A_24 : memref<!tpu.dma_semaphore, #tpu.memory_space<semaphore_mem>>)
      %dma_wait3A_31 = arith.constant 0 : i32
      %dma_wait3A_32 = tpu.memref_slice %arg4[%run_scoped3A_7, %mul3A_2, %dma_wait3A_31] : memref<3x1024x128xf32, #tpu.memory_space<hbm>> -> memref<1x32x128xf32, #tpu.memory_space<hbm>>
      %dma_wait3A_33 = tpu.memref_squeeze %dma_wait3A_32 : memref<1x32x128xf32, #tpu.memory_space<hbm>> -> memref<32x128xf32, #tpu.memory_space<hbm>>
      %dma_wait3A_34 = arith.constant 0 : i32
      %dma_wait3A_35 = tpu.memref_slice %arg4[%run_scoped3A_7, %mul3A_2, %dma_wait3A_34] : memref<3x1024x128xf32, #tpu.memory_space<hbm>> -> memref<1x32x128xf32, #tpu.memory_space<hbm>>
      %dma_wait3A_36 = tpu.memref_squeeze %dma_wait3A_35 : memref<1x32x128xf32, #tpu.memory_space<hbm>> -> memref<32x128xf32, #tpu.memory_space<hbm>>
      tpu.wait_dma2 semaphore(%run_scoped3A_24 : memref<!tpu.dma_semaphore, #tpu.memory_space<semaphore_mem>>) src(%arg6 : memref<32x128xf32, #tpu.memory_space<vmem>>) dst(%dma_wait3A_36 : memref<32x128xf32, #tpu.memory_space<hbm>>)
      tpu.yield
    }) : () -> ()
    %run_scoped3A_8 = arith.constant 1 : i32
    "tpu.region"() ({
      %run_scoped3A_24 = tpu.sem_alloc : memref<!tpu.dma_semaphore, #tpu.memory_space<semaphore_mem>>
      %dma_start3A_25 = tpu.memref_slice %arg3[%run_scoped3A_8, %mul3A_2] : memref<3x1024xi32, #tpu.memory_space<hbm>> -> memref<1x32xi32, #tpu.memory_space<hbm>>
      %dma_start3A_26 = tpu.memref_squeeze %dma_start3A_25 : memref<1x32xi32, #tpu.memory_space<hbm>> -> memref<32xi32, #tpu.memory_space<hbm>>
      %dma_start3A_27 = tpu.memref_slice %arg3[%run_scoped3A_8, %mul3A_2] : memref<3x1024xi32, #tpu.memory_space<hbm>> -> memref<1x32xi32, #tpu.memory_space<hbm>>
      %dma_start3A_28 = tpu.memref_squeeze %dma_start3A_27 : memref<1x32xi32, #tpu.memory_space<hbm>> -> memref<32xi32, #tpu.memory_space<hbm>>
      tpu.enqueue_dma source(%dma_start3A_28 : memref<32xi32, #tpu.memory_space<hbm>>) target(%arg5 : memref<32xi32, #tpu.memory_space<vmem>>) target_semaphore(%run_scoped3A_24 : memref<!tpu.dma_semaphore, #tpu.memory_space<semaphore_mem>>)
      %dma_wait3A_29 = tpu.memref_slice %arg3[%run_scoped3A_8, %mul3A_2] : memref<3x1024xi32, #tpu.memory_space<hbm>> -> memref<1x32xi32, #tpu.memory_space<hbm>>
      %dma_wait3A_30 = tpu.memref_squeeze %dma_wait3A_29 : memref<1x32xi32, #tpu.memory_space<hbm>> -> memref<32xi32, #tpu.memory_space<hbm>>
      %dma_wait3A_31 = tpu.memref_slice %arg3[%run_scoped3A_8, %mul3A_2] : memref<3x1024xi32, #tpu.memory_space<hbm>> -> memref<1x32xi32, #tpu.memory_space<hbm>>
      %dma_wait3A_32 = tpu.memref_squeeze %dma_wait3A_31 : memref<1x32xi32, #tpu.memory_space<hbm>> -> memref<32xi32, #tpu.memory_space<hbm>>
      tpu.wait_dma2 semaphore(%run_scoped3A_24 : memref<!tpu.dma_semaphore, #tpu.memory_space<semaphore_mem>>) src(%dma_wait3A_32 : memref<32xi32, #tpu.memory_space<hbm>>) dst(%arg5 : memref<32xi32, #tpu.memory_space<vmem>>)
      tpu.yield
    }) : () -> ()
    %dma_start3A_9 = arith.constant 0 : i32
    %dma_start3A_10 = arith.constant 0 : i32
    %dma_start3A_11 = tpu.memref_slice %arg2[%dma_start3A_9, %dma_start3A_10] : memref<10000x128xf32, #tpu.memory_space<hbm>> -> memref<10000x128xf32, #tpu.memory_space<hbm>>
    tpu.enqueue_indirect_dma source(%dma_start3A_11 : memref<10000x128xf32, #tpu.memory_space<hbm>>) target(%arg6 : memref<32x128xf32, #tpu.memory_space<vmem>>) offsets(%arg5 : memref<32xi32, #tpu.memory_space<vmem>>) semaphore(%arg7 : memref<!tpu.dma_semaphore, #tpu.memory_space<semaphore_mem>>)
    %dma_wait3A_12 = arith.constant 0 : i32
    %dma_wait3A_13 = arith.constant 0 : i32
    %dma_wait3A_14 = tpu.memref_slice %arg2[%dma_wait3A_12, %dma_wait3A_13] : memref<10000x128xf32, #tpu.memory_space<hbm>> -> memref<10000x128xf32, #tpu.memory_space<hbm>>
    tpu.wait_indirect_dma semaphore(%arg7 : memref<!tpu.dma_semaphore, #tpu.memory_space<semaphore_mem>>) src(%dma_wait3A_14 : memref<10000x128xf32, #tpu.memory_space<hbm>>) dst(%arg6 : memref<32x128xf32, #tpu.memory_space<vmem>>)
    %run_scoped3A_15 = arith.constant 1 : i32
    "tpu.region"() ({
      %run_scoped3A_24 = tpu.sem_alloc : memref<!tpu.dma_semaphore, #tpu.memory_space<semaphore_mem>>
      %dma_start3A_25 = arith.constant 0 : i32
      %dma_start3A_26 = tpu.memref_slice %arg4[%run_scoped3A_15, %mul3A_2, %dma_start3A_25] : memref<3x1024x128xf32, #tpu.memory_space<hbm>> -> memref<1x32x128xf32, #tpu.memory_space<hbm>>
      %dma_start3A_27 = tpu.memref_squeeze %dma_start3A_26 : memref<1x32x128xf32, #tpu.memory_space<hbm>> -> memref<32x128xf32, #tpu.memory_space<hbm>>
      %dma_start3A_28 = arith.constant 0 : i32
      %dma_start3A_29 = tpu.memref_slice %arg4[%run_scoped3A_15, %mul3A_2, %dma_start3A_28] : memref<3x1024x128xf32, #tpu.memory_space<hbm>> -> memref<1x32x128xf32, #tpu.memory_space<hbm>>
      %dma_start3A_30 = tpu.memref_squeeze %dma_start3A_29 : memref<1x32x128xf32, #tpu.memory_space<hbm>> -> memref<32x128xf32, #tpu.memory_space<hbm>>
      tpu.enqueue_dma source(%arg6 : memref<32x128xf32, #tpu.memory_space<vmem>>) target(%dma_start3A_30 : memref<32x128xf32, #tpu.memory_space<hbm>>) target_semaphore(%run_scoped3A_24 : memref<!tpu.dma_semaphore, #tpu.memory_space<semaphore_mem>>)
      %dma_wait3A_31 = arith.constant 0 : i32
      %dma_wait3A_32 = tpu.memref_slice %arg4[%run_scoped3A_15, %mul3A_2, %dma_wait3A_31] : memref<3x1024x128xf32, #tpu.memory_space<hbm>> -> memref<1x32x128xf32, #tpu.memory_space<hbm>>
      %dma_wait3A_33 = tpu.memref_squeeze %dma_wait3A_32 : memref<1x32x128xf32, #tpu.memory_space<hbm>> -> memref<32x128xf32, #tpu.memory_space<hbm>>
      %dma_wait3A_34 = arith.constant 0 : i32
      %dma_wait3A_35 = tpu.memref_slice %arg4[%run_scoped3A_15, %mul3A_2, %dma_wait3A_34] : memref<3x1024x128xf32, #tpu.memory_space<hbm>> -> memref<1x32x128xf32, #tpu.memory_space<hbm>>
      %dma_wait3A_36 = tpu.memref_squeeze %dma_wait3A_35 : memref<1x32x128xf32, #tpu.memory_space<hbm>> -> memref<32x128xf32, #tpu.memory_space<hbm>>
      tpu.wait_dma2 semaphore(%run_scoped3A_24 : memref<!tpu.dma_semaphore, #tpu.memory_space<semaphore_mem>>) src(%arg6 : memref<32x128xf32, #tpu.memory_space<vmem>>) dst(%dma_wait3A_36 : memref<32x128xf32, #tpu.memory_space<hbm>>)
      tpu.yield
    }) : () -> ()
    %run_scoped3A_16 = arith.constant 2 : i32
    "tpu.region"() ({
      %run_scoped3A_24 = tpu.sem_alloc : memref<!tpu.dma_semaphore, #tpu.memory_space<semaphore_mem>>
      %dma_start3A_25 = tpu.memref_slice %arg3[%run_scoped3A_16, %mul3A_2] : memref<3x1024xi32, #tpu.memory_space<hbm>> -> memref<1x32xi32, #tpu.memory_space<hbm>>
      %dma_start3A_26 = tpu.memref_squeeze %dma_start3A_25 : memref<1x32xi32, #tpu.memory_space<hbm>> -> memref<32xi32, #tpu.memory_space<hbm>>
      %dma_start3A_27 = tpu.memref_slice %arg3[%run_scoped3A_16, %mul3A_2] : memref<3x1024xi32, #tpu.memory_space<hbm>> -> memref<1x32xi32, #tpu.memory_space<hbm>>
      %dma_start3A_28 = tpu.memref_squeeze %dma_start3A_27 : memref<1x32xi32, #tpu.memory_space<hbm>> -> memref<32xi32, #tpu.memory_space<hbm>>
      tpu.enqueue_dma source(%dma_start3A_28 : memref<32xi32, #tpu.memory_space<hbm>>) target(%arg5 : memref<32xi32, #tpu.memory_space<vmem>>) target_semaphore(%run_scoped3A_24 : memref<!tpu.dma_semaphore, #tpu.memory_space<semaphore_mem>>)
      %dma_wait3A_29 = tpu.memref_slice %arg3[%run_scoped3A_16, %mul3A_2] : memref<3x1024xi32, #tpu.memory_space<hbm>> -> memref<1x32xi32, #tpu.memory_space<hbm>>
      %dma_wait3A_30 = tpu.memref_squeeze %dma_wait3A_29 : memref<1x32xi32, #tpu.memory_space<hbm>> -> memref<32xi32, #tpu.memory_space<hbm>>
      %dma_wait3A_31 = tpu.memref_slice %arg3[%run_scoped3A_16, %mul3A_2] : memref<3x1024xi32, #tpu.memory_space<hbm>> -> memref<1x32xi32, #tpu.memory_space<hbm>>
      %dma_wait3A_32 = tpu.memref_squeeze %dma_wait3A_31 : memref<1x32xi32, #tpu.memory_space<hbm>> -> memref<32xi32, #tpu.memory_space<hbm>>
      tpu.wait_dma2 semaphore(%run_scoped3A_24 : memref<!tpu.dma_semaphore, #tpu.memory_space<semaphore_mem>>) src(%dma_wait3A_32 : memref<32xi32, #tpu.memory_space<hbm>>) dst(%arg5 : memref<32xi32, #tpu.memory_space<vmem>>)
      tpu.yield
    }) : () -> ()
    %dma_start3A_17 = arith.constant 0 : i32
    %dma_start3A_18 = arith.constant 0 : i32
    %dma_start3A_19 = tpu.memref_slice %arg2[%dma_start3A_17, %dma_start3A_18] : memref<10000x128xf32, #tpu.memory_space<hbm>> -> memref<10000x128xf32, #tpu.memory_space<hbm>>
    tpu.enqueue_indirect_dma source(%dma_start3A_19 : memref<10000x128xf32, #tpu.memory_space<hbm>>) target(%arg6 : memref<32x128xf32, #tpu.memory_space<vmem>>) offsets(%arg5 : memref<32xi32, #tpu.memory_space<vmem>>) semaphore(%arg7 : memref<!tpu.dma_semaphore, #tpu.memory_space<semaphore_mem>>)
    %dma_wait3A_20 = arith.constant 0 : i32
    %dma_wait3A_21 = arith.constant 0 : i32
    %dma_wait3A_22 = tpu.memref_slice %arg2[%dma_wait3A_20, %dma_wait3A_21] : memref<10000x128xf32, #tpu.memory_space<hbm>> -> memref<10000x128xf32, #tpu.memory_space<hbm>>
    tpu.wait_indirect_dma semaphore(%arg7 : memref<!tpu.dma_semaphore, #tpu.memory_space<semaphore_mem>>) src(%dma_wait3A_22 : memref<10000x128xf32, #tpu.memory_space<hbm>>) dst(%arg6 : memref<32x128xf32, #tpu.memory_space<vmem>>)
    %run_scoped3A_23 = arith.constant 2 : i32
    "tpu.region"() ({
      %run_scoped3A_24 = tpu.sem_alloc : memref<!tpu.dma_semaphore, #tpu.memory_space<semaphore_mem>>
      %dma_start3A_25 = arith.constant 0 : i32
      %dma_start3A_26 = tpu.memref_slice %arg4[%run_scoped3A_23, %mul3A_2, %dma_start3A_25] : memref<3x1024x128xf32, #tpu.memory_space<hbm>> -> memref<1x32x128xf32, #tpu.memory_space<hbm>>
      %dma_start3A_27 = tpu.memref_squeeze %dma_start3A_26 : memref<1x32x128xf32, #tpu.memory_space<hbm>> -> memref<32x128xf32, #tpu.memory_space<hbm>>
      %dma_start3A_28 = arith.constant 0 : i32
      %dma_start3A_29 = tpu.memref_slice %arg4[%run_scoped3A_23, %mul3A_2, %dma_start3A_28] : memref<3x1024x128xf32, #tpu.memory_space<hbm>> -> memref<1x32x128xf32, #tpu.memory_space<hbm>>
      %dma_start3A_30 = tpu.memref_squeeze %dma_start3A_29 : memref<1x32x128xf32, #tpu.memory_space<hbm>> -> memref<32x128xf32, #tpu.memory_space<hbm>>
      tpu.enqueue_dma source(%arg6 : memref<32x128xf32, #tpu.memory_space<vmem>>) target(%dma_start3A_30 : memref<32x128xf32, #tpu.memory_space<hbm>>) target_semaphore(%run_scoped3A_24 : memref<!tpu.dma_semaphore, #tpu.memory_space<semaphore_mem>>)
      %dma_wait3A_31 = arith.constant 0 : i32
      %dma_wait3A_32 = tpu.memref_slice %arg4[%run_scoped3A_23, %mul3A_2, %dma_wait3A_31] : memref<3x1024x128xf32, #tpu.memory_space<hbm>> -> memref<1x32x128xf32, #tpu.memory_space<hbm>>
      %dma_wait3A_33 = tpu.memref_squeeze %dma_wait3A_32 : memref<1x32x128xf32, #tpu.memory_space<hbm>> -> memref<32x128xf32, #tpu.memory_space<hbm>>
      %dma_wait3A_34 = arith.constant 0 : i32
      %dma_wait3A_35 = tpu.memref_slice %arg4[%run_scoped3A_23, %mul3A_2, %dma_wait3A_34] : memref<3x1024x128xf32, #tpu.memory_space<hbm>> -> memref<1x32x128xf32, #tpu.memory_space<hbm>>
      %dma_wait3A_36 = tpu.memref_squeeze %dma_wait3A_35 : memref<1x32x128xf32, #tpu.memory_space<hbm>> -> memref<32x128xf32, #tpu.memory_space<hbm>>
      tpu.wait_dma2 semaphore(%run_scoped3A_24 : memref<!tpu.dma_semaphore, #tpu.memory_space<semaphore_mem>>) src(%arg6 : memref<32x128xf32, #tpu.memory_space<vmem>>) dst(%dma_wait3A_36 : memref<32x128xf32, #tpu.memory_space<hbm>>)
      tpu.yield
    }) : () -> ()
    return
  }
}

#map = affine_map<(d0, d1) -> (0, 0)>
#map1 = affine_map<(d0, d1) -> (0, 0, 0)>
#map2 = affine_map<(d0, d1) -> (0)>
module attributes {stable_mosaic.version = 14 : i64} {
  func.func @_sc_msg_body(%arg0: i32, %arg1: i32, %arg2: memref<10000x128xf32, #tpu.memory_space<hbm>>, %arg3: memref<32x79x128xi32, #tpu.memory_space<hbm>>, %arg4: memref<32x79x128xi32, #tpu.memory_space<hbm>>, %arg5: memref<640xf32, #tpu.memory_space<hbm>>, %arg6: memref<128x128xf32, #tpu.memory_space<hbm>>, %arg7: memref<128xf32, #tpu.memory_space<hbm>>, %arg8: memref<10000x128xf32, #tpu.memory_space<hbm>>, %arg9: memref<2x10240x128xf32, #tpu.memory_space<hbm>>, %arg10: memref<2x10240xf32, #tpu.memory_space<hbm>>, %arg11: memref<79x128xi32, #tpu.memory_space<vmem>>, %arg12: memref<79x128xi32, #tpu.memory_space<vmem>>, %arg13: memref<128x128xf32, #tpu.memory_space<vmem>>, %arg14: memref<16x128xf32, #tpu.memory_space<vmem>>, %arg15: memref<640xf32, #tpu.memory_space<vmem>>, %arg16: memref<640xf32, #tpu.memory_space<vmem>>, %arg17: memref<128xf32, #tpu.memory_space<vmem>>, %arg18: memref<640xf32, #tpu.memory_space<vmem>>, %arg19: memref<10240x128xf32, #tpu.memory_space<vmem_shared>>, %arg20: memref<10240xf32, #tpu.memory_space<vmem_shared>>, %arg21: memref<!tpu.dma_semaphore, #tpu.memory_space<semaphore_mem>>) attributes {dimension_semantics = [#tpu.dimension_semantics<core_parallel>, #tpu.dimension_semantics<subcore_parallel>], iteration_bounds = array<i64: 2, 16>, scalar_prefetch = 0 : i64, scratch_operands = 11 : i64, tpu.core_type = #tpu.core_type<sc_vector_subcore>, window_params = [{transform_indices = #map}, {transform_indices = #map1}, {transform_indices = #map1}, {transform_indices = #map2}, {transform_indices = #map}, {transform_indices = #map2}, {transform_indices = #map}, {transform_indices = #map1}, {transform_indices = #map}]} {
    %mul3A = arith.constant 2 : i32
    %mul3A_0 = arith.muli %arg1, %mul3A : i32
    %add3A = arith.addi %mul3A_0, %arg0 : i32
    %mul3A_1 = arith.constant 640 : i32
    %mul3A_2 = arith.muli %arg1, %mul3A_1 : i32
    "tpu.region"() ({
      %run_scoped3A = tpu.sem_alloc : memref<!tpu.dma_semaphore, #tpu.memory_space<semaphore_mem>>
      tpu.enqueue_dma source(%arg5 : memref<640xf32, #tpu.memory_space<hbm>>) target(%arg18 : memref<640xf32, #tpu.memory_space<vmem>>) target_semaphore(%run_scoped3A : memref<!tpu.dma_semaphore, #tpu.memory_space<semaphore_mem>>)
      tpu.wait_dma2 semaphore(%run_scoped3A : memref<!tpu.dma_semaphore, #tpu.memory_space<semaphore_mem>>) src(%arg5 : memref<640xf32, #tpu.memory_space<hbm>>) dst(%arg18 : memref<640xf32, #tpu.memory_space<vmem>>)
      tpu.yield
    }) : () -> ()
    "tpu.region"() ({
      %run_scoped3A = tpu.sem_alloc : memref<!tpu.dma_semaphore, #tpu.memory_space<semaphore_mem>>
      tpu.enqueue_dma source(%arg7 : memref<128xf32, #tpu.memory_space<hbm>>) target(%arg17 : memref<128xf32, #tpu.memory_space<vmem>>) target_semaphore(%run_scoped3A : memref<!tpu.dma_semaphore, #tpu.memory_space<semaphore_mem>>)
      tpu.wait_dma2 semaphore(%run_scoped3A : memref<!tpu.dma_semaphore, #tpu.memory_space<semaphore_mem>>) src(%arg7 : memref<128xf32, #tpu.memory_space<hbm>>) dst(%arg17 : memref<128xf32, #tpu.memory_space<vmem>>)
      tpu.yield
    }) : () -> ()
    "tpu.region"() ({
      %run_scoped3A = tpu.sem_alloc : memref<!tpu.dma_semaphore, #tpu.memory_space<semaphore_mem>>
      tpu.enqueue_dma source(%arg6 : memref<128x128xf32, #tpu.memory_space<hbm>>) target(%arg13 : memref<128x128xf32, #tpu.memory_space<vmem>>) target_semaphore(%run_scoped3A : memref<!tpu.dma_semaphore, #tpu.memory_space<semaphore_mem>>)
      tpu.wait_dma2 semaphore(%run_scoped3A : memref<!tpu.dma_semaphore, #tpu.memory_space<semaphore_mem>>) src(%arg6 : memref<128x128xf32, #tpu.memory_space<hbm>>) dst(%arg13 : memref<128x128xf32, #tpu.memory_space<vmem>>)
      tpu.yield
    }) : () -> ()
    "tpu.region"() ({
      %run_scoped3A = tpu.sem_alloc : memref<!tpu.dma_semaphore, #tpu.memory_space<semaphore_mem>>
      %dma_start3A = tpu.memref_slice %arg20[%mul3A_2] : memref<10240xf32, #tpu.memory_space<vmem_shared>> -> memref<640xf32, #tpu.memory_space<vmem_shared>>
      %dma_start3A_106 = tpu.memref_slice %arg20[%mul3A_2] : memref<10240xf32, #tpu.memory_space<vmem_shared>> -> memref<640xf32, #tpu.memory_space<vmem_shared>>
      tpu.enqueue_dma source(%arg18 : memref<640xf32, #tpu.memory_space<vmem>>) target(%dma_start3A_106 : memref<640xf32, #tpu.memory_space<vmem_shared>>) target_semaphore(%run_scoped3A : memref<!tpu.dma_semaphore, #tpu.memory_space<semaphore_mem>>)
      %dma_wait3A = tpu.memref_slice %arg20[%mul3A_2] : memref<10240xf32, #tpu.memory_space<vmem_shared>> -> memref<640xf32, #tpu.memory_space<vmem_shared>>
      %dma_wait3A_107 = tpu.memref_slice %arg20[%mul3A_2] : memref<10240xf32, #tpu.memory_space<vmem_shared>> -> memref<640xf32, #tpu.memory_space<vmem_shared>>
      tpu.wait_dma2 semaphore(%run_scoped3A : memref<!tpu.dma_semaphore, #tpu.memory_space<semaphore_mem>>) src(%arg18 : memref<640xf32, #tpu.memory_space<vmem>>) dst(%dma_wait3A_107 : memref<640xf32, #tpu.memory_space<vmem_shared>>)
      tpu.yield
    }) : () -> ()
    %add3A_3 = arith.constant 0 : i32
    %add3A_4 = arith.addi %mul3A_2, %add3A_3 : i32
    "tpu.region"() ({
      %run_scoped3A = tpu.sem_alloc : memref<!tpu.dma_semaphore, #tpu.memory_space<semaphore_mem>>
      %dma_start3A = arith.constant 0 : i32
      %dma_start3A_106 = tpu.memref_slice %arg19[%add3A_4, %dma_start3A] : memref<10240x128xf32, #tpu.memory_space<vmem_shared>> -> memref<128x128xf32, #tpu.memory_space<vmem_shared>>
      %dma_start3A_107 = arith.constant 0 : i32
      %dma_start3A_108 = tpu.memref_slice %arg19[%add3A_4, %dma_start3A_107] : memref<10240x128xf32, #tpu.memory_space<vmem_shared>> -> memref<128x128xf32, #tpu.memory_space<vmem_shared>>
      tpu.enqueue_dma source(%arg13 : memref<128x128xf32, #tpu.memory_space<vmem>>) target(%dma_start3A_108 : memref<128x128xf32, #tpu.memory_space<vmem_shared>>) target_semaphore(%run_scoped3A : memref<!tpu.dma_semaphore, #tpu.memory_space<semaphore_mem>>)
      %dma_wait3A = arith.constant 0 : i32
      %dma_wait3A_109 = tpu.memref_slice %arg19[%add3A_4, %dma_wait3A] : memref<10240x128xf32, #tpu.memory_space<vmem_shared>> -> memref<128x128xf32, #tpu.memory_space<vmem_shared>>
      %dma_wait3A_110 = arith.constant 0 : i32
      %dma_wait3A_111 = tpu.memref_slice %arg19[%add3A_4, %dma_wait3A_110] : memref<10240x128xf32, #tpu.memory_space<vmem_shared>> -> memref<128x128xf32, #tpu.memory_space<vmem_shared>>
      tpu.wait_dma2 semaphore(%run_scoped3A : memref<!tpu.dma_semaphore, #tpu.memory_space<semaphore_mem>>) src(%arg13 : memref<128x128xf32, #tpu.memory_space<vmem>>) dst(%dma_wait3A_111 : memref<128x128xf32, #tpu.memory_space<vmem_shared>>)
      tpu.yield
    }) : () -> ()
    %add3A_5 = arith.constant 128 : i32
    %add3A_6 = arith.addi %mul3A_2, %add3A_5 : i32
    "tpu.region"() ({
      %run_scoped3A = tpu.sem_alloc : memref<!tpu.dma_semaphore, #tpu.memory_space<semaphore_mem>>
      %dma_start3A = arith.constant 0 : i32
      %dma_start3A_106 = tpu.memref_slice %arg19[%add3A_6, %dma_start3A] : memref<10240x128xf32, #tpu.memory_space<vmem_shared>> -> memref<128x128xf32, #tpu.memory_space<vmem_shared>>
      %dma_start3A_107 = arith.constant 0 : i32
      %dma_start3A_108 = tpu.memref_slice %arg19[%add3A_6, %dma_start3A_107] : memref<10240x128xf32, #tpu.memory_space<vmem_shared>> -> memref<128x128xf32, #tpu.memory_space<vmem_shared>>
      tpu.enqueue_dma source(%arg13 : memref<128x128xf32, #tpu.memory_space<vmem>>) target(%dma_start3A_108 : memref<128x128xf32, #tpu.memory_space<vmem_shared>>) target_semaphore(%run_scoped3A : memref<!tpu.dma_semaphore, #tpu.memory_space<semaphore_mem>>)
      %dma_wait3A = arith.constant 0 : i32
      %dma_wait3A_109 = tpu.memref_slice %arg19[%add3A_6, %dma_wait3A] : memref<10240x128xf32, #tpu.memory_space<vmem_shared>> -> memref<128x128xf32, #tpu.memory_space<vmem_shared>>
      %dma_wait3A_110 = arith.constant 0 : i32
      %dma_wait3A_111 = tpu.memref_slice %arg19[%add3A_6, %dma_wait3A_110] : memref<10240x128xf32, #tpu.memory_space<vmem_shared>> -> memref<128x128xf32, #tpu.memory_space<vmem_shared>>
      tpu.wait_dma2 semaphore(%run_scoped3A : memref<!tpu.dma_semaphore, #tpu.memory_space<semaphore_mem>>) src(%arg13 : memref<128x128xf32, #tpu.memory_space<vmem>>) dst(%dma_wait3A_111 : memref<128x128xf32, #tpu.memory_space<vmem_shared>>)
      tpu.yield
    }) : () -> ()
    %add3A_7 = arith.constant 256 : i32
    %add3A_8 = arith.addi %mul3A_2, %add3A_7 : i32
    "tpu.region"() ({
      %run_scoped3A = tpu.sem_alloc : memref<!tpu.dma_semaphore, #tpu.memory_space<semaphore_mem>>
      %dma_start3A = arith.constant 0 : i32
      %dma_start3A_106 = tpu.memref_slice %arg19[%add3A_8, %dma_start3A] : memref<10240x128xf32, #tpu.memory_space<vmem_shared>> -> memref<128x128xf32, #tpu.memory_space<vmem_shared>>
      %dma_start3A_107 = arith.constant 0 : i32
      %dma_start3A_108 = tpu.memref_slice %arg19[%add3A_8, %dma_start3A_107] : memref<10240x128xf32, #tpu.memory_space<vmem_shared>> -> memref<128x128xf32, #tpu.memory_space<vmem_shared>>
      tpu.enqueue_dma source(%arg13 : memref<128x128xf32, #tpu.memory_space<vmem>>) target(%dma_start3A_108 : memref<128x128xf32, #tpu.memory_space<vmem_shared>>) target_semaphore(%run_scoped3A : memref<!tpu.dma_semaphore, #tpu.memory_space<semaphore_mem>>)
      %dma_wait3A = arith.constant 0 : i32
      %dma_wait3A_109 = tpu.memref_slice %arg19[%add3A_8, %dma_wait3A] : memref<10240x128xf32, #tpu.memory_space<vmem_shared>> -> memref<128x128xf32, #tpu.memory_space<vmem_shared>>
      %dma_wait3A_110 = arith.constant 0 : i32
      %dma_wait3A_111 = tpu.memref_slice %arg19[%add3A_8, %dma_wait3A_110] : memref<10240x128xf32, #tpu.memory_space<vmem_shared>> -> memref<128x128xf32, #tpu.memory_space<vmem_shared>>
      tpu.wait_dma2 semaphore(%run_scoped3A : memref<!tpu.dma_semaphore, #tpu.memory_space<semaphore_mem>>) src(%arg13 : memref<128x128xf32, #tpu.memory_space<vmem>>) dst(%dma_wait3A_111 : memref<128x128xf32, #tpu.memory_space<vmem_shared>>)
      tpu.yield
    }) : () -> ()
    %add3A_9 = arith.constant 384 : i32
    %add3A_10 = arith.addi %mul3A_2, %add3A_9 : i32
    "tpu.region"() ({
      %run_scoped3A = tpu.sem_alloc : memref<!tpu.dma_semaphore, #tpu.memory_space<semaphore_mem>>
      %dma_start3A = arith.constant 0 : i32
      %dma_start3A_106 = tpu.memref_slice %arg19[%add3A_10, %dma_start3A] : memref<10240x128xf32, #tpu.memory_space<vmem_shared>> -> memref<128x128xf32, #tpu.memory_space<vmem_shared>>
      %dma_start3A_107 = arith.constant 0 : i32
      %dma_start3A_108 = tpu.memref_slice %arg19[%add3A_10, %dma_start3A_107] : memref<10240x128xf32, #tpu.memory_space<vmem_shared>> -> memref<128x128xf32, #tpu.memory_space<vmem_shared>>
      tpu.enqueue_dma source(%arg13 : memref<128x128xf32, #tpu.memory_space<vmem>>) target(%dma_start3A_108 : memref<128x128xf32, #tpu.memory_space<vmem_shared>>) target_semaphore(%run_scoped3A : memref<!tpu.dma_semaphore, #tpu.memory_space<semaphore_mem>>)
      %dma_wait3A = arith.constant 0 : i32
      %dma_wait3A_109 = tpu.memref_slice %arg19[%add3A_10, %dma_wait3A] : memref<10240x128xf32, #tpu.memory_space<vmem_shared>> -> memref<128x128xf32, #tpu.memory_space<vmem_shared>>
      %dma_wait3A_110 = arith.constant 0 : i32
      %dma_wait3A_111 = tpu.memref_slice %arg19[%add3A_10, %dma_wait3A_110] : memref<10240x128xf32, #tpu.memory_space<vmem_shared>> -> memref<128x128xf32, #tpu.memory_space<vmem_shared>>
      tpu.wait_dma2 semaphore(%run_scoped3A : memref<!tpu.dma_semaphore, #tpu.memory_space<semaphore_mem>>) src(%arg13 : memref<128x128xf32, #tpu.memory_space<vmem>>) dst(%dma_wait3A_111 : memref<128x128xf32, #tpu.memory_space<vmem_shared>>)
      tpu.yield
    }) : () -> ()
    %add3A_11 = arith.constant 512 : i32
    %add3A_12 = arith.addi %mul3A_2, %add3A_11 : i32
    "tpu.region"() ({
      %run_scoped3A = tpu.sem_alloc : memref<!tpu.dma_semaphore, #tpu.memory_space<semaphore_mem>>
      %dma_start3A = arith.constant 0 : i32
      %dma_start3A_106 = tpu.memref_slice %arg19[%add3A_12, %dma_start3A] : memref<10240x128xf32, #tpu.memory_space<vmem_shared>> -> memref<128x128xf32, #tpu.memory_space<vmem_shared>>
      %dma_start3A_107 = arith.constant 0 : i32
      %dma_start3A_108 = tpu.memref_slice %arg19[%add3A_12, %dma_start3A_107] : memref<10240x128xf32, #tpu.memory_space<vmem_shared>> -> memref<128x128xf32, #tpu.memory_space<vmem_shared>>
      tpu.enqueue_dma source(%arg13 : memref<128x128xf32, #tpu.memory_space<vmem>>) target(%dma_start3A_108 : memref<128x128xf32, #tpu.memory_space<vmem_shared>>) target_semaphore(%run_scoped3A : memref<!tpu.dma_semaphore, #tpu.memory_space<semaphore_mem>>)
      %dma_wait3A = arith.constant 0 : i32
      %dma_wait3A_109 = tpu.memref_slice %arg19[%add3A_12, %dma_wait3A] : memref<10240x128xf32, #tpu.memory_space<vmem_shared>> -> memref<128x128xf32, #tpu.memory_space<vmem_shared>>
      %dma_wait3A_110 = arith.constant 0 : i32
      %dma_wait3A_111 = tpu.memref_slice %arg19[%add3A_12, %dma_wait3A_110] : memref<10240x128xf32, #tpu.memory_space<vmem_shared>> -> memref<128x128xf32, #tpu.memory_space<vmem_shared>>
      tpu.wait_dma2 semaphore(%run_scoped3A : memref<!tpu.dma_semaphore, #tpu.memory_space<semaphore_mem>>) src(%arg13 : memref<128x128xf32, #tpu.memory_space<vmem>>) dst(%dma_wait3A_111 : memref<128x128xf32, #tpu.memory_space<vmem_shared>>)
      tpu.yield
    }) : () -> ()
    %barrier3A = arith.constant 0 : index
    tpu.barrier barrier_id(%barrier3A)
    %add3A_13 = arith.constant 0 : i32
    %add3A_14 = arith.addi %arg1, %add3A_13 : i32
    "tpu.region"() ({
      %run_scoped3A = tpu.sem_alloc : memref<!tpu.dma_semaphore, #tpu.memory_space<semaphore_mem>>
      %dma_start3A = arith.constant 0 : i32
      %dma_start3A_106 = arith.constant 0 : i32
      %dma_start3A_107 = tpu.memref_slice %arg4[%add3A_14, %dma_start3A, %dma_start3A_106] : memref<32x79x128xi32, #tpu.memory_space<hbm>> -> memref<1x79x128xi32, #tpu.memory_space<hbm>>
      %dma_start3A_108 = tpu.memref_squeeze %dma_start3A_107 : memref<1x79x128xi32, #tpu.memory_space<hbm>> -> memref<79x128xi32, #tpu.memory_space<hbm>>
      %dma_start3A_109 = arith.constant 0 : i32
      %dma_start3A_110 = arith.constant 0 : i32
      %dma_start3A_111 = tpu.memref_slice %arg4[%add3A_14, %dma_start3A_109, %dma_start3A_110] : memref<32x79x128xi32, #tpu.memory_space<hbm>> -> memref<1x79x128xi32, #tpu.memory_space<hbm>>
      %dma_start3A_112 = tpu.memref_squeeze %dma_start3A_111 : memref<1x79x128xi32, #tpu.memory_space<hbm>> -> memref<79x128xi32, #tpu.memory_space<hbm>>
      tpu.enqueue_dma source(%dma_start3A_112 : memref<79x128xi32, #tpu.memory_space<hbm>>) target(%arg12 : memref<79x128xi32, #tpu.memory_space<vmem>>) target_semaphore(%run_scoped3A : memref<!tpu.dma_semaphore, #tpu.memory_space<semaphore_mem>>)
      %dma_wait3A = arith.constant 0 : i32
      %dma_wait3A_113 = arith.constant 0 : i32
      %dma_wait3A_114 = tpu.memref_slice %arg4[%add3A_14, %dma_wait3A, %dma_wait3A_113] : memref<32x79x128xi32, #tpu.memory_space<hbm>> -> memref<1x79x128xi32, #tpu.memory_space<hbm>>
      %dma_wait3A_115 = tpu.memref_squeeze %dma_wait3A_114 : memref<1x79x128xi32, #tpu.memory_space<hbm>> -> memref<79x128xi32, #tpu.memory_space<hbm>>
      %dma_wait3A_116 = arith.constant 0 : i32
      %dma_wait3A_117 = arith.constant 0 : i32
      %dma_wait3A_118 = tpu.memref_slice %arg4[%add3A_14, %dma_wait3A_116, %dma_wait3A_117] : memref<32x79x128xi32, #tpu.memory_space<hbm>> -> memref<1x79x128xi32, #tpu.memory_space<hbm>>
      %dma_wait3A_119 = tpu.memref_squeeze %dma_wait3A_118 : memref<1x79x128xi32, #tpu.memory_space<hbm>> -> memref<79x128xi32, #tpu.memory_space<hbm>>
      tpu.wait_dma2 semaphore(%run_scoped3A : memref<!tpu.dma_semaphore, #tpu.memory_space<semaphore_mem>>) src(%dma_wait3A_119 : memref<79x128xi32, #tpu.memory_space<hbm>>) dst(%arg12 : memref<79x128xi32, #tpu.memory_space<vmem>>)
      tpu.yield
    }) : () -> ()
    %scan3A = arith.constant 0 : i32
    %scan3A_15 = arith.constant 79 : i32
    %scan3A_16 = arith.addi %scan3A, %scan3A_15 : i32
    %scan3A_17 = arith.constant 1 : i32
    scf.for %scan3A_106 = %scan3A to %scan3A_16 step %scan3A_17  : i32 {
      %mul3A_107 = arith.constant 1 : i32
      %mul3A_108 = arith.muli %scan3A_106, %mul3A_107 : i32
      %add3A_109 = arith.constant 0 : i32
      %add3A_110 = arith.addi %add3A_109, %mul3A_108 : i32
      %dma_start3A = arith.constant 0 : i32
      %dma_start3A_111 = tpu.memref_slice %arg12[%add3A_110, %dma_start3A] : memref<79x128xi32, #tpu.memory_space<vmem>> -> memref<1x128xi32, #tpu.memory_space<vmem>>
      %dma_start3A_112 = tpu.memref_squeeze %dma_start3A_111 : memref<1x128xi32, #tpu.memory_space<vmem>> -> memref<128xi32, #tpu.memory_space<vmem>>
      %dma_start3A_113 = arith.constant 0 : i32
      %dma_start3A_114 = tpu.memref_slice %arg20[%dma_start3A_113] : memref<10240xf32, #tpu.memory_space<vmem_shared>> -> memref<10240xf32, #tpu.memory_space<vmem_shared>>
      tpu.enqueue_indirect_dma source(%arg17 : memref<128xf32, #tpu.memory_space<vmem>>) target(%dma_start3A_114 : memref<10240xf32, #tpu.memory_space<vmem_shared>>) offsets(%dma_start3A_112 : memref<128xi32, #tpu.memory_space<vmem>>) semaphore(%arg21 : memref<!tpu.dma_semaphore, #tpu.memory_space<semaphore_mem>>) {add = true}
    }
    %scan3A_18 = arith.constant 79 : i32
    %scan3A_19 = arith.constant 0 : i32
    %scan3A_20 = arith.constant 79 : i32
    %scan3A_21 = arith.addi %scan3A_19, %scan3A_20 : i32
    %scan3A_22 = arith.constant 1 : i32
    scf.for %scan3A_106 = %scan3A_19 to %scan3A_21 step %scan3A_22  : i32 {
      %mul3A_107 = arith.constant 1 : i32
      %mul3A_108 = arith.muli %scan3A_106, %mul3A_107 : i32
      %add3A_109 = arith.constant 0 : i32
      %add3A_110 = arith.addi %add3A_109, %mul3A_108 : i32
      %dma_wait3A = arith.constant 0 : i32
      %dma_wait3A_111 = arith.constant 0 : i32
      %dma_wait3A_112 = tpu.memref_slice %arg12[%dma_wait3A, %dma_wait3A_111] : memref<79x128xi32, #tpu.memory_space<vmem>> -> memref<1x128xi32, #tpu.memory_space<vmem>>
      %dma_wait3A_113 = tpu.memref_squeeze %dma_wait3A_112 : memref<1x128xi32, #tpu.memory_space<vmem>> -> memref<128xi32, #tpu.memory_space<vmem>>
      %dma_wait3A_114 = arith.constant 0 : i32
      %dma_wait3A_115 = tpu.memref_slice %arg20[%dma_wait3A_114] : memref<10240xf32, #tpu.memory_space<vmem_shared>> -> memref<10240xf32, #tpu.memory_space<vmem_shared>>
      tpu.wait_indirect_dma semaphore(%arg21 : memref<!tpu.dma_semaphore, #tpu.memory_space<semaphore_mem>>) src(%arg17 : memref<128xf32, #tpu.memory_space<vmem>>) dst(%dma_wait3A_115 : memref<10240xf32, #tpu.memory_space<vmem_shared>>)
    }
    %scan3A_23 = arith.constant 79 : i32
    %add3A_24 = arith.constant 16 : i32
    %add3A_25 = arith.addi %arg1, %add3A_24 : i32
    "tpu.region"() ({
      %run_scoped3A = tpu.sem_alloc : memref<!tpu.dma_semaphore, #tpu.memory_space<semaphore_mem>>
      %dma_start3A = arith.constant 0 : i32
      %dma_start3A_106 = arith.constant 0 : i32
      %dma_start3A_107 = tpu.memref_slice %arg4[%add3A_25, %dma_start3A, %dma_start3A_106] : memref<32x79x128xi32, #tpu.memory_space<hbm>> -> memref<1x79x128xi32, #tpu.memory_space<hbm>>
      %dma_start3A_108 = tpu.memref_squeeze %dma_start3A_107 : memref<1x79x128xi32, #tpu.memory_space<hbm>> -> memref<79x128xi32, #tpu.memory_space<hbm>>
      %dma_start3A_109 = arith.constant 0 : i32
      %dma_start3A_110 = arith.constant 0 : i32
      %dma_start3A_111 = tpu.memref_slice %arg4[%add3A_25, %dma_start3A_109, %dma_start3A_110] : memref<32x79x128xi32, #tpu.memory_space<hbm>> -> memref<1x79x128xi32, #tpu.memory_space<hbm>>
      %dma_start3A_112 = tpu.memref_squeeze %dma_start3A_111 : memref<1x79x128xi32, #tpu.memory_space<hbm>> -> memref<79x128xi32, #tpu.memory_space<hbm>>
      tpu.enqueue_dma source(%dma_start3A_112 : memref<79x128xi32, #tpu.memory_space<hbm>>) target(%arg12 : memref<79x128xi32, #tpu.memory_space<vmem>>) target_semaphore(%run_scoped3A : memref<!tpu.dma_semaphore, #tpu.memory_space<semaphore_mem>>)
      %dma_wait3A = arith.constant 0 : i32
      %dma_wait3A_113 = arith.constant 0 : i32
      %dma_wait3A_114 = tpu.memref_slice %arg4[%add3A_25, %dma_wait3A, %dma_wait3A_113] : memref<32x79x128xi32, #tpu.memory_space<hbm>> -> memref<1x79x128xi32, #tpu.memory_space<hbm>>
      %dma_wait3A_115 = tpu.memref_squeeze %dma_wait3A_114 : memref<1x79x128xi32, #tpu.memory_space<hbm>> -> memref<79x128xi32, #tpu.memory_space<hbm>>
      %dma_wait3A_116 = arith.constant 0 : i32
      %dma_wait3A_117 = arith.constant 0 : i32
      %dma_wait3A_118 = tpu.memref_slice %arg4[%add3A_25, %dma_wait3A_116, %dma_wait3A_117] : memref<32x79x128xi32, #tpu.memory_space<hbm>> -> memref<1x79x128xi32, #tpu.memory_space<hbm>>
      %dma_wait3A_119 = tpu.memref_squeeze %dma_wait3A_118 : memref<1x79x128xi32, #tpu.memory_space<hbm>> -> memref<79x128xi32, #tpu.memory_space<hbm>>
      tpu.wait_dma2 semaphore(%run_scoped3A : memref<!tpu.dma_semaphore, #tpu.memory_space<semaphore_mem>>) src(%dma_wait3A_119 : memref<79x128xi32, #tpu.memory_space<hbm>>) dst(%arg12 : memref<79x128xi32, #tpu.memory_space<vmem>>)
      tpu.yield
    }) : () -> ()
    %scan3A_26 = arith.constant 0 : i32
    %scan3A_27 = arith.constant 79 : i32
    %scan3A_28 = arith.addi %scan3A_26, %scan3A_27 : i32
    %scan3A_29 = arith.constant 1 : i32
    scf.for %scan3A_106 = %scan3A_26 to %scan3A_28 step %scan3A_29  : i32 {
      %mul3A_107 = arith.constant 1 : i32
      %mul3A_108 = arith.muli %scan3A_106, %mul3A_107 : i32
      %add3A_109 = arith.constant 0 : i32
      %add3A_110 = arith.addi %add3A_109, %mul3A_108 : i32
      %dma_start3A = arith.constant 0 : i32
      %dma_start3A_111 = tpu.memref_slice %arg12[%add3A_110, %dma_start3A] : memref<79x128xi32, #tpu.memory_space<vmem>> -> memref<1x128xi32, #tpu.memory_space<vmem>>
      %dma_start3A_112 = tpu.memref_squeeze %dma_start3A_111 : memref<1x128xi32, #tpu.memory_space<vmem>> -> memref<128xi32, #tpu.memory_space<vmem>>
      %dma_start3A_113 = arith.constant 0 : i32
      %dma_start3A_114 = tpu.memref_slice %arg20[%dma_start3A_113] : memref<10240xf32, #tpu.memory_space<vmem_shared>> -> memref<10240xf32, #tpu.memory_space<vmem_shared>>
      tpu.enqueue_indirect_dma source(%arg17 : memref<128xf32, #tpu.memory_space<vmem>>) target(%dma_start3A_114 : memref<10240xf32, #tpu.memory_space<vmem_shared>>) offsets(%dma_start3A_112 : memref<128xi32, #tpu.memory_space<vmem>>) semaphore(%arg21 : memref<!tpu.dma_semaphore, #tpu.memory_space<semaphore_mem>>) {add = true}
    }
    %scan3A_30 = arith.constant 79 : i32
    %scan3A_31 = arith.constant 0 : i32
    %scan3A_32 = arith.constant 79 : i32
    %scan3A_33 = arith.addi %scan3A_31, %scan3A_32 : i32
    %scan3A_34 = arith.constant 1 : i32
    scf.for %scan3A_106 = %scan3A_31 to %scan3A_33 step %scan3A_34  : i32 {
      %mul3A_107 = arith.constant 1 : i32
      %mul3A_108 = arith.muli %scan3A_106, %mul3A_107 : i32
      %add3A_109 = arith.constant 0 : i32
      %add3A_110 = arith.addi %add3A_109, %mul3A_108 : i32
      %dma_wait3A = arith.constant 0 : i32
      %dma_wait3A_111 = arith.constant 0 : i32
      %dma_wait3A_112 = tpu.memref_slice %arg12[%dma_wait3A, %dma_wait3A_111] : memref<79x128xi32, #tpu.memory_space<vmem>> -> memref<1x128xi32, #tpu.memory_space<vmem>>
      %dma_wait3A_113 = tpu.memref_squeeze %dma_wait3A_112 : memref<1x128xi32, #tpu.memory_space<vmem>> -> memref<128xi32, #tpu.memory_space<vmem>>
      %dma_wait3A_114 = arith.constant 0 : i32
      %dma_wait3A_115 = tpu.memref_slice %arg20[%dma_wait3A_114] : memref<10240xf32, #tpu.memory_space<vmem_shared>> -> memref<10240xf32, #tpu.memory_space<vmem_shared>>
      tpu.wait_indirect_dma semaphore(%arg21 : memref<!tpu.dma_semaphore, #tpu.memory_space<semaphore_mem>>) src(%arg17 : memref<128xf32, #tpu.memory_space<vmem>>) dst(%dma_wait3A_115 : memref<10240xf32, #tpu.memory_space<vmem_shared>>)
    }
    %scan3A_35 = arith.constant 79 : i32
    %barrier3A_36 = arith.constant 0 : index
    tpu.barrier barrier_id(%barrier3A_36)
    "tpu.region"() ({
      %run_scoped3A = tpu.sem_alloc : memref<!tpu.dma_semaphore, #tpu.memory_space<semaphore_mem>>
      %dma_start3A = tpu.memref_slice %arg20[%mul3A_2] : memref<10240xf32, #tpu.memory_space<vmem_shared>> -> memref<640xf32, #tpu.memory_space<vmem_shared>>
      %dma_start3A_106 = tpu.memref_slice %arg20[%mul3A_2] : memref<10240xf32, #tpu.memory_space<vmem_shared>> -> memref<640xf32, #tpu.memory_space<vmem_shared>>
      tpu.enqueue_dma source(%dma_start3A_106 : memref<640xf32, #tpu.memory_space<vmem_shared>>) target(%arg15 : memref<640xf32, #tpu.memory_space<vmem>>) target_semaphore(%run_scoped3A : memref<!tpu.dma_semaphore, #tpu.memory_space<semaphore_mem>>)
      %dma_wait3A = tpu.memref_slice %arg20[%mul3A_2] : memref<10240xf32, #tpu.memory_space<vmem_shared>> -> memref<640xf32, #tpu.memory_space<vmem_shared>>
      %dma_wait3A_107 = tpu.memref_slice %arg20[%mul3A_2] : memref<10240xf32, #tpu.memory_space<vmem_shared>> -> memref<640xf32, #tpu.memory_space<vmem_shared>>
      tpu.wait_dma2 semaphore(%run_scoped3A : memref<!tpu.dma_semaphore, #tpu.memory_space<semaphore_mem>>) src(%dma_wait3A_107 : memref<640xf32, #tpu.memory_space<vmem_shared>>) dst(%arg15 : memref<640xf32, #tpu.memory_space<vmem>>)
      tpu.yield
    }) : () -> ()
    %scan3A_37 = arith.constant 0 : i32
    %scan3A_38 = arith.constant 40 : i32
    %scan3A_39 = arith.addi %scan3A_37, %scan3A_38 : i32
    %scan3A_40 = arith.constant 1 : i32
    scf.for %scan3A_106 = %scan3A_37 to %scan3A_39 step %scan3A_40  : i32 {
      %mul3A_107 = arith.constant 1 : i32
      %mul3A_108 = arith.muli %scan3A_106, %mul3A_107 : i32
      %add3A_109 = arith.constant 0 : i32
      %add3A_110 = arith.addi %add3A_109, %mul3A_108 : i32
      %mul3A_111 = arith.constant 16 : i32
      %mul3A_112 = arith.muli %add3A_110, %mul3A_111 : i32
      %get3A = arith.index_cast %mul3A_112 : i32 to index
      %get3A_113 = tpu.vector_load %arg15[%get3A] {strides = array<i32>} : memref<640xf32, #tpu.memory_space<vmem>>, vector<16xf32>,
      %get3A_114 = vector.shape_cast %get3A_113 : vector<16xf32> to vector<16xf32>
      %max3A = arith.constant 1.000000e+00 : f32
      %max3A_115 = vector.broadcast %max3A : f32 to vector<16xf32>
      %max3A_116 = arith.maximumf %get3A_114, %max3A_115 : vector<16xf32>
      %bitcast_convert_type3A = tpu.bitcast %max3A_116 : vector<16xf32> -> vector<16xi32>
      %shift_right_arithmetic3A = arith.constant 1 : i32
      %shift_right_arithmetic3A_117 = vector.broadcast %shift_right_arithmetic3A : i32 to vector<16xi32>
      %shift_right_arithmetic3A_118 = arith.shrsi %bitcast_convert_type3A, %shift_right_arithmetic3A_117 : vector<16xi32>
      %sub3A_119 = arith.constant 1597463007 : i32
      %sub3A_120 = vector.broadcast %sub3A_119 : i32 to vector<16xi32>
      %sub3A_121 = arith.subi %sub3A_120, %shift_right_arithmetic3A_118 : vector<16xi32>
      %bitcast_convert_type3A_122 = tpu.bitcast %sub3A_121 : vector<16xi32> -> vector<16xf32>
      %mul3A_123 = arith.constant 5.000000e-01 : f32
      %mul3A_124 = vector.broadcast %mul3A_123 : f32 to vector<16xf32>
      %mul3A_125 = arith.mulf %mul3A_124, %max3A_116 : vector<16xf32>
      %mul3A_126 = arith.mulf %mul3A_125, %bitcast_convert_type3A_122 : vector<16xf32>
      %mul3A_127 = arith.mulf %mul3A_126, %bitcast_convert_type3A_122 : vector<16xf32>
      %sub3A_128 = arith.constant 1.500000e+00 : f32
      %sub3A_129 = vector.broadcast %sub3A_128 : f32 to vector<16xf32>
      %sub3A_130 = arith.subf %sub3A_129, %mul3A_127 : vector<16xf32>
      %mul3A_131 = arith.mulf %bitcast_convert_type3A_122, %sub3A_130 : vector<16xf32>
      %mul3A_132 = arith.constant 5.000000e-01 : f32
      %mul3A_133 = vector.broadcast %mul3A_132 : f32 to vector<16xf32>
      %mul3A_134 = arith.mulf %mul3A_133, %max3A_116 : vector<16xf32>
      %mul3A_135 = arith.mulf %mul3A_134, %mul3A_131 : vector<16xf32>
      %mul3A_136 = arith.mulf %mul3A_135, %mul3A_131 : vector<16xf32>
      %sub3A_137 = arith.constant 1.500000e+00 : f32
      %sub3A_138 = vector.broadcast %sub3A_137 : f32 to vector<16xf32>
      %sub3A_139 = arith.subf %sub3A_138, %mul3A_136 : vector<16xf32>
      %mul3A_140 = arith.mulf %mul3A_131, %sub3A_139 : vector<16xf32>
      %mul3A_141 = arith.constant 5.000000e-01 : f32
      %mul3A_142 = vector.broadcast %mul3A_141 : f32 to vector<16xf32>
      %mul3A_143 = arith.mulf %mul3A_142, %max3A_116 : vector<16xf32>
      %mul3A_144 = arith.mulf %mul3A_143, %mul3A_140 : vector<16xf32>
      %mul3A_145 = arith.mulf %mul3A_144, %mul3A_140 : vector<16xf32>
      %sub3A_146 = arith.constant 1.500000e+00 : f32
      %sub3A_147 = vector.broadcast %sub3A_146 : f32 to vector<16xf32>
      %sub3A_148 = arith.subf %sub3A_147, %mul3A_145 : vector<16xf32>
      %mul3A_149 = arith.mulf %mul3A_140, %sub3A_148 : vector<16xf32>
      %mul3A_150 = arith.constant 16 : i32
      %mul3A_151 = arith.muli %add3A_110, %mul3A_150 : i32
      %swap3A = arith.index_cast %mul3A_151 : i32 to index
      %swap3A_152 = tpu.vector_load %arg16[%swap3A] {strides = array<i32>} : memref<640xf32, #tpu.memory_space<vmem>>, vector<16xf32>,
      %swap3A_153 = vector.shape_cast %swap3A_152 : vector<16xf32> to vector<16xf32>
      %swap3A_154 = vector.shape_cast %mul3A_149 : vector<16xf32> to vector<16xf32>
      tpu.vector_store %arg16[%swap3A], %swap3A_154 {strides = array<i32>} : memref<640xf32, #tpu.memory_space<vmem>>, vector<16xf32>,
    }
    %scan3A_41 = arith.constant 40 : i32
    "tpu.region"() ({
      %run_scoped3A = tpu.sem_alloc : memref<!tpu.dma_semaphore, #tpu.memory_space<semaphore_mem>>
      %dma_start3A = tpu.memref_slice %arg10[%arg0, %mul3A_2] : memref<2x10240xf32, #tpu.memory_space<hbm>> -> memref<1x640xf32, #tpu.memory_space<hbm>>
      %dma_start3A_106 = tpu.memref_squeeze %dma_start3A : memref<1x640xf32, #tpu.memory_space<hbm>> -> memref<640xf32, #tpu.memory_space<hbm>>
      %dma_start3A_107 = tpu.memref_slice %arg10[%arg0, %mul3A_2] : memref<2x10240xf32, #tpu.memory_space<hbm>> -> memref<1x640xf32, #tpu.memory_space<hbm>>
      %dma_start3A_108 = tpu.memref_squeeze %dma_start3A_107 : memref<1x640xf32, #tpu.memory_space<hbm>> -> memref<640xf32, #tpu.memory_space<hbm>>
      tpu.enqueue_dma source(%arg16 : memref<640xf32, #tpu.memory_space<vmem>>) target(%dma_start3A_108 : memref<640xf32, #tpu.memory_space<hbm>>) target_semaphore(%run_scoped3A : memref<!tpu.dma_semaphore, #tpu.memory_space<semaphore_mem>>)
      %dma_wait3A = tpu.memref_slice %arg10[%arg0, %mul3A_2] : memref<2x10240xf32, #tpu.memory_space<hbm>> -> memref<1x640xf32, #tpu.memory_space<hbm>>
      %dma_wait3A_109 = tpu.memref_squeeze %dma_wait3A : memref<1x640xf32, #tpu.memory_space<hbm>> -> memref<640xf32, #tpu.memory_space<hbm>>
      %dma_wait3A_110 = tpu.memref_slice %arg10[%arg0, %mul3A_2] : memref<2x10240xf32, #tpu.memory_space<hbm>> -> memref<1x640xf32, #tpu.memory_space<hbm>>
      %dma_wait3A_111 = tpu.memref_squeeze %dma_wait3A_110 : memref<1x640xf32, #tpu.memory_space<hbm>> -> memref<640xf32, #tpu.memory_space<hbm>>
      tpu.wait_dma2 semaphore(%run_scoped3A : memref<!tpu.dma_semaphore, #tpu.memory_space<semaphore_mem>>) src(%arg16 : memref<640xf32, #tpu.memory_space<vmem>>) dst(%dma_wait3A_111 : memref<640xf32, #tpu.memory_space<hbm>>)
      tpu.yield
    }) : () -> ()
    %sub3A = arith.constant 10000 : i32
    %sub3A_42 = arith.subi %sub3A, %mul3A_2 : i32
    %min3A = arith.constant 640 : i32
    %min3A_43 = arith.minsi %min3A, %sub3A_42 : i32
    %jit3A = arith.constant 16 : i32
    %div3A = arith.divsi %min3A_43, %jit3A : i32
    %sign3A = arith.constant 0 : i32
    %sign3A_44 = arith.cmpi sgt, %min3A_43, %sign3A : i32
    %sign3A_45 = arith.extui %sign3A_44 : i1 to i32
    %sign3A_46 = arith.constant 0 : i32
    %sign3A_47 = arith.cmpi slt, %min3A_43, %sign3A_46 : i32
    %sign3A_48 = arith.extui %sign3A_47 : i1 to i32
    %sign3A_49 = arith.subi %sign3A_45, %sign3A_48 : i32
    %sign3A_50 = arith.constant 0 : i32
    %sign3A_51 = arith.cmpi sgt, %jit3A, %sign3A_50 : i32
    %sign3A_52 = arith.extui %sign3A_51 : i1 to i32
    %sign3A_53 = arith.constant 0 : i32
    %sign3A_54 = arith.cmpi slt, %jit3A, %sign3A_53 : i32
    %sign3A_55 = arith.extui %sign3A_54 : i1 to i32
    %sign3A_56 = arith.subi %sign3A_52, %sign3A_55 : i32
    %ne3A = arith.cmpi ne, %sign3A_49, %sign3A_56 : i32
    %rem3A = arith.remsi %min3A_43, %jit3A : i32
    %ne3A_57 = arith.constant 0 : i32
    %ne3A_58 = arith.cmpi ne, %rem3A, %ne3A_57 : i32
    %and3A = arith.andi %ne3A, %ne3A_58 : i1
    %sub3A_59 = arith.constant 1 : i32
    %sub3A_60 = arith.subi %div3A, %sub3A_59 : i32
    %select_n3A = arith.select %and3A, %sub3A_60, %div3A : i32
    %sub3A_61 = arith.constant 0 : i32
    %sub3A_62 = arith.subi %select_n3A, %sub3A_61 : i32
    %sub3A_63 = arith.constant 1 : i32
    %sub3A_64 = arith.constant 1 : i32
    %sub3A_65 = arith.subi %sub3A_63, %sub3A_64 : i32
    %add3A_66 = arith.addi %sub3A_62, %sub3A_65 : i32
    %div3A_67 = arith.constant 1 : i32
    %div3A_68 = arith.divsi %add3A_66, %div3A_67 : i32
    %while3A = arith.constant 1 : i32
    %while3A_69 = arith.constant 0 : i32
    %while3A_70 = arith.constant 0 : i32
    %while3A_71 = arith.subi %div3A_68, %while3A_70 : i32
    %while3A_72 = arith.addi %while3A_70, %while3A_71 : i32
    %while3A_73 = arith.constant 1 : i32
    %while3A_74 = arith.divsi %while3A_71, %while3A_73 : i32
    %while3A_75 = arith.muli %while3A_74, %while3A_73 : i32
    %while3A_76 = arith.addi %while3A_70, %while3A_75 : i32
    %while3A_77 = arith.constant 1 : i32
    scf.for %while3A_106 = %while3A_70 to %while3A_76 step %while3A_77  : i32 {
      %mul3A_107 = arith.muli %while3A_106, %while3A : i32
      %add3A_108 = arith.addi %while3A_69, %mul3A_107 : i32
      %mul3A_109 = arith.constant 16 : i32
      %mul3A_110 = arith.muli %add3A_108, %mul3A_109 : i32
      %add3A_111 = arith.addi %mul3A_2, %mul3A_110 : i32
      "tpu.region"() ({
        %run_scoped3A = tpu.sem_alloc : memref<!tpu.dma_semaphore, #tpu.memory_space<semaphore_mem>>
        %dma_start3A = arith.constant 0 : i32
        %dma_start3A_1696 = tpu.memref_slice %arg2[%add3A_111, %dma_start3A] : memref<10000x128xf32, #tpu.memory_space<hbm>> -> memref<16x128xf32, #tpu.memory_space<hbm>>
        %dma_start3A_1697 = arith.constant 0 : i32
        %dma_start3A_1698 = tpu.memref_slice %arg2[%add3A_111, %dma_start3A_1697] : memref<10000x128xf32, #tpu.memory_space<hbm>> -> memref<16x128xf32, #tpu.memory_space<hbm>>
        tpu.enqueue_dma source(%dma_start3A_1698 : memref<16x128xf32, #tpu.memory_space<hbm>>) target(%arg14 : memref<16x128xf32, #tpu.memory_space<vmem>>) target_semaphore(%run_scoped3A : memref<!tpu.dma_semaphore, #tpu.memory_space<semaphore_mem>>)
        %dma_wait3A = arith.constant 0 : i32
        %dma_wait3A_1699 = tpu.memref_slice %arg2[%add3A_111, %dma_wait3A] : memref<10000x128xf32, #tpu.memory_space<hbm>> -> memref<16x128xf32, #tpu.memory_space<hbm>>
        %dma_wait3A_1700 = arith.constant 0 : i32
        %dma_wait3A_1701 = tpu.memref_slice %arg2[%add3A_111, %dma_wait3A_1700] : memref<10000x128xf32, #tpu.memory_space<hbm>> -> memref<16x128xf32, #tpu.memory_space<hbm>>
        tpu.wait_dma2 semaphore(%run_scoped3A : memref<!tpu.dma_semaphore, #tpu.memory_space<semaphore_mem>>) src(%dma_wait3A_1701 : memref<16x128xf32, #tpu.memory_space<hbm>>) dst(%arg14 : memref<16x128xf32, #tpu.memory_space<vmem>>)
        tpu.yield
      }) : () -> ()
      %mul3A_112 = arith.constant 16 : i32
      %mul3A_113 = arith.muli %add3A_108, %mul3A_112 : i32
      %get3A = arith.index_cast %mul3A_113 : i32 to index
      %get3A_114 = tpu.vector_load %arg16[%get3A] {strides = array<i32>} : memref<640xf32, #tpu.memory_space<vmem>>, vector<16xf32>,
      %get3A_115 = vector.shape_cast %get3A_114 : vector<16xf32> to vector<16xf32>
      %slice3A = vector.extract_strided_slice %get3A_115 {offsets = [0], sizes = [1], strides = [1]} : vector<16xf32> to vector<1xf32>
      %squeeze3A = vector.extract %slice3A[0] : f32 from vector<1xf32>
      %broadcast_in_dim3A = vector.broadcast %squeeze3A : f32 to vector<16xf32>
      %get3A_116 = arith.constant 0 : i32
      %get3A_117 = arith.index_cast %get3A_116 : i32 to index
      %get3A_118 = arith.constant 0 : index
      %get3A_119 = tpu.vector_load %arg14[%get3A_117, %get3A_118] {strides = array<i32>} : memref<16x128xf32, #tpu.memory_space<vmem>>, vector<1x16xf32>,
      %get3A_120 = vector.shape_cast %get3A_119 : vector<1x16xf32> to vector<16xf32>
      %mul3A_121 = arith.mulf %get3A_120, %broadcast_in_dim3A : vector<16xf32>
      %swap3A = arith.constant 0 : i32
      %swap3A_122 = arith.index_cast %swap3A : i32 to index
      %swap3A_123 = arith.constant 0 : index
      %swap3A_124 = tpu.vector_load %arg14[%swap3A_122, %swap3A_123] {strides = array<i32>} : memref<16x128xf32, #tpu.memory_space<vmem>>, vector<1x16xf32>,
      %swap3A_125 = vector.shape_cast %swap3A_124 : vector<1x16xf32> to vector<16xf32>
      %swap3A_126 = vector.shape_cast %mul3A_121 : vector<16xf32> to vector<1x16xf32>
      tpu.vector_store %arg14[%swap3A_122, %swap3A_123], %swap3A_126 {strides = array<i32>} : memref<16x128xf32, #tpu.memory_space<vmem>>, vector<1x16xf32>,
      %get3A_127 = arith.constant 0 : i32
      %get3A_128 = arith.index_cast %get3A_127 : i32 to index
      %get3A_129 = arith.constant 16 : index
      %get3A_130 = tpu.vector_load %arg14[%get3A_128, %get3A_129] {strides = array<i32>} : memref<16x128xf32, #tpu.memory_space<vmem>>, vector<1x16xf32>,
      %get3A_131 = vector.shape_cast %get3A_130 : vector<1x16xf32> to vector<16xf32>
      %mul3A_132 = arith.mulf %get3A_131, %broadcast_in_dim3A : vector<16xf32>
      %swap3A_133 = arith.constant 0 : i32
      %swap3A_134 = arith.index_cast %swap3A_133 : i32 to index
      %swap3A_135 = arith.constant 16 : index
      %swap3A_136 = tpu.vector_load %arg14[%swap3A_134, %swap3A_135] {strides = array<i32>} : memref<16x128xf32, #tpu.memory_space<vmem>>, vector<1x16xf32>,
      %swap3A_137 = vector.shape_cast %swap3A_136 : vector<1x16xf32> to vector<16xf32>
      %swap3A_138 = vector.shape_cast %mul3A_132 : vector<16xf32> to vector<1x16xf32>
      tpu.vector_store %arg14[%swap3A_134, %swap3A_135], %swap3A_138 {strides = array<i32>} : memref<16x128xf32, #tpu.memory_space<vmem>>, vector<1x16xf32>,
      %get3A_139 = arith.constant 0 : i32
      %get3A_140 = arith.index_cast %get3A_139 : i32 to index
      %get3A_141 = arith.constant 32 : index
      %get3A_142 = tpu.vector_load %arg14[%get3A_140, %get3A_141] {strides = array<i32>} : memref<16x128xf32, #tpu.memory_space<vmem>>, vector<1x16xf32>,
      %get3A_143 = vector.shape_cast %get3A_142 : vector<1x16xf32> to vector<16xf32>
      %mul3A_144 = arith.mulf %get3A_143, %broadcast_in_dim3A : vector<16xf32>
      %swap3A_145 = arith.constant 0 : i32
      %swap3A_146 = arith.index_cast %swap3A_145 : i32 to index
      %swap3A_147 = arith.constant 32 : index
      %swap3A_148 = tpu.vector_load %arg14[%swap3A_146, %swap3A_147] {strides = array<i32>} : memref<16x128xf32, #tpu.memory_space<vmem>>, vector<1x16xf32>,
      %swap3A_149 = vector.shape_cast %swap3A_148 : vector<1x16xf32> to vector<16xf32>
      %swap3A_150 = vector.shape_cast %mul3A_144 : vector<16xf32> to vector<1x16xf32>
      tpu.vector_store %arg14[%swap3A_146, %swap3A_147], %swap3A_150 {strides = array<i32>} : memref<16x128xf32, #tpu.memory_space<vmem>>, vector<1x16xf32>,
      %get3A_151 = arith.constant 0 : i32
      %get3A_152 = arith.index_cast %get3A_151 : i32 to index
      %get3A_153 = arith.constant 48 : index
      %get3A_154 = tpu.vector_load %arg14[%get3A_152, %get3A_153] {strides = array<i32>} : memref<16x128xf32, #tpu.memory_space<vmem>>, vector<1x16xf32>,
      %get3A_155 = vector.shape_cast %get3A_154 : vector<1x16xf32> to vector<16xf32>
      %mul3A_156 = arith.mulf %get3A_155, %broadcast_in_dim3A : vector<16xf32>
      %swap3A_157 = arith.constant 0 : i32
      %swap3A_158 = arith.index_cast %swap3A_157 : i32 to index
      %swap3A_159 = arith.constant 48 : index
      %swap3A_160 = tpu.vector_load %arg14[%swap3A_158, %swap3A_159] {strides = array<i32>} : memref<16x128xf32, #tpu.memory_space<vmem>>, vector<1x16xf32>,
      %swap3A_161 = vector.shape_cast %swap3A_160 : vector<1x16xf32> to vector<16xf32>
      %swap3A_162 = vector.shape_cast %mul3A_156 : vector<16xf32> to vector<1x16xf32>
      tpu.vector_store %arg14[%swap3A_158, %swap3A_159], %swap3A_162 {strides = array<i32>} : memref<16x128xf32, #tpu.memory_space<vmem>>, vector<1x16xf32>,
      %get3A_163 = arith.constant 0 : i32
      %get3A_164 = arith.index_cast %get3A_163 : i32 to index
      %get3A_165 = arith.constant 64 : index
      %get3A_166 = tpu.vector_load %arg14[%get3A_164, %get3A_165] {strides = array<i32>} : memref<16x128xf32, #tpu.memory_space<vmem>>, vector<1x16xf32>,
      %get3A_167 = vector.shape_cast %get3A_166 : vector<1x16xf32> to vector<16xf32>
      %mul3A_168 = arith.mulf %get3A_167, %broadcast_in_dim3A : vector<16xf32>
      %swap3A_169 = arith.constant 0 : i32
      %swap3A_170 = arith.index_cast %swap3A_169 : i32 to index
      %swap3A_171 = arith.constant 64 : index
      %swap3A_172 = tpu.vector_load %arg14[%swap3A_170, %swap3A_171] {strides = array<i32>} : memref<16x128xf32, #tpu.memory_space<vmem>>, vector<1x16xf32>,
      %swap3A_173 = vector.shape_cast %swap3A_172 : vector<1x16xf32> to vector<16xf32>
      %swap3A_174 = vector.shape_cast %mul3A_168 : vector<16xf32> to vector<1x16xf32>
      tpu.vector_store %arg14[%swap3A_170, %swap3A_171], %swap3A_174 {strides = array<i32>} : memref<16x128xf32, #tpu.memory_space<vmem>>, vector<1x16xf32>,
      %get3A_175 = arith.constant 0 : i32
      %get3A_176 = arith.index_cast %get3A_175 : i32 to index
      %get3A_177 = arith.constant 80 : index
      %get3A_178 = tpu.vector_load %arg14[%get3A_176, %get3A_177] {strides = array<i32>} : memref<16x128xf32, #tpu.memory_space<vmem>>, vector<1x16xf32>,
      %get3A_179 = vector.shape_cast %get3A_178 : vector<1x16xf32> to vector<16xf32>
      %mul3A_180 = arith.mulf %get3A_179, %broadcast_in_dim3A : vector<16xf32>
      %swap3A_181 = arith.constant 0 : i32
      %swap3A_182 = arith.index_cast %swap3A_181 : i32 to index
      %swap3A_183 = arith.constant 80 : index
      %swap3A_184 = tpu.vector_load %arg14[%swap3A_182, %swap3A_183] {strides = array<i32>} : memref<16x128xf32, #tpu.memory_space<vmem>>, vector<1x16xf32>,
      %swap3A_185 = vector.shape_cast %swap3A_184 : vector<1x16xf32> to vector<16xf32>
      %swap3A_186 = vector.shape_cast %mul3A_180 : vector<16xf32> to vector<1x16xf32>
      tpu.vector_store %arg14[%swap3A_182, %swap3A_183], %swap3A_186 {strides = array<i32>} : memref<16x128xf32, #tpu.memory_space<vmem>>, vector<1x16xf32>,
      %get3A_187 = arith.constant 0 : i32
      %get3A_188 = arith.index_cast %get3A_187 : i32 to index
      %get3A_189 = arith.constant 96 : index
      %get3A_190 = tpu.vector_load %arg14[%get3A_188, %get3A_189] {strides = array<i32>} : memref<16x128xf32, #tpu.memory_space<vmem>>, vector<1x16xf32>,
      %get3A_191 = vector.shape_cast %get3A_190 : vector<1x16xf32> to vector<16xf32>
      %mul3A_192 = arith.mulf %get3A_191, %broadcast_in_dim3A : vector<16xf32>
      %swap3A_193 = arith.constant 0 : i32
      %swap3A_194 = arith.index_cast %swap3A_193 : i32 to index
      %swap3A_195 = arith.constant 96 : index
      %swap3A_196 = tpu.vector_load %arg14[%swap3A_194, %swap3A_195] {strides = array<i32>} : memref<16x128xf32, #tpu.memory_space<vmem>>, vector<1x16xf32>,
      %swap3A_197 = vector.shape_cast %swap3A_196 : vector<1x16xf32> to vector<16xf32>
      %swap3A_198 = vector.shape_cast %mul3A_192 : vector<16xf32> to vector<1x16xf32>
      tpu.vector_store %arg14[%swap3A_194, %swap3A_195], %swap3A_198 {strides = array<i32>} : memref<16x128xf32, #tpu.memory_space<vmem>>, vector<1x16xf32>,
      %get3A_199 = arith.constant 0 : i32
      %get3A_200 = arith.index_cast %get3A_199 : i32 to index
      %get3A_201 = arith.constant 112 : index
      %get3A_202 = tpu.vector_load %arg14[%get3A_200, %get3A_201] {strides = array<i32>} : memref<16x128xf32, #tpu.memory_space<vmem>>, vector<1x16xf32>,
      %get3A_203 = vector.shape_cast %get3A_202 : vector<1x16xf32> to vector<16xf32>
      %mul3A_204 = arith.mulf %get3A_203, %broadcast_in_dim3A : vector<16xf32>
      %swap3A_205 = arith.constant 0 : i32
      %swap3A_206 = arith.index_cast %swap3A_205 : i32 to index
      %swap3A_207 = arith.constant 112 : index
      %swap3A_208 = tpu.vector_load %arg14[%swap3A_206, %swap3A_207] {strides = array<i32>} : memref<16x128xf32, #tpu.memory_space<vmem>>, vector<1x16xf32>,
      %swap3A_209 = vector.shape_cast %swap3A_208 : vector<1x16xf32> to vector<16xf32>
      %swap3A_210 = vector.shape_cast %mul3A_204 : vector<16xf32> to vector<1x16xf32>
      tpu.vector_store %arg14[%swap3A_206, %swap3A_207], %swap3A_210 {strides = array<i32>} : memref<16x128xf32, #tpu.memory_space<vmem>>, vector<1x16xf32>,
      %slice3A_211 = vector.extract_strided_slice %get3A_115 {offsets = [1], sizes = [1], strides = [1]} : vector<16xf32> to vector<1xf32>
      %squeeze3A_212 = vector.extract %slice3A_211[0] : f32 from vector<1xf32>
      %broadcast_in_dim3A_213 = vector.broadcast %squeeze3A_212 : f32 to vector<16xf32>
      %get3A_214 = arith.constant 1 : i32
      %get3A_215 = arith.index_cast %get3A_214 : i32 to index
      %get3A_216 = arith.constant 0 : index
      %get3A_217 = tpu.vector_load %arg14[%get3A_215, %get3A_216] {strides = array<i32>} : memref<16x128xf32, #tpu.memory_space<vmem>>, vector<1x16xf32>,
      %get3A_218 = vector.shape_cast %get3A_217 : vector<1x16xf32> to vector<16xf32>
      %mul3A_219 = arith.mulf %get3A_218, %broadcast_in_dim3A_213 : vector<16xf32>
      %swap3A_220 = arith.constant 1 : i32
      %swap3A_221 = arith.index_cast %swap3A_220 : i32 to index
      %swap3A_222 = arith.constant 0 : index
      %swap3A_223 = tpu.vector_load %arg14[%swap3A_221, %swap3A_222] {strides = array<i32>} : memref<16x128xf32, #tpu.memory_space<vmem>>, vector<1x16xf32>,
      %swap3A_224 = vector.shape_cast %swap3A_223 : vector<1x16xf32> to vector<16xf32>
      %swap3A_225 = vector.shape_cast %mul3A_219 : vector<16xf32> to vector<1x16xf32>
      tpu.vector_store %arg14[%swap3A_221, %swap3A_222], %swap3A_225 {strides = array<i32>} : memref<16x128xf32, #tpu.memory_space<vmem>>, vector<1x16xf32>,
      %get3A_226 = arith.constant 1 : i32
      %get3A_227 = arith.index_cast %get3A_226 : i32 to index
      %get3A_228 = arith.constant 16 : index
      %get3A_229 = tpu.vector_load %arg14[%get3A_227, %get3A_228] {strides = array<i32>} : memref<16x128xf32, #tpu.memory_space<vmem>>, vector<1x16xf32>,
      %get3A_230 = vector.shape_cast %get3A_229 : vector<1x16xf32> to vector<16xf32>
      %mul3A_231 = arith.mulf %get3A_230, %broadcast_in_dim3A_213 : vector<16xf32>
      %swap3A_232 = arith.constant 1 : i32
      %swap3A_233 = arith.index_cast %swap3A_232 : i32 to index
      %swap3A_234 = arith.constant 16 : index
      %swap3A_235 = tpu.vector_load %arg14[%swap3A_233, %swap3A_234] {strides = array<i32>} : memref<16x128xf32, #tpu.memory_space<vmem>>, vector<1x16xf32>,
      %swap3A_236 = vector.shape_cast %swap3A_235 : vector<1x16xf32> to vector<16xf32>
      %swap3A_237 = vector.shape_cast %mul3A_231 : vector<16xf32> to vector<1x16xf32>
      tpu.vector_store %arg14[%swap3A_233, %swap3A_234], %swap3A_237 {strides = array<i32>} : memref<16x128xf32, #tpu.memory_space<vmem>>, vector<1x16xf32>,
      %get3A_238 = arith.constant 1 : i32
      %get3A_239 = arith.index_cast %get3A_238 : i32 to index
      %get3A_240 = arith.constant 32 : index
      %get3A_241 = tpu.vector_load %arg14[%get3A_239, %get3A_240] {strides = array<i32>} : memref<16x128xf32, #tpu.memory_space<vmem>>, vector<1x16xf32>,
      %get3A_242 = vector.shape_cast %get3A_241 : vector<1x16xf32> to vector<16xf32>
      %mul3A_243 = arith.mulf %get3A_242, %broadcast_in_dim3A_213 : vector<16xf32>
      %swap3A_244 = arith.constant 1 : i32
      %swap3A_245 = arith.index_cast %swap3A_244 : i32 to index
      %swap3A_246 = arith.constant 32 : index
      %swap3A_247 = tpu.vector_load %arg14[%swap3A_245, %swap3A_246] {strides = array<i32>} : memref<16x128xf32, #tpu.memory_space<vmem>>, vector<1x16xf32>,
      %swap3A_248 = vector.shape_cast %swap3A_247 : vector<1x16xf32> to vector<16xf32>
      %swap3A_249 = vector.shape_cast %mul3A_243 : vector<16xf32> to vector<1x16xf32>
      tpu.vector_store %arg14[%swap3A_245, %swap3A_246], %swap3A_249 {strides = array<i32>} : memref<16x128xf32, #tpu.memory_space<vmem>>, vector<1x16xf32>,
      %get3A_250 = arith.constant 1 : i32
      %get3A_251 = arith.index_cast %get3A_250 : i32 to index
      %get3A_252 = arith.constant 48 : index
      %get3A_253 = tpu.vector_load %arg14[%get3A_251, %get3A_252] {strides = array<i32>} : memref<16x128xf32, #tpu.memory_space<vmem>>, vector<1x16xf32>,
      %get3A_254 = vector.shape_cast %get3A_253 : vector<1x16xf32> to vector<16xf32>
      %mul3A_255 = arith.mulf %get3A_254, %broadcast_in_dim3A_213 : vector<16xf32>
      %swap3A_256 = arith.constant 1 : i32
      %swap3A_257 = arith.index_cast %swap3A_256 : i32 to index
      %swap3A_258 = arith.constant 48 : index
      %swap3A_259 = tpu.vector_load %arg14[%swap3A_257, %swap3A_258] {strides = array<i32>} : memref<16x128xf32, #tpu.memory_space<vmem>>, vector<1x16xf32>,
      %swap3A_260 = vector.shape_cast %swap3A_259 : vector<1x16xf32> to vector<16xf32>
      %swap3A_261 = vector.shape_cast %mul3A_255 : vector<16xf32> to vector<1x16xf32>
      tpu.vector_store %arg14[%swap3A_257, %swap3A_258], %swap3A_261 {strides = array<i32>} : memref<16x128xf32, #tpu.memory_space<vmem>>, vector<1x16xf32>,
      %get3A_262 = arith.constant 1 : i32
      %get3A_263 = arith.index_cast %get3A_262 : i32 to index
      %get3A_264 = arith.constant 64 : index
      %get3A_265 = tpu.vector_load %arg14[%get3A_263, %get3A_264] {strides = array<i32>} : memref<16x128xf32, #tpu.memory_space<vmem>>, vector<1x16xf32>,
      %get3A_266 = vector.shape_cast %get3A_265 : vector<1x16xf32> to vector<16xf32>
      %mul3A_267 = arith.mulf %get3A_266, %broadcast_in_dim3A_213 : vector<16xf32>
      %swap3A_268 = arith.constant 1 : i32
      %swap3A_269 = arith.index_cast %swap3A_268 : i32 to index
      %swap3A_270 = arith.constant 64 : index
      %swap3A_271 = tpu.vector_load %arg14[%swap3A_269, %swap3A_270] {strides = array<i32>} : memref<16x128xf32, #tpu.memory_space<vmem>>, vector<1x16xf32>,
      %swap3A_272 = vector.shape_cast %swap3A_271 : vector<1x16xf32> to vector<16xf32>
      %swap3A_273 = vector.shape_cast %mul3A_267 : vector<16xf32> to vector<1x16xf32>
      tpu.vector_store %arg14[%swap3A_269, %swap3A_270], %swap3A_273 {strides = array<i32>} : memref<16x128xf32, #tpu.memory_space<vmem>>, vector<1x16xf32>,
      %get3A_274 = arith.constant 1 : i32
      %get3A_275 = arith.index_cast %get3A_274 : i32 to index
      %get3A_276 = arith.constant 80 : index
      %get3A_277 = tpu.vector_load %arg14[%get3A_275, %get3A_276] {strides = array<i32>} : memref<16x128xf32, #tpu.memory_space<vmem>>, vector<1x16xf32>,
      %get3A_278 = vector.shape_cast %get3A_277 : vector<1x16xf32> to vector<16xf32>
      %mul3A_279 = arith.mulf %get3A_278, %broadcast_in_dim3A_213 : vector<16xf32>
      %swap3A_280 = arith.constant 1 : i32
      %swap3A_281 = arith.index_cast %swap3A_280 : i32 to index
      %swap3A_282 = arith.constant 80 : index
      %swap3A_283 = tpu.vector_load %arg14[%swap3A_281, %swap3A_282] {strides = array<i32>} : memref<16x128xf32, #tpu.memory_space<vmem>>, vector<1x16xf32>,
      %swap3A_284 = vector.shape_cast %swap3A_283 : vector<1x16xf32> to vector<16xf32>
      %swap3A_285 = vector.shape_cast %mul3A_279 : vector<16xf32> to vector<1x16xf32>
      tpu.vector_store %arg14[%swap3A_281, %swap3A_282], %swap3A_285 {strides = array<i32>} : memref<16x128xf32, #tpu.memory_space<vmem>>, vector<1x16xf32>,
      %get3A_286 = arith.constant 1 : i32
      %get3A_287 = arith.index_cast %get3A_286 : i32 to index
      %get3A_288 = arith.constant 96 : index
      %get3A_289 = tpu.vector_load %arg14[%get3A_287, %get3A_288] {strides = array<i32>} : memref<16x128xf32, #tpu.memory_space<vmem>>, vector<1x16xf32>,
      %get3A_290 = vector.shape_cast %get3A_289 : vector<1x16xf32> to vector<16xf32>
      %mul3A_291 = arith.mulf %get3A_290, %broadcast_in_dim3A_213 : vector<16xf32>
      %swap3A_292 = arith.constant 1 : i32
      %swap3A_293 = arith.index_cast %swap3A_292 : i32 to index
      %swap3A_294 = arith.constant 96 : index
      %swap3A_295 = tpu.vector_load %arg14[%swap3A_293, %swap3A_294] {strides = array<i32>} : memref<16x128xf32, #tpu.memory_space<vmem>>, vector<1x16xf32>,
      %swap3A_296 = vector.shape_cast %swap3A_295 : vector<1x16xf32> to vector<16xf32>
      %swap3A_297 = vector.shape_cast %mul3A_291 : vector<16xf32> to vector<1x16xf32>
      tpu.vector_store %arg14[%swap3A_293, %swap3A_294], %swap3A_297 {strides = array<i32>} : memref<16x128xf32, #tpu.memory_space<vmem>>, vector<1x16xf32>,
      %get3A_298 = arith.constant 1 : i32
      %get3A_299 = arith.index_cast %get3A_298 : i32 to index
      %get3A_300 = arith.constant 112 : index
      %get3A_301 = tpu.vector_load %arg14[%get3A_299, %get3A_300] {strides = array<i32>} : memref<16x128xf32, #tpu.memory_space<vmem>>, vector<1x16xf32>,
      %get3A_302 = vector.shape_cast %get3A_301 : vector<1x16xf32> to vector<16xf32>
      %mul3A_303 = arith.mulf %get3A_302, %broadcast_in_dim3A_213 : vector<16xf32>
      %swap3A_304 = arith.constant 1 : i32
      %swap3A_305 = arith.index_cast %swap3A_304 : i32 to index
      %swap3A_306 = arith.constant 112 : index
      %swap3A_307 = tpu.vector_load %arg14[%swap3A_305, %swap3A_306] {strides = array<i32>} : memref<16x128xf32, #tpu.memory_space<vmem>>, vector<1x16xf32>,
      %swap3A_308 = vector.shape_cast %swap3A_307 : vector<1x16xf32> to vector<16xf32>
      %swap3A_309 = vector.shape_cast %mul3A_303 : vector<16xf32> to vector<1x16xf32>
      tpu.vector_store %arg14[%swap3A_305, %swap3A_306], %swap3A_309 {strides = array<i32>} : memref<16x128xf32, #tpu.memory_space<vmem>>, vector<1x16xf32>,
      %slice3A_310 = vector.extract_strided_slice %get3A_115 {offsets = [2], sizes = [1], strides = [1]} : vector<16xf32> to vector<1xf32>
      %squeeze3A_311 = vector.extract %slice3A_310[0] : f32 from vector<1xf32>
      %broadcast_in_dim3A_312 = vector.broadcast %squeeze3A_311 : f32 to vector<16xf32>
      %get3A_313 = arith.constant 2 : i32
      %get3A_314 = arith.index_cast %get3A_313 : i32 to index
      %get3A_315 = arith.constant 0 : index
      %get3A_316 = tpu.vector_load %arg14[%get3A_314, %get3A_315] {strides = array<i32>} : memref<16x128xf32, #tpu.memory_space<vmem>>, vector<1x16xf32>,
      %get3A_317 = vector.shape_cast %get3A_316 : vector<1x16xf32> to vector<16xf32>
      %mul3A_318 = arith.mulf %get3A_317, %broadcast_in_dim3A_312 : vector<16xf32>
      %swap3A_319 = arith.constant 2 : i32
      %swap3A_320 = arith.index_cast %swap3A_319 : i32 to index
      %swap3A_321 = arith.constant 0 : index
      %swap3A_322 = tpu.vector_load %arg14[%swap3A_320, %swap3A_321] {strides = array<i32>} : memref<16x128xf32, #tpu.memory_space<vmem>>, vector<1x16xf32>,
      %swap3A_323 = vector.shape_cast %swap3A_322 : vector<1x16xf32> to vector<16xf32>
      %swap3A_324 = vector.shape_cast %mul3A_318 : vector<16xf32> to vector<1x16xf32>
      tpu.vector_store %arg14[%swap3A_320, %swap3A_321], %swap3A_324 {strides = array<i32>} : memref<16x128xf32, #tpu.memory_space<vmem>>, vector<1x16xf32>,
      %get3A_325 = arith.constant 2 : i32
      %get3A_326 = arith.index_cast %get3A_325 : i32 to index
      %get3A_327 = arith.constant 16 : index
      %get3A_328 = tpu.vector_load %arg14[%get3A_326, %get3A_327] {strides = array<i32>} : memref<16x128xf32, #tpu.memory_space<vmem>>, vector<1x16xf32>,
      %get3A_329 = vector.shape_cast %get3A_328 : vector<1x16xf32> to vector<16xf32>
      %mul3A_330 = arith.mulf %get3A_329, %broadcast_in_dim3A_312 : vector<16xf32>
      %swap3A_331 = arith.constant 2 : i32
      %swap3A_332 = arith.index_cast %swap3A_331 : i32 to index
      %swap3A_333 = arith.constant 16 : index
      %swap3A_334 = tpu.vector_load %arg14[%swap3A_332, %swap3A_333] {strides = array<i32>} : memref<16x128xf32, #tpu.memory_space<vmem>>, vector<1x16xf32>,
      %swap3A_335 = vector.shape_cast %swap3A_334 : vector<1x16xf32> to vector<16xf32>
      %swap3A_336 = vector.shape_cast %mul3A_330 : vector<16xf32> to vector<1x16xf32>
      tpu.vector_store %arg14[%swap3A_332, %swap3A_333], %swap3A_336 {strides = array<i32>} : memref<16x128xf32, #tpu.memory_space<vmem>>, vector<1x16xf32>,
      %get3A_337 = arith.constant 2 : i32
      %get3A_338 = arith.index_cast %get3A_337 : i32 to index
      %get3A_339 = arith.constant 32 : index
      %get3A_340 = tpu.vector_load %arg14[%get3A_338, %get3A_339] {strides = array<i32>} : memref<16x128xf32, #tpu.memory_space<vmem>>, vector<1x16xf32>,
      %get3A_341 = vector.shape_cast %get3A_340 : vector<1x16xf32> to vector<16xf32>
      %mul3A_342 = arith.mulf %get3A_341, %broadcast_in_dim3A_312 : vector<16xf32>
      %swap3A_343 = arith.constant 2 : i32
      %swap3A_344 = arith.index_cast %swap3A_343 : i32 to index
      %swap3A_345 = arith.constant 32 : index
      %swap3A_346 = tpu.vector_load %arg14[%swap3A_344, %swap3A_345] {strides = array<i32>} : memref<16x128xf32, #tpu.memory_space<vmem>>, vector<1x16xf32>,
      %swap3A_347 = vector.shape_cast %swap3A_346 : vector<1x16xf32> to vector<16xf32>
      %swap3A_348 = vector.shape_cast %mul3A_342 : vector<16xf32> to vector<1x16xf32>
      tpu.vector_store %arg14[%swap3A_344, %swap3A_345], %swap3A_348 {strides = array<i32>} : memref<16x128xf32, #tpu.memory_space<vmem>>, vector<1x16xf32>,
      %get3A_349 = arith.constant 2 : i32
      %get3A_350 = arith.index_cast %get3A_349 : i32 to index
      %get3A_351 = arith.constant 48 : index
      %get3A_352 = tpu.vector_load %arg14[%get3A_350, %get3A_351] {strides = array<i32>} : memref<16x128xf32, #tpu.memory_space<vmem>>, vector<1x16xf32>,
      %get3A_353 = vector.shape_cast %get3A_352 : vector<1x16xf32> to vector<16xf32>
      %mul3A_354 = arith.mulf %get3A_353, %broadcast_in_dim3A_312 : vector<16xf32>
      %swap3A_355 = arith.constant 2 : i32
      %swap3A_356 = arith.index_cast %swap3A_355 : i32 to index
      %swap3A_357 = arith.constant 48 : index
      %swap3A_358 = tpu.vector_load %arg14[%swap3A_356, %swap3A_357] {strides = array<i32>} : memref<16x128xf32, #tpu.memory_space<vmem>>, vector<1x16xf32>,
      %swap3A_359 = vector.shape_cast %swap3A_358 : vector<1x16xf32> to vector<16xf32>
      %swap3A_360 = vector.shape_cast %mul3A_354 : vector<16xf32> to vector<1x16xf32>
      tpu.vector_store %arg14[%swap3A_356, %swap3A_357], %swap3A_360 {strides = array<i32>} : memref<16x128xf32, #tpu.memory_space<vmem>>, vector<1x16xf32>,
      %get3A_361 = arith.constant 2 : i32
      %get3A_362 = arith.index_cast %get3A_361 : i32 to index
      %get3A_363 = arith.constant 64 : index
      %get3A_364 = tpu.vector_load %arg14[%get3A_362, %get3A_363] {strides = array<i32>} : memref<16x128xf32, #tpu.memory_space<vmem>>, vector<1x16xf32>,
      %get3A_365 = vector.shape_cast %get3A_364 : vector<1x16xf32> to vector<16xf32>
      %mul3A_366 = arith.mulf %get3A_365, %broadcast_in_dim3A_312 : vector<16xf32>
      %swap3A_367 = arith.constant 2 : i32
      %swap3A_368 = arith.index_cast %swap3A_367 : i32 to index
      %swap3A_369 = arith.constant 64 : index
      %swap3A_370 = tpu.vector_load %arg14[%swap3A_368, %swap3A_369] {strides = array<i32>} : memref<16x128xf32, #tpu.memory_space<vmem>>, vector<1x16xf32>,
      %swap3A_371 = vector.shape_cast %swap3A_370 : vector<1x16xf32> to vector<16xf32>
      %swap3A_372 = vector.shape_cast %mul3A_366 : vector<16xf32> to vector<1x16xf32>
      tpu.vector_store %arg14[%swap3A_368, %swap3A_369], %swap3A_372 {strides = array<i32>} : memref<16x128xf32, #tpu.memory_space<vmem>>, vector<1x16xf32>,
      %get3A_373 = arith.constant 2 : i32
      %get3A_374 = arith.index_cast %get3A_373 : i32 to index
      %get3A_375 = arith.constant 80 : index
      %get3A_376 = tpu.vector_load %arg14[%get3A_374, %get3A_375] {strides = array<i32>} : memref<16x128xf32, #tpu.memory_space<vmem>>, vector<1x16xf32>,
      %get3A_377 = vector.shape_cast %get3A_376 : vector<1x16xf32> to vector<16xf32>
      %mul3A_378 = arith.mulf %get3A_377, %broadcast_in_dim3A_312 : vector<16xf32>
      %swap3A_379 = arith.constant 2 : i32
      %swap3A_380 = arith.index_cast %swap3A_379 : i32 to index
      %swap3A_381 = arith.constant 80 : index
      %swap3A_382 = tpu.vector_load %arg14[%swap3A_380, %swap3A_381] {strides = array<i32>} : memref<16x128xf32, #tpu.memory_space<vmem>>, vector<1x16xf32>,
      %swap3A_383 = vector.shape_cast %swap3A_382 : vector<1x16xf32> to vector<16xf32>
      %swap3A_384 = vector.shape_cast %mul3A_378 : vector<16xf32> to vector<1x16xf32>
      tpu.vector_store %arg14[%swap3A_380, %swap3A_381], %swap3A_384 {strides = array<i32>} : memref<16x128xf32, #tpu.memory_space<vmem>>, vector<1x16xf32>,
      %get3A_385 = arith.constant 2 : i32
      %get3A_386 = arith.index_cast %get3A_385 : i32 to index
      %get3A_387 = arith.constant 96 : index
      %get3A_388 = tpu.vector_load %arg14[%get3A_386, %get3A_387] {strides = array<i32>} : memref<16x128xf32, #tpu.memory_space<vmem>>, vector<1x16xf32>,
      %get3A_389 = vector.shape_cast %get3A_388 : vector<1x16xf32> to vector<16xf32>
      %mul3A_390 = arith.mulf %get3A_389, %broadcast_in_dim3A_312 : vector<16xf32>
      %swap3A_391 = arith.constant 2 : i32
      %swap3A_392 = arith.index_cast %swap3A_391 : i32 to index
      %swap3A_393 = arith.constant 96 : index
      %swap3A_394 = tpu.vector_load %arg14[%swap3A_392, %swap3A_393] {strides = array<i32>} : memref<16x128xf32, #tpu.memory_space<vmem>>, vector<1x16xf32>,
      %swap3A_395 = vector.shape_cast %swap3A_394 : vector<1x16xf32> to vector<16xf32>
      %swap3A_396 = vector.shape_cast %mul3A_390 : vector<16xf32> to vector<1x16xf32>
      tpu.vector_store %arg14[%swap3A_392, %swap3A_393], %swap3A_396 {strides = array<i32>} : memref<16x128xf32, #tpu.memory_space<vmem>>, vector<1x16xf32>,
      %get3A_397 = arith.constant 2 : i32
      %get3A_398 = arith.index_cast %get3A_397 : i32 to index
      %get3A_399 = arith.constant 112 : index
      %get3A_400 = tpu.vector_load %arg14[%get3A_398, %get3A_399] {strides = array<i32>} : memref<16x128xf32, #tpu.memory_space<vmem>>, vector<1x16xf32>,
      %get3A_401 = vector.shape_cast %get3A_400 : vector<1x16xf32> to vector<16xf32>
      %mul3A_402 = arith.mulf %get3A_401, %broadcast_in_dim3A_312 : vector<16xf32>
      %swap3A_403 = arith.constant 2 : i32
      %swap3A_404 = arith.index_cast %swap3A_403 : i32 to index
      %swap3A_405 = arith.constant 112 : index
      %swap3A_406 = tpu.vector_load %arg14[%swap3A_404, %swap3A_405] {strides = array<i32>} : memref<16x128xf32, #tpu.memory_space<vmem>>, vector<1x16xf32>,
      %swap3A_407 = vector.shape_cast %swap3A_406 : vector<1x16xf32> to vector<16xf32>
      %swap3A_408 = vector.shape_cast %mul3A_402 : vector<16xf32> to vector<1x16xf32>
      tpu.vector_store %arg14[%swap3A_404, %swap3A_405], %swap3A_408 {strides = array<i32>} : memref<16x128xf32, #tpu.memory_space<vmem>>, vector<1x16xf32>,
      %slice3A_409 = vector.extract_strided_slice %get3A_115 {offsets = [3], sizes = [1], strides = [1]} : vector<16xf32> to vector<1xf32>
      %squeeze3A_410 = vector.extract %slice3A_409[0] : f32 from vector<1xf32>
      %broadcast_in_dim3A_411 = vector.broadcast %squeeze3A_410 : f32 to vector<16xf32>
      %get3A_412 = arith.constant 3 : i32
      %get3A_413 = arith.index_cast %get3A_412 : i32 to index
      %get3A_414 = arith.constant 0 : index
      %get3A_415 = tpu.vector_load %arg14[%get3A_413, %get3A_414] {strides = array<i32>} : memref<16x128xf32, #tpu.memory_space<vmem>>, vector<1x16xf32>,
      %get3A_416 = vector.shape_cast %get3A_415 : vector<1x16xf32> to vector<16xf32>
      %mul3A_417 = arith.mulf %get3A_416, %broadcast_in_dim3A_411 : vector<16xf32>
      %swap3A_418 = arith.constant 3 : i32
      %swap3A_419 = arith.index_cast %swap3A_418 : i32 to index
      %swap3A_420 = arith.constant 0 : index
      %swap3A_421 = tpu.vector_load %arg14[%swap3A_419, %swap3A_420] {strides = array<i32>} : memref<16x128xf32, #tpu.memory_space<vmem>>, vector<1x16xf32>,
      %swap3A_422 = vector.shape_cast %swap3A_421 : vector<1x16xf32> to vector<16xf32>
      %swap3A_423 = vector.shape_cast %mul3A_417 : vector<16xf32> to vector<1x16xf32>
      tpu.vector_store %arg14[%swap3A_419, %swap3A_420], %swap3A_423 {strides = array<i32>} : memref<16x128xf32, #tpu.memory_space<vmem>>, vector<1x16xf32>,
      %get3A_424 = arith.constant 3 : i32
      %get3A_425 = arith.index_cast %get3A_424 : i32 to index
      %get3A_426 = arith.constant 16 : index
      %get3A_427 = tpu.vector_load %arg14[%get3A_425, %get3A_426] {strides = array<i32>} : memref<16x128xf32, #tpu.memory_space<vmem>>, vector<1x16xf32>,
      %get3A_428 = vector.shape_cast %get3A_427 : vector<1x16xf32> to vector<16xf32>
      %mul3A_429 = arith.mulf %get3A_428, %broadcast_in_dim3A_411 : vector<16xf32>
      %swap3A_430 = arith.constant 3 : i32
      %swap3A_431 = arith.index_cast %swap3A_430 : i32 to index
      %swap3A_432 = arith.constant 16 : index
      %swap3A_433 = tpu.vector_load %arg14[%swap3A_431, %swap3A_432] {strides = array<i32>} : memref<16x128xf32, #tpu.memory_space<vmem>>, vector<1x16xf32>,
      %swap3A_434 = vector.shape_cast %swap3A_433 : vector<1x16xf32> to vector<16xf32>
      %swap3A_435 = vector.shape_cast %mul3A_429 : vector<16xf32> to vector<1x16xf32>
      tpu.vector_store %arg14[%swap3A_431, %swap3A_432], %swap3A_435 {strides = array<i32>} : memref<16x128xf32, #tpu.memory_space<vmem>>, vector<1x16xf32>,
      %get3A_436 = arith.constant 3 : i32
      %get3A_437 = arith.index_cast %get3A_436 : i32 to index
      %get3A_438 = arith.constant 32 : index
      %get3A_439 = tpu.vector_load %arg14[%get3A_437, %get3A_438] {strides = array<i32>} : memref<16x128xf32, #tpu.memory_space<vmem>>, vector<1x16xf32>,
      %get3A_440 = vector.shape_cast %get3A_439 : vector<1x16xf32> to vector<16xf32>
      %mul3A_441 = arith.mulf %get3A_440, %broadcast_in_dim3A_411 : vector<16xf32>
      %swap3A_442 = arith.constant 3 : i32
      %swap3A_443 = arith.index_cast %swap3A_442 : i32 to index
      %swap3A_444 = arith.constant 32 : index
      %swap3A_445 = tpu.vector_load %arg14[%swap3A_443, %swap3A_444] {strides = array<i32>} : memref<16x128xf32, #tpu.memory_space<vmem>>, vector<1x16xf32>,
      %swap3A_446 = vector.shape_cast %swap3A_445 : vector<1x16xf32> to vector<16xf32>
      %swap3A_447 = vector.shape_cast %mul3A_441 : vector<16xf32> to vector<1x16xf32>
      tpu.vector_store %arg14[%swap3A_443, %swap3A_444], %swap3A_447 {strides = array<i32>} : memref<16x128xf32, #tpu.memory_space<vmem>>, vector<1x16xf32>,
      %get3A_448 = arith.constant 3 : i32
      %get3A_449 = arith.index_cast %get3A_448 : i32 to index
      %get3A_450 = arith.constant 48 : index
      %get3A_451 = tpu.vector_load %arg14[%get3A_449, %get3A_450] {strides = array<i32>} : memref<16x128xf32, #tpu.memory_space<vmem>>, vector<1x16xf32>,
      %get3A_452 = vector.shape_cast %get3A_451 : vector<1x16xf32> to vector<16xf32>
      %mul3A_453 = arith.mulf %get3A_452, %broadcast_in_dim3A_411 : vector<16xf32>
      %swap3A_454 = arith.constant 3 : i32
      %swap3A_455 = arith.index_cast %swap3A_454 : i32 to index
      %swap3A_456 = arith.constant 48 : index
      %swap3A_457 = tpu.vector_load %arg14[%swap3A_455, %swap3A_456] {strides = array<i32>} : memref<16x128xf32, #tpu.memory_space<vmem>>, vector<1x16xf32>,
      %swap3A_458 = vector.shape_cast %swap3A_457 : vector<1x16xf32> to vector<16xf32>
      %swap3A_459 = vector.shape_cast %mul3A_453 : vector<16xf32> to vector<1x16xf32>
      tpu.vector_store %arg14[%swap3A_455, %swap3A_456], %swap3A_459 {strides = array<i32>} : memref<16x128xf32, #tpu.memory_space<vmem>>, vector<1x16xf32>,
      %get3A_460 = arith.constant 3 : i32
      %get3A_461 = arith.index_cast %get3A_460 : i32 to index
      %get3A_462 = arith.constant 64 : index
      %get3A_463 = tpu.vector_load %arg14[%get3A_461, %get3A_462] {strides = array<i32>} : memref<16x128xf32, #tpu.memory_space<vmem>>, vector<1x16xf32>,
      %get3A_464 = vector.shape_cast %get3A_463 : vector<1x16xf32> to vector<16xf32>
      %mul3A_465 = arith.mulf %get3A_464, %broadcast_in_dim3A_411 : vector<16xf32>
      %swap3A_466 = arith.constant 3 : i32
      %swap3A_467 = arith.index_cast %swap3A_466 : i32 to index
      %swap3A_468 = arith.constant 64 : index
      %swap3A_469 = tpu.vector_load %arg14[%swap3A_467, %swap3A_468] {strides = array<i32>} : memref<16x128xf32, #tpu.memory_space<vmem>>, vector<1x16xf32>,
      %swap3A_470 = vector.shape_cast %swap3A_469 : vector<1x16xf32> to vector<16xf32>
      %swap3A_471 = vector.shape_cast %mul3A_465 : vector<16xf32> to vector<1x16xf32>
      tpu.vector_store %arg14[%swap3A_467, %swap3A_468], %swap3A_471 {strides = array<i32>} : memref<16x128xf32, #tpu.memory_space<vmem>>, vector<1x16xf32>,
      %get3A_472 = arith.constant 3 : i32
      %get3A_473 = arith.index_cast %get3A_472 : i32 to index
      %get3A_474 = arith.constant 80 : index
      %get3A_475 = tpu.vector_load %arg14[%get3A_473, %get3A_474] {strides = array<i32>} : memref<16x128xf32, #tpu.memory_space<vmem>>, vector<1x16xf32>,
      %get3A_476 = vector.shape_cast %get3A_475 : vector<1x16xf32> to vector<16xf32>
      %mul3A_477 = arith.mulf %get3A_476, %broadcast_in_dim3A_411 : vector<16xf32>
      %swap3A_478 = arith.constant 3 : i32
      %swap3A_479 = arith.index_cast %swap3A_478 : i32 to index
      %swap3A_480 = arith.constant 80 : index
      %swap3A_481 = tpu.vector_load %arg14[%swap3A_479, %swap3A_480] {strides = array<i32>} : memref<16x128xf32, #tpu.memory_space<vmem>>, vector<1x16xf32>,
      %swap3A_482 = vector.shape_cast %swap3A_481 : vector<1x16xf32> to vector<16xf32>
      %swap3A_483 = vector.shape_cast %mul3A_477 : vector<16xf32> to vector<1x16xf32>
      tpu.vector_store %arg14[%swap3A_479, %swap3A_480], %swap3A_483 {strides = array<i32>} : memref<16x128xf32, #tpu.memory_space<vmem>>, vector<1x16xf32>,
      %get3A_484 = arith.constant 3 : i32
      %get3A_485 = arith.index_cast %get3A_484 : i32 to index
      %get3A_486 = arith.constant 96 : index
      %get3A_487 = tpu.vector_load %arg14[%get3A_485, %get3A_486] {strides = array<i32>} : memref<16x128xf32, #tpu.memory_space<vmem>>, vector<1x16xf32>,
      %get3A_488 = vector.shape_cast %get3A_487 : vector<1x16xf32> to vector<16xf32>
      %mul3A_489 = arith.mulf %get3A_488, %broadcast_in_dim3A_411 : vector<16xf32>
      %swap3A_490 = arith.constant 3 : i32
      %swap3A_491 = arith.index_cast %swap3A_490 : i32 to index
      %swap3A_492 = arith.constant 96 : index
      %swap3A_493 = tpu.vector_load %arg14[%swap3A_491, %swap3A_492] {strides = array<i32>} : memref<16x128xf32, #tpu.memory_space<vmem>>, vector<1x16xf32>,
      %swap3A_494 = vector.shape_cast %swap3A_493 : vector<1x16xf32> to vector<16xf32>
      %swap3A_495 = vector.shape_cast %mul3A_489 : vector<16xf32> to vector<1x16xf32>
      tpu.vector_store %arg14[%swap3A_491, %swap3A_492], %swap3A_495 {strides = array<i32>} : memref<16x128xf32, #tpu.memory_space<vmem>>, vector<1x16xf32>,
      %get3A_496 = arith.constant 3 : i32
      %get3A_497 = arith.index_cast %get3A_496 : i32 to index
      %get3A_498 = arith.constant 112 : index
      %get3A_499 = tpu.vector_load %arg14[%get3A_497, %get3A_498] {strides = array<i32>} : memref<16x128xf32, #tpu.memory_space<vmem>>, vector<1x16xf32>,
      %get3A_500 = vector.shape_cast %get3A_499 : vector<1x16xf32> to vector<16xf32>
      %mul3A_501 = arith.mulf %get3A_500, %broadcast_in_dim3A_411 : vector<16xf32>
      %swap3A_502 = arith.constant 3 : i32
      %swap3A_503 = arith.index_cast %swap3A_502 : i32 to index
      %swap3A_504 = arith.constant 112 : index
      %swap3A_505 = tpu.vector_load %arg14[%swap3A_503, %swap3A_504] {strides = array<i32>} : memref<16x128xf32, #tpu.memory_space<vmem>>, vector<1x16xf32>,
      %swap3A_506 = vector.shape_cast %swap3A_505 : vector<1x16xf32> to vector<16xf32>
      %swap3A_507 = vector.shape_cast %mul3A_501 : vector<16xf32> to vector<1x16xf32>
      tpu.vector_store %arg14[%swap3A_503, %swap3A_504], %swap3A_507 {strides = array<i32>} : memref<16x128xf32, #tpu.memory_space<vmem>>, vector<1x16xf32>,
      %slice3A_508 = vector.extract_strided_slice %get3A_115 {offsets = [4], sizes = [1], strides = [1]} : vector<16xf32> to vector<1xf32>
      %squeeze3A_509 = vector.extract %slice3A_508[0] : f32 from vector<1xf32>
      %broadcast_in_dim3A_510 = vector.broadcast %squeeze3A_509 : f32 to vector<16xf32>
      %get3A_511 = arith.constant 4 : i32
      %get3A_512 = arith.index_cast %get3A_511 : i32 to index
      %get3A_513 = arith.constant 0 : index
      %get3A_514 = tpu.vector_load %arg14[%get3A_512, %get3A_513] {strides = array<i32>} : memref<16x128xf32, #tpu.memory_space<vmem>>, vector<1x16xf32>,
      %get3A_515 = vector.shape_cast %get3A_514 : vector<1x16xf32> to vector<16xf32>
      %mul3A_516 = arith.mulf %get3A_515, %broadcast_in_dim3A_510 : vector<16xf32>
      %swap3A_517 = arith.constant 4 : i32
      %swap3A_518 = arith.index_cast %swap3A_517 : i32 to index
      %swap3A_519 = arith.constant 0 : index
      %swap3A_520 = tpu.vector_load %arg14[%swap3A_518, %swap3A_519] {strides = array<i32>} : memref<16x128xf32, #tpu.memory_space<vmem>>, vector<1x16xf32>,
      %swap3A_521 = vector.shape_cast %swap3A_520 : vector<1x16xf32> to vector<16xf32>
      %swap3A_522 = vector.shape_cast %mul3A_516 : vector<16xf32> to vector<1x16xf32>
      tpu.vector_store %arg14[%swap3A_518, %swap3A_519], %swap3A_522 {strides = array<i32>} : memref<16x128xf32, #tpu.memory_space<vmem>>, vector<1x16xf32>,
      %get3A_523 = arith.constant 4 : i32
      %get3A_524 = arith.index_cast %get3A_523 : i32 to index
      %get3A_525 = arith.constant 16 : index
      %get3A_526 = tpu.vector_load %arg14[%get3A_524, %get3A_525] {strides = array<i32>} : memref<16x128xf32, #tpu.memory_space<vmem>>, vector<1x16xf32>,
      %get3A_527 = vector.shape_cast %get3A_526 : vector<1x16xf32> to vector<16xf32>
      %mul3A_528 = arith.mulf %get3A_527, %broadcast_in_dim3A_510 : vector<16xf32>
      %swap3A_529 = arith.constant 4 : i32
      %swap3A_530 = arith.index_cast %swap3A_529 : i32 to index
      %swap3A_531 = arith.constant 16 : index
      %swap3A_532 = tpu.vector_load %arg14[%swap3A_530, %swap3A_531] {strides = array<i32>} : memref<16x128xf32, #tpu.memory_space<vmem>>, vector<1x16xf32>,
      %swap3A_533 = vector.shape_cast %swap3A_532 : vector<1x16xf32> to vector<16xf32>
      %swap3A_534 = vector.shape_cast %mul3A_528 : vector<16xf32> to vector<1x16xf32>
      tpu.vector_store %arg14[%swap3A_530, %swap3A_531], %swap3A_534 {strides = array<i32>} : memref<16x128xf32, #tpu.memory_space<vmem>>, vector<1x16xf32>,
      %get3A_535 = arith.constant 4 : i32
      %get3A_536 = arith.index_cast %get3A_535 : i32 to index
      %get3A_537 = arith.constant 32 : index
      %get3A_538 = tpu.vector_load %arg14[%get3A_536, %get3A_537] {strides = array<i32>} : memref<16x128xf32, #tpu.memory_space<vmem>>, vector<1x16xf32>,
      %get3A_539 = vector.shape_cast %get3A_538 : vector<1x16xf32> to vector<16xf32>
      %mul3A_540 = arith.mulf %get3A_539, %broadcast_in_dim3A_510 : vector<16xf32>
      %swap3A_541 = arith.constant 4 : i32
      %swap3A_542 = arith.index_cast %swap3A_541 : i32 to index
      %swap3A_543 = arith.constant 32 : index
      %swap3A_544 = tpu.vector_load %arg14[%swap3A_542, %swap3A_543] {strides = array<i32>} : memref<16x128xf32, #tpu.memory_space<vmem>>, vector<1x16xf32>,
      %swap3A_545 = vector.shape_cast %swap3A_544 : vector<1x16xf32> to vector<16xf32>
      %swap3A_546 = vector.shape_cast %mul3A_540 : vector<16xf32> to vector<1x16xf32>
      tpu.vector_store %arg14[%swap3A_542, %swap3A_543], %swap3A_546 {strides = array<i32>} : memref<16x128xf32, #tpu.memory_space<vmem>>, vector<1x16xf32>,
      %get3A_547 = arith.constant 4 : i32
      %get3A_548 = arith.index_cast %get3A_547 : i32 to index
      %get3A_549 = arith.constant 48 : index
      %get3A_550 = tpu.vector_load %arg14[%get3A_548, %get3A_549] {strides = array<i32>} : memref<16x128xf32, #tpu.memory_space<vmem>>, vector<1x16xf32>,
      %get3A_551 = vector.shape_cast %get3A_550 : vector<1x16xf32> to vector<16xf32>
      %mul3A_552 = arith.mulf %get3A_551, %broadcast_in_dim3A_510 : vector<16xf32>
      %swap3A_553 = arith.constant 4 : i32
      %swap3A_554 = arith.index_cast %swap3A_553 : i32 to index
      %swap3A_555 = arith.constant 48 : index
      %swap3A_556 = tpu.vector_load %arg14[%swap3A_554, %swap3A_555] {strides = array<i32>} : memref<16x128xf32, #tpu.memory_space<vmem>>, vector<1x16xf32>,
      %swap3A_557 = vector.shape_cast %swap3A_556 : vector<1x16xf32> to vector<16xf32>
      %swap3A_558 = vector.shape_cast %mul3A_552 : vector<16xf32> to vector<1x16xf32>
      tpu.vector_store %arg14[%swap3A_554, %swap3A_555], %swap3A_558 {strides = array<i32>} : memref<16x128xf32, #tpu.memory_space<vmem>>, vector<1x16xf32>,
      %get3A_559 = arith.constant 4 : i32
      %get3A_560 = arith.index_cast %get3A_559 : i32 to index
      %get3A_561 = arith.constant 64 : index
      %get3A_562 = tpu.vector_load %arg14[%get3A_560, %get3A_561] {strides = array<i32>} : memref<16x128xf32, #tpu.memory_space<vmem>>, vector<1x16xf32>,
      %get3A_563 = vector.shape_cast %get3A_562 : vector<1x16xf32> to vector<16xf32>
      %mul3A_564 = arith.mulf %get3A_563, %broadcast_in_dim3A_510 : vector<16xf32>
      %swap3A_565 = arith.constant 4 : i32
      %swap3A_566 = arith.index_cast %swap3A_565 : i32 to index
      %swap3A_567 = arith.constant 64 : index
      %swap3A_568 = tpu.vector_load %arg14[%swap3A_566, %swap3A_567] {strides = array<i32>} : memref<16x128xf32, #tpu.memory_space<vmem>>, vector<1x16xf32>,
      %swap3A_569 = vector.shape_cast %swap3A_568 : vector<1x16xf32> to vector<16xf32>
      %swap3A_570 = vector.shape_cast %mul3A_564 : vector<16xf32> to vector<1x16xf32>
      tpu.vector_store %arg14[%swap3A_566, %swap3A_567], %swap3A_570 {strides = array<i32>} : memref<16x128xf32, #tpu.memory_space<vmem>>, vector<1x16xf32>,
      %get3A_571 = arith.constant 4 : i32
      %get3A_572 = arith.index_cast %get3A_571 : i32 to index
      %get3A_573 = arith.constant 80 : index
      %get3A_574 = tpu.vector_load %arg14[%get3A_572, %get3A_573] {strides = array<i32>} : memref<16x128xf32, #tpu.memory_space<vmem>>, vector<1x16xf32>,
      %get3A_575 = vector.shape_cast %get3A_574 : vector<1x16xf32> to vector<16xf32>
      %mul3A_576 = arith.mulf %get3A_575, %broadcast_in_dim3A_510 : vector<16xf32>
      %swap3A_577 = arith.constant 4 : i32
      %swap3A_578 = arith.index_cast %swap3A_577 : i32 to index
      %swap3A_579 = arith.constant 80 : index
      %swap3A_580 = tpu.vector_load %arg14[%swap3A_578, %swap3A_579] {strides = array<i32>} : memref<16x128xf32, #tpu.memory_space<vmem>>, vector<1x16xf32>,
      %swap3A_581 = vector.shape_cast %swap3A_580 : vector<1x16xf32> to vector<16xf32>
      %swap3A_582 = vector.shape_cast %mul3A_576 : vector<16xf32> to vector<1x16xf32>
      tpu.vector_store %arg14[%swap3A_578, %swap3A_579], %swap3A_582 {strides = array<i32>} : memref<16x128xf32, #tpu.memory_space<vmem>>, vector<1x16xf32>,
      %get3A_583 = arith.constant 4 : i32
      %get3A_584 = arith.index_cast %get3A_583 : i32 to index
      %get3A_585 = arith.constant 96 : index
      %get3A_586 = tpu.vector_load %arg14[%get3A_584, %get3A_585] {strides = array<i32>} : memref<16x128xf32, #tpu.memory_space<vmem>>, vector<1x16xf32>,
      %get3A_587 = vector.shape_cast %get3A_586 : vector<1x16xf32> to vector<16xf32>
      %mul3A_588 = arith.mulf %get3A_587, %broadcast_in_dim3A_510 : vector<16xf32>
      %swap3A_589 = arith.constant 4 : i32
      %swap3A_590 = arith.index_cast %swap3A_589 : i32 to index
      %swap3A_591 = arith.constant 96 : index
      %swap3A_592 = tpu.vector_load %arg14[%swap3A_590, %swap3A_591] {strides = array<i32>} : memref<16x128xf32, #tpu.memory_space<vmem>>, vector<1x16xf32>,
      %swap3A_593 = vector.shape_cast %swap3A_592 : vector<1x16xf32> to vector<16xf32>
      %swap3A_594 = vector.shape_cast %mul3A_588 : vector<16xf32> to vector<1x16xf32>
      tpu.vector_store %arg14[%swap3A_590, %swap3A_591], %swap3A_594 {strides = array<i32>} : memref<16x128xf32, #tpu.memory_space<vmem>>, vector<1x16xf32>,
      %get3A_595 = arith.constant 4 : i32
      %get3A_596 = arith.index_cast %get3A_595 : i32 to index
      %get3A_597 = arith.constant 112 : index
      %get3A_598 = tpu.vector_load %arg14[%get3A_596, %get3A_597] {strides = array<i32>} : memref<16x128xf32, #tpu.memory_space<vmem>>, vector<1x16xf32>,
      %get3A_599 = vector.shape_cast %get3A_598 : vector<1x16xf32> to vector<16xf32>
      %mul3A_600 = arith.mulf %get3A_599, %broadcast_in_dim3A_510 : vector<16xf32>
      %swap3A_601 = arith.constant 4 : i32
      %swap3A_602 = arith.index_cast %swap3A_601 : i32 to index
      %swap3A_603 = arith.constant 112 : index
      %swap3A_604 = tpu.vector_load %arg14[%swap3A_602, %swap3A_603] {strides = array<i32>} : memref<16x128xf32, #tpu.memory_space<vmem>>, vector<1x16xf32>,
      %swap3A_605 = vector.shape_cast %swap3A_604 : vector<1x16xf32> to vector<16xf32>
      %swap3A_606 = vector.shape_cast %mul3A_600 : vector<16xf32> to vector<1x16xf32>
      tpu.vector_store %arg14[%swap3A_602, %swap3A_603], %swap3A_606 {strides = array<i32>} : memref<16x128xf32, #tpu.memory_space<vmem>>, vector<1x16xf32>,
      %slice3A_607 = vector.extract_strided_slice %get3A_115 {offsets = [5], sizes = [1], strides = [1]} : vector<16xf32> to vector<1xf32>
      %squeeze3A_608 = vector.extract %slice3A_607[0] : f32 from vector<1xf32>
      %broadcast_in_dim3A_609 = vector.broadcast %squeeze3A_608 : f32 to vector<16xf32>
      %get3A_610 = arith.constant 5 : i32
      %get3A_611 = arith.index_cast %get3A_610 : i32 to index
      %get3A_612 = arith.constant 0 : index
      %get3A_613 = tpu.vector_load %arg14[%get3A_611, %get3A_612] {strides = array<i32>} : memref<16x128xf32, #tpu.memory_space<vmem>>, vector<1x16xf32>,
      %get3A_614 = vector.shape_cast %get3A_613 : vector<1x16xf32> to vector<16xf32>
      %mul3A_615 = arith.mulf %get3A_614, %broadcast_in_dim3A_609 : vector<16xf32>
      %swap3A_616 = arith.constant 5 : i32
      %swap3A_617 = arith.index_cast %swap3A_616 : i32 to index
      %swap3A_618 = arith.constant 0 : index
      %swap3A_619 = tpu.vector_load %arg14[%swap3A_617, %swap3A_618] {strides = array<i32>} : memref<16x128xf32, #tpu.memory_space<vmem>>, vector<1x16xf32>,
      %swap3A_620 = vector.shape_cast %swap3A_619 : vector<1x16xf32> to vector<16xf32>
      %swap3A_621 = vector.shape_cast %mul3A_615 : vector<16xf32> to vector<1x16xf32>
      tpu.vector_store %arg14[%swap3A_617, %swap3A_618], %swap3A_621 {strides = array<i32>} : memref<16x128xf32, #tpu.memory_space<vmem>>, vector<1x16xf32>,
      %get3A_622 = arith.constant 5 : i32
      %get3A_623 = arith.index_cast %get3A_622 : i32 to index
      %get3A_624 = arith.constant 16 : index
      %get3A_625 = tpu.vector_load %arg14[%get3A_623, %get3A_624] {strides = array<i32>} : memref<16x128xf32, #tpu.memory_space<vmem>>, vector<1x16xf32>,
      %get3A_626 = vector.shape_cast %get3A_625 : vector<1x16xf32> to vector<16xf32>
      %mul3A_627 = arith.mulf %get3A_626, %broadcast_in_dim3A_609 : vector<16xf32>
      %swap3A_628 = arith.constant 5 : i32
      %swap3A_629 = arith.index_cast %swap3A_628 : i32 to index
      %swap3A_630 = arith.constant 16 : index
      %swap3A_631 = tpu.vector_load %arg14[%swap3A_629, %swap3A_630] {strides = array<i32>} : memref<16x128xf32, #tpu.memory_space<vmem>>, vector<1x16xf32>,
      %swap3A_632 = vector.shape_cast %swap3A_631 : vector<1x16xf32> to vector<16xf32>
      %swap3A_633 = vector.shape_cast %mul3A_627 : vector<16xf32> to vector<1x16xf32>
      tpu.vector_store %arg14[%swap3A_629, %swap3A_630], %swap3A_633 {strides = array<i32>} : memref<16x128xf32, #tpu.memory_space<vmem>>, vector<1x16xf32>,
      %get3A_634 = arith.constant 5 : i32
      %get3A_635 = arith.index_cast %get3A_634 : i32 to index
      %get3A_636 = arith.constant 32 : index
      %get3A_637 = tpu.vector_load %arg14[%get3A_635, %get3A_636] {strides = array<i32>} : memref<16x128xf32, #tpu.memory_space<vmem>>, vector<1x16xf32>,
      %get3A_638 = vector.shape_cast %get3A_637 : vector<1x16xf32> to vector<16xf32>
      %mul3A_639 = arith.mulf %get3A_638, %broadcast_in_dim3A_609 : vector<16xf32>
      %swap3A_640 = arith.constant 5 : i32
      %swap3A_641 = arith.index_cast %swap3A_640 : i32 to index
      %swap3A_642 = arith.constant 32 : index
      %swap3A_643 = tpu.vector_load %arg14[%swap3A_641, %swap3A_642] {strides = array<i32>} : memref<16x128xf32, #tpu.memory_space<vmem>>, vector<1x16xf32>,
      %swap3A_644 = vector.shape_cast %swap3A_643 : vector<1x16xf32> to vector<16xf32>
      %swap3A_645 = vector.shape_cast %mul3A_639 : vector<16xf32> to vector<1x16xf32>
      tpu.vector_store %arg14[%swap3A_641, %swap3A_642], %swap3A_645 {strides = array<i32>} : memref<16x128xf32, #tpu.memory_space<vmem>>, vector<1x16xf32>,
      %get3A_646 = arith.constant 5 : i32
      %get3A_647 = arith.index_cast %get3A_646 : i32 to index
      %get3A_648 = arith.constant 48 : index
      %get3A_649 = tpu.vector_load %arg14[%get3A_647, %get3A_648] {strides = array<i32>} : memref<16x128xf32, #tpu.memory_space<vmem>>, vector<1x16xf32>,
      %get3A_650 = vector.shape_cast %get3A_649 : vector<1x16xf32> to vector<16xf32>
      %mul3A_651 = arith.mulf %get3A_650, %broadcast_in_dim3A_609 : vector<16xf32>
      %swap3A_652 = arith.constant 5 : i32
      %swap3A_653 = arith.index_cast %swap3A_652 : i32 to index
      %swap3A_654 = arith.constant 48 : index
      %swap3A_655 = tpu.vector_load %arg14[%swap3A_653, %swap3A_654] {strides = array<i32>} : memref<16x128xf32, #tpu.memory_space<vmem>>, vector<1x16xf32>,
      %swap3A_656 = vector.shape_cast %swap3A_655 : vector<1x16xf32> to vector<16xf32>
      %swap3A_657 = vector.shape_cast %mul3A_651 : vector<16xf32> to vector<1x16xf32>
      tpu.vector_store %arg14[%swap3A_653, %swap3A_654], %swap3A_657 {strides = array<i32>} : memref<16x128xf32, #tpu.memory_space<vmem>>, vector<1x16xf32>,
      %get3A_658 = arith.constant 5 : i32
      %get3A_659 = arith.index_cast %get3A_658 : i32 to index
      %get3A_660 = arith.constant 64 : index
      %get3A_661 = tpu.vector_load %arg14[%get3A_659, %get3A_660] {strides = array<i32>} : memref<16x128xf32, #tpu.memory_space<vmem>>, vector<1x16xf32>,
      %get3A_662 = vector.shape_cast %get3A_661 : vector<1x16xf32> to vector<16xf32>
      %mul3A_663 = arith.mulf %get3A_662, %broadcast_in_dim3A_609 : vector<16xf32>
      %swap3A_664 = arith.constant 5 : i32
      %swap3A_665 = arith.index_cast %swap3A_664 : i32 to index
      %swap3A_666 = arith.constant 64 : index
      %swap3A_667 = tpu.vector_load %arg14[%swap3A_665, %swap3A_666] {strides = array<i32>} : memref<16x128xf32, #tpu.memory_space<vmem>>, vector<1x16xf32>,
      %swap3A_668 = vector.shape_cast %swap3A_667 : vector<1x16xf32> to vector<16xf32>
      %swap3A_669 = vector.shape_cast %mul3A_663 : vector<16xf32> to vector<1x16xf32>
      tpu.vector_store %arg14[%swap3A_665, %swap3A_666], %swap3A_669 {strides = array<i32>} : memref<16x128xf32, #tpu.memory_space<vmem>>, vector<1x16xf32>,
      %get3A_670 = arith.constant 5 : i32
      %get3A_671 = arith.index_cast %get3A_670 : i32 to index
      %get3A_672 = arith.constant 80 : index
      %get3A_673 = tpu.vector_load %arg14[%get3A_671, %get3A_672] {strides = array<i32>} : memref<16x128xf32, #tpu.memory_space<vmem>>, vector<1x16xf32>,
      %get3A_674 = vector.shape_cast %get3A_673 : vector<1x16xf32> to vector<16xf32>
      %mul3A_675 = arith.mulf %get3A_674, %broadcast_in_dim3A_609 : vector<16xf32>
      %swap3A_676 = arith.constant 5 : i32
      %swap3A_677 = arith.index_cast %swap3A_676 : i32 to index
      %swap3A_678 = arith.constant 80 : index
      %swap3A_679 = tpu.vector_load %arg14[%swap3A_677, %swap3A_678] {strides = array<i32>} : memref<16x128xf32, #tpu.memory_space<vmem>>, vector<1x16xf32>,
      %swap3A_680 = vector.shape_cast %swap3A_679 : vector<1x16xf32> to vector<16xf32>
      %swap3A_681 = vector.shape_cast %mul3A_675 : vector<16xf32> to vector<1x16xf32>
      tpu.vector_store %arg14[%swap3A_677, %swap3A_678], %swap3A_681 {strides = array<i32>} : memref<16x128xf32, #tpu.memory_space<vmem>>, vector<1x16xf32>,
      %get3A_682 = arith.constant 5 : i32
      %get3A_683 = arith.index_cast %get3A_682 : i32 to index
      %get3A_684 = arith.constant 96 : index
      %get3A_685 = tpu.vector_load %arg14[%get3A_683, %get3A_684] {strides = array<i32>} : memref<16x128xf32, #tpu.memory_space<vmem>>, vector<1x16xf32>,
      %get3A_686 = vector.shape_cast %get3A_685 : vector<1x16xf32> to vector<16xf32>
      %mul3A_687 = arith.mulf %get3A_686, %broadcast_in_dim3A_609 : vector<16xf32>
      %swap3A_688 = arith.constant 5 : i32
      %swap3A_689 = arith.index_cast %swap3A_688 : i32 to index
      %swap3A_690 = arith.constant 96 : index
      %swap3A_691 = tpu.vector_load %arg14[%swap3A_689, %swap3A_690] {strides = array<i32>} : memref<16x128xf32, #tpu.memory_space<vmem>>, vector<1x16xf32>,
      %swap3A_692 = vector.shape_cast %swap3A_691 : vector<1x16xf32> to vector<16xf32>
      %swap3A_693 = vector.shape_cast %mul3A_687 : vector<16xf32> to vector<1x16xf32>
      tpu.vector_store %arg14[%swap3A_689, %swap3A_690], %swap3A_693 {strides = array<i32>} : memref<16x128xf32, #tpu.memory_space<vmem>>, vector<1x16xf32>,
      %get3A_694 = arith.constant 5 : i32
      %get3A_695 = arith.index_cast %get3A_694 : i32 to index
      %get3A_696 = arith.constant 112 : index
      %get3A_697 = tpu.vector_load %arg14[%get3A_695, %get3A_696] {strides = array<i32>} : memref<16x128xf32, #tpu.memory_space<vmem>>, vector<1x16xf32>,
      %get3A_698 = vector.shape_cast %get3A_697 : vector<1x16xf32> to vector<16xf32>
      %mul3A_699 = arith.mulf %get3A_698, %broadcast_in_dim3A_609 : vector<16xf32>
      %swap3A_700 = arith.constant 5 : i32
      %swap3A_701 = arith.index_cast %swap3A_700 : i32 to index
      %swap3A_702 = arith.constant 112 : index
      %swap3A_703 = tpu.vector_load %arg14[%swap3A_701, %swap3A_702] {strides = array<i32>} : memref<16x128xf32, #tpu.memory_space<vmem>>, vector<1x16xf32>,
      %swap3A_704 = vector.shape_cast %swap3A_703 : vector<1x16xf32> to vector<16xf32>
      %swap3A_705 = vector.shape_cast %mul3A_699 : vector<16xf32> to vector<1x16xf32>
      tpu.vector_store %arg14[%swap3A_701, %swap3A_702], %swap3A_705 {strides = array<i32>} : memref<16x128xf32, #tpu.memory_space<vmem>>, vector<1x16xf32>,
      %slice3A_706 = vector.extract_strided_slice %get3A_115 {offsets = [6], sizes = [1], strides = [1]} : vector<16xf32> to vector<1xf32>
      %squeeze3A_707 = vector.extract %slice3A_706[0] : f32 from vector<1xf32>
      %broadcast_in_dim3A_708 = vector.broadcast %squeeze3A_707 : f32 to vector<16xf32>
      %get3A_709 = arith.constant 6 : i32
      %get3A_710 = arith.index_cast %get3A_709 : i32 to index
      %get3A_711 = arith.constant 0 : index
      %get3A_712 = tpu.vector_load %arg14[%get3A_710, %get3A_711] {strides = array<i32>} : memref<16x128xf32, #tpu.memory_space<vmem>>, vector<1x16xf32>,
      %get3A_713 = vector.shape_cast %get3A_712 : vector<1x16xf32> to vector<16xf32>
      %mul3A_714 = arith.mulf %get3A_713, %broadcast_in_dim3A_708 : vector<16xf32>
      %swap3A_715 = arith.constant 6 : i32
      %swap3A_716 = arith.index_cast %swap3A_715 : i32 to index
      %swap3A_717 = arith.constant 0 : index
      %swap3A_718 = tpu.vector_load %arg14[%swap3A_716, %swap3A_717] {strides = array<i32>} : memref<16x128xf32, #tpu.memory_space<vmem>>, vector<1x16xf32>,
      %swap3A_719 = vector.shape_cast %swap3A_718 : vector<1x16xf32> to vector<16xf32>
      %swap3A_720 = vector.shape_cast %mul3A_714 : vector<16xf32> to vector<1x16xf32>
      tpu.vector_store %arg14[%swap3A_716, %swap3A_717], %swap3A_720 {strides = array<i32>} : memref<16x128xf32, #tpu.memory_space<vmem>>, vector<1x16xf32>,
      %get3A_721 = arith.constant 6 : i32
      %get3A_722 = arith.index_cast %get3A_721 : i32 to index
      %get3A_723 = arith.constant 16 : index
      %get3A_724 = tpu.vector_load %arg14[%get3A_722, %get3A_723] {strides = array<i32>} : memref<16x128xf32, #tpu.memory_space<vmem>>, vector<1x16xf32>,
      %get3A_725 = vector.shape_cast %get3A_724 : vector<1x16xf32> to vector<16xf32>
      %mul3A_726 = arith.mulf %get3A_725, %broadcast_in_dim3A_708 : vector<16xf32>
      %swap3A_727 = arith.constant 6 : i32
      %swap3A_728 = arith.index_cast %swap3A_727 : i32 to index
      %swap3A_729 = arith.constant 16 : index
      %swap3A_730 = tpu.vector_load %arg14[%swap3A_728, %swap3A_729] {strides = array<i32>} : memref<16x128xf32, #tpu.memory_space<vmem>>, vector<1x16xf32>,
      %swap3A_731 = vector.shape_cast %swap3A_730 : vector<1x16xf32> to vector<16xf32>
      %swap3A_732 = vector.shape_cast %mul3A_726 : vector<16xf32> to vector<1x16xf32>
      tpu.vector_store %arg14[%swap3A_728, %swap3A_729], %swap3A_732 {strides = array<i32>} : memref<16x128xf32, #tpu.memory_space<vmem>>, vector<1x16xf32>,
      %get3A_733 = arith.constant 6 : i32
      %get3A_734 = arith.index_cast %get3A_733 : i32 to index
      %get3A_735 = arith.constant 32 : index
      %get3A_736 = tpu.vector_load %arg14[%get3A_734, %get3A_735] {strides = array<i32>} : memref<16x128xf32, #tpu.memory_space<vmem>>, vector<1x16xf32>,
      %get3A_737 = vector.shape_cast %get3A_736 : vector<1x16xf32> to vector<16xf32>
      %mul3A_738 = arith.mulf %get3A_737, %broadcast_in_dim3A_708 : vector<16xf32>
      %swap3A_739 = arith.constant 6 : i32
      %swap3A_740 = arith.index_cast %swap3A_739 : i32 to index
      %swap3A_741 = arith.constant 32 : index
      %swap3A_742 = tpu.vector_load %arg14[%swap3A_740, %swap3A_741] {strides = array<i32>} : memref<16x128xf32, #tpu.memory_space<vmem>>, vector<1x16xf32>,
      %swap3A_743 = vector.shape_cast %swap3A_742 : vector<1x16xf32> to vector<16xf32>
      %swap3A_744 = vector.shape_cast %mul3A_738 : vector<16xf32> to vector<1x16xf32>
      tpu.vector_store %arg14[%swap3A_740, %swap3A_741], %swap3A_744 {strides = array<i32>} : memref<16x128xf32, #tpu.memory_space<vmem>>, vector<1x16xf32>,
      %get3A_745 = arith.constant 6 : i32
      %get3A_746 = arith.index_cast %get3A_745 : i32 to index
      %get3A_747 = arith.constant 48 : index
      %get3A_748 = tpu.vector_load %arg14[%get3A_746, %get3A_747] {strides = array<i32>} : memref<16x128xf32, #tpu.memory_space<vmem>>, vector<1x16xf32>,
      %get3A_749 = vector.shape_cast %get3A_748 : vector<1x16xf32> to vector<16xf32>
      %mul3A_750 = arith.mulf %get3A_749, %broadcast_in_dim3A_708 : vector<16xf32>
      %swap3A_751 = arith.constant 6 : i32
      %swap3A_752 = arith.index_cast %swap3A_751 : i32 to index
      %swap3A_753 = arith.constant 48 : index
      %swap3A_754 = tpu.vector_load %arg14[%swap3A_752, %swap3A_753] {strides = array<i32>} : memref<16x128xf32, #tpu.memory_space<vmem>>, vector<1x16xf32>,
      %swap3A_755 = vector.shape_cast %swap3A_754 : vector<1x16xf32> to vector<16xf32>
      %swap3A_756 = vector.shape_cast %mul3A_750 : vector<16xf32> to vector<1x16xf32>
      tpu.vector_store %arg14[%swap3A_752, %swap3A_753], %swap3A_756 {strides = array<i32>} : memref<16x128xf32, #tpu.memory_space<vmem>>, vector<1x16xf32>,
      %get3A_757 = arith.constant 6 : i32
      %get3A_758 = arith.index_cast %get3A_757 : i32 to index
      %get3A_759 = arith.constant 64 : index
      %get3A_760 = tpu.vector_load %arg14[%get3A_758, %get3A_759] {strides = array<i32>} : memref<16x128xf32, #tpu.memory_space<vmem>>, vector<1x16xf32>,
      %get3A_761 = vector.shape_cast %get3A_760 : vector<1x16xf32> to vector<16xf32>
      %mul3A_762 = arith.mulf %get3A_761, %broadcast_in_dim3A_708 : vector<16xf32>
      %swap3A_763 = arith.constant 6 : i32
      %swap3A_764 = arith.index_cast %swap3A_763 : i32 to index
      %swap3A_765 = arith.constant 64 : index
      %swap3A_766 = tpu.vector_load %arg14[%swap3A_764, %swap3A_765] {strides = array<i32>} : memref<16x128xf32, #tpu.memory_space<vmem>>, vector<1x16xf32>,
      %swap3A_767 = vector.shape_cast %swap3A_766 : vector<1x16xf32> to vector<16xf32>
      %swap3A_768 = vector.shape_cast %mul3A_762 : vector<16xf32> to vector<1x16xf32>
      tpu.vector_store %arg14[%swap3A_764, %swap3A_765], %swap3A_768 {strides = array<i32>} : memref<16x128xf32, #tpu.memory_space<vmem>>, vector<1x16xf32>,
      %get3A_769 = arith.constant 6 : i32
      %get3A_770 = arith.index_cast %get3A_769 : i32 to index
      %get3A_771 = arith.constant 80 : index
      %get3A_772 = tpu.vector_load %arg14[%get3A_770, %get3A_771] {strides = array<i32>} : memref<16x128xf32, #tpu.memory_space<vmem>>, vector<1x16xf32>,
      %get3A_773 = vector.shape_cast %get3A_772 : vector<1x16xf32> to vector<16xf32>
      %mul3A_774 = arith.mulf %get3A_773, %broadcast_in_dim3A_708 : vector<16xf32>
      %swap3A_775 = arith.constant 6 : i32
      %swap3A_776 = arith.index_cast %swap3A_775 : i32 to index
      %swap3A_777 = arith.constant 80 : index
      %swap3A_778 = tpu.vector_load %arg14[%swap3A_776, %swap3A_777] {strides = array<i32>} : memref<16x128xf32, #tpu.memory_space<vmem>>, vector<1x16xf32>,
      %swap3A_779 = vector.shape_cast %swap3A_778 : vector<1x16xf32> to vector<16xf32>
      %swap3A_780 = vector.shape_cast %mul3A_774 : vector<16xf32> to vector<1x16xf32>
      tpu.vector_store %arg14[%swap3A_776, %swap3A_777], %swap3A_780 {strides = array<i32>} : memref<16x128xf32, #tpu.memory_space<vmem>>, vector<1x16xf32>,
      %get3A_781 = arith.constant 6 : i32
      %get3A_782 = arith.index_cast %get3A_781 : i32 to index
      %get3A_783 = arith.constant 96 : index
      %get3A_784 = tpu.vector_load %arg14[%get3A_782, %get3A_783] {strides = array<i32>} : memref<16x128xf32, #tpu.memory_space<vmem>>, vector<1x16xf32>,
      %get3A_785 = vector.shape_cast %get3A_784 : vector<1x16xf32> to vector<16xf32>
      %mul3A_786 = arith.mulf %get3A_785, %broadcast_in_dim3A_708 : vector<16xf32>
      %swap3A_787 = arith.constant 6 : i32
      %swap3A_788 = arith.index_cast %swap3A_787 : i32 to index
      %swap3A_789 = arith.constant 96 : index
      %swap3A_790 = tpu.vector_load %arg14[%swap3A_788, %swap3A_789] {strides = array<i32>} : memref<16x128xf32, #tpu.memory_space<vmem>>, vector<1x16xf32>,
      %swap3A_791 = vector.shape_cast %swap3A_790 : vector<1x16xf32> to vector<16xf32>
      %swap3A_792 = vector.shape_cast %mul3A_786 : vector<16xf32> to vector<1x16xf32>
      tpu.vector_store %arg14[%swap3A_788, %swap3A_789], %swap3A_792 {strides = array<i32>} : memref<16x128xf32, #tpu.memory_space<vmem>>, vector<1x16xf32>,
      %get3A_793 = arith.constant 6 : i32
      %get3A_794 = arith.index_cast %get3A_793 : i32 to index
      %get3A_795 = arith.constant 112 : index
      %get3A_796 = tpu.vector_load %arg14[%get3A_794, %get3A_795] {strides = array<i32>} : memref<16x128xf32, #tpu.memory_space<vmem>>, vector<1x16xf32>,
      %get3A_797 = vector.shape_cast %get3A_796 : vector<1x16xf32> to vector<16xf32>
      %mul3A_798 = arith.mulf %get3A_797, %broadcast_in_dim3A_708 : vector<16xf32>
      %swap3A_799 = arith.constant 6 : i32
      %swap3A_800 = arith.index_cast %swap3A_799 : i32 to index
      %swap3A_801 = arith.constant 112 : index
      %swap3A_802 = tpu.vector_load %arg14[%swap3A_800, %swap3A_801] {strides = array<i32>} : memref<16x128xf32, #tpu.memory_space<vmem>>, vector<1x16xf32>,
      %swap3A_803 = vector.shape_cast %swap3A_802 : vector<1x16xf32> to vector<16xf32>
      %swap3A_804 = vector.shape_cast %mul3A_798 : vector<16xf32> to vector<1x16xf32>
      tpu.vector_store %arg14[%swap3A_800, %swap3A_801], %swap3A_804 {strides = array<i32>} : memref<16x128xf32, #tpu.memory_space<vmem>>, vector<1x16xf32>,
      %slice3A_805 = vector.extract_strided_slice %get3A_115 {offsets = [7], sizes = [1], strides = [1]} : vector<16xf32> to vector<1xf32>
      %squeeze3A_806 = vector.extract %slice3A_805[0] : f32 from vector<1xf32>
      %broadcast_in_dim3A_807 = vector.broadcast %squeeze3A_806 : f32 to vector<16xf32>
      %get3A_808 = arith.constant 7 : i32
      %get3A_809 = arith.index_cast %get3A_808 : i32 to index
      %get3A_810 = arith.constant 0 : index
      %get3A_811 = tpu.vector_load %arg14[%get3A_809, %get3A_810] {strides = array<i32>} : memref<16x128xf32, #tpu.memory_space<vmem>>, vector<1x16xf32>,
      %get3A_812 = vector.shape_cast %get3A_811 : vector<1x16xf32> to vector<16xf32>
      %mul3A_813 = arith.mulf %get3A_812, %broadcast_in_dim3A_807 : vector<16xf32>
      %swap3A_814 = arith.constant 7 : i32
      %swap3A_815 = arith.index_cast %swap3A_814 : i32 to index
      %swap3A_816 = arith.constant 0 : index
      %swap3A_817 = tpu.vector_load %arg14[%swap3A_815, %swap3A_816] {strides = array<i32>} : memref<16x128xf32, #tpu.memory_space<vmem>>, vector<1x16xf32>,
      %swap3A_818 = vector.shape_cast %swap3A_817 : vector<1x16xf32> to vector<16xf32>
      %swap3A_819 = vector.shape_cast %mul3A_813 : vector<16xf32> to vector<1x16xf32>
      tpu.vector_store %arg14[%swap3A_815, %swap3A_816], %swap3A_819 {strides = array<i32>} : memref<16x128xf32, #tpu.memory_space<vmem>>, vector<1x16xf32>,
      %get3A_820 = arith.constant 7 : i32
      %get3A_821 = arith.index_cast %get3A_820 : i32 to index
      %get3A_822 = arith.constant 16 : index
      %get3A_823 = tpu.vector_load %arg14[%get3A_821, %get3A_822] {strides = array<i32>} : memref<16x128xf32, #tpu.memory_space<vmem>>, vector<1x16xf32>,
      %get3A_824 = vector.shape_cast %get3A_823 : vector<1x16xf32> to vector<16xf32>
      %mul3A_825 = arith.mulf %get3A_824, %broadcast_in_dim3A_807 : vector<16xf32>
      %swap3A_826 = arith.constant 7 : i32
      %swap3A_827 = arith.index_cast %swap3A_826 : i32 to index
      %swap3A_828 = arith.constant 16 : index
      %swap3A_829 = tpu.vector_load %arg14[%swap3A_827, %swap3A_828] {strides = array<i32>} : memref<16x128xf32, #tpu.memory_space<vmem>>, vector<1x16xf32>,
      %swap3A_830 = vector.shape_cast %swap3A_829 : vector<1x16xf32> to vector<16xf32>
      %swap3A_831 = vector.shape_cast %mul3A_825 : vector<16xf32> to vector<1x16xf32>
      tpu.vector_store %arg14[%swap3A_827, %swap3A_828], %swap3A_831 {strides = array<i32>} : memref<16x128xf32, #tpu.memory_space<vmem>>, vector<1x16xf32>,
      %get3A_832 = arith.constant 7 : i32
      %get3A_833 = arith.index_cast %get3A_832 : i32 to index
      %get3A_834 = arith.constant 32 : index
      %get3A_835 = tpu.vector_load %arg14[%get3A_833, %get3A_834] {strides = array<i32>} : memref<16x128xf32, #tpu.memory_space<vmem>>, vector<1x16xf32>,
      %get3A_836 = vector.shape_cast %get3A_835 : vector<1x16xf32> to vector<16xf32>
      %mul3A_837 = arith.mulf %get3A_836, %broadcast_in_dim3A_807 : vector<16xf32>
      %swap3A_838 = arith.constant 7 : i32
      %swap3A_839 = arith.index_cast %swap3A_838 : i32 to index
      %swap3A_840 = arith.constant 32 : index
      %swap3A_841 = tpu.vector_load %arg14[%swap3A_839, %swap3A_840] {strides = array<i32>} : memref<16x128xf32, #tpu.memory_space<vmem>>, vector<1x16xf32>,
      %swap3A_842 = vector.shape_cast %swap3A_841 : vector<1x16xf32> to vector<16xf32>
      %swap3A_843 = vector.shape_cast %mul3A_837 : vector<16xf32> to vector<1x16xf32>
      tpu.vector_store %arg14[%swap3A_839, %swap3A_840], %swap3A_843 {strides = array<i32>} : memref<16x128xf32, #tpu.memory_space<vmem>>, vector<1x16xf32>,
      %get3A_844 = arith.constant 7 : i32
      %get3A_845 = arith.index_cast %get3A_844 : i32 to index
      %get3A_846 = arith.constant 48 : index
      %get3A_847 = tpu.vector_load %arg14[%get3A_845, %get3A_846] {strides = array<i32>} : memref<16x128xf32, #tpu.memory_space<vmem>>, vector<1x16xf32>,
      %get3A_848 = vector.shape_cast %get3A_847 : vector<1x16xf32> to vector<16xf32>
      %mul3A_849 = arith.mulf %get3A_848, %broadcast_in_dim3A_807 : vector<16xf32>
      %swap3A_850 = arith.constant 7 : i32
      %swap3A_851 = arith.index_cast %swap3A_850 : i32 to index
      %swap3A_852 = arith.constant 48 : index
      %swap3A_853 = tpu.vector_load %arg14[%swap3A_851, %swap3A_852] {strides = array<i32>} : memref<16x128xf32, #tpu.memory_space<vmem>>, vector<1x16xf32>,
      %swap3A_854 = vector.shape_cast %swap3A_853 : vector<1x16xf32> to vector<16xf32>
      %swap3A_855 = vector.shape_cast %mul3A_849 : vector<16xf32> to vector<1x16xf32>
      tpu.vector_store %arg14[%swap3A_851, %swap3A_852], %swap3A_855 {strides = array<i32>} : memref<16x128xf32, #tpu.memory_space<vmem>>, vector<1x16xf32>,
      %get3A_856 = arith.constant 7 : i32
      %get3A_857 = arith.index_cast %get3A_856 : i32 to index
      %get3A_858 = arith.constant 64 : index
      %get3A_859 = tpu.vector_load %arg14[%get3A_857, %get3A_858] {strides = array<i32>} : memref<16x128xf32, #tpu.memory_space<vmem>>, vector<1x16xf32>,
      %get3A_860 = vector.shape_cast %get3A_859 : vector<1x16xf32> to vector<16xf32>
      %mul3A_861 = arith.mulf %get3A_860, %broadcast_in_dim3A_807 : vector<16xf32>
      %swap3A_862 = arith.constant 7 : i32
      %swap3A_863 = arith.index_cast %swap3A_862 : i32 to index
      %swap3A_864 = arith.constant 64 : index
      %swap3A_865 = tpu.vector_load %arg14[%swap3A_863, %swap3A_864] {strides = array<i32>} : memref<16x128xf32, #tpu.memory_space<vmem>>, vector<1x16xf32>,
      %swap3A_866 = vector.shape_cast %swap3A_865 : vector<1x16xf32> to vector<16xf32>
      %swap3A_867 = vector.shape_cast %mul3A_861 : vector<16xf32> to vector<1x16xf32>
      tpu.vector_store %arg14[%swap3A_863, %swap3A_864], %swap3A_867 {strides = array<i32>} : memref<16x128xf32, #tpu.memory_space<vmem>>, vector<1x16xf32>,
      %get3A_868 = arith.constant 7 : i32
      %get3A_869 = arith.index_cast %get3A_868 : i32 to index
      %get3A_870 = arith.constant 80 : index
      %get3A_871 = tpu.vector_load %arg14[%get3A_869, %get3A_870] {strides = array<i32>} : memref<16x128xf32, #tpu.memory_space<vmem>>, vector<1x16xf32>,
      %get3A_872 = vector.shape_cast %get3A_871 : vector<1x16xf32> to vector<16xf32>
      %mul3A_873 = arith.mulf %get3A_872, %broadcast_in_dim3A_807 : vector<16xf32>
      %swap3A_874 = arith.constant 7 : i32
      %swap3A_875 = arith.index_cast %swap3A_874 : i32 to index
      %swap3A_876 = arith.constant 80 : index
      %swap3A_877 = tpu.vector_load %arg14[%swap3A_875, %swap3A_876] {strides = array<i32>} : memref<16x128xf32, #tpu.memory_space<vmem>>, vector<1x16xf32>,
      %swap3A_878 = vector.shape_cast %swap3A_877 : vector<1x16xf32> to vector<16xf32>
      %swap3A_879 = vector.shape_cast %mul3A_873 : vector<16xf32> to vector<1x16xf32>
      tpu.vector_store %arg14[%swap3A_875, %swap3A_876], %swap3A_879 {strides = array<i32>} : memref<16x128xf32, #tpu.memory_space<vmem>>, vector<1x16xf32>,
      %get3A_880 = arith.constant 7 : i32
      %get3A_881 = arith.index_cast %get3A_880 : i32 to index
      %get3A_882 = arith.constant 96 : index
      %get3A_883 = tpu.vector_load %arg14[%get3A_881, %get3A_882] {strides = array<i32>} : memref<16x128xf32, #tpu.memory_space<vmem>>, vector<1x16xf32>,
      %get3A_884 = vector.shape_cast %get3A_883 : vector<1x16xf32> to vector<16xf32>
      %mul3A_885 = arith.mulf %get3A_884, %broadcast_in_dim3A_807 : vector<16xf32>
      %swap3A_886 = arith.constant 7 : i32
      %swap3A_887 = arith.index_cast %swap3A_886 : i32 to index
      %swap3A_888 = arith.constant 96 : index
      %swap3A_889 = tpu.vector_load %arg14[%swap3A_887, %swap3A_888] {strides = array<i32>} : memref<16x128xf32, #tpu.memory_space<vmem>>, vector<1x16xf32>,
      %swap3A_890 = vector.shape_cast %swap3A_889 : vector<1x16xf32> to vector<16xf32>
      %swap3A_891 = vector.shape_cast %mul3A_885 : vector<16xf32> to vector<1x16xf32>
      tpu.vector_store %arg14[%swap3A_887, %swap3A_888], %swap3A_891 {strides = array<i32>} : memref<16x128xf32, #tpu.memory_space<vmem>>, vector<1x16xf32>,
      %get3A_892 = arith.constant 7 : i32
      %get3A_893 = arith.index_cast %get3A_892 : i32 to index
      %get3A_894 = arith.constant 112 : index
      %get3A_895 = tpu.vector_load %arg14[%get3A_893, %get3A_894] {strides = array<i32>} : memref<16x128xf32, #tpu.memory_space<vmem>>, vector<1x16xf32>,
      %get3A_896 = vector.shape_cast %get3A_895 : vector<1x16xf32> to vector<16xf32>
      %mul3A_897 = arith.mulf %get3A_896, %broadcast_in_dim3A_807 : vector<16xf32>
      %swap3A_898 = arith.constant 7 : i32
      %swap3A_899 = arith.index_cast %swap3A_898 : i32 to index
      %swap3A_900 = arith.constant 112 : index
      %swap3A_901 = tpu.vector_load %arg14[%swap3A_899, %swap3A_900] {strides = array<i32>} : memref<16x128xf32, #tpu.memory_space<vmem>>, vector<1x16xf32>,
      %swap3A_902 = vector.shape_cast %swap3A_901 : vector<1x16xf32> to vector<16xf32>
      %swap3A_903 = vector.shape_cast %mul3A_897 : vector<16xf32> to vector<1x16xf32>
      tpu.vector_store %arg14[%swap3A_899, %swap3A_900], %swap3A_903 {strides = array<i32>} : memref<16x128xf32, #tpu.memory_space<vmem>>, vector<1x16xf32>,
      %slice3A_904 = vector.extract_strided_slice %get3A_115 {offsets = [8], sizes = [1], strides = [1]} : vector<16xf32> to vector<1xf32>
      %squeeze3A_905 = vector.extract %slice3A_904[0] : f32 from vector<1xf32>
      %broadcast_in_dim3A_906 = vector.broadcast %squeeze3A_905 : f32 to vector<16xf32>
      %get3A_907 = arith.constant 8 : i32
      %get3A_908 = arith.index_cast %get3A_907 : i32 to index
      %get3A_909 = arith.constant 0 : index
      %get3A_910 = tpu.vector_load %arg14[%get3A_908, %get3A_909] {strides = array<i32>} : memref<16x128xf32, #tpu.memory_space<vmem>>, vector<1x16xf32>,
      %get3A_911 = vector.shape_cast %get3A_910 : vector<1x16xf32> to vector<16xf32>
      %mul3A_912 = arith.mulf %get3A_911, %broadcast_in_dim3A_906 : vector<16xf32>
      %swap3A_913 = arith.constant 8 : i32
      %swap3A_914 = arith.index_cast %swap3A_913 : i32 to index
      %swap3A_915 = arith.constant 0 : index
      %swap3A_916 = tpu.vector_load %arg14[%swap3A_914, %swap3A_915] {strides = array<i32>} : memref<16x128xf32, #tpu.memory_space<vmem>>, vector<1x16xf32>,
      %swap3A_917 = vector.shape_cast %swap3A_916 : vector<1x16xf32> to vector<16xf32>
      %swap3A_918 = vector.shape_cast %mul3A_912 : vector<16xf32> to vector<1x16xf32>
      tpu.vector_store %arg14[%swap3A_914, %swap3A_915], %swap3A_918 {strides = array<i32>} : memref<16x128xf32, #tpu.memory_space<vmem>>, vector<1x16xf32>,
      %get3A_919 = arith.constant 8 : i32
      %get3A_920 = arith.index_cast %get3A_919 : i32 to index
      %get3A_921 = arith.constant 16 : index
      %get3A_922 = tpu.vector_load %arg14[%get3A_920, %get3A_921] {strides = array<i32>} : memref<16x128xf32, #tpu.memory_space<vmem>>, vector<1x16xf32>,
      %get3A_923 = vector.shape_cast %get3A_922 : vector<1x16xf32> to vector<16xf32>
      %mul3A_924 = arith.mulf %get3A_923, %broadcast_in_dim3A_906 : vector<16xf32>
      %swap3A_925 = arith.constant 8 : i32
      %swap3A_926 = arith.index_cast %swap3A_925 : i32 to index
      %swap3A_927 = arith.constant 16 : index
      %swap3A_928 = tpu.vector_load %arg14[%swap3A_926, %swap3A_927] {strides = array<i32>} : memref<16x128xf32, #tpu.memory_space<vmem>>, vector<1x16xf32>,
      %swap3A_929 = vector.shape_cast %swap3A_928 : vector<1x16xf32> to vector<16xf32>
      %swap3A_930 = vector.shape_cast %mul3A_924 : vector<16xf32> to vector<1x16xf32>
      tpu.vector_store %arg14[%swap3A_926, %swap3A_927], %swap3A_930 {strides = array<i32>} : memref<16x128xf32, #tpu.memory_space<vmem>>, vector<1x16xf32>,
      %get3A_931 = arith.constant 8 : i32
      %get3A_932 = arith.index_cast %get3A_931 : i32 to index
      %get3A_933 = arith.constant 32 : index
      %get3A_934 = tpu.vector_load %arg14[%get3A_932, %get3A_933] {strides = array<i32>} : memref<16x128xf32, #tpu.memory_space<vmem>>, vector<1x16xf32>,
      %get3A_935 = vector.shape_cast %get3A_934 : vector<1x16xf32> to vector<16xf32>
      %mul3A_936 = arith.mulf %get3A_935, %broadcast_in_dim3A_906 : vector<16xf32>
      %swap3A_937 = arith.constant 8 : i32
      %swap3A_938 = arith.index_cast %swap3A_937 : i32 to index
      %swap3A_939 = arith.constant 32 : index
      %swap3A_940 = tpu.vector_load %arg14[%swap3A_938, %swap3A_939] {strides = array<i32>} : memref<16x128xf32, #tpu.memory_space<vmem>>, vector<1x16xf32>,
      %swap3A_941 = vector.shape_cast %swap3A_940 : vector<1x16xf32> to vector<16xf32>
      %swap3A_942 = vector.shape_cast %mul3A_936 : vector<16xf32> to vector<1x16xf32>
      tpu.vector_store %arg14[%swap3A_938, %swap3A_939], %swap3A_942 {strides = array<i32>} : memref<16x128xf32, #tpu.memory_space<vmem>>, vector<1x16xf32>,
      %get3A_943 = arith.constant 8 : i32
      %get3A_944 = arith.index_cast %get3A_943 : i32 to index
      %get3A_945 = arith.constant 48 : index
      %get3A_946 = tpu.vector_load %arg14[%get3A_944, %get3A_945] {strides = array<i32>} : memref<16x128xf32, #tpu.memory_space<vmem>>, vector<1x16xf32>,
      %get3A_947 = vector.shape_cast %get3A_946 : vector<1x16xf32> to vector<16xf32>
      %mul3A_948 = arith.mulf %get3A_947, %broadcast_in_dim3A_906 : vector<16xf32>
      %swap3A_949 = arith.constant 8 : i32
      %swap3A_950 = arith.index_cast %swap3A_949 : i32 to index
      %swap3A_951 = arith.constant 48 : index
      %swap3A_952 = tpu.vector_load %arg14[%swap3A_950, %swap3A_951] {strides = array<i32>} : memref<16x128xf32, #tpu.memory_space<vmem>>, vector<1x16xf32>,
      %swap3A_953 = vector.shape_cast %swap3A_952 : vector<1x16xf32> to vector<16xf32>
      %swap3A_954 = vector.shape_cast %mul3A_948 : vector<16xf32> to vector<1x16xf32>
      tpu.vector_store %arg14[%swap3A_950, %swap3A_951], %swap3A_954 {strides = array<i32>} : memref<16x128xf32, #tpu.memory_space<vmem>>, vector<1x16xf32>,
      %get3A_955 = arith.constant 8 : i32
      %get3A_956 = arith.index_cast %get3A_955 : i32 to index
      %get3A_957 = arith.constant 64 : index
      %get3A_958 = tpu.vector_load %arg14[%get3A_956, %get3A_957] {strides = array<i32>} : memref<16x128xf32, #tpu.memory_space<vmem>>, vector<1x16xf32>,
      %get3A_959 = vector.shape_cast %get3A_958 : vector<1x16xf32> to vector<16xf32>
      %mul3A_960 = arith.mulf %get3A_959, %broadcast_in_dim3A_906 : vector<16xf32>
      %swap3A_961 = arith.constant 8 : i32
      %swap3A_962 = arith.index_cast %swap3A_961 : i32 to index
      %swap3A_963 = arith.constant 64 : index
      %swap3A_964 = tpu.vector_load %arg14[%swap3A_962, %swap3A_963] {strides = array<i32>} : memref<16x128xf32, #tpu.memory_space<vmem>>, vector<1x16xf32>,
      %swap3A_965 = vector.shape_cast %swap3A_964 : vector<1x16xf32> to vector<16xf32>
      %swap3A_966 = vector.shape_cast %mul3A_960 : vector<16xf32> to vector<1x16xf32>
      tpu.vector_store %arg14[%swap3A_962, %swap3A_963], %swap3A_966 {strides = array<i32>} : memref<16x128xf32, #tpu.memory_space<vmem>>, vector<1x16xf32>,
      %get3A_967 = arith.constant 8 : i32
      %get3A_968 = arith.index_cast %get3A_967 : i32 to index
      %get3A_969 = arith.constant 80 : index
      %get3A_970 = tpu.vector_load %arg14[%get3A_968, %get3A_969] {strides = array<i32>} : memref<16x128xf32, #tpu.memory_space<vmem>>, vector<1x16xf32>,
      %get3A_971 = vector.shape_cast %get3A_970 : vector<1x16xf32> to vector<16xf32>
      %mul3A_972 = arith.mulf %get3A_971, %broadcast_in_dim3A_906 : vector<16xf32>
      %swap3A_973 = arith.constant 8 : i32
      %swap3A_974 = arith.index_cast %swap3A_973 : i32 to index
      %swap3A_975 = arith.constant 80 : index
      %swap3A_976 = tpu.vector_load %arg14[%swap3A_974, %swap3A_975] {strides = array<i32>} : memref<16x128xf32, #tpu.memory_space<vmem>>, vector<1x16xf32>,
      %swap3A_977 = vector.shape_cast %swap3A_976 : vector<1x16xf32> to vector<16xf32>
      %swap3A_978 = vector.shape_cast %mul3A_972 : vector<16xf32> to vector<1x16xf32>
      tpu.vector_store %arg14[%swap3A_974, %swap3A_975], %swap3A_978 {strides = array<i32>} : memref<16x128xf32, #tpu.memory_space<vmem>>, vector<1x16xf32>,
      %get3A_979 = arith.constant 8 : i32
      %get3A_980 = arith.index_cast %get3A_979 : i32 to index
      %get3A_981 = arith.constant 96 : index
      %get3A_982 = tpu.vector_load %arg14[%get3A_980, %get3A_981] {strides = array<i32>} : memref<16x128xf32, #tpu.memory_space<vmem>>, vector<1x16xf32>,
      %get3A_983 = vector.shape_cast %get3A_982 : vector<1x16xf32> to vector<16xf32>
      %mul3A_984 = arith.mulf %get3A_983, %broadcast_in_dim3A_906 : vector<16xf32>
      %swap3A_985 = arith.constant 8 : i32
      %swap3A_986 = arith.index_cast %swap3A_985 : i32 to index
      %swap3A_987 = arith.constant 96 : index
      %swap3A_988 = tpu.vector_load %arg14[%swap3A_986, %swap3A_987] {strides = array<i32>} : memref<16x128xf32, #tpu.memory_space<vmem>>, vector<1x16xf32>,
      %swap3A_989 = vector.shape_cast %swap3A_988 : vector<1x16xf32> to vector<16xf32>
      %swap3A_990 = vector.shape_cast %mul3A_984 : vector<16xf32> to vector<1x16xf32>
      tpu.vector_store %arg14[%swap3A_986, %swap3A_987], %swap3A_990 {strides = array<i32>} : memref<16x128xf32, #tpu.memory_space<vmem>>, vector<1x16xf32>,
      %get3A_991 = arith.constant 8 : i32
      %get3A_992 = arith.index_cast %get3A_991 : i32 to index
      %get3A_993 = arith.constant 112 : index
      %get3A_994 = tpu.vector_load %arg14[%get3A_992, %get3A_993] {strides = array<i32>} : memref<16x128xf32, #tpu.memory_space<vmem>>, vector<1x16xf32>,
      %get3A_995 = vector.shape_cast %get3A_994 : vector<1x16xf32> to vector<16xf32>
      %mul3A_996 = arith.mulf %get3A_995, %broadcast_in_dim3A_906 : vector<16xf32>
      %swap3A_997 = arith.constant 8 : i32
      %swap3A_998 = arith.index_cast %swap3A_997 : i32 to index
      %swap3A_999 = arith.constant 112 : index
      %swap3A_1000 = tpu.vector_load %arg14[%swap3A_998, %swap3A_999] {strides = array<i32>} : memref<16x128xf32, #tpu.memory_space<vmem>>, vector<1x16xf32>,
      %swap3A_1001 = vector.shape_cast %swap3A_1000 : vector<1x16xf32> to vector<16xf32>
      %swap3A_1002 = vector.shape_cast %mul3A_996 : vector<16xf32> to vector<1x16xf32>
      tpu.vector_store %arg14[%swap3A_998, %swap3A_999], %swap3A_1002 {strides = array<i32>} : memref<16x128xf32, #tpu.memory_space<vmem>>, vector<1x16xf32>,
      %slice3A_1003 = vector.extract_strided_slice %get3A_115 {offsets = [9], sizes = [1], strides = [1]} : vector<16xf32> to vector<1xf32>
      %squeeze3A_1004 = vector.extract %slice3A_1003[0] : f32 from vector<1xf32>
      %broadcast_in_dim3A_1005 = vector.broadcast %squeeze3A_1004 : f32 to vector<16xf32>
      %get3A_1006 = arith.constant 9 : i32
      %get3A_1007 = arith.index_cast %get3A_1006 : i32 to index
      %get3A_1008 = arith.constant 0 : index
      %get3A_1009 = tpu.vector_load %arg14[%get3A_1007, %get3A_1008] {strides = array<i32>} : memref<16x128xf32, #tpu.memory_space<vmem>>, vector<1x16xf32>,
      %get3A_1010 = vector.shape_cast %get3A_1009 : vector<1x16xf32> to vector<16xf32>
      %mul3A_1011 = arith.mulf %get3A_1010, %broadcast_in_dim3A_1005 : vector<16xf32>
      %swap3A_1012 = arith.constant 9 : i32
      %swap3A_1013 = arith.index_cast %swap3A_1012 : i32 to index
      %swap3A_1014 = arith.constant 0 : index
      %swap3A_1015 = tpu.vector_load %arg14[%swap3A_1013, %swap3A_1014] {strides = array<i32>} : memref<16x128xf32, #tpu.memory_space<vmem>>, vector<1x16xf32>,
      %swap3A_1016 = vector.shape_cast %swap3A_1015 : vector<1x16xf32> to vector<16xf32>
      %swap3A_1017 = vector.shape_cast %mul3A_1011 : vector<16xf32> to vector<1x16xf32>
      tpu.vector_store %arg14[%swap3A_1013, %swap3A_1014], %swap3A_1017 {strides = array<i32>} : memref<16x128xf32, #tpu.memory_space<vmem>>, vector<1x16xf32>,
      %get3A_1018 = arith.constant 9 : i32
      %get3A_1019 = arith.index_cast %get3A_1018 : i32 to index
      %get3A_1020 = arith.constant 16 : index
      %get3A_1021 = tpu.vector_load %arg14[%get3A_1019, %get3A_1020] {strides = array<i32>} : memref<16x128xf32, #tpu.memory_space<vmem>>, vector<1x16xf32>,
      %get3A_1022 = vector.shape_cast %get3A_1021 : vector<1x16xf32> to vector<16xf32>
      %mul3A_1023 = arith.mulf %get3A_1022, %broadcast_in_dim3A_1005 : vector<16xf32>
      %swap3A_1024 = arith.constant 9 : i32
      %swap3A_1025 = arith.index_cast %swap3A_1024 : i32 to index
      %swap3A_1026 = arith.constant 16 : index
      %swap3A_1027 = tpu.vector_load %arg14[%swap3A_1025, %swap3A_1026] {strides = array<i32>} : memref<16x128xf32, #tpu.memory_space<vmem>>, vector<1x16xf32>,
      %swap3A_1028 = vector.shape_cast %swap3A_1027 : vector<1x16xf32> to vector<16xf32>
      %swap3A_1029 = vector.shape_cast %mul3A_1023 : vector<16xf32> to vector<1x16xf32>
      tpu.vector_store %arg14[%swap3A_1025, %swap3A_1026], %swap3A_1029 {strides = array<i32>} : memref<16x128xf32, #tpu.memory_space<vmem>>, vector<1x16xf32>,
      %get3A_1030 = arith.constant 9 : i32
      %get3A_1031 = arith.index_cast %get3A_1030 : i32 to index
      %get3A_1032 = arith.constant 32 : index
      %get3A_1033 = tpu.vector_load %arg14[%get3A_1031, %get3A_1032] {strides = array<i32>} : memref<16x128xf32, #tpu.memory_space<vmem>>, vector<1x16xf32>,
      %get3A_1034 = vector.shape_cast %get3A_1033 : vector<1x16xf32> to vector<16xf32>
      %mul3A_1035 = arith.mulf %get3A_1034, %broadcast_in_dim3A_1005 : vector<16xf32>
      %swap3A_1036 = arith.constant 9 : i32
      %swap3A_1037 = arith.index_cast %swap3A_1036 : i32 to index
      %swap3A_1038 = arith.constant 32 : index
      %swap3A_1039 = tpu.vector_load %arg14[%swap3A_1037, %swap3A_1038] {strides = array<i32>} : memref<16x128xf32, #tpu.memory_space<vmem>>, vector<1x16xf32>,
      %swap3A_1040 = vector.shape_cast %swap3A_1039 : vector<1x16xf32> to vector<16xf32>
      %swap3A_1041 = vector.shape_cast %mul3A_1035 : vector<16xf32> to vector<1x16xf32>
      tpu.vector_store %arg14[%swap3A_1037, %swap3A_1038], %swap3A_1041 {strides = array<i32>} : memref<16x128xf32, #tpu.memory_space<vmem>>, vector<1x16xf32>,
      %get3A_1042 = arith.constant 9 : i32
      %get3A_1043 = arith.index_cast %get3A_1042 : i32 to index
      %get3A_1044 = arith.constant 48 : index
      %get3A_1045 = tpu.vector_load %arg14[%get3A_1043, %get3A_1044] {strides = array<i32>} : memref<16x128xf32, #tpu.memory_space<vmem>>, vector<1x16xf32>,
      %get3A_1046 = vector.shape_cast %get3A_1045 : vector<1x16xf32> to vector<16xf32>
      %mul3A_1047 = arith.mulf %get3A_1046, %broadcast_in_dim3A_1005 : vector<16xf32>
      %swap3A_1048 = arith.constant 9 : i32
      %swap3A_1049 = arith.index_cast %swap3A_1048 : i32 to index
      %swap3A_1050 = arith.constant 48 : index
      %swap3A_1051 = tpu.vector_load %arg14[%swap3A_1049, %swap3A_1050] {strides = array<i32>} : memref<16x128xf32, #tpu.memory_space<vmem>>, vector<1x16xf32>,
      %swap3A_1052 = vector.shape_cast %swap3A_1051 : vector<1x16xf32> to vector<16xf32>
      %swap3A_1053 = vector.shape_cast %mul3A_1047 : vector<16xf32> to vector<1x16xf32>
      tpu.vector_store %arg14[%swap3A_1049, %swap3A_1050], %swap3A_1053 {strides = array<i32>} : memref<16x128xf32, #tpu.memory_space<vmem>>, vector<1x16xf32>,
      %get3A_1054 = arith.constant 9 : i32
      %get3A_1055 = arith.index_cast %get3A_1054 : i32 to index
      %get3A_1056 = arith.constant 64 : index
      %get3A_1057 = tpu.vector_load %arg14[%get3A_1055, %get3A_1056] {strides = array<i32>} : memref<16x128xf32, #tpu.memory_space<vmem>>, vector<1x16xf32>,
      %get3A_1058 = vector.shape_cast %get3A_1057 : vector<1x16xf32> to vector<16xf32>
      %mul3A_1059 = arith.mulf %get3A_1058, %broadcast_in_dim3A_1005 : vector<16xf32>
      %swap3A_1060 = arith.constant 9 : i32
      %swap3A_1061 = arith.index_cast %swap3A_1060 : i32 to index
      %swap3A_1062 = arith.constant 64 : index
      %swap3A_1063 = tpu.vector_load %arg14[%swap3A_1061, %swap3A_1062] {strides = array<i32>} : memref<16x128xf32, #tpu.memory_space<vmem>>, vector<1x16xf32>,
      %swap3A_1064 = vector.shape_cast %swap3A_1063 : vector<1x16xf32> to vector<16xf32>
      %swap3A_1065 = vector.shape_cast %mul3A_1059 : vector<16xf32> to vector<1x16xf32>
      tpu.vector_store %arg14[%swap3A_1061, %swap3A_1062], %swap3A_1065 {strides = array<i32>} : memref<16x128xf32, #tpu.memory_space<vmem>>, vector<1x16xf32>,
      %get3A_1066 = arith.constant 9 : i32
      %get3A_1067 = arith.index_cast %get3A_1066 : i32 to index
      %get3A_1068 = arith.constant 80 : index
      %get3A_1069 = tpu.vector_load %arg14[%get3A_1067, %get3A_1068] {strides = array<i32>} : memref<16x128xf32, #tpu.memory_space<vmem>>, vector<1x16xf32>,
      %get3A_1070 = vector.shape_cast %get3A_1069 : vector<1x16xf32> to vector<16xf32>
      %mul3A_1071 = arith.mulf %get3A_1070, %broadcast_in_dim3A_1005 : vector<16xf32>
      %swap3A_1072 = arith.constant 9 : i32
      %swap3A_1073 = arith.index_cast %swap3A_1072 : i32 to index
      %swap3A_1074 = arith.constant 80 : index
      %swap3A_1075 = tpu.vector_load %arg14[%swap3A_1073, %swap3A_1074] {strides = array<i32>} : memref<16x128xf32, #tpu.memory_space<vmem>>, vector<1x16xf32>,
      %swap3A_1076 = vector.shape_cast %swap3A_1075 : vector<1x16xf32> to vector<16xf32>
      %swap3A_1077 = vector.shape_cast %mul3A_1071 : vector<16xf32> to vector<1x16xf32>
      tpu.vector_store %arg14[%swap3A_1073, %swap3A_1074], %swap3A_1077 {strides = array<i32>} : memref<16x128xf32, #tpu.memory_space<vmem>>, vector<1x16xf32>,
      %get3A_1078 = arith.constant 9 : i32
      %get3A_1079 = arith.index_cast %get3A_1078 : i32 to index
      %get3A_1080 = arith.constant 96 : index
      %get3A_1081 = tpu.vector_load %arg14[%get3A_1079, %get3A_1080] {strides = array<i32>} : memref<16x128xf32, #tpu.memory_space<vmem>>, vector<1x16xf32>,
      %get3A_1082 = vector.shape_cast %get3A_1081 : vector<1x16xf32> to vector<16xf32>
      %mul3A_1083 = arith.mulf %get3A_1082, %broadcast_in_dim3A_1005 : vector<16xf32>
      %swap3A_1084 = arith.constant 9 : i32
      %swap3A_1085 = arith.index_cast %swap3A_1084 : i32 to index
      %swap3A_1086 = arith.constant 96 : index
      %swap3A_1087 = tpu.vector_load %arg14[%swap3A_1085, %swap3A_1086] {strides = array<i32>} : memref<16x128xf32, #tpu.memory_space<vmem>>, vector<1x16xf32>,
      %swap3A_1088 = vector.shape_cast %swap3A_1087 : vector<1x16xf32> to vector<16xf32>
      %swap3A_1089 = vector.shape_cast %mul3A_1083 : vector<16xf32> to vector<1x16xf32>
      tpu.vector_store %arg14[%swap3A_1085, %swap3A_1086], %swap3A_1089 {strides = array<i32>} : memref<16x128xf32, #tpu.memory_space<vmem>>, vector<1x16xf32>,
      %get3A_1090 = arith.constant 9 : i32
      %get3A_1091 = arith.index_cast %get3A_1090 : i32 to index
      %get3A_1092 = arith.constant 112 : index
      %get3A_1093 = tpu.vector_load %arg14[%get3A_1091, %get3A_1092] {strides = array<i32>} : memref<16x128xf32, #tpu.memory_space<vmem>>, vector<1x16xf32>,
      %get3A_1094 = vector.shape_cast %get3A_1093 : vector<1x16xf32> to vector<16xf32>
      %mul3A_1095 = arith.mulf %get3A_1094, %broadcast_in_dim3A_1005 : vector<16xf32>
      %swap3A_1096 = arith.constant 9 : i32
      %swap3A_1097 = arith.index_cast %swap3A_1096 : i32 to index
      %swap3A_1098 = arith.constant 112 : index
      %swap3A_1099 = tpu.vector_load %arg14[%swap3A_1097, %swap3A_1098] {strides = array<i32>} : memref<16x128xf32, #tpu.memory_space<vmem>>, vector<1x16xf32>,
      %swap3A_1100 = vector.shape_cast %swap3A_1099 : vector<1x16xf32> to vector<16xf32>
      %swap3A_1101 = vector.shape_cast %mul3A_1095 : vector<16xf32> to vector<1x16xf32>
      tpu.vector_store %arg14[%swap3A_1097, %swap3A_1098], %swap3A_1101 {strides = array<i32>} : memref<16x128xf32, #tpu.memory_space<vmem>>, vector<1x16xf32>,
      %slice3A_1102 = vector.extract_strided_slice %get3A_115 {offsets = [10], sizes = [1], strides = [1]} : vector<16xf32> to vector<1xf32>
      %squeeze3A_1103 = vector.extract %slice3A_1102[0] : f32 from vector<1xf32>
      %broadcast_in_dim3A_1104 = vector.broadcast %squeeze3A_1103 : f32 to vector<16xf32>
      %get3A_1105 = arith.constant 10 : i32
      %get3A_1106 = arith.index_cast %get3A_1105 : i32 to index
      %get3A_1107 = arith.constant 0 : index
      %get3A_1108 = tpu.vector_load %arg14[%get3A_1106, %get3A_1107] {strides = array<i32>} : memref<16x128xf32, #tpu.memory_space<vmem>>, vector<1x16xf32>,
      %get3A_1109 = vector.shape_cast %get3A_1108 : vector<1x16xf32> to vector<16xf32>
      %mul3A_1110 = arith.mulf %get3A_1109, %broadcast_in_dim3A_1104 : vector<16xf32>
      %swap3A_1111 = arith.constant 10 : i32
      %swap3A_1112 = arith.index_cast %swap3A_1111 : i32 to index
      %swap3A_1113 = arith.constant 0 : index
      %swap3A_1114 = tpu.vector_load %arg14[%swap3A_1112, %swap3A_1113] {strides = array<i32>} : memref<16x128xf32, #tpu.memory_space<vmem>>, vector<1x16xf32>,
      %swap3A_1115 = vector.shape_cast %swap3A_1114 : vector<1x16xf32> to vector<16xf32>
      %swap3A_1116 = vector.shape_cast %mul3A_1110 : vector<16xf32> to vector<1x16xf32>
      tpu.vector_store %arg14[%swap3A_1112, %swap3A_1113], %swap3A_1116 {strides = array<i32>} : memref<16x128xf32, #tpu.memory_space<vmem>>, vector<1x16xf32>,
      %get3A_1117 = arith.constant 10 : i32
      %get3A_1118 = arith.index_cast %get3A_1117 : i32 to index
      %get3A_1119 = arith.constant 16 : index
      %get3A_1120 = tpu.vector_load %arg14[%get3A_1118, %get3A_1119] {strides = array<i32>} : memref<16x128xf32, #tpu.memory_space<vmem>>, vector<1x16xf32>,
      %get3A_1121 = vector.shape_cast %get3A_1120 : vector<1x16xf32> to vector<16xf32>
      %mul3A_1122 = arith.mulf %get3A_1121, %broadcast_in_dim3A_1104 : vector<16xf32>
      %swap3A_1123 = arith.constant 10 : i32
      %swap3A_1124 = arith.index_cast %swap3A_1123 : i32 to index
      %swap3A_1125 = arith.constant 16 : index
      %swap3A_1126 = tpu.vector_load %arg14[%swap3A_1124, %swap3A_1125] {strides = array<i32>} : memref<16x128xf32, #tpu.memory_space<vmem>>, vector<1x16xf32>,
      %swap3A_1127 = vector.shape_cast %swap3A_1126 : vector<1x16xf32> to vector<16xf32>
      %swap3A_1128 = vector.shape_cast %mul3A_1122 : vector<16xf32> to vector<1x16xf32>
      tpu.vector_store %arg14[%swap3A_1124, %swap3A_1125], %swap3A_1128 {strides = array<i32>} : memref<16x128xf32, #tpu.memory_space<vmem>>, vector<1x16xf32>,
      %get3A_1129 = arith.constant 10 : i32
      %get3A_1130 = arith.index_cast %get3A_1129 : i32 to index
      %get3A_1131 = arith.constant 32 : index
      %get3A_1132 = tpu.vector_load %arg14[%get3A_1130, %get3A_1131] {strides = array<i32>} : memref<16x128xf32, #tpu.memory_space<vmem>>, vector<1x16xf32>,
      %get3A_1133 = vector.shape_cast %get3A_1132 : vector<1x16xf32> to vector<16xf32>
      %mul3A_1134 = arith.mulf %get3A_1133, %broadcast_in_dim3A_1104 : vector<16xf32>
      %swap3A_1135 = arith.constant 10 : i32
      %swap3A_1136 = arith.index_cast %swap3A_1135 : i32 to index
      %swap3A_1137 = arith.constant 32 : index
      %swap3A_1138 = tpu.vector_load %arg14[%swap3A_1136, %swap3A_1137] {strides = array<i32>} : memref<16x128xf32, #tpu.memory_space<vmem>>, vector<1x16xf32>,
      %swap3A_1139 = vector.shape_cast %swap3A_1138 : vector<1x16xf32> to vector<16xf32>
      %swap3A_1140 = vector.shape_cast %mul3A_1134 : vector<16xf32> to vector<1x16xf32>
      tpu.vector_store %arg14[%swap3A_1136, %swap3A_1137], %swap3A_1140 {strides = array<i32>} : memref<16x128xf32, #tpu.memory_space<vmem>>, vector<1x16xf32>,
      %get3A_1141 = arith.constant 10 : i32
      %get3A_1142 = arith.index_cast %get3A_1141 : i32 to index
      %get3A_1143 = arith.constant 48 : index
      %get3A_1144 = tpu.vector_load %arg14[%get3A_1142, %get3A_1143] {strides = array<i32>} : memref<16x128xf32, #tpu.memory_space<vmem>>, vector<1x16xf32>,
      %get3A_1145 = vector.shape_cast %get3A_1144 : vector<1x16xf32> to vector<16xf32>
      %mul3A_1146 = arith.mulf %get3A_1145, %broadcast_in_dim3A_1104 : vector<16xf32>
      %swap3A_1147 = arith.constant 10 : i32
      %swap3A_1148 = arith.index_cast %swap3A_1147 : i32 to index
      %swap3A_1149 = arith.constant 48 : index
      %swap3A_1150 = tpu.vector_load %arg14[%swap3A_1148, %swap3A_1149] {strides = array<i32>} : memref<16x128xf32, #tpu.memory_space<vmem>>, vector<1x16xf32>,
      %swap3A_1151 = vector.shape_cast %swap3A_1150 : vector<1x16xf32> to vector<16xf32>
      %swap3A_1152 = vector.shape_cast %mul3A_1146 : vector<16xf32> to vector<1x16xf32>
      tpu.vector_store %arg14[%swap3A_1148, %swap3A_1149], %swap3A_1152 {strides = array<i32>} : memref<16x128xf32, #tpu.memory_space<vmem>>, vector<1x16xf32>,
      %get3A_1153 = arith.constant 10 : i32
      %get3A_1154 = arith.index_cast %get3A_1153 : i32 to index
      %get3A_1155 = arith.constant 64 : index
      %get3A_1156 = tpu.vector_load %arg14[%get3A_1154, %get3A_1155] {strides = array<i32>} : memref<16x128xf32, #tpu.memory_space<vmem>>, vector<1x16xf32>,
      %get3A_1157 = vector.shape_cast %get3A_1156 : vector<1x16xf32> to vector<16xf32>
      %mul3A_1158 = arith.mulf %get3A_1157, %broadcast_in_dim3A_1104 : vector<16xf32>
      %swap3A_1159 = arith.constant 10 : i32
      %swap3A_1160 = arith.index_cast %swap3A_1159 : i32 to index
      %swap3A_1161 = arith.constant 64 : index
      %swap3A_1162 = tpu.vector_load %arg14[%swap3A_1160, %swap3A_1161] {strides = array<i32>} : memref<16x128xf32, #tpu.memory_space<vmem>>, vector<1x16xf32>,
      %swap3A_1163 = vector.shape_cast %swap3A_1162 : vector<1x16xf32> to vector<16xf32>
      %swap3A_1164 = vector.shape_cast %mul3A_1158 : vector<16xf32> to vector<1x16xf32>
      tpu.vector_store %arg14[%swap3A_1160, %swap3A_1161], %swap3A_1164 {strides = array<i32>} : memref<16x128xf32, #tpu.memory_space<vmem>>, vector<1x16xf32>,
      %get3A_1165 = arith.constant 10 : i32
      %get3A_1166 = arith.index_cast %get3A_1165 : i32 to index
      %get3A_1167 = arith.constant 80 : index
      %get3A_1168 = tpu.vector_load %arg14[%get3A_1166, %get3A_1167] {strides = array<i32>} : memref<16x128xf32, #tpu.memory_space<vmem>>, vector<1x16xf32>,
      %get3A_1169 = vector.shape_cast %get3A_1168 : vector<1x16xf32> to vector<16xf32>
      %mul3A_1170 = arith.mulf %get3A_1169, %broadcast_in_dim3A_1104 : vector<16xf32>
      %swap3A_1171 = arith.constant 10 : i32
      %swap3A_1172 = arith.index_cast %swap3A_1171 : i32 to index
      %swap3A_1173 = arith.constant 80 : index
      %swap3A_1174 = tpu.vector_load %arg14[%swap3A_1172, %swap3A_1173] {strides = array<i32>} : memref<16x128xf32, #tpu.memory_space<vmem>>, vector<1x16xf32>,
      %swap3A_1175 = vector.shape_cast %swap3A_1174 : vector<1x16xf32> to vector<16xf32>
      %swap3A_1176 = vector.shape_cast %mul3A_1170 : vector<16xf32> to vector<1x16xf32>
      tpu.vector_store %arg14[%swap3A_1172, %swap3A_1173], %swap3A_1176 {strides = array<i32>} : memref<16x128xf32, #tpu.memory_space<vmem>>, vector<1x16xf32>,
      %get3A_1177 = arith.constant 10 : i32
      %get3A_1178 = arith.index_cast %get3A_1177 : i32 to index
      %get3A_1179 = arith.constant 96 : index
      %get3A_1180 = tpu.vector_load %arg14[%get3A_1178, %get3A_1179] {strides = array<i32>} : memref<16x128xf32, #tpu.memory_space<vmem>>, vector<1x16xf32>,
      %get3A_1181 = vector.shape_cast %get3A_1180 : vector<1x16xf32> to vector<16xf32>
      %mul3A_1182 = arith.mulf %get3A_1181, %broadcast_in_dim3A_1104 : vector<16xf32>
      %swap3A_1183 = arith.constant 10 : i32
      %swap3A_1184 = arith.index_cast %swap3A_1183 : i32 to index
      %swap3A_1185 = arith.constant 96 : index
      %swap3A_1186 = tpu.vector_load %arg14[%swap3A_1184, %swap3A_1185] {strides = array<i32>} : memref<16x128xf32, #tpu.memory_space<vmem>>, vector<1x16xf32>,
      %swap3A_1187 = vector.shape_cast %swap3A_1186 : vector<1x16xf32> to vector<16xf32>
      %swap3A_1188 = vector.shape_cast %mul3A_1182 : vector<16xf32> to vector<1x16xf32>
      tpu.vector_store %arg14[%swap3A_1184, %swap3A_1185], %swap3A_1188 {strides = array<i32>} : memref<16x128xf32, #tpu.memory_space<vmem>>, vector<1x16xf32>,
      %get3A_1189 = arith.constant 10 : i32
      %get3A_1190 = arith.index_cast %get3A_1189 : i32 to index
      %get3A_1191 = arith.constant 112 : index
      %get3A_1192 = tpu.vector_load %arg14[%get3A_1190, %get3A_1191] {strides = array<i32>} : memref<16x128xf32, #tpu.memory_space<vmem>>, vector<1x16xf32>,
      %get3A_1193 = vector.shape_cast %get3A_1192 : vector<1x16xf32> to vector<16xf32>
      %mul3A_1194 = arith.mulf %get3A_1193, %broadcast_in_dim3A_1104 : vector<16xf32>
      %swap3A_1195 = arith.constant 10 : i32
      %swap3A_1196 = arith.index_cast %swap3A_1195 : i32 to index
      %swap3A_1197 = arith.constant 112 : index
      %swap3A_1198 = tpu.vector_load %arg14[%swap3A_1196, %swap3A_1197] {strides = array<i32>} : memref<16x128xf32, #tpu.memory_space<vmem>>, vector<1x16xf32>,
      %swap3A_1199 = vector.shape_cast %swap3A_1198 : vector<1x16xf32> to vector<16xf32>
      %swap3A_1200 = vector.shape_cast %mul3A_1194 : vector<16xf32> to vector<1x16xf32>
      tpu.vector_store %arg14[%swap3A_1196, %swap3A_1197], %swap3A_1200 {strides = array<i32>} : memref<16x128xf32, #tpu.memory_space<vmem>>, vector<1x16xf32>,
      %slice3A_1201 = vector.extract_strided_slice %get3A_115 {offsets = [11], sizes = [1], strides = [1]} : vector<16xf32> to vector<1xf32>
      %squeeze3A_1202 = vector.extract %slice3A_1201[0] : f32 from vector<1xf32>
      %broadcast_in_dim3A_1203 = vector.broadcast %squeeze3A_1202 : f32 to vector<16xf32>
      %get3A_1204 = arith.constant 11 : i32
      %get3A_1205 = arith.index_cast %get3A_1204 : i32 to index
      %get3A_1206 = arith.constant 0 : index
      %get3A_1207 = tpu.vector_load %arg14[%get3A_1205, %get3A_1206] {strides = array<i32>} : memref<16x128xf32, #tpu.memory_space<vmem>>, vector<1x16xf32>,
      %get3A_1208 = vector.shape_cast %get3A_1207 : vector<1x16xf32> to vector<16xf32>
      %mul3A_1209 = arith.mulf %get3A_1208, %broadcast_in_dim3A_1203 : vector<16xf32>
      %swap3A_1210 = arith.constant 11 : i32
      %swap3A_1211 = arith.index_cast %swap3A_1210 : i32 to index
      %swap3A_1212 = arith.constant 0 : index
      %swap3A_1213 = tpu.vector_load %arg14[%swap3A_1211, %swap3A_1212] {strides = array<i32>} : memref<16x128xf32, #tpu.memory_space<vmem>>, vector<1x16xf32>,
      %swap3A_1214 = vector.shape_cast %swap3A_1213 : vector<1x16xf32> to vector<16xf32>
      %swap3A_1215 = vector.shape_cast %mul3A_1209 : vector<16xf32> to vector<1x16xf32>
      tpu.vector_store %arg14[%swap3A_1211, %swap3A_1212], %swap3A_1215 {strides = array<i32>} : memref<16x128xf32, #tpu.memory_space<vmem>>, vector<1x16xf32>,
      %get3A_1216 = arith.constant 11 : i32
      %get3A_1217 = arith.index_cast %get3A_1216 : i32 to index
      %get3A_1218 = arith.constant 16 : index
      %get3A_1219 = tpu.vector_load %arg14[%get3A_1217, %get3A_1218] {strides = array<i32>} : memref<16x128xf32, #tpu.memory_space<vmem>>, vector<1x16xf32>,
      %get3A_1220 = vector.shape_cast %get3A_1219 : vector<1x16xf32> to vector<16xf32>
      %mul3A_1221 = arith.mulf %get3A_1220, %broadcast_in_dim3A_1203 : vector<16xf32>
      %swap3A_1222 = arith.constant 11 : i32
      %swap3A_1223 = arith.index_cast %swap3A_1222 : i32 to index
      %swap3A_1224 = arith.constant 16 : index
      %swap3A_1225 = tpu.vector_load %arg14[%swap3A_1223, %swap3A_1224] {strides = array<i32>} : memref<16x128xf32, #tpu.memory_space<vmem>>, vector<1x16xf32>,
      %swap3A_1226 = vector.shape_cast %swap3A_1225 : vector<1x16xf32> to vector<16xf32>
      %swap3A_1227 = vector.shape_cast %mul3A_1221 : vector<16xf32> to vector<1x16xf32>
      tpu.vector_store %arg14[%swap3A_1223, %swap3A_1224], %swap3A_1227 {strides = array<i32>} : memref<16x128xf32, #tpu.memory_space<vmem>>, vector<1x16xf32>,
      %get3A_1228 = arith.constant 11 : i32
      %get3A_1229 = arith.index_cast %get3A_1228 : i32 to index
      %get3A_1230 = arith.constant 32 : index
      %get3A_1231 = tpu.vector_load %arg14[%get3A_1229, %get3A_1230] {strides = array<i32>} : memref<16x128xf32, #tpu.memory_space<vmem>>, vector<1x16xf32>,
      %get3A_1232 = vector.shape_cast %get3A_1231 : vector<1x16xf32> to vector<16xf32>
      %mul3A_1233 = arith.mulf %get3A_1232, %broadcast_in_dim3A_1203 : vector<16xf32>
      %swap3A_1234 = arith.constant 11 : i32
      %swap3A_1235 = arith.index_cast %swap3A_1234 : i32 to index
      %swap3A_1236 = arith.constant 32 : index
      %swap3A_1237 = tpu.vector_load %arg14[%swap3A_1235, %swap3A_1236] {strides = array<i32>} : memref<16x128xf32, #tpu.memory_space<vmem>>, vector<1x16xf32>,
      %swap3A_1238 = vector.shape_cast %swap3A_1237 : vector<1x16xf32> to vector<16xf32>
      %swap3A_1239 = vector.shape_cast %mul3A_1233 : vector<16xf32> to vector<1x16xf32>
      tpu.vector_store %arg14[%swap3A_1235, %swap3A_1236], %swap3A_1239 {strides = array<i32>} : memref<16x128xf32, #tpu.memory_space<vmem>>, vector<1x16xf32>,
      %get3A_1240 = arith.constant 11 : i32
      %get3A_1241 = arith.index_cast %get3A_1240 : i32 to index
      %get3A_1242 = arith.constant 48 : index
      %get3A_1243 = tpu.vector_load %arg14[%get3A_1241, %get3A_1242] {strides = array<i32>} : memref<16x128xf32, #tpu.memory_space<vmem>>, vector<1x16xf32>,
      %get3A_1244 = vector.shape_cast %get3A_1243 : vector<1x16xf32> to vector<16xf32>
      %mul3A_1245 = arith.mulf %get3A_1244, %broadcast_in_dim3A_1203 : vector<16xf32>
      %swap3A_1246 = arith.constant 11 : i32
      %swap3A_1247 = arith.index_cast %swap3A_1246 : i32 to index
      %swap3A_1248 = arith.constant 48 : index
      %swap3A_1249 = tpu.vector_load %arg14[%swap3A_1247, %swap3A_1248] {strides = array<i32>} : memref<16x128xf32, #tpu.memory_space<vmem>>, vector<1x16xf32>,
      %swap3A_1250 = vector.shape_cast %swap3A_1249 : vector<1x16xf32> to vector<16xf32>
      %swap3A_1251 = vector.shape_cast %mul3A_1245 : vector<16xf32> to vector<1x16xf32>
      tpu.vector_store %arg14[%swap3A_1247, %swap3A_1248], %swap3A_1251 {strides = array<i32>} : memref<16x128xf32, #tpu.memory_space<vmem>>, vector<1x16xf32>,
      %get3A_1252 = arith.constant 11 : i32
      %get3A_1253 = arith.index_cast %get3A_1252 : i32 to index
      %get3A_1254 = arith.constant 64 : index
      %get3A_1255 = tpu.vector_load %arg14[%get3A_1253, %get3A_1254] {strides = array<i32>} : memref<16x128xf32, #tpu.memory_space<vmem>>, vector<1x16xf32>,
      %get3A_1256 = vector.shape_cast %get3A_1255 : vector<1x16xf32> to vector<16xf32>
      %mul3A_1257 = arith.mulf %get3A_1256, %broadcast_in_dim3A_1203 : vector<16xf32>
      %swap3A_1258 = arith.constant 11 : i32
      %swap3A_1259 = arith.index_cast %swap3A_1258 : i32 to index
      %swap3A_1260 = arith.constant 64 : index
      %swap3A_1261 = tpu.vector_load %arg14[%swap3A_1259, %swap3A_1260] {strides = array<i32>} : memref<16x128xf32, #tpu.memory_space<vmem>>, vector<1x16xf32>,
      %swap3A_1262 = vector.shape_cast %swap3A_1261 : vector<1x16xf32> to vector<16xf32>
      %swap3A_1263 = vector.shape_cast %mul3A_1257 : vector<16xf32> to vector<1x16xf32>
      tpu.vector_store %arg14[%swap3A_1259, %swap3A_1260], %swap3A_1263 {strides = array<i32>} : memref<16x128xf32, #tpu.memory_space<vmem>>, vector<1x16xf32>,
      %get3A_1264 = arith.constant 11 : i32
      %get3A_1265 = arith.index_cast %get3A_1264 : i32 to index
      %get3A_1266 = arith.constant 80 : index
      %get3A_1267 = tpu.vector_load %arg14[%get3A_1265, %get3A_1266] {strides = array<i32>} : memref<16x128xf32, #tpu.memory_space<vmem>>, vector<1x16xf32>,
      %get3A_1268 = vector.shape_cast %get3A_1267 : vector<1x16xf32> to vector<16xf32>
      %mul3A_1269 = arith.mulf %get3A_1268, %broadcast_in_dim3A_1203 : vector<16xf32>
      %swap3A_1270 = arith.constant 11 : i32
      %swap3A_1271 = arith.index_cast %swap3A_1270 : i32 to index
      %swap3A_1272 = arith.constant 80 : index
      %swap3A_1273 = tpu.vector_load %arg14[%swap3A_1271, %swap3A_1272] {strides = array<i32>} : memref<16x128xf32, #tpu.memory_space<vmem>>, vector<1x16xf32>,
      %swap3A_1274 = vector.shape_cast %swap3A_1273 : vector<1x16xf32> to vector<16xf32>
      %swap3A_1275 = vector.shape_cast %mul3A_1269 : vector<16xf32> to vector<1x16xf32>
      tpu.vector_store %arg14[%swap3A_1271, %swap3A_1272], %swap3A_1275 {strides = array<i32>} : memref<16x128xf32, #tpu.memory_space<vmem>>, vector<1x16xf32>,
      %get3A_1276 = arith.constant 11 : i32
      %get3A_1277 = arith.index_cast %get3A_1276 : i32 to index
      %get3A_1278 = arith.constant 96 : index
      %get3A_1279 = tpu.vector_load %arg14[%get3A_1277, %get3A_1278] {strides = array<i32>} : memref<16x128xf32, #tpu.memory_space<vmem>>, vector<1x16xf32>,
      %get3A_1280 = vector.shape_cast %get3A_1279 : vector<1x16xf32> to vector<16xf32>
      %mul3A_1281 = arith.mulf %get3A_1280, %broadcast_in_dim3A_1203 : vector<16xf32>
      %swap3A_1282 = arith.constant 11 : i32
      %swap3A_1283 = arith.index_cast %swap3A_1282 : i32 to index
      %swap3A_1284 = arith.constant 96 : index
      %swap3A_1285 = tpu.vector_load %arg14[%swap3A_1283, %swap3A_1284] {strides = array<i32>} : memref<16x128xf32, #tpu.memory_space<vmem>>, vector<1x16xf32>,
      %swap3A_1286 = vector.shape_cast %swap3A_1285 : vector<1x16xf32> to vector<16xf32>
      %swap3A_1287 = vector.shape_cast %mul3A_1281 : vector<16xf32> to vector<1x16xf32>
      tpu.vector_store %arg14[%swap3A_1283, %swap3A_1284], %swap3A_1287 {strides = array<i32>} : memref<16x128xf32, #tpu.memory_space<vmem>>, vector<1x16xf32>,
      %get3A_1288 = arith.constant 11 : i32
      %get3A_1289 = arith.index_cast %get3A_1288 : i32 to index
      %get3A_1290 = arith.constant 112 : index
      %get3A_1291 = tpu.vector_load %arg14[%get3A_1289, %get3A_1290] {strides = array<i32>} : memref<16x128xf32, #tpu.memory_space<vmem>>, vector<1x16xf32>,
      %get3A_1292 = vector.shape_cast %get3A_1291 : vector<1x16xf32> to vector<16xf32>
      %mul3A_1293 = arith.mulf %get3A_1292, %broadcast_in_dim3A_1203 : vector<16xf32>
      %swap3A_1294 = arith.constant 11 : i32
      %swap3A_1295 = arith.index_cast %swap3A_1294 : i32 to index
      %swap3A_1296 = arith.constant 112 : index
      %swap3A_1297 = tpu.vector_load %arg14[%swap3A_1295, %swap3A_1296] {strides = array<i32>} : memref<16x128xf32, #tpu.memory_space<vmem>>, vector<1x16xf32>,
      %swap3A_1298 = vector.shape_cast %swap3A_1297 : vector<1x16xf32> to vector<16xf32>
      %swap3A_1299 = vector.shape_cast %mul3A_1293 : vector<16xf32> to vector<1x16xf32>
      tpu.vector_store %arg14[%swap3A_1295, %swap3A_1296], %swap3A_1299 {strides = array<i32>} : memref<16x128xf32, #tpu.memory_space<vmem>>, vector<1x16xf32>,
      %slice3A_1300 = vector.extract_strided_slice %get3A_115 {offsets = [12], sizes = [1], strides = [1]} : vector<16xf32> to vector<1xf32>
      %squeeze3A_1301 = vector.extract %slice3A_1300[0] : f32 from vector<1xf32>
      %broadcast_in_dim3A_1302 = vector.broadcast %squeeze3A_1301 : f32 to vector<16xf32>
      %get3A_1303 = arith.constant 12 : i32
      %get3A_1304 = arith.index_cast %get3A_1303 : i32 to index
      %get3A_1305 = arith.constant 0 : index
      %get3A_1306 = tpu.vector_load %arg14[%get3A_1304, %get3A_1305] {strides = array<i32>} : memref<16x128xf32, #tpu.memory_space<vmem>>, vector<1x16xf32>,
      %get3A_1307 = vector.shape_cast %get3A_1306 : vector<1x16xf32> to vector<16xf32>
      %mul3A_1308 = arith.mulf %get3A_1307, %broadcast_in_dim3A_1302 : vector<16xf32>
      %swap3A_1309 = arith.constant 12 : i32
      %swap3A_1310 = arith.index_cast %swap3A_1309 : i32 to index
      %swap3A_1311 = arith.constant 0 : index
      %swap3A_1312 = tpu.vector_load %arg14[%swap3A_1310, %swap3A_1311] {strides = array<i32>} : memref<16x128xf32, #tpu.memory_space<vmem>>, vector<1x16xf32>,
      %swap3A_1313 = vector.shape_cast %swap3A_1312 : vector<1x16xf32> to vector<16xf32>
      %swap3A_1314 = vector.shape_cast %mul3A_1308 : vector<16xf32> to vector<1x16xf32>
      tpu.vector_store %arg14[%swap3A_1310, %swap3A_1311], %swap3A_1314 {strides = array<i32>} : memref<16x128xf32, #tpu.memory_space<vmem>>, vector<1x16xf32>,
      %get3A_1315 = arith.constant 12 : i32
      %get3A_1316 = arith.index_cast %get3A_1315 : i32 to index
      %get3A_1317 = arith.constant 16 : index
      %get3A_1318 = tpu.vector_load %arg14[%get3A_1316, %get3A_1317] {strides = array<i32>} : memref<16x128xf32, #tpu.memory_space<vmem>>, vector<1x16xf32>,
      %get3A_1319 = vector.shape_cast %get3A_1318 : vector<1x16xf32> to vector<16xf32>
      %mul3A_1320 = arith.mulf %get3A_1319, %broadcast_in_dim3A_1302 : vector<16xf32>
      %swap3A_1321 = arith.constant 12 : i32
      %swap3A_1322 = arith.index_cast %swap3A_1321 : i32 to index
      %swap3A_1323 = arith.constant 16 : index
      %swap3A_1324 = tpu.vector_load %arg14[%swap3A_1322, %swap3A_1323] {strides = array<i32>} : memref<16x128xf32, #tpu.memory_space<vmem>>, vector<1x16xf32>,
      %swap3A_1325 = vector.shape_cast %swap3A_1324 : vector<1x16xf32> to vector<16xf32>
      %swap3A_1326 = vector.shape_cast %mul3A_1320 : vector<16xf32> to vector<1x16xf32>
      tpu.vector_store %arg14[%swap3A_1322, %swap3A_1323], %swap3A_1326 {strides = array<i32>} : memref<16x128xf32, #tpu.memory_space<vmem>>, vector<1x16xf32>,
      %get3A_1327 = arith.constant 12 : i32
      %get3A_1328 = arith.index_cast %get3A_1327 : i32 to index
      %get3A_1329 = arith.constant 32 : index
      %get3A_1330 = tpu.vector_load %arg14[%get3A_1328, %get3A_1329] {strides = array<i32>} : memref<16x128xf32, #tpu.memory_space<vmem>>, vector<1x16xf32>,
      %get3A_1331 = vector.shape_cast %get3A_1330 : vector<1x16xf32> to vector<16xf32>
      %mul3A_1332 = arith.mulf %get3A_1331, %broadcast_in_dim3A_1302 : vector<16xf32>
      %swap3A_1333 = arith.constant 12 : i32
      %swap3A_1334 = arith.index_cast %swap3A_1333 : i32 to index
      %swap3A_1335 = arith.constant 32 : index
      %swap3A_1336 = tpu.vector_load %arg14[%swap3A_1334, %swap3A_1335] {strides = array<i32>} : memref<16x128xf32, #tpu.memory_space<vmem>>, vector<1x16xf32>,
      %swap3A_1337 = vector.shape_cast %swap3A_1336 : vector<1x16xf32> to vector<16xf32>
      %swap3A_1338 = vector.shape_cast %mul3A_1332 : vector<16xf32> to vector<1x16xf32>
      tpu.vector_store %arg14[%swap3A_1334, %swap3A_1335], %swap3A_1338 {strides = array<i32>} : memref<16x128xf32, #tpu.memory_space<vmem>>, vector<1x16xf32>,
      %get3A_1339 = arith.constant 12 : i32
      %get3A_1340 = arith.index_cast %get3A_1339 : i32 to index
      %get3A_1341 = arith.constant 48 : index
      %get3A_1342 = tpu.vector_load %arg14[%get3A_1340, %get3A_1341] {strides = array<i32>} : memref<16x128xf32, #tpu.memory_space<vmem>>, vector<1x16xf32>,
      %get3A_1343 = vector.shape_cast %get3A_1342 : vector<1x16xf32> to vector<16xf32>
      %mul3A_1344 = arith.mulf %get3A_1343, %broadcast_in_dim3A_1302 : vector<16xf32>
      %swap3A_1345 = arith.constant 12 : i32
      %swap3A_1346 = arith.index_cast %swap3A_1345 : i32 to index
      %swap3A_1347 = arith.constant 48 : index
      %swap3A_1348 = tpu.vector_load %arg14[%swap3A_1346, %swap3A_1347] {strides = array<i32>} : memref<16x128xf32, #tpu.memory_space<vmem>>, vector<1x16xf32>,
      %swap3A_1349 = vector.shape_cast %swap3A_1348 : vector<1x16xf32> to vector<16xf32>
      %swap3A_1350 = vector.shape_cast %mul3A_1344 : vector<16xf32> to vector<1x16xf32>
      tpu.vector_store %arg14[%swap3A_1346, %swap3A_1347], %swap3A_1350 {strides = array<i32>} : memref<16x128xf32, #tpu.memory_space<vmem>>, vector<1x16xf32>,
      %get3A_1351 = arith.constant 12 : i32
      %get3A_1352 = arith.index_cast %get3A_1351 : i32 to index
      %get3A_1353 = arith.constant 64 : index
      %get3A_1354 = tpu.vector_load %arg14[%get3A_1352, %get3A_1353] {strides = array<i32>} : memref<16x128xf32, #tpu.memory_space<vmem>>, vector<1x16xf32>,
      %get3A_1355 = vector.shape_cast %get3A_1354 : vector<1x16xf32> to vector<16xf32>
      %mul3A_1356 = arith.mulf %get3A_1355, %broadcast_in_dim3A_1302 : vector<16xf32>
      %swap3A_1357 = arith.constant 12 : i32
      %swap3A_1358 = arith.index_cast %swap3A_1357 : i32 to index
      %swap3A_1359 = arith.constant 64 : index
      %swap3A_1360 = tpu.vector_load %arg14[%swap3A_1358, %swap3A_1359] {strides = array<i32>} : memref<16x128xf32, #tpu.memory_space<vmem>>, vector<1x16xf32>,
      %swap3A_1361 = vector.shape_cast %swap3A_1360 : vector<1x16xf32> to vector<16xf32>
      %swap3A_1362 = vector.shape_cast %mul3A_1356 : vector<16xf32> to vector<1x16xf32>
      tpu.vector_store %arg14[%swap3A_1358, %swap3A_1359], %swap3A_1362 {strides = array<i32>} : memref<16x128xf32, #tpu.memory_space<vmem>>, vector<1x16xf32>,
      %get3A_1363 = arith.constant 12 : i32
      %get3A_1364 = arith.index_cast %get3A_1363 : i32 to index
      %get3A_1365 = arith.constant 80 : index
      %get3A_1366 = tpu.vector_load %arg14[%get3A_1364, %get3A_1365] {strides = array<i32>} : memref<16x128xf32, #tpu.memory_space<vmem>>, vector<1x16xf32>,
      %get3A_1367 = vector.shape_cast %get3A_1366 : vector<1x16xf32> to vector<16xf32>
      %mul3A_1368 = arith.mulf %get3A_1367, %broadcast_in_dim3A_1302 : vector<16xf32>
      %swap3A_1369 = arith.constant 12 : i32
      %swap3A_1370 = arith.index_cast %swap3A_1369 : i32 to index
      %swap3A_1371 = arith.constant 80 : index
      %swap3A_1372 = tpu.vector_load %arg14[%swap3A_1370, %swap3A_1371] {strides = array<i32>} : memref<16x128xf32, #tpu.memory_space<vmem>>, vector<1x16xf32>,
      %swap3A_1373 = vector.shape_cast %swap3A_1372 : vector<1x16xf32> to vector<16xf32>
      %swap3A_1374 = vector.shape_cast %mul3A_1368 : vector<16xf32> to vector<1x16xf32>
      tpu.vector_store %arg14[%swap3A_1370, %swap3A_1371], %swap3A_1374 {strides = array<i32>} : memref<16x128xf32, #tpu.memory_space<vmem>>, vector<1x16xf32>,
      %get3A_1375 = arith.constant 12 : i32
      %get3A_1376 = arith.index_cast %get3A_1375 : i32 to index
      %get3A_1377 = arith.constant 96 : index
      %get3A_1378 = tpu.vector_load %arg14[%get3A_1376, %get3A_1377] {strides = array<i32>} : memref<16x128xf32, #tpu.memory_space<vmem>>, vector<1x16xf32>,
      %get3A_1379 = vector.shape_cast %get3A_1378 : vector<1x16xf32> to vector<16xf32>
      %mul3A_1380 = arith.mulf %get3A_1379, %broadcast_in_dim3A_1302 : vector<16xf32>
      %swap3A_1381 = arith.constant 12 : i32
      %swap3A_1382 = arith.index_cast %swap3A_1381 : i32 to index
      %swap3A_1383 = arith.constant 96 : index
      %swap3A_1384 = tpu.vector_load %arg14[%swap3A_1382, %swap3A_1383] {strides = array<i32>} : memref<16x128xf32, #tpu.memory_space<vmem>>, vector<1x16xf32>,
      %swap3A_1385 = vector.shape_cast %swap3A_1384 : vector<1x16xf32> to vector<16xf32>
      %swap3A_1386 = vector.shape_cast %mul3A_1380 : vector<16xf32> to vector<1x16xf32>
      tpu.vector_store %arg14[%swap3A_1382, %swap3A_1383], %swap3A_1386 {strides = array<i32>} : memref<16x128xf32, #tpu.memory_space<vmem>>, vector<1x16xf32>,
      %get3A_1387 = arith.constant 12 : i32
      %get3A_1388 = arith.index_cast %get3A_1387 : i32 to index
      %get3A_1389 = arith.constant 112 : index
      %get3A_1390 = tpu.vector_load %arg14[%get3A_1388, %get3A_1389] {strides = array<i32>} : memref<16x128xf32, #tpu.memory_space<vmem>>, vector<1x16xf32>,
      %get3A_1391 = vector.shape_cast %get3A_1390 : vector<1x16xf32> to vector<16xf32>
      %mul3A_1392 = arith.mulf %get3A_1391, %broadcast_in_dim3A_1302 : vector<16xf32>
      %swap3A_1393 = arith.constant 12 : i32
      %swap3A_1394 = arith.index_cast %swap3A_1393 : i32 to index
      %swap3A_1395 = arith.constant 112 : index
      %swap3A_1396 = tpu.vector_load %arg14[%swap3A_1394, %swap3A_1395] {strides = array<i32>} : memref<16x128xf32, #tpu.memory_space<vmem>>, vector<1x16xf32>,
      %swap3A_1397 = vector.shape_cast %swap3A_1396 : vector<1x16xf32> to vector<16xf32>
      %swap3A_1398 = vector.shape_cast %mul3A_1392 : vector<16xf32> to vector<1x16xf32>
      tpu.vector_store %arg14[%swap3A_1394, %swap3A_1395], %swap3A_1398 {strides = array<i32>} : memref<16x128xf32, #tpu.memory_space<vmem>>, vector<1x16xf32>,
      %slice3A_1399 = vector.extract_strided_slice %get3A_115 {offsets = [13], sizes = [1], strides = [1]} : vector<16xf32> to vector<1xf32>
      %squeeze3A_1400 = vector.extract %slice3A_1399[0] : f32 from vector<1xf32>
      %broadcast_in_dim3A_1401 = vector.broadcast %squeeze3A_1400 : f32 to vector<16xf32>
      %get3A_1402 = arith.constant 13 : i32
      %get3A_1403 = arith.index_cast %get3A_1402 : i32 to index
      %get3A_1404 = arith.constant 0 : index
      %get3A_1405 = tpu.vector_load %arg14[%get3A_1403, %get3A_1404] {strides = array<i32>} : memref<16x128xf32, #tpu.memory_space<vmem>>, vector<1x16xf32>,
      %get3A_1406 = vector.shape_cast %get3A_1405 : vector<1x16xf32> to vector<16xf32>
      %mul3A_1407 = arith.mulf %get3A_1406, %broadcast_in_dim3A_1401 : vector<16xf32>
      %swap3A_1408 = arith.constant 13 : i32
      %swap3A_1409 = arith.index_cast %swap3A_1408 : i32 to index
      %swap3A_1410 = arith.constant 0 : index
      %swap3A_1411 = tpu.vector_load %arg14[%swap3A_1409, %swap3A_1410] {strides = array<i32>} : memref<16x128xf32, #tpu.memory_space<vmem>>, vector<1x16xf32>,
      %swap3A_1412 = vector.shape_cast %swap3A_1411 : vector<1x16xf32> to vector<16xf32>
      %swap3A_1413 = vector.shape_cast %mul3A_1407 : vector<16xf32> to vector<1x16xf32>
      tpu.vector_store %arg14[%swap3A_1409, %swap3A_1410], %swap3A_1413 {strides = array<i32>} : memref<16x128xf32, #tpu.memory_space<vmem>>, vector<1x16xf32>,
      %get3A_1414 = arith.constant 13 : i32
      %get3A_1415 = arith.index_cast %get3A_1414 : i32 to index
      %get3A_1416 = arith.constant 16 : index
      %get3A_1417 = tpu.vector_load %arg14[%get3A_1415, %get3A_1416] {strides = array<i32>} : memref<16x128xf32, #tpu.memory_space<vmem>>, vector<1x16xf32>,
      %get3A_1418 = vector.shape_cast %get3A_1417 : vector<1x16xf32> to vector<16xf32>
      %mul3A_1419 = arith.mulf %get3A_1418, %broadcast_in_dim3A_1401 : vector<16xf32>
      %swap3A_1420 = arith.constant 13 : i32
      %swap3A_1421 = arith.index_cast %swap3A_1420 : i32 to index
      %swap3A_1422 = arith.constant 16 : index
      %swap3A_1423 = tpu.vector_load %arg14[%swap3A_1421, %swap3A_1422] {strides = array<i32>} : memref<16x128xf32, #tpu.memory_space<vmem>>, vector<1x16xf32>,
      %swap3A_1424 = vector.shape_cast %swap3A_1423 : vector<1x16xf32> to vector<16xf32>
      %swap3A_1425 = vector.shape_cast %mul3A_1419 : vector<16xf32> to vector<1x16xf32>
      tpu.vector_store %arg14[%swap3A_1421, %swap3A_1422], %swap3A_1425 {strides = array<i32>} : memref<16x128xf32, #tpu.memory_space<vmem>>, vector<1x16xf32>,
      %get3A_1426 = arith.constant 13 : i32
      %get3A_1427 = arith.index_cast %get3A_1426 : i32 to index
      %get3A_1428 = arith.constant 32 : index
      %get3A_1429 = tpu.vector_load %arg14[%get3A_1427, %get3A_1428] {strides = array<i32>} : memref<16x128xf32, #tpu.memory_space<vmem>>, vector<1x16xf32>,
      %get3A_1430 = vector.shape_cast %get3A_1429 : vector<1x16xf32> to vector<16xf32>
      %mul3A_1431 = arith.mulf %get3A_1430, %broadcast_in_dim3A_1401 : vector<16xf32>
      %swap3A_1432 = arith.constant 13 : i32
      %swap3A_1433 = arith.index_cast %swap3A_1432 : i32 to index
      %swap3A_1434 = arith.constant 32 : index
      %swap3A_1435 = tpu.vector_load %arg14[%swap3A_1433, %swap3A_1434] {strides = array<i32>} : memref<16x128xf32, #tpu.memory_space<vmem>>, vector<1x16xf32>,
      %swap3A_1436 = vector.shape_cast %swap3A_1435 : vector<1x16xf32> to vector<16xf32>
      %swap3A_1437 = vector.shape_cast %mul3A_1431 : vector<16xf32> to vector<1x16xf32>
      tpu.vector_store %arg14[%swap3A_1433, %swap3A_1434], %swap3A_1437 {strides = array<i32>} : memref<16x128xf32, #tpu.memory_space<vmem>>, vector<1x16xf32>,
      %get3A_1438 = arith.constant 13 : i32
      %get3A_1439 = arith.index_cast %get3A_1438 : i32 to index
      %get3A_1440 = arith.constant 48 : index
      %get3A_1441 = tpu.vector_load %arg14[%get3A_1439, %get3A_1440] {strides = array<i32>} : memref<16x128xf32, #tpu.memory_space<vmem>>, vector<1x16xf32>,
      %get3A_1442 = vector.shape_cast %get3A_1441 : vector<1x16xf32> to vector<16xf32>
      %mul3A_1443 = arith.mulf %get3A_1442, %broadcast_in_dim3A_1401 : vector<16xf32>
      %swap3A_1444 = arith.constant 13 : i32
      %swap3A_1445 = arith.index_cast %swap3A_1444 : i32 to index
      %swap3A_1446 = arith.constant 48 : index
      %swap3A_1447 = tpu.vector_load %arg14[%swap3A_1445, %swap3A_1446] {strides = array<i32>} : memref<16x128xf32, #tpu.memory_space<vmem>>, vector<1x16xf32>,
      %swap3A_1448 = vector.shape_cast %swap3A_1447 : vector<1x16xf32> to vector<16xf32>
      %swap3A_1449 = vector.shape_cast %mul3A_1443 : vector<16xf32> to vector<1x16xf32>
      tpu.vector_store %arg14[%swap3A_1445, %swap3A_1446], %swap3A_1449 {strides = array<i32>} : memref<16x128xf32, #tpu.memory_space<vmem>>, vector<1x16xf32>,
      %get3A_1450 = arith.constant 13 : i32
      %get3A_1451 = arith.index_cast %get3A_1450 : i32 to index
      %get3A_1452 = arith.constant 64 : index
      %get3A_1453 = tpu.vector_load %arg14[%get3A_1451, %get3A_1452] {strides = array<i32>} : memref<16x128xf32, #tpu.memory_space<vmem>>, vector<1x16xf32>,
      %get3A_1454 = vector.shape_cast %get3A_1453 : vector<1x16xf32> to vector<16xf32>
      %mul3A_1455 = arith.mulf %get3A_1454, %broadcast_in_dim3A_1401 : vector<16xf32>
      %swap3A_1456 = arith.constant 13 : i32
      %swap3A_1457 = arith.index_cast %swap3A_1456 : i32 to index
      %swap3A_1458 = arith.constant 64 : index
      %swap3A_1459 = tpu.vector_load %arg14[%swap3A_1457, %swap3A_1458] {strides = array<i32>} : memref<16x128xf32, #tpu.memory_space<vmem>>, vector<1x16xf32>,
      %swap3A_1460 = vector.shape_cast %swap3A_1459 : vector<1x16xf32> to vector<16xf32>
      %swap3A_1461 = vector.shape_cast %mul3A_1455 : vector<16xf32> to vector<1x16xf32>
      tpu.vector_store %arg14[%swap3A_1457, %swap3A_1458], %swap3A_1461 {strides = array<i32>} : memref<16x128xf32, #tpu.memory_space<vmem>>, vector<1x16xf32>,
      %get3A_1462 = arith.constant 13 : i32
      %get3A_1463 = arith.index_cast %get3A_1462 : i32 to index
      %get3A_1464 = arith.constant 80 : index
      %get3A_1465 = tpu.vector_load %arg14[%get3A_1463, %get3A_1464] {strides = array<i32>} : memref<16x128xf32, #tpu.memory_space<vmem>>, vector<1x16xf32>,
      %get3A_1466 = vector.shape_cast %get3A_1465 : vector<1x16xf32> to vector<16xf32>
      %mul3A_1467 = arith.mulf %get3A_1466, %broadcast_in_dim3A_1401 : vector<16xf32>
      %swap3A_1468 = arith.constant 13 : i32
      %swap3A_1469 = arith.index_cast %swap3A_1468 : i32 to index
      %swap3A_1470 = arith.constant 80 : index
      %swap3A_1471 = tpu.vector_load %arg14[%swap3A_1469, %swap3A_1470] {strides = array<i32>} : memref<16x128xf32, #tpu.memory_space<vmem>>, vector<1x16xf32>,
      %swap3A_1472 = vector.shape_cast %swap3A_1471 : vector<1x16xf32> to vector<16xf32>
      %swap3A_1473 = vector.shape_cast %mul3A_1467 : vector<16xf32> to vector<1x16xf32>
      tpu.vector_store %arg14[%swap3A_1469, %swap3A_1470], %swap3A_1473 {strides = array<i32>} : memref<16x128xf32, #tpu.memory_space<vmem>>, vector<1x16xf32>,
      %get3A_1474 = arith.constant 13 : i32
      %get3A_1475 = arith.index_cast %get3A_1474 : i32 to index
      %get3A_1476 = arith.constant 96 : index
      %get3A_1477 = tpu.vector_load %arg14[%get3A_1475, %get3A_1476] {strides = array<i32>} : memref<16x128xf32, #tpu.memory_space<vmem>>, vector<1x16xf32>,
      %get3A_1478 = vector.shape_cast %get3A_1477 : vector<1x16xf32> to vector<16xf32>
      %mul3A_1479 = arith.mulf %get3A_1478, %broadcast_in_dim3A_1401 : vector<16xf32>
      %swap3A_1480 = arith.constant 13 : i32
      %swap3A_1481 = arith.index_cast %swap3A_1480 : i32 to index
      %swap3A_1482 = arith.constant 96 : index
      %swap3A_1483 = tpu.vector_load %arg14[%swap3A_1481, %swap3A_1482] {strides = array<i32>} : memref<16x128xf32, #tpu.memory_space<vmem>>, vector<1x16xf32>,
      %swap3A_1484 = vector.shape_cast %swap3A_1483 : vector<1x16xf32> to vector<16xf32>
      %swap3A_1485 = vector.shape_cast %mul3A_1479 : vector<16xf32> to vector<1x16xf32>
      tpu.vector_store %arg14[%swap3A_1481, %swap3A_1482], %swap3A_1485 {strides = array<i32>} : memref<16x128xf32, #tpu.memory_space<vmem>>, vector<1x16xf32>,
      %get3A_1486 = arith.constant 13 : i32
      %get3A_1487 = arith.index_cast %get3A_1486 : i32 to index
      %get3A_1488 = arith.constant 112 : index
      %get3A_1489 = tpu.vector_load %arg14[%get3A_1487, %get3A_1488] {strides = array<i32>} : memref<16x128xf32, #tpu.memory_space<vmem>>, vector<1x16xf32>,
      %get3A_1490 = vector.shape_cast %get3A_1489 : vector<1x16xf32> to vector<16xf32>
      %mul3A_1491 = arith.mulf %get3A_1490, %broadcast_in_dim3A_1401 : vector<16xf32>
      %swap3A_1492 = arith.constant 13 : i32
      %swap3A_1493 = arith.index_cast %swap3A_1492 : i32 to index
      %swap3A_1494 = arith.constant 112 : index
      %swap3A_1495 = tpu.vector_load %arg14[%swap3A_1493, %swap3A_1494] {strides = array<i32>} : memref<16x128xf32, #tpu.memory_space<vmem>>, vector<1x16xf32>,
      %swap3A_1496 = vector.shape_cast %swap3A_1495 : vector<1x16xf32> to vector<16xf32>
      %swap3A_1497 = vector.shape_cast %mul3A_1491 : vector<16xf32> to vector<1x16xf32>
      tpu.vector_store %arg14[%swap3A_1493, %swap3A_1494], %swap3A_1497 {strides = array<i32>} : memref<16x128xf32, #tpu.memory_space<vmem>>, vector<1x16xf32>,
      %slice3A_1498 = vector.extract_strided_slice %get3A_115 {offsets = [14], sizes = [1], strides = [1]} : vector<16xf32> to vector<1xf32>
      %squeeze3A_1499 = vector.extract %slice3A_1498[0] : f32 from vector<1xf32>
      %broadcast_in_dim3A_1500 = vector.broadcast %squeeze3A_1499 : f32 to vector<16xf32>
      %get3A_1501 = arith.constant 14 : i32
      %get3A_1502 = arith.index_cast %get3A_1501 : i32 to index
      %get3A_1503 = arith.constant 0 : index
      %get3A_1504 = tpu.vector_load %arg14[%get3A_1502, %get3A_1503] {strides = array<i32>} : memref<16x128xf32, #tpu.memory_space<vmem>>, vector<1x16xf32>,
      %get3A_1505 = vector.shape_cast %get3A_1504 : vector<1x16xf32> to vector<16xf32>
      %mul3A_1506 = arith.mulf %get3A_1505, %broadcast_in_dim3A_1500 : vector<16xf32>
      %swap3A_1507 = arith.constant 14 : i32
      %swap3A_1508 = arith.index_cast %swap3A_1507 : i32 to index
      %swap3A_1509 = arith.constant 0 : index
      %swap3A_1510 = tpu.vector_load %arg14[%swap3A_1508, %swap3A_1509] {strides = array<i32>} : memref<16x128xf32, #tpu.memory_space<vmem>>, vector<1x16xf32>,
      %swap3A_1511 = vector.shape_cast %swap3A_1510 : vector<1x16xf32> to vector<16xf32>
      %swap3A_1512 = vector.shape_cast %mul3A_1506 : vector<16xf32> to vector<1x16xf32>
      tpu.vector_store %arg14[%swap3A_1508, %swap3A_1509], %swap3A_1512 {strides = array<i32>} : memref<16x128xf32, #tpu.memory_space<vmem>>, vector<1x16xf32>,
      %get3A_1513 = arith.constant 14 : i32
      %get3A_1514 = arith.index_cast %get3A_1513 : i32 to index
      %get3A_1515 = arith.constant 16 : index
      %get3A_1516 = tpu.vector_load %arg14[%get3A_1514, %get3A_1515] {strides = array<i32>} : memref<16x128xf32, #tpu.memory_space<vmem>>, vector<1x16xf32>,
      %get3A_1517 = vector.shape_cast %get3A_1516 : vector<1x16xf32> to vector<16xf32>
      %mul3A_1518 = arith.mulf %get3A_1517, %broadcast_in_dim3A_1500 : vector<16xf32>
      %swap3A_1519 = arith.constant 14 : i32
      %swap3A_1520 = arith.index_cast %swap3A_1519 : i32 to index
      %swap3A_1521 = arith.constant 16 : index
      %swap3A_1522 = tpu.vector_load %arg14[%swap3A_1520, %swap3A_1521] {strides = array<i32>} : memref<16x128xf32, #tpu.memory_space<vmem>>, vector<1x16xf32>,
      %swap3A_1523 = vector.shape_cast %swap3A_1522 : vector<1x16xf32> to vector<16xf32>
      %swap3A_1524 = vector.shape_cast %mul3A_1518 : vector<16xf32> to vector<1x16xf32>
      tpu.vector_store %arg14[%swap3A_1520, %swap3A_1521], %swap3A_1524 {strides = array<i32>} : memref<16x128xf32, #tpu.memory_space<vmem>>, vector<1x16xf32>,
      %get3A_1525 = arith.constant 14 : i32
      %get3A_1526 = arith.index_cast %get3A_1525 : i32 to index
      %get3A_1527 = arith.constant 32 : index
      %get3A_1528 = tpu.vector_load %arg14[%get3A_1526, %get3A_1527] {strides = array<i32>} : memref<16x128xf32, #tpu.memory_space<vmem>>, vector<1x16xf32>,
      %get3A_1529 = vector.shape_cast %get3A_1528 : vector<1x16xf32> to vector<16xf32>
      %mul3A_1530 = arith.mulf %get3A_1529, %broadcast_in_dim3A_1500 : vector<16xf32>
      %swap3A_1531 = arith.constant 14 : i32
      %swap3A_1532 = arith.index_cast %swap3A_1531 : i32 to index
      %swap3A_1533 = arith.constant 32 : index
      %swap3A_1534 = tpu.vector_load %arg14[%swap3A_1532, %swap3A_1533] {strides = array<i32>} : memref<16x128xf32, #tpu.memory_space<vmem>>, vector<1x16xf32>,
      %swap3A_1535 = vector.shape_cast %swap3A_1534 : vector<1x16xf32> to vector<16xf32>
      %swap3A_1536 = vector.shape_cast %mul3A_1530 : vector<16xf32> to vector<1x16xf32>
      tpu.vector_store %arg14[%swap3A_1532, %swap3A_1533], %swap3A_1536 {strides = array<i32>} : memref<16x128xf32, #tpu.memory_space<vmem>>, vector<1x16xf32>,
      %get3A_1537 = arith.constant 14 : i32
      %get3A_1538 = arith.index_cast %get3A_1537 : i32 to index
      %get3A_1539 = arith.constant 48 : index
      %get3A_1540 = tpu.vector_load %arg14[%get3A_1538, %get3A_1539] {strides = array<i32>} : memref<16x128xf32, #tpu.memory_space<vmem>>, vector<1x16xf32>,
      %get3A_1541 = vector.shape_cast %get3A_1540 : vector<1x16xf32> to vector<16xf32>
      %mul3A_1542 = arith.mulf %get3A_1541, %broadcast_in_dim3A_1500 : vector<16xf32>
      %swap3A_1543 = arith.constant 14 : i32
      %swap3A_1544 = arith.index_cast %swap3A_1543 : i32 to index
      %swap3A_1545 = arith.constant 48 : index
      %swap3A_1546 = tpu.vector_load %arg14[%swap3A_1544, %swap3A_1545] {strides = array<i32>} : memref<16x128xf32, #tpu.memory_space<vmem>>, vector<1x16xf32>,
      %swap3A_1547 = vector.shape_cast %swap3A_1546 : vector<1x16xf32> to vector<16xf32>
      %swap3A_1548 = vector.shape_cast %mul3A_1542 : vector<16xf32> to vector<1x16xf32>
      tpu.vector_store %arg14[%swap3A_1544, %swap3A_1545], %swap3A_1548 {strides = array<i32>} : memref<16x128xf32, #tpu.memory_space<vmem>>, vector<1x16xf32>,
      %get3A_1549 = arith.constant 14 : i32
      %get3A_1550 = arith.index_cast %get3A_1549 : i32 to index
      %get3A_1551 = arith.constant 64 : index
      %get3A_1552 = tpu.vector_load %arg14[%get3A_1550, %get3A_1551] {strides = array<i32>} : memref<16x128xf32, #tpu.memory_space<vmem>>, vector<1x16xf32>,
      %get3A_1553 = vector.shape_cast %get3A_1552 : vector<1x16xf32> to vector<16xf32>
      %mul3A_1554 = arith.mulf %get3A_1553, %broadcast_in_dim3A_1500 : vector<16xf32>
      %swap3A_1555 = arith.constant 14 : i32
      %swap3A_1556 = arith.index_cast %swap3A_1555 : i32 to index
      %swap3A_1557 = arith.constant 64 : index
      %swap3A_1558 = tpu.vector_load %arg14[%swap3A_1556, %swap3A_1557] {strides = array<i32>} : memref<16x128xf32, #tpu.memory_space<vmem>>, vector<1x16xf32>,
      %swap3A_1559 = vector.shape_cast %swap3A_1558 : vector<1x16xf32> to vector<16xf32>
      %swap3A_1560 = vector.shape_cast %mul3A_1554 : vector<16xf32> to vector<1x16xf32>
      tpu.vector_store %arg14[%swap3A_1556, %swap3A_1557], %swap3A_1560 {strides = array<i32>} : memref<16x128xf32, #tpu.memory_space<vmem>>, vector<1x16xf32>,
      %get3A_1561 = arith.constant 14 : i32
      %get3A_1562 = arith.index_cast %get3A_1561 : i32 to index
      %get3A_1563 = arith.constant 80 : index
      %get3A_1564 = tpu.vector_load %arg14[%get3A_1562, %get3A_1563] {strides = array<i32>} : memref<16x128xf32, #tpu.memory_space<vmem>>, vector<1x16xf32>,
      %get3A_1565 = vector.shape_cast %get3A_1564 : vector<1x16xf32> to vector<16xf32>
      %mul3A_1566 = arith.mulf %get3A_1565, %broadcast_in_dim3A_1500 : vector<16xf32>
      %swap3A_1567 = arith.constant 14 : i32
      %swap3A_1568 = arith.index_cast %swap3A_1567 : i32 to index
      %swap3A_1569 = arith.constant 80 : index
      %swap3A_1570 = tpu.vector_load %arg14[%swap3A_1568, %swap3A_1569] {strides = array<i32>} : memref<16x128xf32, #tpu.memory_space<vmem>>, vector<1x16xf32>,
      %swap3A_1571 = vector.shape_cast %swap3A_1570 : vector<1x16xf32> to vector<16xf32>
      %swap3A_1572 = vector.shape_cast %mul3A_1566 : vector<16xf32> to vector<1x16xf32>
      tpu.vector_store %arg14[%swap3A_1568, %swap3A_1569], %swap3A_1572 {strides = array<i32>} : memref<16x128xf32, #tpu.memory_space<vmem>>, vector<1x16xf32>,
      %get3A_1573 = arith.constant 14 : i32
      %get3A_1574 = arith.index_cast %get3A_1573 : i32 to index
      %get3A_1575 = arith.constant 96 : index
      %get3A_1576 = tpu.vector_load %arg14[%get3A_1574, %get3A_1575] {strides = array<i32>} : memref<16x128xf32, #tpu.memory_space<vmem>>, vector<1x16xf32>,
      %get3A_1577 = vector.shape_cast %get3A_1576 : vector<1x16xf32> to vector<16xf32>
      %mul3A_1578 = arith.mulf %get3A_1577, %broadcast_in_dim3A_1500 : vector<16xf32>
      %swap3A_1579 = arith.constant 14 : i32
      %swap3A_1580 = arith.index_cast %swap3A_1579 : i32 to index
      %swap3A_1581 = arith.constant 96 : index
      %swap3A_1582 = tpu.vector_load %arg14[%swap3A_1580, %swap3A_1581] {strides = array<i32>} : memref<16x128xf32, #tpu.memory_space<vmem>>, vector<1x16xf32>,
      %swap3A_1583 = vector.shape_cast %swap3A_1582 : vector<1x16xf32> to vector<16xf32>
      %swap3A_1584 = vector.shape_cast %mul3A_1578 : vector<16xf32> to vector<1x16xf32>
      tpu.vector_store %arg14[%swap3A_1580, %swap3A_1581], %swap3A_1584 {strides = array<i32>} : memref<16x128xf32, #tpu.memory_space<vmem>>, vector<1x16xf32>,
      %get3A_1585 = arith.constant 14 : i32
      %get3A_1586 = arith.index_cast %get3A_1585 : i32 to index
      %get3A_1587 = arith.constant 112 : index
      %get3A_1588 = tpu.vector_load %arg14[%get3A_1586, %get3A_1587] {strides = array<i32>} : memref<16x128xf32, #tpu.memory_space<vmem>>, vector<1x16xf32>,
      %get3A_1589 = vector.shape_cast %get3A_1588 : vector<1x16xf32> to vector<16xf32>
      %mul3A_1590 = arith.mulf %get3A_1589, %broadcast_in_dim3A_1500 : vector<16xf32>
      %swap3A_1591 = arith.constant 14 : i32
      %swap3A_1592 = arith.index_cast %swap3A_1591 : i32 to index
      %swap3A_1593 = arith.constant 112 : index
      %swap3A_1594 = tpu.vector_load %arg14[%swap3A_1592, %swap3A_1593] {strides = array<i32>} : memref<16x128xf32, #tpu.memory_space<vmem>>, vector<1x16xf32>,
      %swap3A_1595 = vector.shape_cast %swap3A_1594 : vector<1x16xf32> to vector<16xf32>
      %swap3A_1596 = vector.shape_cast %mul3A_1590 : vector<16xf32> to vector<1x16xf32>
      tpu.vector_store %arg14[%swap3A_1592, %swap3A_1593], %swap3A_1596 {strides = array<i32>} : memref<16x128xf32, #tpu.memory_space<vmem>>, vector<1x16xf32>,
      %slice3A_1597 = vector.extract_strided_slice %get3A_115 {offsets = [15], sizes = [1], strides = [1]} : vector<16xf32> to vector<1xf32>
      %squeeze3A_1598 = vector.extract %slice3A_1597[0] : f32 from vector<1xf32>
      %broadcast_in_dim3A_1599 = vector.broadcast %squeeze3A_1598 : f32 to vector<16xf32>
      %get3A_1600 = arith.constant 15 : i32
      %get3A_1601 = arith.index_cast %get3A_1600 : i32 to index
      %get3A_1602 = arith.constant 0 : index
      %get3A_1603 = tpu.vector_load %arg14[%get3A_1601, %get3A_1602] {strides = array<i32>} : memref<16x128xf32, #tpu.memory_space<vmem>>, vector<1x16xf32>,
      %get3A_1604 = vector.shape_cast %get3A_1603 : vector<1x16xf32> to vector<16xf32>
      %mul3A_1605 = arith.mulf %get3A_1604, %broadcast_in_dim3A_1599 : vector<16xf32>
      %swap3A_1606 = arith.constant 15 : i32
      %swap3A_1607 = arith.index_cast %swap3A_1606 : i32 to index
      %swap3A_1608 = arith.constant 0 : index
      %swap3A_1609 = tpu.vector_load %arg14[%swap3A_1607, %swap3A_1608] {strides = array<i32>} : memref<16x128xf32, #tpu.memory_space<vmem>>, vector<1x16xf32>,
      %swap3A_1610 = vector.shape_cast %swap3A_1609 : vector<1x16xf32> to vector<16xf32>
      %swap3A_1611 = vector.shape_cast %mul3A_1605 : vector<16xf32> to vector<1x16xf32>
      tpu.vector_store %arg14[%swap3A_1607, %swap3A_1608], %swap3A_1611 {strides = array<i32>} : memref<16x128xf32, #tpu.memory_space<vmem>>, vector<1x16xf32>,
      %get3A_1612 = arith.constant 15 : i32
      %get3A_1613 = arith.index_cast %get3A_1612 : i32 to index
      %get3A_1614 = arith.constant 16 : index
      %get3A_1615 = tpu.vector_load %arg14[%get3A_1613, %get3A_1614] {strides = array<i32>} : memref<16x128xf32, #tpu.memory_space<vmem>>, vector<1x16xf32>,
      %get3A_1616 = vector.shape_cast %get3A_1615 : vector<1x16xf32> to vector<16xf32>
      %mul3A_1617 = arith.mulf %get3A_1616, %broadcast_in_dim3A_1599 : vector<16xf32>
      %swap3A_1618 = arith.constant 15 : i32
      %swap3A_1619 = arith.index_cast %swap3A_1618 : i32 to index
      %swap3A_1620 = arith.constant 16 : index
      %swap3A_1621 = tpu.vector_load %arg14[%swap3A_1619, %swap3A_1620] {strides = array<i32>} : memref<16x128xf32, #tpu.memory_space<vmem>>, vector<1x16xf32>,
      %swap3A_1622 = vector.shape_cast %swap3A_1621 : vector<1x16xf32> to vector<16xf32>
      %swap3A_1623 = vector.shape_cast %mul3A_1617 : vector<16xf32> to vector<1x16xf32>
      tpu.vector_store %arg14[%swap3A_1619, %swap3A_1620], %swap3A_1623 {strides = array<i32>} : memref<16x128xf32, #tpu.memory_space<vmem>>, vector<1x16xf32>,
      %get3A_1624 = arith.constant 15 : i32
      %get3A_1625 = arith.index_cast %get3A_1624 : i32 to index
      %get3A_1626 = arith.constant 32 : index
      %get3A_1627 = tpu.vector_load %arg14[%get3A_1625, %get3A_1626] {strides = array<i32>} : memref<16x128xf32, #tpu.memory_space<vmem>>, vector<1x16xf32>,
      %get3A_1628 = vector.shape_cast %get3A_1627 : vector<1x16xf32> to vector<16xf32>
      %mul3A_1629 = arith.mulf %get3A_1628, %broadcast_in_dim3A_1599 : vector<16xf32>
      %swap3A_1630 = arith.constant 15 : i32
      %swap3A_1631 = arith.index_cast %swap3A_1630 : i32 to index
      %swap3A_1632 = arith.constant 32 : index
      %swap3A_1633 = tpu.vector_load %arg14[%swap3A_1631, %swap3A_1632] {strides = array<i32>} : memref<16x128xf32, #tpu.memory_space<vmem>>, vector<1x16xf32>,
      %swap3A_1634 = vector.shape_cast %swap3A_1633 : vector<1x16xf32> to vector<16xf32>
      %swap3A_1635 = vector.shape_cast %mul3A_1629 : vector<16xf32> to vector<1x16xf32>
      tpu.vector_store %arg14[%swap3A_1631, %swap3A_1632], %swap3A_1635 {strides = array<i32>} : memref<16x128xf32, #tpu.memory_space<vmem>>, vector<1x16xf32>,
      %get3A_1636 = arith.constant 15 : i32
      %get3A_1637 = arith.index_cast %get3A_1636 : i32 to index
      %get3A_1638 = arith.constant 48 : index
      %get3A_1639 = tpu.vector_load %arg14[%get3A_1637, %get3A_1638] {strides = array<i32>} : memref<16x128xf32, #tpu.memory_space<vmem>>, vector<1x16xf32>,
      %get3A_1640 = vector.shape_cast %get3A_1639 : vector<1x16xf32> to vector<16xf32>
      %mul3A_1641 = arith.mulf %get3A_1640, %broadcast_in_dim3A_1599 : vector<16xf32>
      %swap3A_1642 = arith.constant 15 : i32
      %swap3A_1643 = arith.index_cast %swap3A_1642 : i32 to index
      %swap3A_1644 = arith.constant 48 : index
      %swap3A_1645 = tpu.vector_load %arg14[%swap3A_1643, %swap3A_1644] {strides = array<i32>} : memref<16x128xf32, #tpu.memory_space<vmem>>, vector<1x16xf32>,
      %swap3A_1646 = vector.shape_cast %swap3A_1645 : vector<1x16xf32> to vector<16xf32>
      %swap3A_1647 = vector.shape_cast %mul3A_1641 : vector<16xf32> to vector<1x16xf32>
      tpu.vector_store %arg14[%swap3A_1643, %swap3A_1644], %swap3A_1647 {strides = array<i32>} : memref<16x128xf32, #tpu.memory_space<vmem>>, vector<1x16xf32>,
      %get3A_1648 = arith.constant 15 : i32
      %get3A_1649 = arith.index_cast %get3A_1648 : i32 to index
      %get3A_1650 = arith.constant 64 : index
      %get3A_1651 = tpu.vector_load %arg14[%get3A_1649, %get3A_1650] {strides = array<i32>} : memref<16x128xf32, #tpu.memory_space<vmem>>, vector<1x16xf32>,
      %get3A_1652 = vector.shape_cast %get3A_1651 : vector<1x16xf32> to vector<16xf32>
      %mul3A_1653 = arith.mulf %get3A_1652, %broadcast_in_dim3A_1599 : vector<16xf32>
      %swap3A_1654 = arith.constant 15 : i32
      %swap3A_1655 = arith.index_cast %swap3A_1654 : i32 to index
      %swap3A_1656 = arith.constant 64 : index
      %swap3A_1657 = tpu.vector_load %arg14[%swap3A_1655, %swap3A_1656] {strides = array<i32>} : memref<16x128xf32, #tpu.memory_space<vmem>>, vector<1x16xf32>,
      %swap3A_1658 = vector.shape_cast %swap3A_1657 : vector<1x16xf32> to vector<16xf32>
      %swap3A_1659 = vector.shape_cast %mul3A_1653 : vector<16xf32> to vector<1x16xf32>
      tpu.vector_store %arg14[%swap3A_1655, %swap3A_1656], %swap3A_1659 {strides = array<i32>} : memref<16x128xf32, #tpu.memory_space<vmem>>, vector<1x16xf32>,
      %get3A_1660 = arith.constant 15 : i32
      %get3A_1661 = arith.index_cast %get3A_1660 : i32 to index
      %get3A_1662 = arith.constant 80 : index
      %get3A_1663 = tpu.vector_load %arg14[%get3A_1661, %get3A_1662] {strides = array<i32>} : memref<16x128xf32, #tpu.memory_space<vmem>>, vector<1x16xf32>,
      %get3A_1664 = vector.shape_cast %get3A_1663 : vector<1x16xf32> to vector<16xf32>
      %mul3A_1665 = arith.mulf %get3A_1664, %broadcast_in_dim3A_1599 : vector<16xf32>
      %swap3A_1666 = arith.constant 15 : i32
      %swap3A_1667 = arith.index_cast %swap3A_1666 : i32 to index
      %swap3A_1668 = arith.constant 80 : index
      %swap3A_1669 = tpu.vector_load %arg14[%swap3A_1667, %swap3A_1668] {strides = array<i32>} : memref<16x128xf32, #tpu.memory_space<vmem>>, vector<1x16xf32>,
      %swap3A_1670 = vector.shape_cast %swap3A_1669 : vector<1x16xf32> to vector<16xf32>
      %swap3A_1671 = vector.shape_cast %mul3A_1665 : vector<16xf32> to vector<1x16xf32>
      tpu.vector_store %arg14[%swap3A_1667, %swap3A_1668], %swap3A_1671 {strides = array<i32>} : memref<16x128xf32, #tpu.memory_space<vmem>>, vector<1x16xf32>,
      %get3A_1672 = arith.constant 15 : i32
      %get3A_1673 = arith.index_cast %get3A_1672 : i32 to index
      %get3A_1674 = arith.constant 96 : index
      %get3A_1675 = tpu.vector_load %arg14[%get3A_1673, %get3A_1674] {strides = array<i32>} : memref<16x128xf32, #tpu.memory_space<vmem>>, vector<1x16xf32>,
      %get3A_1676 = vector.shape_cast %get3A_1675 : vector<1x16xf32> to vector<16xf32>
      %mul3A_1677 = arith.mulf %get3A_1676, %broadcast_in_dim3A_1599 : vector<16xf32>
      %swap3A_1678 = arith.constant 15 : i32
      %swap3A_1679 = arith.index_cast %swap3A_1678 : i32 to index
      %swap3A_1680 = arith.constant 96 : index
      %swap3A_1681 = tpu.vector_load %arg14[%swap3A_1679, %swap3A_1680] {strides = array<i32>} : memref<16x128xf32, #tpu.memory_space<vmem>>, vector<1x16xf32>,
      %swap3A_1682 = vector.shape_cast %swap3A_1681 : vector<1x16xf32> to vector<16xf32>
      %swap3A_1683 = vector.shape_cast %mul3A_1677 : vector<16xf32> to vector<1x16xf32>
      tpu.vector_store %arg14[%swap3A_1679, %swap3A_1680], %swap3A_1683 {strides = array<i32>} : memref<16x128xf32, #tpu.memory_space<vmem>>, vector<1x16xf32>,
      %get3A_1684 = arith.constant 15 : i32
      %get3A_1685 = arith.index_cast %get3A_1684 : i32 to index
      %get3A_1686 = arith.constant 112 : index
      %get3A_1687 = tpu.vector_load %arg14[%get3A_1685, %get3A_1686] {strides = array<i32>} : memref<16x128xf32, #tpu.memory_space<vmem>>, vector<1x16xf32>,
      %get3A_1688 = vector.shape_cast %get3A_1687 : vector<1x16xf32> to vector<16xf32>
      %mul3A_1689 = arith.mulf %get3A_1688, %broadcast_in_dim3A_1599 : vector<16xf32>
      %swap3A_1690 = arith.constant 15 : i32
      %swap3A_1691 = arith.index_cast %swap3A_1690 : i32 to index
      %swap3A_1692 = arith.constant 112 : index
      %swap3A_1693 = tpu.vector_load %arg14[%swap3A_1691, %swap3A_1692] {strides = array<i32>} : memref<16x128xf32, #tpu.memory_space<vmem>>, vector<1x16xf32>,
      %swap3A_1694 = vector.shape_cast %swap3A_1693 : vector<1x16xf32> to vector<16xf32>
      %swap3A_1695 = vector.shape_cast %mul3A_1689 : vector<16xf32> to vector<1x16xf32>
      tpu.vector_store %arg14[%swap3A_1691, %swap3A_1692], %swap3A_1695 {strides = array<i32>} : memref<16x128xf32, #tpu.memory_space<vmem>>, vector<1x16xf32>,
      "tpu.region"() ({
        %run_scoped3A = tpu.sem_alloc : memref<!tpu.dma_semaphore, #tpu.memory_space<semaphore_mem>>
        %dma_start3A = arith.constant 0 : i32
        %dma_start3A_1696 = tpu.memref_slice %arg8[%add3A_111, %dma_start3A] : memref<10000x128xf32, #tpu.memory_space<hbm>> -> memref<16x128xf32, #tpu.memory_space<hbm>>
        %dma_start3A_1697 = arith.constant 0 : i32
        %dma_start3A_1698 = tpu.memref_slice %arg8[%add3A_111, %dma_start3A_1697] : memref<10000x128xf32, #tpu.memory_space<hbm>> -> memref<16x128xf32, #tpu.memory_space<hbm>>
        tpu.enqueue_dma source(%arg14 : memref<16x128xf32, #tpu.memory_space<vmem>>) target(%dma_start3A_1698 : memref<16x128xf32, #tpu.memory_space<hbm>>) target_semaphore(%run_scoped3A : memref<!tpu.dma_semaphore, #tpu.memory_space<semaphore_mem>>)
        %dma_wait3A = arith.constant 0 : i32
        %dma_wait3A_1699 = tpu.memref_slice %arg8[%add3A_111, %dma_wait3A] : memref<10000x128xf32, #tpu.memory_space<hbm>> -> memref<16x128xf32, #tpu.memory_space<hbm>>
        %dma_wait3A_1700 = arith.constant 0 : i32
        %dma_wait3A_1701 = tpu.memref_slice %arg8[%add3A_111, %dma_wait3A_1700] : memref<10000x128xf32, #tpu.memory_space<hbm>> -> memref<16x128xf32, #tpu.memory_space<hbm>>
        tpu.wait_dma2 semaphore(%run_scoped3A : memref<!tpu.dma_semaphore, #tpu.memory_space<semaphore_mem>>) src(%arg14 : memref<16x128xf32, #tpu.memory_space<vmem>>) dst(%dma_wait3A_1701 : memref<16x128xf32, #tpu.memory_space<hbm>>)
        tpu.yield
      }) : () -> ()
    }
    %while3A_78 = arith.constant 1 : i32
    scf.for %while3A_106 = %while3A_76 to %while3A_72 step %while3A_78  : i32 {
      %mul3A_107 = arith.muli %while3A_106, %while3A : i32
      %add3A_108 = arith.addi %while3A_69, %mul3A_107 : i32
      %mul3A_109 = arith.constant 16 : i32
      %mul3A_110 = arith.muli %add3A_108, %mul3A_109 : i32
      %add3A_111 = arith.addi %mul3A_2, %mul3A_110 : i32
      "tpu.region"() ({
        %run_scoped3A = tpu.sem_alloc : memref<!tpu.dma_semaphore, #tpu.memory_space<semaphore_mem>>
        %dma_start3A = arith.constant 0 : i32
        %dma_start3A_1696 = tpu.memref_slice %arg2[%add3A_111, %dma_start3A] : memref<10000x128xf32, #tpu.memory_space<hbm>> -> memref<16x128xf32, #tpu.memory_space<hbm>>
        %dma_start3A_1697 = arith.constant 0 : i32
        %dma_start3A_1698 = tpu.memref_slice %arg2[%add3A_111, %dma_start3A_1697] : memref<10000x128xf32, #tpu.memory_space<hbm>> -> memref<16x128xf32, #tpu.memory_space<hbm>>
        tpu.enqueue_dma source(%dma_start3A_1698 : memref<16x128xf32, #tpu.memory_space<hbm>>) target(%arg14 : memref<16x128xf32, #tpu.memory_space<vmem>>) target_semaphore(%run_scoped3A : memref<!tpu.dma_semaphore, #tpu.memory_space<semaphore_mem>>)
        %dma_wait3A = arith.constant 0 : i32
        %dma_wait3A_1699 = tpu.memref_slice %arg2[%add3A_111, %dma_wait3A] : memref<10000x128xf32, #tpu.memory_space<hbm>> -> memref<16x128xf32, #tpu.memory_space<hbm>>
        %dma_wait3A_1700 = arith.constant 0 : i32
        %dma_wait3A_1701 = tpu.memref_slice %arg2[%add3A_111, %dma_wait3A_1700] : memref<10000x128xf32, #tpu.memory_space<hbm>> -> memref<16x128xf32, #tpu.memory_space<hbm>>
        tpu.wait_dma2 semaphore(%run_scoped3A : memref<!tpu.dma_semaphore, #tpu.memory_space<semaphore_mem>>) src(%dma_wait3A_1701 : memref<16x128xf32, #tpu.memory_space<hbm>>) dst(%arg14 : memref<16x128xf32, #tpu.memory_space<vmem>>)
        tpu.yield
      }) : () -> ()
      %mul3A_112 = arith.constant 16 : i32
      %mul3A_113 = arith.muli %add3A_108, %mul3A_112 : i32
      %get3A = arith.index_cast %mul3A_113 : i32 to index
      %get3A_114 = tpu.vector_load %arg16[%get3A] {strides = array<i32>} : memref<640xf32, #tpu.memory_space<vmem>>, vector<16xf32>,
      %get3A_115 = vector.shape_cast %get3A_114 : vector<16xf32> to vector<16xf32>
      %slice3A = vector.extract_strided_slice %get3A_115 {offsets = [0], sizes = [1], strides = [1]} : vector<16xf32> to vector<1xf32>
      %squeeze3A = vector.extract %slice3A[0] : f32 from vector<1xf32>
      %broadcast_in_dim3A = vector.broadcast %squeeze3A : f32 to vector<16xf32>
      %get3A_116 = arith.constant 0 : i32
      %get3A_117 = arith.index_cast %get3A_116 : i32 to index
      %get3A_118 = arith.constant 0 : index
      %get3A_119 = tpu.vector_load %arg14[%get3A_117, %get3A_118] {strides = array<i32>} : memref<16x128xf32, #tpu.memory_space<vmem>>, vector<1x16xf32>,
      %get3A_120 = vector.shape_cast %get3A_119 : vector<1x16xf32> to vector<16xf32>
      %mul3A_121 = arith.mulf %get3A_120, %broadcast_in_dim3A : vector<16xf32>
      %swap3A = arith.constant 0 : i32
      %swap3A_122 = arith.index_cast %swap3A : i32 to index
      %swap3A_123 = arith.constant 0 : index
      %swap3A_124 = tpu.vector_load %arg14[%swap3A_122, %swap3A_123] {strides = array<i32>} : memref<16x128xf32, #tpu.memory_space<vmem>>, vector<1x16xf32>,
      %swap3A_125 = vector.shape_cast %swap3A_124 : vector<1x16xf32> to vector<16xf32>
      %swap3A_126 = vector.shape_cast %mul3A_121 : vector<16xf32> to vector<1x16xf32>
      tpu.vector_store %arg14[%swap3A_122, %swap3A_123], %swap3A_126 {strides = array<i32>} : memref<16x128xf32, #tpu.memory_space<vmem>>, vector<1x16xf32>,
      %get3A_127 = arith.constant 0 : i32
      %get3A_128 = arith.index_cast %get3A_127 : i32 to index
      %get3A_129 = arith.constant 16 : index
      %get3A_130 = tpu.vector_load %arg14[%get3A_128, %get3A_129] {strides = array<i32>} : memref<16x128xf32, #tpu.memory_space<vmem>>, vector<1x16xf32>,
      %get3A_131 = vector.shape_cast %get3A_130 : vector<1x16xf32> to vector<16xf32>
      %mul3A_132 = arith.mulf %get3A_131, %broadcast_in_dim3A : vector<16xf32>
      %swap3A_133 = arith.constant 0 : i32
      %swap3A_134 = arith.index_cast %swap3A_133 : i32 to index
      %swap3A_135 = arith.constant 16 : index
      %swap3A_136 = tpu.vector_load %arg14[%swap3A_134, %swap3A_135] {strides = array<i32>} : memref<16x128xf32, #tpu.memory_space<vmem>>, vector<1x16xf32>,
      %swap3A_137 = vector.shape_cast %swap3A_136 : vector<1x16xf32> to vector<16xf32>
      %swap3A_138 = vector.shape_cast %mul3A_132 : vector<16xf32> to vector<1x16xf32>
      tpu.vector_store %arg14[%swap3A_134, %swap3A_135], %swap3A_138 {strides = array<i32>} : memref<16x128xf32, #tpu.memory_space<vmem>>, vector<1x16xf32>,
      %get3A_139 = arith.constant 0 : i32
      %get3A_140 = arith.index_cast %get3A_139 : i32 to index
      %get3A_141 = arith.constant 32 : index
      %get3A_142 = tpu.vector_load %arg14[%get3A_140, %get3A_141] {strides = array<i32>} : memref<16x128xf32, #tpu.memory_space<vmem>>, vector<1x16xf32>,
      %get3A_143 = vector.shape_cast %get3A_142 : vector<1x16xf32> to vector<16xf32>
      %mul3A_144 = arith.mulf %get3A_143, %broadcast_in_dim3A : vector<16xf32>
      %swap3A_145 = arith.constant 0 : i32
      %swap3A_146 = arith.index_cast %swap3A_145 : i32 to index
      %swap3A_147 = arith.constant 32 : index
      %swap3A_148 = tpu.vector_load %arg14[%swap3A_146, %swap3A_147] {strides = array<i32>} : memref<16x128xf32, #tpu.memory_space<vmem>>, vector<1x16xf32>,
      %swap3A_149 = vector.shape_cast %swap3A_148 : vector<1x16xf32> to vector<16xf32>
      %swap3A_150 = vector.shape_cast %mul3A_144 : vector<16xf32> to vector<1x16xf32>
      tpu.vector_store %arg14[%swap3A_146, %swap3A_147], %swap3A_150 {strides = array<i32>} : memref<16x128xf32, #tpu.memory_space<vmem>>, vector<1x16xf32>,
      %get3A_151 = arith.constant 0 : i32
      %get3A_152 = arith.index_cast %get3A_151 : i32 to index
      %get3A_153 = arith.constant 48 : index
      %get3A_154 = tpu.vector_load %arg14[%get3A_152, %get3A_153] {strides = array<i32>} : memref<16x128xf32, #tpu.memory_space<vmem>>, vector<1x16xf32>,
      %get3A_155 = vector.shape_cast %get3A_154 : vector<1x16xf32> to vector<16xf32>
      %mul3A_156 = arith.mulf %get3A_155, %broadcast_in_dim3A : vector<16xf32>
      %swap3A_157 = arith.constant 0 : i32
      %swap3A_158 = arith.index_cast %swap3A_157 : i32 to index
      %swap3A_159 = arith.constant 48 : index
      %swap3A_160 = tpu.vector_load %arg14[%swap3A_158, %swap3A_159] {strides = array<i32>} : memref<16x128xf32, #tpu.memory_space<vmem>>, vector<1x16xf32>,
      %swap3A_161 = vector.shape_cast %swap3A_160 : vector<1x16xf32> to vector<16xf32>
      %swap3A_162 = vector.shape_cast %mul3A_156 : vector<16xf32> to vector<1x16xf32>
      tpu.vector_store %arg14[%swap3A_158, %swap3A_159], %swap3A_162 {strides = array<i32>} : memref<16x128xf32, #tpu.memory_space<vmem>>, vector<1x16xf32>,
      %get3A_163 = arith.constant 0 : i32
      %get3A_164 = arith.index_cast %get3A_163 : i32 to index
      %get3A_165 = arith.constant 64 : index
      %get3A_166 = tpu.vector_load %arg14[%get3A_164, %get3A_165] {strides = array<i32>} : memref<16x128xf32, #tpu.memory_space<vmem>>, vector<1x16xf32>,
      %get3A_167 = vector.shape_cast %get3A_166 : vector<1x16xf32> to vector<16xf32>
      %mul3A_168 = arith.mulf %get3A_167, %broadcast_in_dim3A : vector<16xf32>
      %swap3A_169 = arith.constant 0 : i32
      %swap3A_170 = arith.index_cast %swap3A_169 : i32 to index
      %swap3A_171 = arith.constant 64 : index
      %swap3A_172 = tpu.vector_load %arg14[%swap3A_170, %swap3A_171] {strides = array<i32>} : memref<16x128xf32, #tpu.memory_space<vmem>>, vector<1x16xf32>,
      %swap3A_173 = vector.shape_cast %swap3A_172 : vector<1x16xf32> to vector<16xf32>
      %swap3A_174 = vector.shape_cast %mul3A_168 : vector<16xf32> to vector<1x16xf32>
      tpu.vector_store %arg14[%swap3A_170, %swap3A_171], %swap3A_174 {strides = array<i32>} : memref<16x128xf32, #tpu.memory_space<vmem>>, vector<1x16xf32>,
      %get3A_175 = arith.constant 0 : i32
      %get3A_176 = arith.index_cast %get3A_175 : i32 to index
      %get3A_177 = arith.constant 80 : index
      %get3A_178 = tpu.vector_load %arg14[%get3A_176, %get3A_177] {strides = array<i32>} : memref<16x128xf32, #tpu.memory_space<vmem>>, vector<1x16xf32>,
      %get3A_179 = vector.shape_cast %get3A_178 : vector<1x16xf32> to vector<16xf32>
      %mul3A_180 = arith.mulf %get3A_179, %broadcast_in_dim3A : vector<16xf32>
      %swap3A_181 = arith.constant 0 : i32
      %swap3A_182 = arith.index_cast %swap3A_181 : i32 to index
      %swap3A_183 = arith.constant 80 : index
      %swap3A_184 = tpu.vector_load %arg14[%swap3A_182, %swap3A_183] {strides = array<i32>} : memref<16x128xf32, #tpu.memory_space<vmem>>, vector<1x16xf32>,
      %swap3A_185 = vector.shape_cast %swap3A_184 : vector<1x16xf32> to vector<16xf32>
      %swap3A_186 = vector.shape_cast %mul3A_180 : vector<16xf32> to vector<1x16xf32>
      tpu.vector_store %arg14[%swap3A_182, %swap3A_183], %swap3A_186 {strides = array<i32>} : memref<16x128xf32, #tpu.memory_space<vmem>>, vector<1x16xf32>,
      %get3A_187 = arith.constant 0 : i32
      %get3A_188 = arith.index_cast %get3A_187 : i32 to index
      %get3A_189 = arith.constant 96 : index
      %get3A_190 = tpu.vector_load %arg14[%get3A_188, %get3A_189] {strides = array<i32>} : memref<16x128xf32, #tpu.memory_space<vmem>>, vector<1x16xf32>,
      %get3A_191 = vector.shape_cast %get3A_190 : vector<1x16xf32> to vector<16xf32>
      %mul3A_192 = arith.mulf %get3A_191, %broadcast_in_dim3A : vector<16xf32>
      %swap3A_193 = arith.constant 0 : i32
      %swap3A_194 = arith.index_cast %swap3A_193 : i32 to index
      %swap3A_195 = arith.constant 96 : index
      %swap3A_196 = tpu.vector_load %arg14[%swap3A_194, %swap3A_195] {strides = array<i32>} : memref<16x128xf32, #tpu.memory_space<vmem>>, vector<1x16xf32>,
      %swap3A_197 = vector.shape_cast %swap3A_196 : vector<1x16xf32> to vector<16xf32>
      %swap3A_198 = vector.shape_cast %mul3A_192 : vector<16xf32> to vector<1x16xf32>
      tpu.vector_store %arg14[%swap3A_194, %swap3A_195], %swap3A_198 {strides = array<i32>} : memref<16x128xf32, #tpu.memory_space<vmem>>, vector<1x16xf32>,
      %get3A_199 = arith.constant 0 : i32
      %get3A_200 = arith.index_cast %get3A_199 : i32 to index
      %get3A_201 = arith.constant 112 : index
      %get3A_202 = tpu.vector_load %arg14[%get3A_200, %get3A_201] {strides = array<i32>} : memref<16x128xf32, #tpu.memory_space<vmem>>, vector<1x16xf32>,
      %get3A_203 = vector.shape_cast %get3A_202 : vector<1x16xf32> to vector<16xf32>
      %mul3A_204 = arith.mulf %get3A_203, %broadcast_in_dim3A : vector<16xf32>
      %swap3A_205 = arith.constant 0 : i32
      %swap3A_206 = arith.index_cast %swap3A_205 : i32 to index
      %swap3A_207 = arith.constant 112 : index
      %swap3A_208 = tpu.vector_load %arg14[%swap3A_206, %swap3A_207] {strides = array<i32>} : memref<16x128xf32, #tpu.memory_space<vmem>>, vector<1x16xf32>,
      %swap3A_209 = vector.shape_cast %swap3A_208 : vector<1x16xf32> to vector<16xf32>
      %swap3A_210 = vector.shape_cast %mul3A_204 : vector<16xf32> to vector<1x16xf32>
      tpu.vector_store %arg14[%swap3A_206, %swap3A_207], %swap3A_210 {strides = array<i32>} : memref<16x128xf32, #tpu.memory_space<vmem>>, vector<1x16xf32>,
      %slice3A_211 = vector.extract_strided_slice %get3A_115 {offsets = [1], sizes = [1], strides = [1]} : vector<16xf32> to vector<1xf32>
      %squeeze3A_212 = vector.extract %slice3A_211[0] : f32 from vector<1xf32>
      %broadcast_in_dim3A_213 = vector.broadcast %squeeze3A_212 : f32 to vector<16xf32>
      %get3A_214 = arith.constant 1 : i32
      %get3A_215 = arith.index_cast %get3A_214 : i32 to index
      %get3A_216 = arith.constant 0 : index
      %get3A_217 = tpu.vector_load %arg14[%get3A_215, %get3A_216] {strides = array<i32>} : memref<16x128xf32, #tpu.memory_space<vmem>>, vector<1x16xf32>,
      %get3A_218 = vector.shape_cast %get3A_217 : vector<1x16xf32> to vector<16xf32>
      %mul3A_219 = arith.mulf %get3A_218, %broadcast_in_dim3A_213 : vector<16xf32>
      %swap3A_220 = arith.constant 1 : i32
      %swap3A_221 = arith.index_cast %swap3A_220 : i32 to index
      %swap3A_222 = arith.constant 0 : index
      %swap3A_223 = tpu.vector_load %arg14[%swap3A_221, %swap3A_222] {strides = array<i32>} : memref<16x128xf32, #tpu.memory_space<vmem>>, vector<1x16xf32>,
      %swap3A_224 = vector.shape_cast %swap3A_223 : vector<1x16xf32> to vector<16xf32>
      %swap3A_225 = vector.shape_cast %mul3A_219 : vector<16xf32> to vector<1x16xf32>
      tpu.vector_store %arg14[%swap3A_221, %swap3A_222], %swap3A_225 {strides = array<i32>} : memref<16x128xf32, #tpu.memory_space<vmem>>, vector<1x16xf32>,
      %get3A_226 = arith.constant 1 : i32
      %get3A_227 = arith.index_cast %get3A_226 : i32 to index
      %get3A_228 = arith.constant 16 : index
      %get3A_229 = tpu.vector_load %arg14[%get3A_227, %get3A_228] {strides = array<i32>} : memref<16x128xf32, #tpu.memory_space<vmem>>, vector<1x16xf32>,
      %get3A_230 = vector.shape_cast %get3A_229 : vector<1x16xf32> to vector<16xf32>
      %mul3A_231 = arith.mulf %get3A_230, %broadcast_in_dim3A_213 : vector<16xf32>
      %swap3A_232 = arith.constant 1 : i32
      %swap3A_233 = arith.index_cast %swap3A_232 : i32 to index
      %swap3A_234 = arith.constant 16 : index
      %swap3A_235 = tpu.vector_load %arg14[%swap3A_233, %swap3A_234] {strides = array<i32>} : memref<16x128xf32, #tpu.memory_space<vmem>>, vector<1x16xf32>,
      %swap3A_236 = vector.shape_cast %swap3A_235 : vector<1x16xf32> to vector<16xf32>
      %swap3A_237 = vector.shape_cast %mul3A_231 : vector<16xf32> to vector<1x16xf32>
      tpu.vector_store %arg14[%swap3A_233, %swap3A_234], %swap3A_237 {strides = array<i32>} : memref<16x128xf32, #tpu.memory_space<vmem>>, vector<1x16xf32>,
      %get3A_238 = arith.constant 1 : i32
      %get3A_239 = arith.index_cast %get3A_238 : i32 to index
      %get3A_240 = arith.constant 32 : index
      %get3A_241 = tpu.vector_load %arg14[%get3A_239, %get3A_240] {strides = array<i32>} : memref<16x128xf32, #tpu.memory_space<vmem>>, vector<1x16xf32>,
      %get3A_242 = vector.shape_cast %get3A_241 : vector<1x16xf32> to vector<16xf32>
      %mul3A_243 = arith.mulf %get3A_242, %broadcast_in_dim3A_213 : vector<16xf32>
      %swap3A_244 = arith.constant 1 : i32
      %swap3A_245 = arith.index_cast %swap3A_244 : i32 to index
      %swap3A_246 = arith.constant 32 : index
      %swap3A_247 = tpu.vector_load %arg14[%swap3A_245, %swap3A_246] {strides = array<i32>} : memref<16x128xf32, #tpu.memory_space<vmem>>, vector<1x16xf32>,
      %swap3A_248 = vector.shape_cast %swap3A_247 : vector<1x16xf32> to vector<16xf32>
      %swap3A_249 = vector.shape_cast %mul3A_243 : vector<16xf32> to vector<1x16xf32>
      tpu.vector_store %arg14[%swap3A_245, %swap3A_246], %swap3A_249 {strides = array<i32>} : memref<16x128xf32, #tpu.memory_space<vmem>>, vector<1x16xf32>,
      %get3A_250 = arith.constant 1 : i32
      %get3A_251 = arith.index_cast %get3A_250 : i32 to index
      %get3A_252 = arith.constant 48 : index
      %get3A_253 = tpu.vector_load %arg14[%get3A_251, %get3A_252] {strides = array<i32>} : memref<16x128xf32, #tpu.memory_space<vmem>>, vector<1x16xf32>,
      %get3A_254 = vector.shape_cast %get3A_253 : vector<1x16xf32> to vector<16xf32>
      %mul3A_255 = arith.mulf %get3A_254, %broadcast_in_dim3A_213 : vector<16xf32>
      %swap3A_256 = arith.constant 1 : i32
      %swap3A_257 = arith.index_cast %swap3A_256 : i32 to index
      %swap3A_258 = arith.constant 48 : index
      %swap3A_259 = tpu.vector_load %arg14[%swap3A_257, %swap3A_258] {strides = array<i32>} : memref<16x128xf32, #tpu.memory_space<vmem>>, vector<1x16xf32>,
      %swap3A_260 = vector.shape_cast %swap3A_259 : vector<1x16xf32> to vector<16xf32>
      %swap3A_261 = vector.shape_cast %mul3A_255 : vector<16xf32> to vector<1x16xf32>
      tpu.vector_store %arg14[%swap3A_257, %swap3A_258], %swap3A_261 {strides = array<i32>} : memref<16x128xf32, #tpu.memory_space<vmem>>, vector<1x16xf32>,
      %get3A_262 = arith.constant 1 : i32
      %get3A_263 = arith.index_cast %get3A_262 : i32 to index
      %get3A_264 = arith.constant 64 : index
      %get3A_265 = tpu.vector_load %arg14[%get3A_263, %get3A_264] {strides = array<i32>} : memref<16x128xf32, #tpu.memory_space<vmem>>, vector<1x16xf32>,
      %get3A_266 = vector.shape_cast %get3A_265 : vector<1x16xf32> to vector<16xf32>
      %mul3A_267 = arith.mulf %get3A_266, %broadcast_in_dim3A_213 : vector<16xf32>
      %swap3A_268 = arith.constant 1 : i32
      %swap3A_269 = arith.index_cast %swap3A_268 : i32 to index
      %swap3A_270 = arith.constant 64 : index
      %swap3A_271 = tpu.vector_load %arg14[%swap3A_269, %swap3A_270] {strides = array<i32>} : memref<16x128xf32, #tpu.memory_space<vmem>>, vector<1x16xf32>,
      %swap3A_272 = vector.shape_cast %swap3A_271 : vector<1x16xf32> to vector<16xf32>
      %swap3A_273 = vector.shape_cast %mul3A_267 : vector<16xf32> to vector<1x16xf32>
      tpu.vector_store %arg14[%swap3A_269, %swap3A_270], %swap3A_273 {strides = array<i32>} : memref<16x128xf32, #tpu.memory_space<vmem>>, vector<1x16xf32>,
      %get3A_274 = arith.constant 1 : i32
      %get3A_275 = arith.index_cast %get3A_274 : i32 to index
      %get3A_276 = arith.constant 80 : index
      %get3A_277 = tpu.vector_load %arg14[%get3A_275, %get3A_276] {strides = array<i32>} : memref<16x128xf32, #tpu.memory_space<vmem>>, vector<1x16xf32>,
      %get3A_278 = vector.shape_cast %get3A_277 : vector<1x16xf32> to vector<16xf32>
      %mul3A_279 = arith.mulf %get3A_278, %broadcast_in_dim3A_213 : vector<16xf32>
      %swap3A_280 = arith.constant 1 : i32
      %swap3A_281 = arith.index_cast %swap3A_280 : i32 to index
      %swap3A_282 = arith.constant 80 : index
      %swap3A_283 = tpu.vector_load %arg14[%swap3A_281, %swap3A_282] {strides = array<i32>} : memref<16x128xf32, #tpu.memory_space<vmem>>, vector<1x16xf32>,
      %swap3A_284 = vector.shape_cast %swap3A_283 : vector<1x16xf32> to vector<16xf32>
      %swap3A_285 = vector.shape_cast %mul3A_279 : vector<16xf32> to vector<1x16xf32>
      tpu.vector_store %arg14[%swap3A_281, %swap3A_282], %swap3A_285 {strides = array<i32>} : memref<16x128xf32, #tpu.memory_space<vmem>>, vector<1x16xf32>,
      %get3A_286 = arith.constant 1 : i32
      %get3A_287 = arith.index_cast %get3A_286 : i32 to index
      %get3A_288 = arith.constant 96 : index
      %get3A_289 = tpu.vector_load %arg14[%get3A_287, %get3A_288] {strides = array<i32>} : memref<16x128xf32, #tpu.memory_space<vmem>>, vector<1x16xf32>,
      %get3A_290 = vector.shape_cast %get3A_289 : vector<1x16xf32> to vector<16xf32>
      %mul3A_291 = arith.mulf %get3A_290, %broadcast_in_dim3A_213 : vector<16xf32>
      %swap3A_292 = arith.constant 1 : i32
      %swap3A_293 = arith.index_cast %swap3A_292 : i32 to index
      %swap3A_294 = arith.constant 96 : index
      %swap3A_295 = tpu.vector_load %arg14[%swap3A_293, %swap3A_294] {strides = array<i32>} : memref<16x128xf32, #tpu.memory_space<vmem>>, vector<1x16xf32>,
      %swap3A_296 = vector.shape_cast %swap3A_295 : vector<1x16xf32> to vector<16xf32>
      %swap3A_297 = vector.shape_cast %mul3A_291 : vector<16xf32> to vector<1x16xf32>
      tpu.vector_store %arg14[%swap3A_293, %swap3A_294], %swap3A_297 {strides = array<i32>} : memref<16x128xf32, #tpu.memory_space<vmem>>, vector<1x16xf32>,
      %get3A_298 = arith.constant 1 : i32
      %get3A_299 = arith.index_cast %get3A_298 : i32 to index
      %get3A_300 = arith.constant 112 : index
      %get3A_301 = tpu.vector_load %arg14[%get3A_299, %get3A_300] {strides = array<i32>} : memref<16x128xf32, #tpu.memory_space<vmem>>, vector<1x16xf32>,
      %get3A_302 = vector.shape_cast %get3A_301 : vector<1x16xf32> to vector<16xf32>
      %mul3A_303 = arith.mulf %get3A_302, %broadcast_in_dim3A_213 : vector<16xf32>
      %swap3A_304 = arith.constant 1 : i32
      %swap3A_305 = arith.index_cast %swap3A_304 : i32 to index
      %swap3A_306 = arith.constant 112 : index
      %swap3A_307 = tpu.vector_load %arg14[%swap3A_305, %swap3A_306] {strides = array<i32>} : memref<16x128xf32, #tpu.memory_space<vmem>>, vector<1x16xf32>,
      %swap3A_308 = vector.shape_cast %swap3A_307 : vector<1x16xf32> to vector<16xf32>
      %swap3A_309 = vector.shape_cast %mul3A_303 : vector<16xf32> to vector<1x16xf32>
      tpu.vector_store %arg14[%swap3A_305, %swap3A_306], %swap3A_309 {strides = array<i32>} : memref<16x128xf32, #tpu.memory_space<vmem>>, vector<1x16xf32>,
      %slice3A_310 = vector.extract_strided_slice %get3A_115 {offsets = [2], sizes = [1], strides = [1]} : vector<16xf32> to vector<1xf32>
      %squeeze3A_311 = vector.extract %slice3A_310[0] : f32 from vector<1xf32>
      %broadcast_in_dim3A_312 = vector.broadcast %squeeze3A_311 : f32 to vector<16xf32>
      %get3A_313 = arith.constant 2 : i32
      %get3A_314 = arith.index_cast %get3A_313 : i32 to index
      %get3A_315 = arith.constant 0 : index
      %get3A_316 = tpu.vector_load %arg14[%get3A_314, %get3A_315] {strides = array<i32>} : memref<16x128xf32, #tpu.memory_space<vmem>>, vector<1x16xf32>,
      %get3A_317 = vector.shape_cast %get3A_316 : vector<1x16xf32> to vector<16xf32>
      %mul3A_318 = arith.mulf %get3A_317, %broadcast_in_dim3A_312 : vector<16xf32>
      %swap3A_319 = arith.constant 2 : i32
      %swap3A_320 = arith.index_cast %swap3A_319 : i32 to index
      %swap3A_321 = arith.constant 0 : index
      %swap3A_322 = tpu.vector_load %arg14[%swap3A_320, %swap3A_321] {strides = array<i32>} : memref<16x128xf32, #tpu.memory_space<vmem>>, vector<1x16xf32>,
      %swap3A_323 = vector.shape_cast %swap3A_322 : vector<1x16xf32> to vector<16xf32>
      %swap3A_324 = vector.shape_cast %mul3A_318 : vector<16xf32> to vector<1x16xf32>
      tpu.vector_store %arg14[%swap3A_320, %swap3A_321], %swap3A_324 {strides = array<i32>} : memref<16x128xf32, #tpu.memory_space<vmem>>, vector<1x16xf32>,
      %get3A_325 = arith.constant 2 : i32
      %get3A_326 = arith.index_cast %get3A_325 : i32 to index
      %get3A_327 = arith.constant 16 : index
      %get3A_328 = tpu.vector_load %arg14[%get3A_326, %get3A_327] {strides = array<i32>} : memref<16x128xf32, #tpu.memory_space<vmem>>, vector<1x16xf32>,
      %get3A_329 = vector.shape_cast %get3A_328 : vector<1x16xf32> to vector<16xf32>
      %mul3A_330 = arith.mulf %get3A_329, %broadcast_in_dim3A_312 : vector<16xf32>
      %swap3A_331 = arith.constant 2 : i32
      %swap3A_332 = arith.index_cast %swap3A_331 : i32 to index
      %swap3A_333 = arith.constant 16 : index
      %swap3A_334 = tpu.vector_load %arg14[%swap3A_332, %swap3A_333] {strides = array<i32>} : memref<16x128xf32, #tpu.memory_space<vmem>>, vector<1x16xf32>,
      %swap3A_335 = vector.shape_cast %swap3A_334 : vector<1x16xf32> to vector<16xf32>
      %swap3A_336 = vector.shape_cast %mul3A_330 : vector<16xf32> to vector<1x16xf32>
      tpu.vector_store %arg14[%swap3A_332, %swap3A_333], %swap3A_336 {strides = array<i32>} : memref<16x128xf32, #tpu.memory_space<vmem>>, vector<1x16xf32>,
      %get3A_337 = arith.constant 2 : i32
      %get3A_338 = arith.index_cast %get3A_337 : i32 to index
      %get3A_339 = arith.constant 32 : index
      %get3A_340 = tpu.vector_load %arg14[%get3A_338, %get3A_339] {strides = array<i32>} : memref<16x128xf32, #tpu.memory_space<vmem>>, vector<1x16xf32>,
      %get3A_341 = vector.shape_cast %get3A_340 : vector<1x16xf32> to vector<16xf32>
      %mul3A_342 = arith.mulf %get3A_341, %broadcast_in_dim3A_312 : vector<16xf32>
      %swap3A_343 = arith.constant 2 : i32
      %swap3A_344 = arith.index_cast %swap3A_343 : i32 to index
      %swap3A_345 = arith.constant 32 : index
      %swap3A_346 = tpu.vector_load %arg14[%swap3A_344, %swap3A_345] {strides = array<i32>} : memref<16x128xf32, #tpu.memory_space<vmem>>, vector<1x16xf32>,
      %swap3A_347 = vector.shape_cast %swap3A_346 : vector<1x16xf32> to vector<16xf32>
      %swap3A_348 = vector.shape_cast %mul3A_342 : vector<16xf32> to vector<1x16xf32>
      tpu.vector_store %arg14[%swap3A_344, %swap3A_345], %swap3A_348 {strides = array<i32>} : memref<16x128xf32, #tpu.memory_space<vmem>>, vector<1x16xf32>,
      %get3A_349 = arith.constant 2 : i32
      %get3A_350 = arith.index_cast %get3A_349 : i32 to index
      %get3A_351 = arith.constant 48 : index
      %get3A_352 = tpu.vector_load %arg14[%get3A_350, %get3A_351] {strides = array<i32>} : memref<16x128xf32, #tpu.memory_space<vmem>>, vector<1x16xf32>,
      %get3A_353 = vector.shape_cast %get3A_352 : vector<1x16xf32> to vector<16xf32>
      %mul3A_354 = arith.mulf %get3A_353, %broadcast_in_dim3A_312 : vector<16xf32>
      %swap3A_355 = arith.constant 2 : i32
      %swap3A_356 = arith.index_cast %swap3A_355 : i32 to index
      %swap3A_357 = arith.constant 48 : index
      %swap3A_358 = tpu.vector_load %arg14[%swap3A_356, %swap3A_357] {strides = array<i32>} : memref<16x128xf32, #tpu.memory_space<vmem>>, vector<1x16xf32>,
      %swap3A_359 = vector.shape_cast %swap3A_358 : vector<1x16xf32> to vector<16xf32>
      %swap3A_360 = vector.shape_cast %mul3A_354 : vector<16xf32> to vector<1x16xf32>
      tpu.vector_store %arg14[%swap3A_356, %swap3A_357], %swap3A_360 {strides = array<i32>} : memref<16x128xf32, #tpu.memory_space<vmem>>, vector<1x16xf32>,
      %get3A_361 = arith.constant 2 : i32
      %get3A_362 = arith.index_cast %get3A_361 : i32 to index
      %get3A_363 = arith.constant 64 : index
      %get3A_364 = tpu.vector_load %arg14[%get3A_362, %get3A_363] {strides = array<i32>} : memref<16x128xf32, #tpu.memory_space<vmem>>, vector<1x16xf32>,
      %get3A_365 = vector.shape_cast %get3A_364 : vector<1x16xf32> to vector<16xf32>
      %mul3A_366 = arith.mulf %get3A_365, %broadcast_in_dim3A_312 : vector<16xf32>
      %swap3A_367 = arith.constant 2 : i32
      %swap3A_368 = arith.index_cast %swap3A_367 : i32 to index
      %swap3A_369 = arith.constant 64 : index
      %swap3A_370 = tpu.vector_load %arg14[%swap3A_368, %swap3A_369] {strides = array<i32>} : memref<16x128xf32, #tpu.memory_space<vmem>>, vector<1x16xf32>,
      %swap3A_371 = vector.shape_cast %swap3A_370 : vector<1x16xf32> to vector<16xf32>
      %swap3A_372 = vector.shape_cast %mul3A_366 : vector<16xf32> to vector<1x16xf32>
      tpu.vector_store %arg14[%swap3A_368, %swap3A_369], %swap3A_372 {strides = array<i32>} : memref<16x128xf32, #tpu.memory_space<vmem>>, vector<1x16xf32>,
      %get3A_373 = arith.constant 2 : i32
      %get3A_374 = arith.index_cast %get3A_373 : i32 to index
      %get3A_375 = arith.constant 80 : index
      %get3A_376 = tpu.vector_load %arg14[%get3A_374, %get3A_375] {strides = array<i32>} : memref<16x128xf32, #tpu.memory_space<vmem>>, vector<1x16xf32>,
      %get3A_377 = vector.shape_cast %get3A_376 : vector<1x16xf32> to vector<16xf32>
      %mul3A_378 = arith.mulf %get3A_377, %broadcast_in_dim3A_312 : vector<16xf32>
      %swap3A_379 = arith.constant 2 : i32
      %swap3A_380 = arith.index_cast %swap3A_379 : i32 to index
      %swap3A_381 = arith.constant 80 : index
      %swap3A_382 = tpu.vector_load %arg14[%swap3A_380, %swap3A_381] {strides = array<i32>} : memref<16x128xf32, #tpu.memory_space<vmem>>, vector<1x16xf32>,
      %swap3A_383 = vector.shape_cast %swap3A_382 : vector<1x16xf32> to vector<16xf32>
      %swap3A_384 = vector.shape_cast %mul3A_378 : vector<16xf32> to vector<1x16xf32>
      tpu.vector_store %arg14[%swap3A_380, %swap3A_381], %swap3A_384 {strides = array<i32>} : memref<16x128xf32, #tpu.memory_space<vmem>>, vector<1x16xf32>,
      %get3A_385 = arith.constant 2 : i32
      %get3A_386 = arith.index_cast %get3A_385 : i32 to index
      %get3A_387 = arith.constant 96 : index
      %get3A_388 = tpu.vector_load %arg14[%get3A_386, %get3A_387] {strides = array<i32>} : memref<16x128xf32, #tpu.memory_space<vmem>>, vector<1x16xf32>,
      %get3A_389 = vector.shape_cast %get3A_388 : vector<1x16xf32> to vector<16xf32>
      %mul3A_390 = arith.mulf %get3A_389, %broadcast_in_dim3A_312 : vector<16xf32>
      %swap3A_391 = arith.constant 2 : i32
      %swap3A_392 = arith.index_cast %swap3A_391 : i32 to index
      %swap3A_393 = arith.constant 96 : index
      %swap3A_394 = tpu.vector_load %arg14[%swap3A_392, %swap3A_393] {strides = array<i32>} : memref<16x128xf32, #tpu.memory_space<vmem>>, vector<1x16xf32>,
      %swap3A_395 = vector.shape_cast %swap3A_394 : vector<1x16xf32> to vector<16xf32>
      %swap3A_396 = vector.shape_cast %mul3A_390 : vector<16xf32> to vector<1x16xf32>
      tpu.vector_store %arg14[%swap3A_392, %swap3A_393], %swap3A_396 {strides = array<i32>} : memref<16x128xf32, #tpu.memory_space<vmem>>, vector<1x16xf32>,
      %get3A_397 = arith.constant 2 : i32
      %get3A_398 = arith.index_cast %get3A_397 : i32 to index
      %get3A_399 = arith.constant 112 : index
      %get3A_400 = tpu.vector_load %arg14[%get3A_398, %get3A_399] {strides = array<i32>} : memref<16x128xf32, #tpu.memory_space<vmem>>, vector<1x16xf32>,
      %get3A_401 = vector.shape_cast %get3A_400 : vector<1x16xf32> to vector<16xf32>
      %mul3A_402 = arith.mulf %get3A_401, %broadcast_in_dim3A_312 : vector<16xf32>
      %swap3A_403 = arith.constant 2 : i32
      %swap3A_404 = arith.index_cast %swap3A_403 : i32 to index
      %swap3A_405 = arith.constant 112 : index
      %swap3A_406 = tpu.vector_load %arg14[%swap3A_404, %swap3A_405] {strides = array<i32>} : memref<16x128xf32, #tpu.memory_space<vmem>>, vector<1x16xf32>,
      %swap3A_407 = vector.shape_cast %swap3A_406 : vector<1x16xf32> to vector<16xf32>
      %swap3A_408 = vector.shape_cast %mul3A_402 : vector<16xf32> to vector<1x16xf32>
      tpu.vector_store %arg14[%swap3A_404, %swap3A_405], %swap3A_408 {strides = array<i32>} : memref<16x128xf32, #tpu.memory_space<vmem>>, vector<1x16xf32>,
      %slice3A_409 = vector.extract_strided_slice %get3A_115 {offsets = [3], sizes = [1], strides = [1]} : vector<16xf32> to vector<1xf32>
      %squeeze3A_410 = vector.extract %slice3A_409[0] : f32 from vector<1xf32>
      %broadcast_in_dim3A_411 = vector.broadcast %squeeze3A_410 : f32 to vector<16xf32>
      %get3A_412 = arith.constant 3 : i32
      %get3A_413 = arith.index_cast %get3A_412 : i32 to index
      %get3A_414 = arith.constant 0 : index
      %get3A_415 = tpu.vector_load %arg14[%get3A_413, %get3A_414] {strides = array<i32>} : memref<16x128xf32, #tpu.memory_space<vmem>>, vector<1x16xf32>,
      %get3A_416 = vector.shape_cast %get3A_415 : vector<1x16xf32> to vector<16xf32>
      %mul3A_417 = arith.mulf %get3A_416, %broadcast_in_dim3A_411 : vector<16xf32>
      %swap3A_418 = arith.constant 3 : i32
      %swap3A_419 = arith.index_cast %swap3A_418 : i32 to index
      %swap3A_420 = arith.constant 0 : index
      %swap3A_421 = tpu.vector_load %arg14[%swap3A_419, %swap3A_420] {strides = array<i32>} : memref<16x128xf32, #tpu.memory_space<vmem>>, vector<1x16xf32>,
      %swap3A_422 = vector.shape_cast %swap3A_421 : vector<1x16xf32> to vector<16xf32>
      %swap3A_423 = vector.shape_cast %mul3A_417 : vector<16xf32> to vector<1x16xf32>
      tpu.vector_store %arg14[%swap3A_419, %swap3A_420], %swap3A_423 {strides = array<i32>} : memref<16x128xf32, #tpu.memory_space<vmem>>, vector<1x16xf32>,
      %get3A_424 = arith.constant 3 : i32
      %get3A_425 = arith.index_cast %get3A_424 : i32 to index
      %get3A_426 = arith.constant 16 : index
      %get3A_427 = tpu.vector_load %arg14[%get3A_425, %get3A_426] {strides = array<i32>} : memref<16x128xf32, #tpu.memory_space<vmem>>, vector<1x16xf32>,
      %get3A_428 = vector.shape_cast %get3A_427 : vector<1x16xf32> to vector<16xf32>
      %mul3A_429 = arith.mulf %get3A_428, %broadcast_in_dim3A_411 : vector<16xf32>
      %swap3A_430 = arith.constant 3 : i32
      %swap3A_431 = arith.index_cast %swap3A_430 : i32 to index
      %swap3A_432 = arith.constant 16 : index
      %swap3A_433 = tpu.vector_load %arg14[%swap3A_431, %swap3A_432] {strides = array<i32>} : memref<16x128xf32, #tpu.memory_space<vmem>>, vector<1x16xf32>,
      %swap3A_434 = vector.shape_cast %swap3A_433 : vector<1x16xf32> to vector<16xf32>
      %swap3A_435 = vector.shape_cast %mul3A_429 : vector<16xf32> to vector<1x16xf32>
      tpu.vector_store %arg14[%swap3A_431, %swap3A_432], %swap3A_435 {strides = array<i32>} : memref<16x128xf32, #tpu.memory_space<vmem>>, vector<1x16xf32>,
      %get3A_436 = arith.constant 3 : i32
      %get3A_437 = arith.index_cast %get3A_436 : i32 to index
      %get3A_438 = arith.constant 32 : index
      %get3A_439 = tpu.vector_load %arg14[%get3A_437, %get3A_438] {strides = array<i32>} : memref<16x128xf32, #tpu.memory_space<vmem>>, vector<1x16xf32>,
      %get3A_440 = vector.shape_cast %get3A_439 : vector<1x16xf32> to vector<16xf32>
      %mul3A_441 = arith.mulf %get3A_440, %broadcast_in_dim3A_411 : vector<16xf32>
      %swap3A_442 = arith.constant 3 : i32
      %swap3A_443 = arith.index_cast %swap3A_442 : i32 to index
      %swap3A_444 = arith.constant 32 : index
      %swap3A_445 = tpu.vector_load %arg14[%swap3A_443, %swap3A_444] {strides = array<i32>} : memref<16x128xf32, #tpu.memory_space<vmem>>, vector<1x16xf32>,
      %swap3A_446 = vector.shape_cast %swap3A_445 : vector<1x16xf32> to vector<16xf32>
      %swap3A_447 = vector.shape_cast %mul3A_441 : vector<16xf32> to vector<1x16xf32>
      tpu.vector_store %arg14[%swap3A_443, %swap3A_444], %swap3A_447 {strides = array<i32>} : memref<16x128xf32, #tpu.memory_space<vmem>>, vector<1x16xf32>,
      %get3A_448 = arith.constant 3 : i32
      %get3A_449 = arith.index_cast %get3A_448 : i32 to index
      %get3A_450 = arith.constant 48 : index
      %get3A_451 = tpu.vector_load %arg14[%get3A_449, %get3A_450] {strides = array<i32>} : memref<16x128xf32, #tpu.memory_space<vmem>>, vector<1x16xf32>,
      %get3A_452 = vector.shape_cast %get3A_451 : vector<1x16xf32> to vector<16xf32>
      %mul3A_453 = arith.mulf %get3A_452, %broadcast_in_dim3A_411 : vector<16xf32>
      %swap3A_454 = arith.constant 3 : i32
      %swap3A_455 = arith.index_cast %swap3A_454 : i32 to index
      %swap3A_456 = arith.constant 48 : index
      %swap3A_457 = tpu.vector_load %arg14[%swap3A_455, %swap3A_456] {strides = array<i32>} : memref<16x128xf32, #tpu.memory_space<vmem>>, vector<1x16xf32>,
      %swap3A_458 = vector.shape_cast %swap3A_457 : vector<1x16xf32> to vector<16xf32>
      %swap3A_459 = vector.shape_cast %mul3A_453 : vector<16xf32> to vector<1x16xf32>
      tpu.vector_store %arg14[%swap3A_455, %swap3A_456], %swap3A_459 {strides = array<i32>} : memref<16x128xf32, #tpu.memory_space<vmem>>, vector<1x16xf32>,
      %get3A_460 = arith.constant 3 : i32
      %get3A_461 = arith.index_cast %get3A_460 : i32 to index
      %get3A_462 = arith.constant 64 : index
      %get3A_463 = tpu.vector_load %arg14[%get3A_461, %get3A_462] {strides = array<i32>} : memref<16x128xf32, #tpu.memory_space<vmem>>, vector<1x16xf32>,
      %get3A_464 = vector.shape_cast %get3A_463 : vector<1x16xf32> to vector<16xf32>
      %mul3A_465 = arith.mulf %get3A_464, %broadcast_in_dim3A_411 : vector<16xf32>
      %swap3A_466 = arith.constant 3 : i32
      %swap3A_467 = arith.index_cast %swap3A_466 : i32 to index
      %swap3A_468 = arith.constant 64 : index
      %swap3A_469 = tpu.vector_load %arg14[%swap3A_467, %swap3A_468] {strides = array<i32>} : memref<16x128xf32, #tpu.memory_space<vmem>>, vector<1x16xf32>,
      %swap3A_470 = vector.shape_cast %swap3A_469 : vector<1x16xf32> to vector<16xf32>
      %swap3A_471 = vector.shape_cast %mul3A_465 : vector<16xf32> to vector<1x16xf32>
      tpu.vector_store %arg14[%swap3A_467, %swap3A_468], %swap3A_471 {strides = array<i32>} : memref<16x128xf32, #tpu.memory_space<vmem>>, vector<1x16xf32>,
      %get3A_472 = arith.constant 3 : i32
      %get3A_473 = arith.index_cast %get3A_472 : i32 to index
      %get3A_474 = arith.constant 80 : index
      %get3A_475 = tpu.vector_load %arg14[%get3A_473, %get3A_474] {strides = array<i32>} : memref<16x128xf32, #tpu.memory_space<vmem>>, vector<1x16xf32>,
      %get3A_476 = vector.shape_cast %get3A_475 : vector<1x16xf32> to vector<16xf32>
      %mul3A_477 = arith.mulf %get3A_476, %broadcast_in_dim3A_411 : vector<16xf32>
      %swap3A_478 = arith.constant 3 : i32
      %swap3A_479 = arith.index_cast %swap3A_478 : i32 to index
      %swap3A_480 = arith.constant 80 : index
      %swap3A_481 = tpu.vector_load %arg14[%swap3A_479, %swap3A_480] {strides = array<i32>} : memref<16x128xf32, #tpu.memory_space<vmem>>, vector<1x16xf32>,
      %swap3A_482 = vector.shape_cast %swap3A_481 : vector<1x16xf32> to vector<16xf32>
      %swap3A_483 = vector.shape_cast %mul3A_477 : vector<16xf32> to vector<1x16xf32>
      tpu.vector_store %arg14[%swap3A_479, %swap3A_480], %swap3A_483 {strides = array<i32>} : memref<16x128xf32, #tpu.memory_space<vmem>>, vector<1x16xf32>,
      %get3A_484 = arith.constant 3 : i32
      %get3A_485 = arith.index_cast %get3A_484 : i32 to index
      %get3A_486 = arith.constant 96 : index
      %get3A_487 = tpu.vector_load %arg14[%get3A_485, %get3A_486] {strides = array<i32>} : memref<16x128xf32, #tpu.memory_space<vmem>>, vector<1x16xf32>,
      %get3A_488 = vector.shape_cast %get3A_487 : vector<1x16xf32> to vector<16xf32>
      %mul3A_489 = arith.mulf %get3A_488, %broadcast_in_dim3A_411 : vector<16xf32>
      %swap3A_490 = arith.constant 3 : i32
      %swap3A_491 = arith.index_cast %swap3A_490 : i32 to index
      %swap3A_492 = arith.constant 96 : index
      %swap3A_493 = tpu.vector_load %arg14[%swap3A_491, %swap3A_492] {strides = array<i32>} : memref<16x128xf32, #tpu.memory_space<vmem>>, vector<1x16xf32>,
      %swap3A_494 = vector.shape_cast %swap3A_493 : vector<1x16xf32> to vector<16xf32>
      %swap3A_495 = vector.shape_cast %mul3A_489 : vector<16xf32> to vector<1x16xf32>
      tpu.vector_store %arg14[%swap3A_491, %swap3A_492], %swap3A_495 {strides = array<i32>} : memref<16x128xf32, #tpu.memory_space<vmem>>, vector<1x16xf32>,
      %get3A_496 = arith.constant 3 : i32
      %get3A_497 = arith.index_cast %get3A_496 : i32 to index
      %get3A_498 = arith.constant 112 : index
      %get3A_499 = tpu.vector_load %arg14[%get3A_497, %get3A_498] {strides = array<i32>} : memref<16x128xf32, #tpu.memory_space<vmem>>, vector<1x16xf32>,
      %get3A_500 = vector.shape_cast %get3A_499 : vector<1x16xf32> to vector<16xf32>
      %mul3A_501 = arith.mulf %get3A_500, %broadcast_in_dim3A_411 : vector<16xf32>
      %swap3A_502 = arith.constant 3 : i32
      %swap3A_503 = arith.index_cast %swap3A_502 : i32 to index
      %swap3A_504 = arith.constant 112 : index
      %swap3A_505 = tpu.vector_load %arg14[%swap3A_503, %swap3A_504] {strides = array<i32>} : memref<16x128xf32, #tpu.memory_space<vmem>>, vector<1x16xf32>,
      %swap3A_506 = vector.shape_cast %swap3A_505 : vector<1x16xf32> to vector<16xf32>
      %swap3A_507 = vector.shape_cast %mul3A_501 : vector<16xf32> to vector<1x16xf32>
      tpu.vector_store %arg14[%swap3A_503, %swap3A_504], %swap3A_507 {strides = array<i32>} : memref<16x128xf32, #tpu.memory_space<vmem>>, vector<1x16xf32>,
      %slice3A_508 = vector.extract_strided_slice %get3A_115 {offsets = [4], sizes = [1], strides = [1]} : vector<16xf32> to vector<1xf32>
      %squeeze3A_509 = vector.extract %slice3A_508[0] : f32 from vector<1xf32>
      %broadcast_in_dim3A_510 = vector.broadcast %squeeze3A_509 : f32 to vector<16xf32>
      %get3A_511 = arith.constant 4 : i32
      %get3A_512 = arith.index_cast %get3A_511 : i32 to index
      %get3A_513 = arith.constant 0 : index
      %get3A_514 = tpu.vector_load %arg14[%get3A_512, %get3A_513] {strides = array<i32>} : memref<16x128xf32, #tpu.memory_space<vmem>>, vector<1x16xf32>,
      %get3A_515 = vector.shape_cast %get3A_514 : vector<1x16xf32> to vector<16xf32>
      %mul3A_516 = arith.mulf %get3A_515, %broadcast_in_dim3A_510 : vector<16xf32>
      %swap3A_517 = arith.constant 4 : i32
      %swap3A_518 = arith.index_cast %swap3A_517 : i32 to index
      %swap3A_519 = arith.constant 0 : index
      %swap3A_520 = tpu.vector_load %arg14[%swap3A_518, %swap3A_519] {strides = array<i32>} : memref<16x128xf32, #tpu.memory_space<vmem>>, vector<1x16xf32>,
      %swap3A_521 = vector.shape_cast %swap3A_520 : vector<1x16xf32> to vector<16xf32>
      %swap3A_522 = vector.shape_cast %mul3A_516 : vector<16xf32> to vector<1x16xf32>
      tpu.vector_store %arg14[%swap3A_518, %swap3A_519], %swap3A_522 {strides = array<i32>} : memref<16x128xf32, #tpu.memory_space<vmem>>, vector<1x16xf32>,
      %get3A_523 = arith.constant 4 : i32
      %get3A_524 = arith.index_cast %get3A_523 : i32 to index
      %get3A_525 = arith.constant 16 : index
      %get3A_526 = tpu.vector_load %arg14[%get3A_524, %get3A_525] {strides = array<i32>} : memref<16x128xf32, #tpu.memory_space<vmem>>, vector<1x16xf32>,
      %get3A_527 = vector.shape_cast %get3A_526 : vector<1x16xf32> to vector<16xf32>
      %mul3A_528 = arith.mulf %get3A_527, %broadcast_in_dim3A_510 : vector<16xf32>
      %swap3A_529 = arith.constant 4 : i32
      %swap3A_530 = arith.index_cast %swap3A_529 : i32 to index
      %swap3A_531 = arith.constant 16 : index
      %swap3A_532 = tpu.vector_load %arg14[%swap3A_530, %swap3A_531] {strides = array<i32>} : memref<16x128xf32, #tpu.memory_space<vmem>>, vector<1x16xf32>,
      %swap3A_533 = vector.shape_cast %swap3A_532 : vector<1x16xf32> to vector<16xf32>
      %swap3A_534 = vector.shape_cast %mul3A_528 : vector<16xf32> to vector<1x16xf32>
      tpu.vector_store %arg14[%swap3A_530, %swap3A_531], %swap3A_534 {strides = array<i32>} : memref<16x128xf32, #tpu.memory_space<vmem>>, vector<1x16xf32>,
      %get3A_535 = arith.constant 4 : i32
      %get3A_536 = arith.index_cast %get3A_535 : i32 to index
      %get3A_537 = arith.constant 32 : index
      %get3A_538 = tpu.vector_load %arg14[%get3A_536, %get3A_537] {strides = array<i32>} : memref<16x128xf32, #tpu.memory_space<vmem>>, vector<1x16xf32>,
      %get3A_539 = vector.shape_cast %get3A_538 : vector<1x16xf32> to vector<16xf32>
      %mul3A_540 = arith.mulf %get3A_539, %broadcast_in_dim3A_510 : vector<16xf32>
      %swap3A_541 = arith.constant 4 : i32
      %swap3A_542 = arith.index_cast %swap3A_541 : i32 to index
      %swap3A_543 = arith.constant 32 : index
      %swap3A_544 = tpu.vector_load %arg14[%swap3A_542, %swap3A_543] {strides = array<i32>} : memref<16x128xf32, #tpu.memory_space<vmem>>, vector<1x16xf32>,
      %swap3A_545 = vector.shape_cast %swap3A_544 : vector<1x16xf32> to vector<16xf32>
      %swap3A_546 = vector.shape_cast %mul3A_540 : vector<16xf32> to vector<1x16xf32>
      tpu.vector_store %arg14[%swap3A_542, %swap3A_543], %swap3A_546 {strides = array<i32>} : memref<16x128xf32, #tpu.memory_space<vmem>>, vector<1x16xf32>,
      %get3A_547 = arith.constant 4 : i32
      %get3A_548 = arith.index_cast %get3A_547 : i32 to index
      %get3A_549 = arith.constant 48 : index
      %get3A_550 = tpu.vector_load %arg14[%get3A_548, %get3A_549] {strides = array<i32>} : memref<16x128xf32, #tpu.memory_space<vmem>>, vector<1x16xf32>,
      %get3A_551 = vector.shape_cast %get3A_550 : vector<1x16xf32> to vector<16xf32>
      %mul3A_552 = arith.mulf %get3A_551, %broadcast_in_dim3A_510 : vector<16xf32>
      %swap3A_553 = arith.constant 4 : i32
      %swap3A_554 = arith.index_cast %swap3A_553 : i32 to index
      %swap3A_555 = arith.constant 48 : index
      %swap3A_556 = tpu.vector_load %arg14[%swap3A_554, %swap3A_555] {strides = array<i32>} : memref<16x128xf32, #tpu.memory_space<vmem>>, vector<1x16xf32>,
      %swap3A_557 = vector.shape_cast %swap3A_556 : vector<1x16xf32> to vector<16xf32>
      %swap3A_558 = vector.shape_cast %mul3A_552 : vector<16xf32> to vector<1x16xf32>
      tpu.vector_store %arg14[%swap3A_554, %swap3A_555], %swap3A_558 {strides = array<i32>} : memref<16x128xf32, #tpu.memory_space<vmem>>, vector<1x16xf32>,
      %get3A_559 = arith.constant 4 : i32
      %get3A_560 = arith.index_cast %get3A_559 : i32 to index
      %get3A_561 = arith.constant 64 : index
      %get3A_562 = tpu.vector_load %arg14[%get3A_560, %get3A_561] {strides = array<i32>} : memref<16x128xf32, #tpu.memory_space<vmem>>, vector<1x16xf32>,
      %get3A_563 = vector.shape_cast %get3A_562 : vector<1x16xf32> to vector<16xf32>
      %mul3A_564 = arith.mulf %get3A_563, %broadcast_in_dim3A_510 : vector<16xf32>
      %swap3A_565 = arith.constant 4 : i32
      %swap3A_566 = arith.index_cast %swap3A_565 : i32 to index
      %swap3A_567 = arith.constant 64 : index
      %swap3A_568 = tpu.vector_load %arg14[%swap3A_566, %swap3A_567] {strides = array<i32>} : memref<16x128xf32, #tpu.memory_space<vmem>>, vector<1x16xf32>,
      %swap3A_569 = vector.shape_cast %swap3A_568 : vector<1x16xf32> to vector<16xf32>
      %swap3A_570 = vector.shape_cast %mul3A_564 : vector<16xf32> to vector<1x16xf32>
      tpu.vector_store %arg14[%swap3A_566, %swap3A_567], %swap3A_570 {strides = array<i32>} : memref<16x128xf32, #tpu.memory_space<vmem>>, vector<1x16xf32>,
      %get3A_571 = arith.constant 4 : i32
      %get3A_572 = arith.index_cast %get3A_571 : i32 to index
      %get3A_573 = arith.constant 80 : index
      %get3A_574 = tpu.vector_load %arg14[%get3A_572, %get3A_573] {strides = array<i32>} : memref<16x128xf32, #tpu.memory_space<vmem>>, vector<1x16xf32>,
      %get3A_575 = vector.shape_cast %get3A_574 : vector<1x16xf32> to vector<16xf32>
      %mul3A_576 = arith.mulf %get3A_575, %broadcast_in_dim3A_510 : vector<16xf32>
      %swap3A_577 = arith.constant 4 : i32
      %swap3A_578 = arith.index_cast %swap3A_577 : i32 to index
      %swap3A_579 = arith.constant 80 : index
      %swap3A_580 = tpu.vector_load %arg14[%swap3A_578, %swap3A_579] {strides = array<i32>} : memref<16x128xf32, #tpu.memory_space<vmem>>, vector<1x16xf32>,
      %swap3A_581 = vector.shape_cast %swap3A_580 : vector<1x16xf32> to vector<16xf32>
      %swap3A_582 = vector.shape_cast %mul3A_576 : vector<16xf32> to vector<1x16xf32>
      tpu.vector_store %arg14[%swap3A_578, %swap3A_579], %swap3A_582 {strides = array<i32>} : memref<16x128xf32, #tpu.memory_space<vmem>>, vector<1x16xf32>,
      %get3A_583 = arith.constant 4 : i32
      %get3A_584 = arith.index_cast %get3A_583 : i32 to index
      %get3A_585 = arith.constant 96 : index
      %get3A_586 = tpu.vector_load %arg14[%get3A_584, %get3A_585] {strides = array<i32>} : memref<16x128xf32, #tpu.memory_space<vmem>>, vector<1x16xf32>,
      %get3A_587 = vector.shape_cast %get3A_586 : vector<1x16xf32> to vector<16xf32>
      %mul3A_588 = arith.mulf %get3A_587, %broadcast_in_dim3A_510 : vector<16xf32>
      %swap3A_589 = arith.constant 4 : i32
      %swap3A_590 = arith.index_cast %swap3A_589 : i32 to index
      %swap3A_591 = arith.constant 96 : index
      %swap3A_592 = tpu.vector_load %arg14[%swap3A_590, %swap3A_591] {strides = array<i32>} : memref<16x128xf32, #tpu.memory_space<vmem>>, vector<1x16xf32>,
      %swap3A_593 = vector.shape_cast %swap3A_592 : vector<1x16xf32> to vector<16xf32>
      %swap3A_594 = vector.shape_cast %mul3A_588 : vector<16xf32> to vector<1x16xf32>
      tpu.vector_store %arg14[%swap3A_590, %swap3A_591], %swap3A_594 {strides = array<i32>} : memref<16x128xf32, #tpu.memory_space<vmem>>, vector<1x16xf32>,
      %get3A_595 = arith.constant 4 : i32
      %get3A_596 = arith.index_cast %get3A_595 : i32 to index
      %get3A_597 = arith.constant 112 : index
      %get3A_598 = tpu.vector_load %arg14[%get3A_596, %get3A_597] {strides = array<i32>} : memref<16x128xf32, #tpu.memory_space<vmem>>, vector<1x16xf32>,
      %get3A_599 = vector.shape_cast %get3A_598 : vector<1x16xf32> to vector<16xf32>
      %mul3A_600 = arith.mulf %get3A_599, %broadcast_in_dim3A_510 : vector<16xf32>
      %swap3A_601 = arith.constant 4 : i32
      %swap3A_602 = arith.index_cast %swap3A_601 : i32 to index
      %swap3A_603 = arith.constant 112 : index
      %swap3A_604 = tpu.vector_load %arg14[%swap3A_602, %swap3A_603] {strides = array<i32>} : memref<16x128xf32, #tpu.memory_space<vmem>>, vector<1x16xf32>,
      %swap3A_605 = vector.shape_cast %swap3A_604 : vector<1x16xf32> to vector<16xf32>
      %swap3A_606 = vector.shape_cast %mul3A_600 : vector<16xf32> to vector<1x16xf32>
      tpu.vector_store %arg14[%swap3A_602, %swap3A_603], %swap3A_606 {strides = array<i32>} : memref<16x128xf32, #tpu.memory_space<vmem>>, vector<1x16xf32>,
      %slice3A_607 = vector.extract_strided_slice %get3A_115 {offsets = [5], sizes = [1], strides = [1]} : vector<16xf32> to vector<1xf32>
      %squeeze3A_608 = vector.extract %slice3A_607[0] : f32 from vector<1xf32>
      %broadcast_in_dim3A_609 = vector.broadcast %squeeze3A_608 : f32 to vector<16xf32>
      %get3A_610 = arith.constant 5 : i32
      %get3A_611 = arith.index_cast %get3A_610 : i32 to index
      %get3A_612 = arith.constant 0 : index
      %get3A_613 = tpu.vector_load %arg14[%get3A_611, %get3A_612] {strides = array<i32>} : memref<16x128xf32, #tpu.memory_space<vmem>>, vector<1x16xf32>,
      %get3A_614 = vector.shape_cast %get3A_613 : vector<1x16xf32> to vector<16xf32>
      %mul3A_615 = arith.mulf %get3A_614, %broadcast_in_dim3A_609 : vector<16xf32>
      %swap3A_616 = arith.constant 5 : i32
      %swap3A_617 = arith.index_cast %swap3A_616 : i32 to index
      %swap3A_618 = arith.constant 0 : index
      %swap3A_619 = tpu.vector_load %arg14[%swap3A_617, %swap3A_618] {strides = array<i32>} : memref<16x128xf32, #tpu.memory_space<vmem>>, vector<1x16xf32>,
      %swap3A_620 = vector.shape_cast %swap3A_619 : vector<1x16xf32> to vector<16xf32>
      %swap3A_621 = vector.shape_cast %mul3A_615 : vector<16xf32> to vector<1x16xf32>
      tpu.vector_store %arg14[%swap3A_617, %swap3A_618], %swap3A_621 {strides = array<i32>} : memref<16x128xf32, #tpu.memory_space<vmem>>, vector<1x16xf32>,
      %get3A_622 = arith.constant 5 : i32
      %get3A_623 = arith.index_cast %get3A_622 : i32 to index
      %get3A_624 = arith.constant 16 : index
      %get3A_625 = tpu.vector_load %arg14[%get3A_623, %get3A_624] {strides = array<i32>} : memref<16x128xf32, #tpu.memory_space<vmem>>, vector<1x16xf32>,
      %get3A_626 = vector.shape_cast %get3A_625 : vector<1x16xf32> to vector<16xf32>
      %mul3A_627 = arith.mulf %get3A_626, %broadcast_in_dim3A_609 : vector<16xf32>
      %swap3A_628 = arith.constant 5 : i32
      %swap3A_629 = arith.index_cast %swap3A_628 : i32 to index
      %swap3A_630 = arith.constant 16 : index
      %swap3A_631 = tpu.vector_load %arg14[%swap3A_629, %swap3A_630] {strides = array<i32>} : memref<16x128xf32, #tpu.memory_space<vmem>>, vector<1x16xf32>,
      %swap3A_632 = vector.shape_cast %swap3A_631 : vector<1x16xf32> to vector<16xf32>
      %swap3A_633 = vector.shape_cast %mul3A_627 : vector<16xf32> to vector<1x16xf32>
      tpu.vector_store %arg14[%swap3A_629, %swap3A_630], %swap3A_633 {strides = array<i32>} : memref<16x128xf32, #tpu.memory_space<vmem>>, vector<1x16xf32>,
      %get3A_634 = arith.constant 5 : i32
      %get3A_635 = arith.index_cast %get3A_634 : i32 to index
      %get3A_636 = arith.constant 32 : index
      %get3A_637 = tpu.vector_load %arg14[%get3A_635, %get3A_636] {strides = array<i32>} : memref<16x128xf32, #tpu.memory_space<vmem>>, vector<1x16xf32>,
      %get3A_638 = vector.shape_cast %get3A_637 : vector<1x16xf32> to vector<16xf32>
      %mul3A_639 = arith.mulf %get3A_638, %broadcast_in_dim3A_609 : vector<16xf32>
      %swap3A_640 = arith.constant 5 : i32
      %swap3A_641 = arith.index_cast %swap3A_640 : i32 to index
      %swap3A_642 = arith.constant 32 : index
      %swap3A_643 = tpu.vector_load %arg14[%swap3A_641, %swap3A_642] {strides = array<i32>} : memref<16x128xf32, #tpu.memory_space<vmem>>, vector<1x16xf32>,
      %swap3A_644 = vector.shape_cast %swap3A_643 : vector<1x16xf32> to vector<16xf32>
      %swap3A_645 = vector.shape_cast %mul3A_639 : vector<16xf32> to vector<1x16xf32>
      tpu.vector_store %arg14[%swap3A_641, %swap3A_642], %swap3A_645 {strides = array<i32>} : memref<16x128xf32, #tpu.memory_space<vmem>>, vector<1x16xf32>,
      %get3A_646 = arith.constant 5 : i32
      %get3A_647 = arith.index_cast %get3A_646 : i32 to index
      %get3A_648 = arith.constant 48 : index
      %get3A_649 = tpu.vector_load %arg14[%get3A_647, %get3A_648] {strides = array<i32>} : memref<16x128xf32, #tpu.memory_space<vmem>>, vector<1x16xf32>,
      %get3A_650 = vector.shape_cast %get3A_649 : vector<1x16xf32> to vector<16xf32>
      %mul3A_651 = arith.mulf %get3A_650, %broadcast_in_dim3A_609 : vector<16xf32>
      %swap3A_652 = arith.constant 5 : i32
      %swap3A_653 = arith.index_cast %swap3A_652 : i32 to index
      %swap3A_654 = arith.constant 48 : index
      %swap3A_655 = tpu.vector_load %arg14[%swap3A_653, %swap3A_654] {strides = array<i32>} : memref<16x128xf32, #tpu.memory_space<vmem>>, vector<1x16xf32>,
      %swap3A_656 = vector.shape_cast %swap3A_655 : vector<1x16xf32> to vector<16xf32>
      %swap3A_657 = vector.shape_cast %mul3A_651 : vector<16xf32> to vector<1x16xf32>
      tpu.vector_store %arg14[%swap3A_653, %swap3A_654], %swap3A_657 {strides = array<i32>} : memref<16x128xf32, #tpu.memory_space<vmem>>, vector<1x16xf32>,
      %get3A_658 = arith.constant 5 : i32
      %get3A_659 = arith.index_cast %get3A_658 : i32 to index
      %get3A_660 = arith.constant 64 : index
      %get3A_661 = tpu.vector_load %arg14[%get3A_659, %get3A_660] {strides = array<i32>} : memref<16x128xf32, #tpu.memory_space<vmem>>, vector<1x16xf32>,
      %get3A_662 = vector.shape_cast %get3A_661 : vector<1x16xf32> to vector<16xf32>
      %mul3A_663 = arith.mulf %get3A_662, %broadcast_in_dim3A_609 : vector<16xf32>
      %swap3A_664 = arith.constant 5 : i32
      %swap3A_665 = arith.index_cast %swap3A_664 : i32 to index
      %swap3A_666 = arith.constant 64 : index
      %swap3A_667 = tpu.vector_load %arg14[%swap3A_665, %swap3A_666] {strides = array<i32>} : memref<16x128xf32, #tpu.memory_space<vmem>>, vector<1x16xf32>,
      %swap3A_668 = vector.shape_cast %swap3A_667 : vector<1x16xf32> to vector<16xf32>
      %swap3A_669 = vector.shape_cast %mul3A_663 : vector<16xf32> to vector<1x16xf32>
      tpu.vector_store %arg14[%swap3A_665, %swap3A_666], %swap3A_669 {strides = array<i32>} : memref<16x128xf32, #tpu.memory_space<vmem>>, vector<1x16xf32>,
      %get3A_670 = arith.constant 5 : i32
      %get3A_671 = arith.index_cast %get3A_670 : i32 to index
      %get3A_672 = arith.constant 80 : index
      %get3A_673 = tpu.vector_load %arg14[%get3A_671, %get3A_672] {strides = array<i32>} : memref<16x128xf32, #tpu.memory_space<vmem>>, vector<1x16xf32>,
      %get3A_674 = vector.shape_cast %get3A_673 : vector<1x16xf32> to vector<16xf32>
      %mul3A_675 = arith.mulf %get3A_674, %broadcast_in_dim3A_609 : vector<16xf32>
      %swap3A_676 = arith.constant 5 : i32
      %swap3A_677 = arith.index_cast %swap3A_676 : i32 to index
      %swap3A_678 = arith.constant 80 : index
      %swap3A_679 = tpu.vector_load %arg14[%swap3A_677, %swap3A_678] {strides = array<i32>} : memref<16x128xf32, #tpu.memory_space<vmem>>, vector<1x16xf32>,
      %swap3A_680 = vector.shape_cast %swap3A_679 : vector<1x16xf32> to vector<16xf32>
      %swap3A_681 = vector.shape_cast %mul3A_675 : vector<16xf32> to vector<1x16xf32>
      tpu.vector_store %arg14[%swap3A_677, %swap3A_678], %swap3A_681 {strides = array<i32>} : memref<16x128xf32, #tpu.memory_space<vmem>>, vector<1x16xf32>,
      %get3A_682 = arith.constant 5 : i32
      %get3A_683 = arith.index_cast %get3A_682 : i32 to index
      %get3A_684 = arith.constant 96 : index
      %get3A_685 = tpu.vector_load %arg14[%get3A_683, %get3A_684] {strides = array<i32>} : memref<16x128xf32, #tpu.memory_space<vmem>>, vector<1x16xf32>,
      %get3A_686 = vector.shape_cast %get3A_685 : vector<1x16xf32> to vector<16xf32>
      %mul3A_687 = arith.mulf %get3A_686, %broadcast_in_dim3A_609 : vector<16xf32>
      %swap3A_688 = arith.constant 5 : i32
      %swap3A_689 = arith.index_cast %swap3A_688 : i32 to index
      %swap3A_690 = arith.constant 96 : index
      %swap3A_691 = tpu.vector_load %arg14[%swap3A_689, %swap3A_690] {strides = array<i32>} : memref<16x128xf32, #tpu.memory_space<vmem>>, vector<1x16xf32>,
      %swap3A_692 = vector.shape_cast %swap3A_691 : vector<1x16xf32> to vector<16xf32>
      %swap3A_693 = vector.shape_cast %mul3A_687 : vector<16xf32> to vector<1x16xf32>
      tpu.vector_store %arg14[%swap3A_689, %swap3A_690], %swap3A_693 {strides = array<i32>} : memref<16x128xf32, #tpu.memory_space<vmem>>, vector<1x16xf32>,
      %get3A_694 = arith.constant 5 : i32
      %get3A_695 = arith.index_cast %get3A_694 : i32 to index
      %get3A_696 = arith.constant 112 : index
      %get3A_697 = tpu.vector_load %arg14[%get3A_695, %get3A_696] {strides = array<i32>} : memref<16x128xf32, #tpu.memory_space<vmem>>, vector<1x16xf32>,
      %get3A_698 = vector.shape_cast %get3A_697 : vector<1x16xf32> to vector<16xf32>
      %mul3A_699 = arith.mulf %get3A_698, %broadcast_in_dim3A_609 : vector<16xf32>
      %swap3A_700 = arith.constant 5 : i32
      %swap3A_701 = arith.index_cast %swap3A_700 : i32 to index
      %swap3A_702 = arith.constant 112 : index
      %swap3A_703 = tpu.vector_load %arg14[%swap3A_701, %swap3A_702] {strides = array<i32>} : memref<16x128xf32, #tpu.memory_space<vmem>>, vector<1x16xf32>,
      %swap3A_704 = vector.shape_cast %swap3A_703 : vector<1x16xf32> to vector<16xf32>
      %swap3A_705 = vector.shape_cast %mul3A_699 : vector<16xf32> to vector<1x16xf32>
      tpu.vector_store %arg14[%swap3A_701, %swap3A_702], %swap3A_705 {strides = array<i32>} : memref<16x128xf32, #tpu.memory_space<vmem>>, vector<1x16xf32>,
      %slice3A_706 = vector.extract_strided_slice %get3A_115 {offsets = [6], sizes = [1], strides = [1]} : vector<16xf32> to vector<1xf32>
      %squeeze3A_707 = vector.extract %slice3A_706[0] : f32 from vector<1xf32>
      %broadcast_in_dim3A_708 = vector.broadcast %squeeze3A_707 : f32 to vector<16xf32>
      %get3A_709 = arith.constant 6 : i32
      %get3A_710 = arith.index_cast %get3A_709 : i32 to index
      %get3A_711 = arith.constant 0 : index
      %get3A_712 = tpu.vector_load %arg14[%get3A_710, %get3A_711] {strides = array<i32>} : memref<16x128xf32, #tpu.memory_space<vmem>>, vector<1x16xf32>,
      %get3A_713 = vector.shape_cast %get3A_712 : vector<1x16xf32> to vector<16xf32>
      %mul3A_714 = arith.mulf %get3A_713, %broadcast_in_dim3A_708 : vector<16xf32>
      %swap3A_715 = arith.constant 6 : i32
      %swap3A_716 = arith.index_cast %swap3A_715 : i32 to index
      %swap3A_717 = arith.constant 0 : index
      %swap3A_718 = tpu.vector_load %arg14[%swap3A_716, %swap3A_717] {strides = array<i32>} : memref<16x128xf32, #tpu.memory_space<vmem>>, vector<1x16xf32>,
      %swap3A_719 = vector.shape_cast %swap3A_718 : vector<1x16xf32> to vector<16xf32>
      %swap3A_720 = vector.shape_cast %mul3A_714 : vector<16xf32> to vector<1x16xf32>
      tpu.vector_store %arg14[%swap3A_716, %swap3A_717], %swap3A_720 {strides = array<i32>} : memref<16x128xf32, #tpu.memory_space<vmem>>, vector<1x16xf32>,
      %get3A_721 = arith.constant 6 : i32
      %get3A_722 = arith.index_cast %get3A_721 : i32 to index
      %get3A_723 = arith.constant 16 : index
      %get3A_724 = tpu.vector_load %arg14[%get3A_722, %get3A_723] {strides = array<i32>} : memref<16x128xf32, #tpu.memory_space<vmem>>, vector<1x16xf32>,
      %get3A_725 = vector.shape_cast %get3A_724 : vector<1x16xf32> to vector<16xf32>
      %mul3A_726 = arith.mulf %get3A_725, %broadcast_in_dim3A_708 : vector<16xf32>
      %swap3A_727 = arith.constant 6 : i32
      %swap3A_728 = arith.index_cast %swap3A_727 : i32 to index
      %swap3A_729 = arith.constant 16 : index
      %swap3A_730 = tpu.vector_load %arg14[%swap3A_728, %swap3A_729] {strides = array<i32>} : memref<16x128xf32, #tpu.memory_space<vmem>>, vector<1x16xf32>,
      %swap3A_731 = vector.shape_cast %swap3A_730 : vector<1x16xf32> to vector<16xf32>
      %swap3A_732 = vector.shape_cast %mul3A_726 : vector<16xf32> to vector<1x16xf32>
      tpu.vector_store %arg14[%swap3A_728, %swap3A_729], %swap3A_732 {strides = array<i32>} : memref<16x128xf32, #tpu.memory_space<vmem>>, vector<1x16xf32>,
      %get3A_733 = arith.constant 6 : i32
      %get3A_734 = arith.index_cast %get3A_733 : i32 to index
      %get3A_735 = arith.constant 32 : index
      %get3A_736 = tpu.vector_load %arg14[%get3A_734, %get3A_735] {strides = array<i32>} : memref<16x128xf32, #tpu.memory_space<vmem>>, vector<1x16xf32>,
      %get3A_737 = vector.shape_cast %get3A_736 : vector<1x16xf32> to vector<16xf32>
      %mul3A_738 = arith.mulf %get3A_737, %broadcast_in_dim3A_708 : vector<16xf32>
      %swap3A_739 = arith.constant 6 : i32
      %swap3A_740 = arith.index_cast %swap3A_739 : i32 to index
      %swap3A_741 = arith.constant 32 : index
      %swap3A_742 = tpu.vector_load %arg14[%swap3A_740, %swap3A_741] {strides = array<i32>} : memref<16x128xf32, #tpu.memory_space<vmem>>, vector<1x16xf32>,
      %swap3A_743 = vector.shape_cast %swap3A_742 : vector<1x16xf32> to vector<16xf32>
      %swap3A_744 = vector.shape_cast %mul3A_738 : vector<16xf32> to vector<1x16xf32>
      tpu.vector_store %arg14[%swap3A_740, %swap3A_741], %swap3A_744 {strides = array<i32>} : memref<16x128xf32, #tpu.memory_space<vmem>>, vector<1x16xf32>,
      %get3A_745 = arith.constant 6 : i32
      %get3A_746 = arith.index_cast %get3A_745 : i32 to index
      %get3A_747 = arith.constant 48 : index
      %get3A_748 = tpu.vector_load %arg14[%get3A_746, %get3A_747] {strides = array<i32>} : memref<16x128xf32, #tpu.memory_space<vmem>>, vector<1x16xf32>,
      %get3A_749 = vector.shape_cast %get3A_748 : vector<1x16xf32> to vector<16xf32>
      %mul3A_750 = arith.mulf %get3A_749, %broadcast_in_dim3A_708 : vector<16xf32>
      %swap3A_751 = arith.constant 6 : i32
      %swap3A_752 = arith.index_cast %swap3A_751 : i32 to index
      %swap3A_753 = arith.constant 48 : index
      %swap3A_754 = tpu.vector_load %arg14[%swap3A_752, %swap3A_753] {strides = array<i32>} : memref<16x128xf32, #tpu.memory_space<vmem>>, vector<1x16xf32>,
      %swap3A_755 = vector.shape_cast %swap3A_754 : vector<1x16xf32> to vector<16xf32>
      %swap3A_756 = vector.shape_cast %mul3A_750 : vector<16xf32> to vector<1x16xf32>
      tpu.vector_store %arg14[%swap3A_752, %swap3A_753], %swap3A_756 {strides = array<i32>} : memref<16x128xf32, #tpu.memory_space<vmem>>, vector<1x16xf32>,
      %get3A_757 = arith.constant 6 : i32
      %get3A_758 = arith.index_cast %get3A_757 : i32 to index
      %get3A_759 = arith.constant 64 : index
      %get3A_760 = tpu.vector_load %arg14[%get3A_758, %get3A_759] {strides = array<i32>} : memref<16x128xf32, #tpu.memory_space<vmem>>, vector<1x16xf32>,
      %get3A_761 = vector.shape_cast %get3A_760 : vector<1x16xf32> to vector<16xf32>
      %mul3A_762 = arith.mulf %get3A_761, %broadcast_in_dim3A_708 : vector<16xf32>
      %swap3A_763 = arith.constant 6 : i32
      %swap3A_764 = arith.index_cast %swap3A_763 : i32 to index
      %swap3A_765 = arith.constant 64 : index
      %swap3A_766 = tpu.vector_load %arg14[%swap3A_764, %swap3A_765] {strides = array<i32>} : memref<16x128xf32, #tpu.memory_space<vmem>>, vector<1x16xf32>,
      %swap3A_767 = vector.shape_cast %swap3A_766 : vector<1x16xf32> to vector<16xf32>
      %swap3A_768 = vector.shape_cast %mul3A_762 : vector<16xf32> to vector<1x16xf32>
      tpu.vector_store %arg14[%swap3A_764, %swap3A_765], %swap3A_768 {strides = array<i32>} : memref<16x128xf32, #tpu.memory_space<vmem>>, vector<1x16xf32>,
      %get3A_769 = arith.constant 6 : i32
      %get3A_770 = arith.index_cast %get3A_769 : i32 to index
      %get3A_771 = arith.constant 80 : index
      %get3A_772 = tpu.vector_load %arg14[%get3A_770, %get3A_771] {strides = array<i32>} : memref<16x128xf32, #tpu.memory_space<vmem>>, vector<1x16xf32>,
      %get3A_773 = vector.shape_cast %get3A_772 : vector<1x16xf32> to vector<16xf32>
      %mul3A_774 = arith.mulf %get3A_773, %broadcast_in_dim3A_708 : vector<16xf32>
      %swap3A_775 = arith.constant 6 : i32
      %swap3A_776 = arith.index_cast %swap3A_775 : i32 to index
      %swap3A_777 = arith.constant 80 : index
      %swap3A_778 = tpu.vector_load %arg14[%swap3A_776, %swap3A_777] {strides = array<i32>} : memref<16x128xf32, #tpu.memory_space<vmem>>, vector<1x16xf32>,
      %swap3A_779 = vector.shape_cast %swap3A_778 : vector<1x16xf32> to vector<16xf32>
      %swap3A_780 = vector.shape_cast %mul3A_774 : vector<16xf32> to vector<1x16xf32>
      tpu.vector_store %arg14[%swap3A_776, %swap3A_777], %swap3A_780 {strides = array<i32>} : memref<16x128xf32, #tpu.memory_space<vmem>>, vector<1x16xf32>,
      %get3A_781 = arith.constant 6 : i32
      %get3A_782 = arith.index_cast %get3A_781 : i32 to index
      %get3A_783 = arith.constant 96 : index
      %get3A_784 = tpu.vector_load %arg14[%get3A_782, %get3A_783] {strides = array<i32>} : memref<16x128xf32, #tpu.memory_space<vmem>>, vector<1x16xf32>,
      %get3A_785 = vector.shape_cast %get3A_784 : vector<1x16xf32> to vector<16xf32>
      %mul3A_786 = arith.mulf %get3A_785, %broadcast_in_dim3A_708 : vector<16xf32>
      %swap3A_787 = arith.constant 6 : i32
      %swap3A_788 = arith.index_cast %swap3A_787 : i32 to index
      %swap3A_789 = arith.constant 96 : index
      %swap3A_790 = tpu.vector_load %arg14[%swap3A_788, %swap3A_789] {strides = array<i32>} : memref<16x128xf32, #tpu.memory_space<vmem>>, vector<1x16xf32>,
      %swap3A_791 = vector.shape_cast %swap3A_790 : vector<1x16xf32> to vector<16xf32>
      %swap3A_792 = vector.shape_cast %mul3A_786 : vector<16xf32> to vector<1x16xf32>
      tpu.vector_store %arg14[%swap3A_788, %swap3A_789], %swap3A_792 {strides = array<i32>} : memref<16x128xf32, #tpu.memory_space<vmem>>, vector<1x16xf32>,
      %get3A_793 = arith.constant 6 : i32
      %get3A_794 = arith.index_cast %get3A_793 : i32 to index
      %get3A_795 = arith.constant 112 : index
      %get3A_796 = tpu.vector_load %arg14[%get3A_794, %get3A_795] {strides = array<i32>} : memref<16x128xf32, #tpu.memory_space<vmem>>, vector<1x16xf32>,
      %get3A_797 = vector.shape_cast %get3A_796 : vector<1x16xf32> to vector<16xf32>
      %mul3A_798 = arith.mulf %get3A_797, %broadcast_in_dim3A_708 : vector<16xf32>
      %swap3A_799 = arith.constant 6 : i32
      %swap3A_800 = arith.index_cast %swap3A_799 : i32 to index
      %swap3A_801 = arith.constant 112 : index
      %swap3A_802 = tpu.vector_load %arg14[%swap3A_800, %swap3A_801] {strides = array<i32>} : memref<16x128xf32, #tpu.memory_space<vmem>>, vector<1x16xf32>,
      %swap3A_803 = vector.shape_cast %swap3A_802 : vector<1x16xf32> to vector<16xf32>
      %swap3A_804 = vector.shape_cast %mul3A_798 : vector<16xf32> to vector<1x16xf32>
      tpu.vector_store %arg14[%swap3A_800, %swap3A_801], %swap3A_804 {strides = array<i32>} : memref<16x128xf32, #tpu.memory_space<vmem>>, vector<1x16xf32>,
      %slice3A_805 = vector.extract_strided_slice %get3A_115 {offsets = [7], sizes = [1], strides = [1]} : vector<16xf32> to vector<1xf32>
      %squeeze3A_806 = vector.extract %slice3A_805[0] : f32 from vector<1xf32>
      %broadcast_in_dim3A_807 = vector.broadcast %squeeze3A_806 : f32 to vector<16xf32>
      %get3A_808 = arith.constant 7 : i32
      %get3A_809 = arith.index_cast %get3A_808 : i32 to index
      %get3A_810 = arith.constant 0 : index
      %get3A_811 = tpu.vector_load %arg14[%get3A_809, %get3A_810] {strides = array<i32>} : memref<16x128xf32, #tpu.memory_space<vmem>>, vector<1x16xf32>,
      %get3A_812 = vector.shape_cast %get3A_811 : vector<1x16xf32> to vector<16xf32>
      %mul3A_813 = arith.mulf %get3A_812, %broadcast_in_dim3A_807 : vector<16xf32>
      %swap3A_814 = arith.constant 7 : i32
      %swap3A_815 = arith.index_cast %swap3A_814 : i32 to index
      %swap3A_816 = arith.constant 0 : index
      %swap3A_817 = tpu.vector_load %arg14[%swap3A_815, %swap3A_816] {strides = array<i32>} : memref<16x128xf32, #tpu.memory_space<vmem>>, vector<1x16xf32>,
      %swap3A_818 = vector.shape_cast %swap3A_817 : vector<1x16xf32> to vector<16xf32>
      %swap3A_819 = vector.shape_cast %mul3A_813 : vector<16xf32> to vector<1x16xf32>
      tpu.vector_store %arg14[%swap3A_815, %swap3A_816], %swap3A_819 {strides = array<i32>} : memref<16x128xf32, #tpu.memory_space<vmem>>, vector<1x16xf32>,
      %get3A_820 = arith.constant 7 : i32
      %get3A_821 = arith.index_cast %get3A_820 : i32 to index
      %get3A_822 = arith.constant 16 : index
      %get3A_823 = tpu.vector_load %arg14[%get3A_821, %get3A_822] {strides = array<i32>} : memref<16x128xf32, #tpu.memory_space<vmem>>, vector<1x16xf32>,
      %get3A_824 = vector.shape_cast %get3A_823 : vector<1x16xf32> to vector<16xf32>
      %mul3A_825 = arith.mulf %get3A_824, %broadcast_in_dim3A_807 : vector<16xf32>
      %swap3A_826 = arith.constant 7 : i32
      %swap3A_827 = arith.index_cast %swap3A_826 : i32 to index
      %swap3A_828 = arith.constant 16 : index
      %swap3A_829 = tpu.vector_load %arg14[%swap3A_827, %swap3A_828] {strides = array<i32>} : memref<16x128xf32, #tpu.memory_space<vmem>>, vector<1x16xf32>,
      %swap3A_830 = vector.shape_cast %swap3A_829 : vector<1x16xf32> to vector<16xf32>
      %swap3A_831 = vector.shape_cast %mul3A_825 : vector<16xf32> to vector<1x16xf32>
      tpu.vector_store %arg14[%swap3A_827, %swap3A_828], %swap3A_831 {strides = array<i32>} : memref<16x128xf32, #tpu.memory_space<vmem>>, vector<1x16xf32>,
      %get3A_832 = arith.constant 7 : i32
      %get3A_833 = arith.index_cast %get3A_832 : i32 to index
      %get3A_834 = arith.constant 32 : index
      %get3A_835 = tpu.vector_load %arg14[%get3A_833, %get3A_834] {strides = array<i32>} : memref<16x128xf32, #tpu.memory_space<vmem>>, vector<1x16xf32>,
      %get3A_836 = vector.shape_cast %get3A_835 : vector<1x16xf32> to vector<16xf32>
      %mul3A_837 = arith.mulf %get3A_836, %broadcast_in_dim3A_807 : vector<16xf32>
      %swap3A_838 = arith.constant 7 : i32
      %swap3A_839 = arith.index_cast %swap3A_838 : i32 to index
      %swap3A_840 = arith.constant 32 : index
      %swap3A_841 = tpu.vector_load %arg14[%swap3A_839, %swap3A_840] {strides = array<i32>} : memref<16x128xf32, #tpu.memory_space<vmem>>, vector<1x16xf32>,
      %swap3A_842 = vector.shape_cast %swap3A_841 : vector<1x16xf32> to vector<16xf32>
      %swap3A_843 = vector.shape_cast %mul3A_837 : vector<16xf32> to vector<1x16xf32>
      tpu.vector_store %arg14[%swap3A_839, %swap3A_840], %swap3A_843 {strides = array<i32>} : memref<16x128xf32, #tpu.memory_space<vmem>>, vector<1x16xf32>,
      %get3A_844 = arith.constant 7 : i32
      %get3A_845 = arith.index_cast %get3A_844 : i32 to index
      %get3A_846 = arith.constant 48 : index
      %get3A_847 = tpu.vector_load %arg14[%get3A_845, %get3A_846] {strides = array<i32>} : memref<16x128xf32, #tpu.memory_space<vmem>>, vector<1x16xf32>,
      %get3A_848 = vector.shape_cast %get3A_847 : vector<1x16xf32> to vector<16xf32>
      %mul3A_849 = arith.mulf %get3A_848, %broadcast_in_dim3A_807 : vector<16xf32>
      %swap3A_850 = arith.constant 7 : i32
      %swap3A_851 = arith.index_cast %swap3A_850 : i32 to index
      %swap3A_852 = arith.constant 48 : index
      %swap3A_853 = tpu.vector_load %arg14[%swap3A_851, %swap3A_852] {strides = array<i32>} : memref<16x128xf32, #tpu.memory_space<vmem>>, vector<1x16xf32>,
      %swap3A_854 = vector.shape_cast %swap3A_853 : vector<1x16xf32> to vector<16xf32>
      %swap3A_855 = vector.shape_cast %mul3A_849 : vector<16xf32> to vector<1x16xf32>
      tpu.vector_store %arg14[%swap3A_851, %swap3A_852], %swap3A_855 {strides = array<i32>} : memref<16x128xf32, #tpu.memory_space<vmem>>, vector<1x16xf32>,
      %get3A_856 = arith.constant 7 : i32
      %get3A_857 = arith.index_cast %get3A_856 : i32 to index
      %get3A_858 = arith.constant 64 : index
      %get3A_859 = tpu.vector_load %arg14[%get3A_857, %get3A_858] {strides = array<i32>} : memref<16x128xf32, #tpu.memory_space<vmem>>, vector<1x16xf32>,
      %get3A_860 = vector.shape_cast %get3A_859 : vector<1x16xf32> to vector<16xf32>
      %mul3A_861 = arith.mulf %get3A_860, %broadcast_in_dim3A_807 : vector<16xf32>
      %swap3A_862 = arith.constant 7 : i32
      %swap3A_863 = arith.index_cast %swap3A_862 : i32 to index
      %swap3A_864 = arith.constant 64 : index
      %swap3A_865 = tpu.vector_load %arg14[%swap3A_863, %swap3A_864] {strides = array<i32>} : memref<16x128xf32, #tpu.memory_space<vmem>>, vector<1x16xf32>,
      %swap3A_866 = vector.shape_cast %swap3A_865 : vector<1x16xf32> to vector<16xf32>
      %swap3A_867 = vector.shape_cast %mul3A_861 : vector<16xf32> to vector<1x16xf32>
      tpu.vector_store %arg14[%swap3A_863, %swap3A_864], %swap3A_867 {strides = array<i32>} : memref<16x128xf32, #tpu.memory_space<vmem>>, vector<1x16xf32>,
      %get3A_868 = arith.constant 7 : i32
      %get3A_869 = arith.index_cast %get3A_868 : i32 to index
      %get3A_870 = arith.constant 80 : index
      %get3A_871 = tpu.vector_load %arg14[%get3A_869, %get3A_870] {strides = array<i32>} : memref<16x128xf32, #tpu.memory_space<vmem>>, vector<1x16xf32>,
      %get3A_872 = vector.shape_cast %get3A_871 : vector<1x16xf32> to vector<16xf32>
      %mul3A_873 = arith.mulf %get3A_872, %broadcast_in_dim3A_807 : vector<16xf32>
      %swap3A_874 = arith.constant 7 : i32
      %swap3A_875 = arith.index_cast %swap3A_874 : i32 to index
      %swap3A_876 = arith.constant 80 : index
      %swap3A_877 = tpu.vector_load %arg14[%swap3A_875, %swap3A_876] {strides = array<i32>} : memref<16x128xf32, #tpu.memory_space<vmem>>, vector<1x16xf32>,
      %swap3A_878 = vector.shape_cast %swap3A_877 : vector<1x16xf32> to vector<16xf32>
      %swap3A_879 = vector.shape_cast %mul3A_873 : vector<16xf32> to vector<1x16xf32>
      tpu.vector_store %arg14[%swap3A_875, %swap3A_876], %swap3A_879 {strides = array<i32>} : memref<16x128xf32, #tpu.memory_space<vmem>>, vector<1x16xf32>,
      %get3A_880 = arith.constant 7 : i32
      %get3A_881 = arith.index_cast %get3A_880 : i32 to index
      %get3A_882 = arith.constant 96 : index
      %get3A_883 = tpu.vector_load %arg14[%get3A_881, %get3A_882] {strides = array<i32>} : memref<16x128xf32, #tpu.memory_space<vmem>>, vector<1x16xf32>,
      %get3A_884 = vector.shape_cast %get3A_883 : vector<1x16xf32> to vector<16xf32>
      %mul3A_885 = arith.mulf %get3A_884, %broadcast_in_dim3A_807 : vector<16xf32>
      %swap3A_886 = arith.constant 7 : i32
      %swap3A_887 = arith.index_cast %swap3A_886 : i32 to index
      %swap3A_888 = arith.constant 96 : index
      %swap3A_889 = tpu.vector_load %arg14[%swap3A_887, %swap3A_888] {strides = array<i32>} : memref<16x128xf32, #tpu.memory_space<vmem>>, vector<1x16xf32>,
      %swap3A_890 = vector.shape_cast %swap3A_889 : vector<1x16xf32> to vector<16xf32>
      %swap3A_891 = vector.shape_cast %mul3A_885 : vector<16xf32> to vector<1x16xf32>
      tpu.vector_store %arg14[%swap3A_887, %swap3A_888], %swap3A_891 {strides = array<i32>} : memref<16x128xf32, #tpu.memory_space<vmem>>, vector<1x16xf32>,
      %get3A_892 = arith.constant 7 : i32
      %get3A_893 = arith.index_cast %get3A_892 : i32 to index
      %get3A_894 = arith.constant 112 : index
      %get3A_895 = tpu.vector_load %arg14[%get3A_893, %get3A_894] {strides = array<i32>} : memref<16x128xf32, #tpu.memory_space<vmem>>, vector<1x16xf32>,
      %get3A_896 = vector.shape_cast %get3A_895 : vector<1x16xf32> to vector<16xf32>
      %mul3A_897 = arith.mulf %get3A_896, %broadcast_in_dim3A_807 : vector<16xf32>
      %swap3A_898 = arith.constant 7 : i32
      %swap3A_899 = arith.index_cast %swap3A_898 : i32 to index
      %swap3A_900 = arith.constant 112 : index
      %swap3A_901 = tpu.vector_load %arg14[%swap3A_899, %swap3A_900] {strides = array<i32>} : memref<16x128xf32, #tpu.memory_space<vmem>>, vector<1x16xf32>,
      %swap3A_902 = vector.shape_cast %swap3A_901 : vector<1x16xf32> to vector<16xf32>
      %swap3A_903 = vector.shape_cast %mul3A_897 : vector<16xf32> to vector<1x16xf32>
      tpu.vector_store %arg14[%swap3A_899, %swap3A_900], %swap3A_903 {strides = array<i32>} : memref<16x128xf32, #tpu.memory_space<vmem>>, vector<1x16xf32>,
      %slice3A_904 = vector.extract_strided_slice %get3A_115 {offsets = [8], sizes = [1], strides = [1]} : vector<16xf32> to vector<1xf32>
      %squeeze3A_905 = vector.extract %slice3A_904[0] : f32 from vector<1xf32>
      %broadcast_in_dim3A_906 = vector.broadcast %squeeze3A_905 : f32 to vector<16xf32>
      %get3A_907 = arith.constant 8 : i32
      %get3A_908 = arith.index_cast %get3A_907 : i32 to index
      %get3A_909 = arith.constant 0 : index
      %get3A_910 = tpu.vector_load %arg14[%get3A_908, %get3A_909] {strides = array<i32>} : memref<16x128xf32, #tpu.memory_space<vmem>>, vector<1x16xf32>,
      %get3A_911 = vector.shape_cast %get3A_910 : vector<1x16xf32> to vector<16xf32>
      %mul3A_912 = arith.mulf %get3A_911, %broadcast_in_dim3A_906 : vector<16xf32>
      %swap3A_913 = arith.constant 8 : i32
      %swap3A_914 = arith.index_cast %swap3A_913 : i32 to index
      %swap3A_915 = arith.constant 0 : index
      %swap3A_916 = tpu.vector_load %arg14[%swap3A_914, %swap3A_915] {strides = array<i32>} : memref<16x128xf32, #tpu.memory_space<vmem>>, vector<1x16xf32>,
      %swap3A_917 = vector.shape_cast %swap3A_916 : vector<1x16xf32> to vector<16xf32>
      %swap3A_918 = vector.shape_cast %mul3A_912 : vector<16xf32> to vector<1x16xf32>
      tpu.vector_store %arg14[%swap3A_914, %swap3A_915], %swap3A_918 {strides = array<i32>} : memref<16x128xf32, #tpu.memory_space<vmem>>, vector<1x16xf32>,
      %get3A_919 = arith.constant 8 : i32
      %get3A_920 = arith.index_cast %get3A_919 : i32 to index
      %get3A_921 = arith.constant 16 : index
      %get3A_922 = tpu.vector_load %arg14[%get3A_920, %get3A_921] {strides = array<i32>} : memref<16x128xf32, #tpu.memory_space<vmem>>, vector<1x16xf32>,
      %get3A_923 = vector.shape_cast %get3A_922 : vector<1x16xf32> to vector<16xf32>
      %mul3A_924 = arith.mulf %get3A_923, %broadcast_in_dim3A_906 : vector<16xf32>
      %swap3A_925 = arith.constant 8 : i32
      %swap3A_926 = arith.index_cast %swap3A_925 : i32 to index
      %swap3A_927 = arith.constant 16 : index
      %swap3A_928 = tpu.vector_load %arg14[%swap3A_926, %swap3A_927] {strides = array<i32>} : memref<16x128xf32, #tpu.memory_space<vmem>>, vector<1x16xf32>,
      %swap3A_929 = vector.shape_cast %swap3A_928 : vector<1x16xf32> to vector<16xf32>
      %swap3A_930 = vector.shape_cast %mul3A_924 : vector<16xf32> to vector<1x16xf32>
      tpu.vector_store %arg14[%swap3A_926, %swap3A_927], %swap3A_930 {strides = array<i32>} : memref<16x128xf32, #tpu.memory_space<vmem>>, vector<1x16xf32>,
      %get3A_931 = arith.constant 8 : i32
      %get3A_932 = arith.index_cast %get3A_931 : i32 to index
      %get3A_933 = arith.constant 32 : index
      %get3A_934 = tpu.vector_load %arg14[%get3A_932, %get3A_933] {strides = array<i32>} : memref<16x128xf32, #tpu.memory_space<vmem>>, vector<1x16xf32>,
      %get3A_935 = vector.shape_cast %get3A_934 : vector<1x16xf32> to vector<16xf32>
      %mul3A_936 = arith.mulf %get3A_935, %broadcast_in_dim3A_906 : vector<16xf32>
      %swap3A_937 = arith.constant 8 : i32
      %swap3A_938 = arith.index_cast %swap3A_937 : i32 to index
      %swap3A_939 = arith.constant 32 : index
      %swap3A_940 = tpu.vector_load %arg14[%swap3A_938, %swap3A_939] {strides = array<i32>} : memref<16x128xf32, #tpu.memory_space<vmem>>, vector<1x16xf32>,
      %swap3A_941 = vector.shape_cast %swap3A_940 : vector<1x16xf32> to vector<16xf32>
      %swap3A_942 = vector.shape_cast %mul3A_936 : vector<16xf32> to vector<1x16xf32>
      tpu.vector_store %arg14[%swap3A_938, %swap3A_939], %swap3A_942 {strides = array<i32>} : memref<16x128xf32, #tpu.memory_space<vmem>>, vector<1x16xf32>,
      %get3A_943 = arith.constant 8 : i32
      %get3A_944 = arith.index_cast %get3A_943 : i32 to index
      %get3A_945 = arith.constant 48 : index
      %get3A_946 = tpu.vector_load %arg14[%get3A_944, %get3A_945] {strides = array<i32>} : memref<16x128xf32, #tpu.memory_space<vmem>>, vector<1x16xf32>,
      %get3A_947 = vector.shape_cast %get3A_946 : vector<1x16xf32> to vector<16xf32>
      %mul3A_948 = arith.mulf %get3A_947, %broadcast_in_dim3A_906 : vector<16xf32>
      %swap3A_949 = arith.constant 8 : i32
      %swap3A_950 = arith.index_cast %swap3A_949 : i32 to index
      %swap3A_951 = arith.constant 48 : index
      %swap3A_952 = tpu.vector_load %arg14[%swap3A_950, %swap3A_951] {strides = array<i32>} : memref<16x128xf32, #tpu.memory_space<vmem>>, vector<1x16xf32>,
      %swap3A_953 = vector.shape_cast %swap3A_952 : vector<1x16xf32> to vector<16xf32>
      %swap3A_954 = vector.shape_cast %mul3A_948 : vector<16xf32> to vector<1x16xf32>
      tpu.vector_store %arg14[%swap3A_950, %swap3A_951], %swap3A_954 {strides = array<i32>} : memref<16x128xf32, #tpu.memory_space<vmem>>, vector<1x16xf32>,
      %get3A_955 = arith.constant 8 : i32
      %get3A_956 = arith.index_cast %get3A_955 : i32 to index
      %get3A_957 = arith.constant 64 : index
      %get3A_958 = tpu.vector_load %arg14[%get3A_956, %get3A_957] {strides = array<i32>} : memref<16x128xf32, #tpu.memory_space<vmem>>, vector<1x16xf32>,
      %get3A_959 = vector.shape_cast %get3A_958 : vector<1x16xf32> to vector<16xf32>
      %mul3A_960 = arith.mulf %get3A_959, %broadcast_in_dim3A_906 : vector<16xf32>
      %swap3A_961 = arith.constant 8 : i32
      %swap3A_962 = arith.index_cast %swap3A_961 : i32 to index
      %swap3A_963 = arith.constant 64 : index
      %swap3A_964 = tpu.vector_load %arg14[%swap3A_962, %swap3A_963] {strides = array<i32>} : memref<16x128xf32, #tpu.memory_space<vmem>>, vector<1x16xf32>,
      %swap3A_965 = vector.shape_cast %swap3A_964 : vector<1x16xf32> to vector<16xf32>
      %swap3A_966 = vector.shape_cast %mul3A_960 : vector<16xf32> to vector<1x16xf32>
      tpu.vector_store %arg14[%swap3A_962, %swap3A_963], %swap3A_966 {strides = array<i32>} : memref<16x128xf32, #tpu.memory_space<vmem>>, vector<1x16xf32>,
      %get3A_967 = arith.constant 8 : i32
      %get3A_968 = arith.index_cast %get3A_967 : i32 to index
      %get3A_969 = arith.constant 80 : index
      %get3A_970 = tpu.vector_load %arg14[%get3A_968, %get3A_969] {strides = array<i32>} : memref<16x128xf32, #tpu.memory_space<vmem>>, vector<1x16xf32>,
      %get3A_971 = vector.shape_cast %get3A_970 : vector<1x16xf32> to vector<16xf32>
      %mul3A_972 = arith.mulf %get3A_971, %broadcast_in_dim3A_906 : vector<16xf32>
      %swap3A_973 = arith.constant 8 : i32
      %swap3A_974 = arith.index_cast %swap3A_973 : i32 to index
      %swap3A_975 = arith.constant 80 : index
      %swap3A_976 = tpu.vector_load %arg14[%swap3A_974, %swap3A_975] {strides = array<i32>} : memref<16x128xf32, #tpu.memory_space<vmem>>, vector<1x16xf32>,
      %swap3A_977 = vector.shape_cast %swap3A_976 : vector<1x16xf32> to vector<16xf32>
      %swap3A_978 = vector.shape_cast %mul3A_972 : vector<16xf32> to vector<1x16xf32>
      tpu.vector_store %arg14[%swap3A_974, %swap3A_975], %swap3A_978 {strides = array<i32>} : memref<16x128xf32, #tpu.memory_space<vmem>>, vector<1x16xf32>,
      %get3A_979 = arith.constant 8 : i32
      %get3A_980 = arith.index_cast %get3A_979 : i32 to index
      %get3A_981 = arith.constant 96 : index
      %get3A_982 = tpu.vector_load %arg14[%get3A_980, %get3A_981] {strides = array<i32>} : memref<16x128xf32, #tpu.memory_space<vmem>>, vector<1x16xf32>,
      %get3A_983 = vector.shape_cast %get3A_982 : vector<1x16xf32> to vector<16xf32>
      %mul3A_984 = arith.mulf %get3A_983, %broadcast_in_dim3A_906 : vector<16xf32>
      %swap3A_985 = arith.constant 8 : i32
      %swap3A_986 = arith.index_cast %swap3A_985 : i32 to index
      %swap3A_987 = arith.constant 96 : index
      %swap3A_988 = tpu.vector_load %arg14[%swap3A_986, %swap3A_987] {strides = array<i32>} : memref<16x128xf32, #tpu.memory_space<vmem>>, vector<1x16xf32>,
      %swap3A_989 = vector.shape_cast %swap3A_988 : vector<1x16xf32> to vector<16xf32>
      %swap3A_990 = vector.shape_cast %mul3A_984 : vector<16xf32> to vector<1x16xf32>
      tpu.vector_store %arg14[%swap3A_986, %swap3A_987], %swap3A_990 {strides = array<i32>} : memref<16x128xf32, #tpu.memory_space<vmem>>, vector<1x16xf32>,
      %get3A_991 = arith.constant 8 : i32
      %get3A_992 = arith.index_cast %get3A_991 : i32 to index
      %get3A_993 = arith.constant 112 : index
      %get3A_994 = tpu.vector_load %arg14[%get3A_992, %get3A_993] {strides = array<i32>} : memref<16x128xf32, #tpu.memory_space<vmem>>, vector<1x16xf32>,
      %get3A_995 = vector.shape_cast %get3A_994 : vector<1x16xf32> to vector<16xf32>
      %mul3A_996 = arith.mulf %get3A_995, %broadcast_in_dim3A_906 : vector<16xf32>
      %swap3A_997 = arith.constant 8 : i32
      %swap3A_998 = arith.index_cast %swap3A_997 : i32 to index
      %swap3A_999 = arith.constant 112 : index
      %swap3A_1000 = tpu.vector_load %arg14[%swap3A_998, %swap3A_999] {strides = array<i32>} : memref<16x128xf32, #tpu.memory_space<vmem>>, vector<1x16xf32>,
      %swap3A_1001 = vector.shape_cast %swap3A_1000 : vector<1x16xf32> to vector<16xf32>
      %swap3A_1002 = vector.shape_cast %mul3A_996 : vector<16xf32> to vector<1x16xf32>
      tpu.vector_store %arg14[%swap3A_998, %swap3A_999], %swap3A_1002 {strides = array<i32>} : memref<16x128xf32, #tpu.memory_space<vmem>>, vector<1x16xf32>,
      %slice3A_1003 = vector.extract_strided_slice %get3A_115 {offsets = [9], sizes = [1], strides = [1]} : vector<16xf32> to vector<1xf32>
      %squeeze3A_1004 = vector.extract %slice3A_1003[0] : f32 from vector<1xf32>
      %broadcast_in_dim3A_1005 = vector.broadcast %squeeze3A_1004 : f32 to vector<16xf32>
      %get3A_1006 = arith.constant 9 : i32
      %get3A_1007 = arith.index_cast %get3A_1006 : i32 to index
      %get3A_1008 = arith.constant 0 : index
      %get3A_1009 = tpu.vector_load %arg14[%get3A_1007, %get3A_1008] {strides = array<i32>} : memref<16x128xf32, #tpu.memory_space<vmem>>, vector<1x16xf32>,
      %get3A_1010 = vector.shape_cast %get3A_1009 : vector<1x16xf32> to vector<16xf32>
      %mul3A_1011 = arith.mulf %get3A_1010, %broadcast_in_dim3A_1005 : vector<16xf32>
      %swap3A_1012 = arith.constant 9 : i32
      %swap3A_1013 = arith.index_cast %swap3A_1012 : i32 to index
      %swap3A_1014 = arith.constant 0 : index
      %swap3A_1015 = tpu.vector_load %arg14[%swap3A_1013, %swap3A_1014] {strides = array<i32>} : memref<16x128xf32, #tpu.memory_space<vmem>>, vector<1x16xf32>,
      %swap3A_1016 = vector.shape_cast %swap3A_1015 : vector<1x16xf32> to vector<16xf32>
      %swap3A_1017 = vector.shape_cast %mul3A_1011 : vector<16xf32> to vector<1x16xf32>
      tpu.vector_store %arg14[%swap3A_1013, %swap3A_1014], %swap3A_1017 {strides = array<i32>} : memref<16x128xf32, #tpu.memory_space<vmem>>, vector<1x16xf32>,
      %get3A_1018 = arith.constant 9 : i32
      %get3A_1019 = arith.index_cast %get3A_1018 : i32 to index
      %get3A_1020 = arith.constant 16 : index
      %get3A_1021 = tpu.vector_load %arg14[%get3A_1019, %get3A_1020] {strides = array<i32>} : memref<16x128xf32, #tpu.memory_space<vmem>>, vector<1x16xf32>,
      %get3A_1022 = vector.shape_cast %get3A_1021 : vector<1x16xf32> to vector<16xf32>
      %mul3A_1023 = arith.mulf %get3A_1022, %broadcast_in_dim3A_1005 : vector<16xf32>
      %swap3A_1024 = arith.constant 9 : i32
      %swap3A_1025 = arith.index_cast %swap3A_1024 : i32 to index
      %swap3A_1026 = arith.constant 16 : index
      %swap3A_1027 = tpu.vector_load %arg14[%swap3A_1025, %swap3A_1026] {strides = array<i32>} : memref<16x128xf32, #tpu.memory_space<vmem>>, vector<1x16xf32>,
      %swap3A_1028 = vector.shape_cast %swap3A_1027 : vector<1x16xf32> to vector<16xf32>
      %swap3A_1029 = vector.shape_cast %mul3A_1023 : vector<16xf32> to vector<1x16xf32>
      tpu.vector_store %arg14[%swap3A_1025, %swap3A_1026], %swap3A_1029 {strides = array<i32>} : memref<16x128xf32, #tpu.memory_space<vmem>>, vector<1x16xf32>,
      %get3A_1030 = arith.constant 9 : i32
      %get3A_1031 = arith.index_cast %get3A_1030 : i32 to index
      %get3A_1032 = arith.constant 32 : index
      %get3A_1033 = tpu.vector_load %arg14[%get3A_1031, %get3A_1032] {strides = array<i32>} : memref<16x128xf32, #tpu.memory_space<vmem>>, vector<1x16xf32>,
      %get3A_1034 = vector.shape_cast %get3A_1033 : vector<1x16xf32> to vector<16xf32>
      %mul3A_1035 = arith.mulf %get3A_1034, %broadcast_in_dim3A_1005 : vector<16xf32>
      %swap3A_1036 = arith.constant 9 : i32
      %swap3A_1037 = arith.index_cast %swap3A_1036 : i32 to index
      %swap3A_1038 = arith.constant 32 : index
      %swap3A_1039 = tpu.vector_load %arg14[%swap3A_1037, %swap3A_1038] {strides = array<i32>} : memref<16x128xf32, #tpu.memory_space<vmem>>, vector<1x16xf32>,
      %swap3A_1040 = vector.shape_cast %swap3A_1039 : vector<1x16xf32> to vector<16xf32>
      %swap3A_1041 = vector.shape_cast %mul3A_1035 : vector<16xf32> to vector<1x16xf32>
      tpu.vector_store %arg14[%swap3A_1037, %swap3A_1038], %swap3A_1041 {strides = array<i32>} : memref<16x128xf32, #tpu.memory_space<vmem>>, vector<1x16xf32>,
      %get3A_1042 = arith.constant 9 : i32
      %get3A_1043 = arith.index_cast %get3A_1042 : i32 to index
      %get3A_1044 = arith.constant 48 : index
      %get3A_1045 = tpu.vector_load %arg14[%get3A_1043, %get3A_1044] {strides = array<i32>} : memref<16x128xf32, #tpu.memory_space<vmem>>, vector<1x16xf32>,
      %get3A_1046 = vector.shape_cast %get3A_1045 : vector<1x16xf32> to vector<16xf32>
      %mul3A_1047 = arith.mulf %get3A_1046, %broadcast_in_dim3A_1005 : vector<16xf32>
      %swap3A_1048 = arith.constant 9 : i32
      %swap3A_1049 = arith.index_cast %swap3A_1048 : i32 to index
      %swap3A_1050 = arith.constant 48 : index
      %swap3A_1051 = tpu.vector_load %arg14[%swap3A_1049, %swap3A_1050] {strides = array<i32>} : memref<16x128xf32, #tpu.memory_space<vmem>>, vector<1x16xf32>,
      %swap3A_1052 = vector.shape_cast %swap3A_1051 : vector<1x16xf32> to vector<16xf32>
      %swap3A_1053 = vector.shape_cast %mul3A_1047 : vector<16xf32> to vector<1x16xf32>
      tpu.vector_store %arg14[%swap3A_1049, %swap3A_1050], %swap3A_1053 {strides = array<i32>} : memref<16x128xf32, #tpu.memory_space<vmem>>, vector<1x16xf32>,
      %get3A_1054 = arith.constant 9 : i32
      %get3A_1055 = arith.index_cast %get3A_1054 : i32 to index
      %get3A_1056 = arith.constant 64 : index
      %get3A_1057 = tpu.vector_load %arg14[%get3A_1055, %get3A_1056] {strides = array<i32>} : memref<16x128xf32, #tpu.memory_space<vmem>>, vector<1x16xf32>,
      %get3A_1058 = vector.shape_cast %get3A_1057 : vector<1x16xf32> to vector<16xf32>
      %mul3A_1059 = arith.mulf %get3A_1058, %broadcast_in_dim3A_1005 : vector<16xf32>
      %swap3A_1060 = arith.constant 9 : i32
      %swap3A_1061 = arith.index_cast %swap3A_1060 : i32 to index
      %swap3A_1062 = arith.constant 64 : index
      %swap3A_1063 = tpu.vector_load %arg14[%swap3A_1061, %swap3A_1062] {strides = array<i32>} : memref<16x128xf32, #tpu.memory_space<vmem>>, vector<1x16xf32>,
      %swap3A_1064 = vector.shape_cast %swap3A_1063 : vector<1x16xf32> to vector<16xf32>
      %swap3A_1065 = vector.shape_cast %mul3A_1059 : vector<16xf32> to vector<1x16xf32>
      tpu.vector_store %arg14[%swap3A_1061, %swap3A_1062], %swap3A_1065 {strides = array<i32>} : memref<16x128xf32, #tpu.memory_space<vmem>>, vector<1x16xf32>,
      %get3A_1066 = arith.constant 9 : i32
      %get3A_1067 = arith.index_cast %get3A_1066 : i32 to index
      %get3A_1068 = arith.constant 80 : index
      %get3A_1069 = tpu.vector_load %arg14[%get3A_1067, %get3A_1068] {strides = array<i32>} : memref<16x128xf32, #tpu.memory_space<vmem>>, vector<1x16xf32>,
      %get3A_1070 = vector.shape_cast %get3A_1069 : vector<1x16xf32> to vector<16xf32>
      %mul3A_1071 = arith.mulf %get3A_1070, %broadcast_in_dim3A_1005 : vector<16xf32>
      %swap3A_1072 = arith.constant 9 : i32
      %swap3A_1073 = arith.index_cast %swap3A_1072 : i32 to index
      %swap3A_1074 = arith.constant 80 : index
      %swap3A_1075 = tpu.vector_load %arg14[%swap3A_1073, %swap3A_1074] {strides = array<i32>} : memref<16x128xf32, #tpu.memory_space<vmem>>, vector<1x16xf32>,
      %swap3A_1076 = vector.shape_cast %swap3A_1075 : vector<1x16xf32> to vector<16xf32>
      %swap3A_1077 = vector.shape_cast %mul3A_1071 : vector<16xf32> to vector<1x16xf32>
      tpu.vector_store %arg14[%swap3A_1073, %swap3A_1074], %swap3A_1077 {strides = array<i32>} : memref<16x128xf32, #tpu.memory_space<vmem>>, vector<1x16xf32>,
      %get3A_1078 = arith.constant 9 : i32
      %get3A_1079 = arith.index_cast %get3A_1078 : i32 to index
      %get3A_1080 = arith.constant 96 : index
      %get3A_1081 = tpu.vector_load %arg14[%get3A_1079, %get3A_1080] {strides = array<i32>} : memref<16x128xf32, #tpu.memory_space<vmem>>, vector<1x16xf32>,
      %get3A_1082 = vector.shape_cast %get3A_1081 : vector<1x16xf32> to vector<16xf32>
      %mul3A_1083 = arith.mulf %get3A_1082, %broadcast_in_dim3A_1005 : vector<16xf32>
      %swap3A_1084 = arith.constant 9 : i32
      %swap3A_1085 = arith.index_cast %swap3A_1084 : i32 to index
      %swap3A_1086 = arith.constant 96 : index
      %swap3A_1087 = tpu.vector_load %arg14[%swap3A_1085, %swap3A_1086] {strides = array<i32>} : memref<16x128xf32, #tpu.memory_space<vmem>>, vector<1x16xf32>,
      %swap3A_1088 = vector.shape_cast %swap3A_1087 : vector<1x16xf32> to vector<16xf32>
      %swap3A_1089 = vector.shape_cast %mul3A_1083 : vector<16xf32> to vector<1x16xf32>
      tpu.vector_store %arg14[%swap3A_1085, %swap3A_1086], %swap3A_1089 {strides = array<i32>} : memref<16x128xf32, #tpu.memory_space<vmem>>, vector<1x16xf32>,
      %get3A_1090 = arith.constant 9 : i32
      %get3A_1091 = arith.index_cast %get3A_1090 : i32 to index
      %get3A_1092 = arith.constant 112 : index
      %get3A_1093 = tpu.vector_load %arg14[%get3A_1091, %get3A_1092] {strides = array<i32>} : memref<16x128xf32, #tpu.memory_space<vmem>>, vector<1x16xf32>,
      %get3A_1094 = vector.shape_cast %get3A_1093 : vector<1x16xf32> to vector<16xf32>
      %mul3A_1095 = arith.mulf %get3A_1094, %broadcast_in_dim3A_1005 : vector<16xf32>
      %swap3A_1096 = arith.constant 9 : i32
      %swap3A_1097 = arith.index_cast %swap3A_1096 : i32 to index
      %swap3A_1098 = arith.constant 112 : index
      %swap3A_1099 = tpu.vector_load %arg14[%swap3A_1097, %swap3A_1098] {strides = array<i32>} : memref<16x128xf32, #tpu.memory_space<vmem>>, vector<1x16xf32>,
      %swap3A_1100 = vector.shape_cast %swap3A_1099 : vector<1x16xf32> to vector<16xf32>
      %swap3A_1101 = vector.shape_cast %mul3A_1095 : vector<16xf32> to vector<1x16xf32>
      tpu.vector_store %arg14[%swap3A_1097, %swap3A_1098], %swap3A_1101 {strides = array<i32>} : memref<16x128xf32, #tpu.memory_space<vmem>>, vector<1x16xf32>,
      %slice3A_1102 = vector.extract_strided_slice %get3A_115 {offsets = [10], sizes = [1], strides = [1]} : vector<16xf32> to vector<1xf32>
      %squeeze3A_1103 = vector.extract %slice3A_1102[0] : f32 from vector<1xf32>
      %broadcast_in_dim3A_1104 = vector.broadcast %squeeze3A_1103 : f32 to vector<16xf32>
      %get3A_1105 = arith.constant 10 : i32
      %get3A_1106 = arith.index_cast %get3A_1105 : i32 to index
      %get3A_1107 = arith.constant 0 : index
      %get3A_1108 = tpu.vector_load %arg14[%get3A_1106, %get3A_1107] {strides = array<i32>} : memref<16x128xf32, #tpu.memory_space<vmem>>, vector<1x16xf32>,
      %get3A_1109 = vector.shape_cast %get3A_1108 : vector<1x16xf32> to vector<16xf32>
      %mul3A_1110 = arith.mulf %get3A_1109, %broadcast_in_dim3A_1104 : vector<16xf32>
      %swap3A_1111 = arith.constant 10 : i32
      %swap3A_1112 = arith.index_cast %swap3A_1111 : i32 to index
      %swap3A_1113 = arith.constant 0 : index
      %swap3A_1114 = tpu.vector_load %arg14[%swap3A_1112, %swap3A_1113] {strides = array<i32>} : memref<16x128xf32, #tpu.memory_space<vmem>>, vector<1x16xf32>,
      %swap3A_1115 = vector.shape_cast %swap3A_1114 : vector<1x16xf32> to vector<16xf32>
      %swap3A_1116 = vector.shape_cast %mul3A_1110 : vector<16xf32> to vector<1x16xf32>
      tpu.vector_store %arg14[%swap3A_1112, %swap3A_1113], %swap3A_1116 {strides = array<i32>} : memref<16x128xf32, #tpu.memory_space<vmem>>, vector<1x16xf32>,
      %get3A_1117 = arith.constant 10 : i32
      %get3A_1118 = arith.index_cast %get3A_1117 : i32 to index
      %get3A_1119 = arith.constant 16 : index
      %get3A_1120 = tpu.vector_load %arg14[%get3A_1118, %get3A_1119] {strides = array<i32>} : memref<16x128xf32, #tpu.memory_space<vmem>>, vector<1x16xf32>,
      %get3A_1121 = vector.shape_cast %get3A_1120 : vector<1x16xf32> to vector<16xf32>
      %mul3A_1122 = arith.mulf %get3A_1121, %broadcast_in_dim3A_1104 : vector<16xf32>
      %swap3A_1123 = arith.constant 10 : i32
      %swap3A_1124 = arith.index_cast %swap3A_1123 : i32 to index
      %swap3A_1125 = arith.constant 16 : index
      %swap3A_1126 = tpu.vector_load %arg14[%swap3A_1124, %swap3A_1125] {strides = array<i32>} : memref<16x128xf32, #tpu.memory_space<vmem>>, vector<1x16xf32>,
      %swap3A_1127 = vector.shape_cast %swap3A_1126 : vector<1x16xf32> to vector<16xf32>
      %swap3A_1128 = vector.shape_cast %mul3A_1122 : vector<16xf32> to vector<1x16xf32>
      tpu.vector_store %arg14[%swap3A_1124, %swap3A_1125], %swap3A_1128 {strides = array<i32>} : memref<16x128xf32, #tpu.memory_space<vmem>>, vector<1x16xf32>,
      %get3A_1129 = arith.constant 10 : i32
      %get3A_1130 = arith.index_cast %get3A_1129 : i32 to index
      %get3A_1131 = arith.constant 32 : index
      %get3A_1132 = tpu.vector_load %arg14[%get3A_1130, %get3A_1131] {strides = array<i32>} : memref<16x128xf32, #tpu.memory_space<vmem>>, vector<1x16xf32>,
      %get3A_1133 = vector.shape_cast %get3A_1132 : vector<1x16xf32> to vector<16xf32>
      %mul3A_1134 = arith.mulf %get3A_1133, %broadcast_in_dim3A_1104 : vector<16xf32>
      %swap3A_1135 = arith.constant 10 : i32
      %swap3A_1136 = arith.index_cast %swap3A_1135 : i32 to index
      %swap3A_1137 = arith.constant 32 : index
      %swap3A_1138 = tpu.vector_load %arg14[%swap3A_1136, %swap3A_1137] {strides = array<i32>} : memref<16x128xf32, #tpu.memory_space<vmem>>, vector<1x16xf32>,
      %swap3A_1139 = vector.shape_cast %swap3A_1138 : vector<1x16xf32> to vector<16xf32>
      %swap3A_1140 = vector.shape_cast %mul3A_1134 : vector<16xf32> to vector<1x16xf32>
      tpu.vector_store %arg14[%swap3A_1136, %swap3A_1137], %swap3A_1140 {strides = array<i32>} : memref<16x128xf32, #tpu.memory_space<vmem>>, vector<1x16xf32>,
      %get3A_1141 = arith.constant 10 : i32
      %get3A_1142 = arith.index_cast %get3A_1141 : i32 to index
      %get3A_1143 = arith.constant 48 : index
      %get3A_1144 = tpu.vector_load %arg14[%get3A_1142, %get3A_1143] {strides = array<i32>} : memref<16x128xf32, #tpu.memory_space<vmem>>, vector<1x16xf32>,
      %get3A_1145 = vector.shape_cast %get3A_1144 : vector<1x16xf32> to vector<16xf32>
      %mul3A_1146 = arith.mulf %get3A_1145, %broadcast_in_dim3A_1104 : vector<16xf32>
      %swap3A_1147 = arith.constant 10 : i32
      %swap3A_1148 = arith.index_cast %swap3A_1147 : i32 to index
      %swap3A_1149 = arith.constant 48 : index
      %swap3A_1150 = tpu.vector_load %arg14[%swap3A_1148, %swap3A_1149] {strides = array<i32>} : memref<16x128xf32, #tpu.memory_space<vmem>>, vector<1x16xf32>,
      %swap3A_1151 = vector.shape_cast %swap3A_1150 : vector<1x16xf32> to vector<16xf32>
      %swap3A_1152 = vector.shape_cast %mul3A_1146 : vector<16xf32> to vector<1x16xf32>
      tpu.vector_store %arg14[%swap3A_1148, %swap3A_1149], %swap3A_1152 {strides = array<i32>} : memref<16x128xf32, #tpu.memory_space<vmem>>, vector<1x16xf32>,
      %get3A_1153 = arith.constant 10 : i32
      %get3A_1154 = arith.index_cast %get3A_1153 : i32 to index
      %get3A_1155 = arith.constant 64 : index
      %get3A_1156 = tpu.vector_load %arg14[%get3A_1154, %get3A_1155] {strides = array<i32>} : memref<16x128xf32, #tpu.memory_space<vmem>>, vector<1x16xf32>,
      %get3A_1157 = vector.shape_cast %get3A_1156 : vector<1x16xf32> to vector<16xf32>
      %mul3A_1158 = arith.mulf %get3A_1157, %broadcast_in_dim3A_1104 : vector<16xf32>
      %swap3A_1159 = arith.constant 10 : i32
      %swap3A_1160 = arith.index_cast %swap3A_1159 : i32 to index
      %swap3A_1161 = arith.constant 64 : index
      %swap3A_1162 = tpu.vector_load %arg14[%swap3A_1160, %swap3A_1161] {strides = array<i32>} : memref<16x128xf32, #tpu.memory_space<vmem>>, vector<1x16xf32>,
      %swap3A_1163 = vector.shape_cast %swap3A_1162 : vector<1x16xf32> to vector<16xf32>
      %swap3A_1164 = vector.shape_cast %mul3A_1158 : vector<16xf32> to vector<1x16xf32>
      tpu.vector_store %arg14[%swap3A_1160, %swap3A_1161], %swap3A_1164 {strides = array<i32>} : memref<16x128xf32, #tpu.memory_space<vmem>>, vector<1x16xf32>,
      %get3A_1165 = arith.constant 10 : i32
      %get3A_1166 = arith.index_cast %get3A_1165 : i32 to index
      %get3A_1167 = arith.constant 80 : index
      %get3A_1168 = tpu.vector_load %arg14[%get3A_1166, %get3A_1167] {strides = array<i32>} : memref<16x128xf32, #tpu.memory_space<vmem>>, vector<1x16xf32>,
      %get3A_1169 = vector.shape_cast %get3A_1168 : vector<1x16xf32> to vector<16xf32>
      %mul3A_1170 = arith.mulf %get3A_1169, %broadcast_in_dim3A_1104 : vector<16xf32>
      %swap3A_1171 = arith.constant 10 : i32
      %swap3A_1172 = arith.index_cast %swap3A_1171 : i32 to index
      %swap3A_1173 = arith.constant 80 : index
      %swap3A_1174 = tpu.vector_load %arg14[%swap3A_1172, %swap3A_1173] {strides = array<i32>} : memref<16x128xf32, #tpu.memory_space<vmem>>, vector<1x16xf32>,
      %swap3A_1175 = vector.shape_cast %swap3A_1174 : vector<1x16xf32> to vector<16xf32>
      %swap3A_1176 = vector.shape_cast %mul3A_1170 : vector<16xf32> to vector<1x16xf32>
      tpu.vector_store %arg14[%swap3A_1172, %swap3A_1173], %swap3A_1176 {strides = array<i32>} : memref<16x128xf32, #tpu.memory_space<vmem>>, vector<1x16xf32>,
      %get3A_1177 = arith.constant 10 : i32
      %get3A_1178 = arith.index_cast %get3A_1177 : i32 to index
      %get3A_1179 = arith.constant 96 : index
      %get3A_1180 = tpu.vector_load %arg14[%get3A_1178, %get3A_1179] {strides = array<i32>} : memref<16x128xf32, #tpu.memory_space<vmem>>, vector<1x16xf32>,
      %get3A_1181 = vector.shape_cast %get3A_1180 : vector<1x16xf32> to vector<16xf32>
      %mul3A_1182 = arith.mulf %get3A_1181, %broadcast_in_dim3A_1104 : vector<16xf32>
      %swap3A_1183 = arith.constant 10 : i32
      %swap3A_1184 = arith.index_cast %swap3A_1183 : i32 to index
      %swap3A_1185 = arith.constant 96 : index
      %swap3A_1186 = tpu.vector_load %arg14[%swap3A_1184, %swap3A_1185] {strides = array<i32>} : memref<16x128xf32, #tpu.memory_space<vmem>>, vector<1x16xf32>,
      %swap3A_1187 = vector.shape_cast %swap3A_1186 : vector<1x16xf32> to vector<16xf32>
      %swap3A_1188 = vector.shape_cast %mul3A_1182 : vector<16xf32> to vector<1x16xf32>
      tpu.vector_store %arg14[%swap3A_1184, %swap3A_1185], %swap3A_1188 {strides = array<i32>} : memref<16x128xf32, #tpu.memory_space<vmem>>, vector<1x16xf32>,
      %get3A_1189 = arith.constant 10 : i32
      %get3A_1190 = arith.index_cast %get3A_1189 : i32 to index
      %get3A_1191 = arith.constant 112 : index
      %get3A_1192 = tpu.vector_load %arg14[%get3A_1190, %get3A_1191] {strides = array<i32>} : memref<16x128xf32, #tpu.memory_space<vmem>>, vector<1x16xf32>,
      %get3A_1193 = vector.shape_cast %get3A_1192 : vector<1x16xf32> to vector<16xf32>
      %mul3A_1194 = arith.mulf %get3A_1193, %broadcast_in_dim3A_1104 : vector<16xf32>
      %swap3A_1195 = arith.constant 10 : i32
      %swap3A_1196 = arith.index_cast %swap3A_1195 : i32 to index
      %swap3A_1197 = arith.constant 112 : index
      %swap3A_1198 = tpu.vector_load %arg14[%swap3A_1196, %swap3A_1197] {strides = array<i32>} : memref<16x128xf32, #tpu.memory_space<vmem>>, vector<1x16xf32>,
      %swap3A_1199 = vector.shape_cast %swap3A_1198 : vector<1x16xf32> to vector<16xf32>
      %swap3A_1200 = vector.shape_cast %mul3A_1194 : vector<16xf32> to vector<1x16xf32>
      tpu.vector_store %arg14[%swap3A_1196, %swap3A_1197], %swap3A_1200 {strides = array<i32>} : memref<16x128xf32, #tpu.memory_space<vmem>>, vector<1x16xf32>,
      %slice3A_1201 = vector.extract_strided_slice %get3A_115 {offsets = [11], sizes = [1], strides = [1]} : vector<16xf32> to vector<1xf32>
      %squeeze3A_1202 = vector.extract %slice3A_1201[0] : f32 from vector<1xf32>
      %broadcast_in_dim3A_1203 = vector.broadcast %squeeze3A_1202 : f32 to vector<16xf32>
      %get3A_1204 = arith.constant 11 : i32
      %get3A_1205 = arith.index_cast %get3A_1204 : i32 to index
      %get3A_1206 = arith.constant 0 : index
      %get3A_1207 = tpu.vector_load %arg14[%get3A_1205, %get3A_1206] {strides = array<i32>} : memref<16x128xf32, #tpu.memory_space<vmem>>, vector<1x16xf32>,
      %get3A_1208 = vector.shape_cast %get3A_1207 : vector<1x16xf32> to vector<16xf32>
      %mul3A_1209 = arith.mulf %get3A_1208, %broadcast_in_dim3A_1203 : vector<16xf32>
      %swap3A_1210 = arith.constant 11 : i32
      %swap3A_1211 = arith.index_cast %swap3A_1210 : i32 to index
      %swap3A_1212 = arith.constant 0 : index
      %swap3A_1213 = tpu.vector_load %arg14[%swap3A_1211, %swap3A_1212] {strides = array<i32>} : memref<16x128xf32, #tpu.memory_space<vmem>>, vector<1x16xf32>,
      %swap3A_1214 = vector.shape_cast %swap3A_1213 : vector<1x16xf32> to vector<16xf32>
      %swap3A_1215 = vector.shape_cast %mul3A_1209 : vector<16xf32> to vector<1x16xf32>
      tpu.vector_store %arg14[%swap3A_1211, %swap3A_1212], %swap3A_1215 {strides = array<i32>} : memref<16x128xf32, #tpu.memory_space<vmem>>, vector<1x16xf32>,
      %get3A_1216 = arith.constant 11 : i32
      %get3A_1217 = arith.index_cast %get3A_1216 : i32 to index
      %get3A_1218 = arith.constant 16 : index
      %get3A_1219 = tpu.vector_load %arg14[%get3A_1217, %get3A_1218] {strides = array<i32>} : memref<16x128xf32, #tpu.memory_space<vmem>>, vector<1x16xf32>,
      %get3A_1220 = vector.shape_cast %get3A_1219 : vector<1x16xf32> to vector<16xf32>
      %mul3A_1221 = arith.mulf %get3A_1220, %broadcast_in_dim3A_1203 : vector<16xf32>
      %swap3A_1222 = arith.constant 11 : i32
      %swap3A_1223 = arith.index_cast %swap3A_1222 : i32 to index
      %swap3A_1224 = arith.constant 16 : index
      %swap3A_1225 = tpu.vector_load %arg14[%swap3A_1223, %swap3A_1224] {strides = array<i32>} : memref<16x128xf32, #tpu.memory_space<vmem>>, vector<1x16xf32>,
      %swap3A_1226 = vector.shape_cast %swap3A_1225 : vector<1x16xf32> to vector<16xf32>
      %swap3A_1227 = vector.shape_cast %mul3A_1221 : vector<16xf32> to vector<1x16xf32>
      tpu.vector_store %arg14[%swap3A_1223, %swap3A_1224], %swap3A_1227 {strides = array<i32>} : memref<16x128xf32, #tpu.memory_space<vmem>>, vector<1x16xf32>,
      %get3A_1228 = arith.constant 11 : i32
      %get3A_1229 = arith.index_cast %get3A_1228 : i32 to index
      %get3A_1230 = arith.constant 32 : index
      %get3A_1231 = tpu.vector_load %arg14[%get3A_1229, %get3A_1230] {strides = array<i32>} : memref<16x128xf32, #tpu.memory_space<vmem>>, vector<1x16xf32>,
      %get3A_1232 = vector.shape_cast %get3A_1231 : vector<1x16xf32> to vector<16xf32>
      %mul3A_1233 = arith.mulf %get3A_1232, %broadcast_in_dim3A_1203 : vector<16xf32>
      %swap3A_1234 = arith.constant 11 : i32
      %swap3A_1235 = arith.index_cast %swap3A_1234 : i32 to index
      %swap3A_1236 = arith.constant 32 : index
      %swap3A_1237 = tpu.vector_load %arg14[%swap3A_1235, %swap3A_1236] {strides = array<i32>} : memref<16x128xf32, #tpu.memory_space<vmem>>, vector<1x16xf32>,
      %swap3A_1238 = vector.shape_cast %swap3A_1237 : vector<1x16xf32> to vector<16xf32>
      %swap3A_1239 = vector.shape_cast %mul3A_1233 : vector<16xf32> to vector<1x16xf32>
      tpu.vector_store %arg14[%swap3A_1235, %swap3A_1236], %swap3A_1239 {strides = array<i32>} : memref<16x128xf32, #tpu.memory_space<vmem>>, vector<1x16xf32>,
      %get3A_1240 = arith.constant 11 : i32
      %get3A_1241 = arith.index_cast %get3A_1240 : i32 to index
      %get3A_1242 = arith.constant 48 : index
      %get3A_1243 = tpu.vector_load %arg14[%get3A_1241, %get3A_1242] {strides = array<i32>} : memref<16x128xf32, #tpu.memory_space<vmem>>, vector<1x16xf32>,
      %get3A_1244 = vector.shape_cast %get3A_1243 : vector<1x16xf32> to vector<16xf32>
      %mul3A_1245 = arith.mulf %get3A_1244, %broadcast_in_dim3A_1203 : vector<16xf32>
      %swap3A_1246 = arith.constant 11 : i32
      %swap3A_1247 = arith.index_cast %swap3A_1246 : i32 to index
      %swap3A_1248 = arith.constant 48 : index
      %swap3A_1249 = tpu.vector_load %arg14[%swap3A_1247, %swap3A_1248] {strides = array<i32>} : memref<16x128xf32, #tpu.memory_space<vmem>>, vector<1x16xf32>,
      %swap3A_1250 = vector.shape_cast %swap3A_1249 : vector<1x16xf32> to vector<16xf32>
      %swap3A_1251 = vector.shape_cast %mul3A_1245 : vector<16xf32> to vector<1x16xf32>
      tpu.vector_store %arg14[%swap3A_1247, %swap3A_1248], %swap3A_1251 {strides = array<i32>} : memref<16x128xf32, #tpu.memory_space<vmem>>, vector<1x16xf32>,
      %get3A_1252 = arith.constant 11 : i32
      %get3A_1253 = arith.index_cast %get3A_1252 : i32 to index
      %get3A_1254 = arith.constant 64 : index
      %get3A_1255 = tpu.vector_load %arg14[%get3A_1253, %get3A_1254] {strides = array<i32>} : memref<16x128xf32, #tpu.memory_space<vmem>>, vector<1x16xf32>,
      %get3A_1256 = vector.shape_cast %get3A_1255 : vector<1x16xf32> to vector<16xf32>
      %mul3A_1257 = arith.mulf %get3A_1256, %broadcast_in_dim3A_1203 : vector<16xf32>
      %swap3A_1258 = arith.constant 11 : i32
      %swap3A_1259 = arith.index_cast %swap3A_1258 : i32 to index
      %swap3A_1260 = arith.constant 64 : index
      %swap3A_1261 = tpu.vector_load %arg14[%swap3A_1259, %swap3A_1260] {strides = array<i32>} : memref<16x128xf32, #tpu.memory_space<vmem>>, vector<1x16xf32>,
      %swap3A_1262 = vector.shape_cast %swap3A_1261 : vector<1x16xf32> to vector<16xf32>
      %swap3A_1263 = vector.shape_cast %mul3A_1257 : vector<16xf32> to vector<1x16xf32>
      tpu.vector_store %arg14[%swap3A_1259, %swap3A_1260], %swap3A_1263 {strides = array<i32>} : memref<16x128xf32, #tpu.memory_space<vmem>>, vector<1x16xf32>,
      %get3A_1264 = arith.constant 11 : i32
      %get3A_1265 = arith.index_cast %get3A_1264 : i32 to index
      %get3A_1266 = arith.constant 80 : index
      %get3A_1267 = tpu.vector_load %arg14[%get3A_1265, %get3A_1266] {strides = array<i32>} : memref<16x128xf32, #tpu.memory_space<vmem>>, vector<1x16xf32>,
      %get3A_1268 = vector.shape_cast %get3A_1267 : vector<1x16xf32> to vector<16xf32>
      %mul3A_1269 = arith.mulf %get3A_1268, %broadcast_in_dim3A_1203 : vector<16xf32>
      %swap3A_1270 = arith.constant 11 : i32
      %swap3A_1271 = arith.index_cast %swap3A_1270 : i32 to index
      %swap3A_1272 = arith.constant 80 : index
      %swap3A_1273 = tpu.vector_load %arg14[%swap3A_1271, %swap3A_1272] {strides = array<i32>} : memref<16x128xf32, #tpu.memory_space<vmem>>, vector<1x16xf32>,
      %swap3A_1274 = vector.shape_cast %swap3A_1273 : vector<1x16xf32> to vector<16xf32>
      %swap3A_1275 = vector.shape_cast %mul3A_1269 : vector<16xf32> to vector<1x16xf32>
      tpu.vector_store %arg14[%swap3A_1271, %swap3A_1272], %swap3A_1275 {strides = array<i32>} : memref<16x128xf32, #tpu.memory_space<vmem>>, vector<1x16xf32>,
      %get3A_1276 = arith.constant 11 : i32
      %get3A_1277 = arith.index_cast %get3A_1276 : i32 to index
      %get3A_1278 = arith.constant 96 : index
      %get3A_1279 = tpu.vector_load %arg14[%get3A_1277, %get3A_1278] {strides = array<i32>} : memref<16x128xf32, #tpu.memory_space<vmem>>, vector<1x16xf32>,
      %get3A_1280 = vector.shape_cast %get3A_1279 : vector<1x16xf32> to vector<16xf32>
      %mul3A_1281 = arith.mulf %get3A_1280, %broadcast_in_dim3A_1203 : vector<16xf32>
      %swap3A_1282 = arith.constant 11 : i32
      %swap3A_1283 = arith.index_cast %swap3A_1282 : i32 to index
      %swap3A_1284 = arith.constant 96 : index
      %swap3A_1285 = tpu.vector_load %arg14[%swap3A_1283, %swap3A_1284] {strides = array<i32>} : memref<16x128xf32, #tpu.memory_space<vmem>>, vector<1x16xf32>,
      %swap3A_1286 = vector.shape_cast %swap3A_1285 : vector<1x16xf32> to vector<16xf32>
      %swap3A_1287 = vector.shape_cast %mul3A_1281 : vector<16xf32> to vector<1x16xf32>
      tpu.vector_store %arg14[%swap3A_1283, %swap3A_1284], %swap3A_1287 {strides = array<i32>} : memref<16x128xf32, #tpu.memory_space<vmem>>, vector<1x16xf32>,
      %get3A_1288 = arith.constant 11 : i32
      %get3A_1289 = arith.index_cast %get3A_1288 : i32 to index
      %get3A_1290 = arith.constant 112 : index
      %get3A_1291 = tpu.vector_load %arg14[%get3A_1289, %get3A_1290] {strides = array<i32>} : memref<16x128xf32, #tpu.memory_space<vmem>>, vector<1x16xf32>,
      %get3A_1292 = vector.shape_cast %get3A_1291 : vector<1x16xf32> to vector<16xf32>
      %mul3A_1293 = arith.mulf %get3A_1292, %broadcast_in_dim3A_1203 : vector<16xf32>
      %swap3A_1294 = arith.constant 11 : i32
      %swap3A_1295 = arith.index_cast %swap3A_1294 : i32 to index
      %swap3A_1296 = arith.constant 112 : index
      %swap3A_1297 = tpu.vector_load %arg14[%swap3A_1295, %swap3A_1296] {strides = array<i32>} : memref<16x128xf32, #tpu.memory_space<vmem>>, vector<1x16xf32>,
      %swap3A_1298 = vector.shape_cast %swap3A_1297 : vector<1x16xf32> to vector<16xf32>
      %swap3A_1299 = vector.shape_cast %mul3A_1293 : vector<16xf32> to vector<1x16xf32>
      tpu.vector_store %arg14[%swap3A_1295, %swap3A_1296], %swap3A_1299 {strides = array<i32>} : memref<16x128xf32, #tpu.memory_space<vmem>>, vector<1x16xf32>,
      %slice3A_1300 = vector.extract_strided_slice %get3A_115 {offsets = [12], sizes = [1], strides = [1]} : vector<16xf32> to vector<1xf32>
      %squeeze3A_1301 = vector.extract %slice3A_1300[0] : f32 from vector<1xf32>
      %broadcast_in_dim3A_1302 = vector.broadcast %squeeze3A_1301 : f32 to vector<16xf32>
      %get3A_1303 = arith.constant 12 : i32
      %get3A_1304 = arith.index_cast %get3A_1303 : i32 to index
      %get3A_1305 = arith.constant 0 : index
      %get3A_1306 = tpu.vector_load %arg14[%get3A_1304, %get3A_1305] {strides = array<i32>} : memref<16x128xf32, #tpu.memory_space<vmem>>, vector<1x16xf32>,
      %get3A_1307 = vector.shape_cast %get3A_1306 : vector<1x16xf32> to vector<16xf32>
      %mul3A_1308 = arith.mulf %get3A_1307, %broadcast_in_dim3A_1302 : vector<16xf32>
      %swap3A_1309 = arith.constant 12 : i32
      %swap3A_1310 = arith.index_cast %swap3A_1309 : i32 to index
      %swap3A_1311 = arith.constant 0 : index
      %swap3A_1312 = tpu.vector_load %arg14[%swap3A_1310, %swap3A_1311] {strides = array<i32>} : memref<16x128xf32, #tpu.memory_space<vmem>>, vector<1x16xf32>,
      %swap3A_1313 = vector.shape_cast %swap3A_1312 : vector<1x16xf32> to vector<16xf32>
      %swap3A_1314 = vector.shape_cast %mul3A_1308 : vector<16xf32> to vector<1x16xf32>
      tpu.vector_store %arg14[%swap3A_1310, %swap3A_1311], %swap3A_1314 {strides = array<i32>} : memref<16x128xf32, #tpu.memory_space<vmem>>, vector<1x16xf32>,
      %get3A_1315 = arith.constant 12 : i32
      %get3A_1316 = arith.index_cast %get3A_1315 : i32 to index
      %get3A_1317 = arith.constant 16 : index
      %get3A_1318 = tpu.vector_load %arg14[%get3A_1316, %get3A_1317] {strides = array<i32>} : memref<16x128xf32, #tpu.memory_space<vmem>>, vector<1x16xf32>,
      %get3A_1319 = vector.shape_cast %get3A_1318 : vector<1x16xf32> to vector<16xf32>
      %mul3A_1320 = arith.mulf %get3A_1319, %broadcast_in_dim3A_1302 : vector<16xf32>
      %swap3A_1321 = arith.constant 12 : i32
      %swap3A_1322 = arith.index_cast %swap3A_1321 : i32 to index
      %swap3A_1323 = arith.constant 16 : index
      %swap3A_1324 = tpu.vector_load %arg14[%swap3A_1322, %swap3A_1323] {strides = array<i32>} : memref<16x128xf32, #tpu.memory_space<vmem>>, vector<1x16xf32>,
      %swap3A_1325 = vector.shape_cast %swap3A_1324 : vector<1x16xf32> to vector<16xf32>
      %swap3A_1326 = vector.shape_cast %mul3A_1320 : vector<16xf32> to vector<1x16xf32>
      tpu.vector_store %arg14[%swap3A_1322, %swap3A_1323], %swap3A_1326 {strides = array<i32>} : memref<16x128xf32, #tpu.memory_space<vmem>>, vector<1x16xf32>,
      %get3A_1327 = arith.constant 12 : i32
      %get3A_1328 = arith.index_cast %get3A_1327 : i32 to index
      %get3A_1329 = arith.constant 32 : index
      %get3A_1330 = tpu.vector_load %arg14[%get3A_1328, %get3A_1329] {strides = array<i32>} : memref<16x128xf32, #tpu.memory_space<vmem>>, vector<1x16xf32>,
      %get3A_1331 = vector.shape_cast %get3A_1330 : vector<1x16xf32> to vector<16xf32>
      %mul3A_1332 = arith.mulf %get3A_1331, %broadcast_in_dim3A_1302 : vector<16xf32>
      %swap3A_1333 = arith.constant 12 : i32
      %swap3A_1334 = arith.index_cast %swap3A_1333 : i32 to index
      %swap3A_1335 = arith.constant 32 : index
      %swap3A_1336 = tpu.vector_load %arg14[%swap3A_1334, %swap3A_1335] {strides = array<i32>} : memref<16x128xf32, #tpu.memory_space<vmem>>, vector<1x16xf32>,
      %swap3A_1337 = vector.shape_cast %swap3A_1336 : vector<1x16xf32> to vector<16xf32>
      %swap3A_1338 = vector.shape_cast %mul3A_1332 : vector<16xf32> to vector<1x16xf32>
      tpu.vector_store %arg14[%swap3A_1334, %swap3A_1335], %swap3A_1338 {strides = array<i32>} : memref<16x128xf32, #tpu.memory_space<vmem>>, vector<1x16xf32>,
      %get3A_1339 = arith.constant 12 : i32
      %get3A_1340 = arith.index_cast %get3A_1339 : i32 to index
      %get3A_1341 = arith.constant 48 : index
      %get3A_1342 = tpu.vector_load %arg14[%get3A_1340, %get3A_1341] {strides = array<i32>} : memref<16x128xf32, #tpu.memory_space<vmem>>, vector<1x16xf32>,
      %get3A_1343 = vector.shape_cast %get3A_1342 : vector<1x16xf32> to vector<16xf32>
      %mul3A_1344 = arith.mulf %get3A_1343, %broadcast_in_dim3A_1302 : vector<16xf32>
      %swap3A_1345 = arith.constant 12 : i32
      %swap3A_1346 = arith.index_cast %swap3A_1345 : i32 to index
      %swap3A_1347 = arith.constant 48 : index
      %swap3A_1348 = tpu.vector_load %arg14[%swap3A_1346, %swap3A_1347] {strides = array<i32>} : memref<16x128xf32, #tpu.memory_space<vmem>>, vector<1x16xf32>,
      %swap3A_1349 = vector.shape_cast %swap3A_1348 : vector<1x16xf32> to vector<16xf32>
      %swap3A_1350 = vector.shape_cast %mul3A_1344 : vector<16xf32> to vector<1x16xf32>
      tpu.vector_store %arg14[%swap3A_1346, %swap3A_1347], %swap3A_1350 {strides = array<i32>} : memref<16x128xf32, #tpu.memory_space<vmem>>, vector<1x16xf32>,
      %get3A_1351 = arith.constant 12 : i32
      %get3A_1352 = arith.index_cast %get3A_1351 : i32 to index
      %get3A_1353 = arith.constant 64 : index
      %get3A_1354 = tpu.vector_load %arg14[%get3A_1352, %get3A_1353] {strides = array<i32>} : memref<16x128xf32, #tpu.memory_space<vmem>>, vector<1x16xf32>,
      %get3A_1355 = vector.shape_cast %get3A_1354 : vector<1x16xf32> to vector<16xf32>
      %mul3A_1356 = arith.mulf %get3A_1355, %broadcast_in_dim3A_1302 : vector<16xf32>
      %swap3A_1357 = arith.constant 12 : i32
      %swap3A_1358 = arith.index_cast %swap3A_1357 : i32 to index
      %swap3A_1359 = arith.constant 64 : index
      %swap3A_1360 = tpu.vector_load %arg14[%swap3A_1358, %swap3A_1359] {strides = array<i32>} : memref<16x128xf32, #tpu.memory_space<vmem>>, vector<1x16xf32>,
      %swap3A_1361 = vector.shape_cast %swap3A_1360 : vector<1x16xf32> to vector<16xf32>
      %swap3A_1362 = vector.shape_cast %mul3A_1356 : vector<16xf32> to vector<1x16xf32>
      tpu.vector_store %arg14[%swap3A_1358, %swap3A_1359], %swap3A_1362 {strides = array<i32>} : memref<16x128xf32, #tpu.memory_space<vmem>>, vector<1x16xf32>,
      %get3A_1363 = arith.constant 12 : i32
      %get3A_1364 = arith.index_cast %get3A_1363 : i32 to index
      %get3A_1365 = arith.constant 80 : index
      %get3A_1366 = tpu.vector_load %arg14[%get3A_1364, %get3A_1365] {strides = array<i32>} : memref<16x128xf32, #tpu.memory_space<vmem>>, vector<1x16xf32>,
      %get3A_1367 = vector.shape_cast %get3A_1366 : vector<1x16xf32> to vector<16xf32>
      %mul3A_1368 = arith.mulf %get3A_1367, %broadcast_in_dim3A_1302 : vector<16xf32>
      %swap3A_1369 = arith.constant 12 : i32
      %swap3A_1370 = arith.index_cast %swap3A_1369 : i32 to index
      %swap3A_1371 = arith.constant 80 : index
      %swap3A_1372 = tpu.vector_load %arg14[%swap3A_1370, %swap3A_1371] {strides = array<i32>} : memref<16x128xf32, #tpu.memory_space<vmem>>, vector<1x16xf32>,
      %swap3A_1373 = vector.shape_cast %swap3A_1372 : vector<1x16xf32> to vector<16xf32>
      %swap3A_1374 = vector.shape_cast %mul3A_1368 : vector<16xf32> to vector<1x16xf32>
      tpu.vector_store %arg14[%swap3A_1370, %swap3A_1371], %swap3A_1374 {strides = array<i32>} : memref<16x128xf32, #tpu.memory_space<vmem>>, vector<1x16xf32>,
      %get3A_1375 = arith.constant 12 : i32
      %get3A_1376 = arith.index_cast %get3A_1375 : i32 to index
      %get3A_1377 = arith.constant 96 : index
      %get3A_1378 = tpu.vector_load %arg14[%get3A_1376, %get3A_1377] {strides = array<i32>} : memref<16x128xf32, #tpu.memory_space<vmem>>, vector<1x16xf32>,
      %get3A_1379 = vector.shape_cast %get3A_1378 : vector<1x16xf32> to vector<16xf32>
      %mul3A_1380 = arith.mulf %get3A_1379, %broadcast_in_dim3A_1302 : vector<16xf32>
      %swap3A_1381 = arith.constant 12 : i32
      %swap3A_1382 = arith.index_cast %swap3A_1381 : i32 to index
      %swap3A_1383 = arith.constant 96 : index
      %swap3A_1384 = tpu.vector_load %arg14[%swap3A_1382, %swap3A_1383] {strides = array<i32>} : memref<16x128xf32, #tpu.memory_space<vmem>>, vector<1x16xf32>,
      %swap3A_1385 = vector.shape_cast %swap3A_1384 : vector<1x16xf32> to vector<16xf32>
      %swap3A_1386 = vector.shape_cast %mul3A_1380 : vector<16xf32> to vector<1x16xf32>
      tpu.vector_store %arg14[%swap3A_1382, %swap3A_1383], %swap3A_1386 {strides = array<i32>} : memref<16x128xf32, #tpu.memory_space<vmem>>, vector<1x16xf32>,
      %get3A_1387 = arith.constant 12 : i32
      %get3A_1388 = arith.index_cast %get3A_1387 : i32 to index
      %get3A_1389 = arith.constant 112 : index
      %get3A_1390 = tpu.vector_load %arg14[%get3A_1388, %get3A_1389] {strides = array<i32>} : memref<16x128xf32, #tpu.memory_space<vmem>>, vector<1x16xf32>,
      %get3A_1391 = vector.shape_cast %get3A_1390 : vector<1x16xf32> to vector<16xf32>
      %mul3A_1392 = arith.mulf %get3A_1391, %broadcast_in_dim3A_1302 : vector<16xf32>
      %swap3A_1393 = arith.constant 12 : i32
      %swap3A_1394 = arith.index_cast %swap3A_1393 : i32 to index
      %swap3A_1395 = arith.constant 112 : index
      %swap3A_1396 = tpu.vector_load %arg14[%swap3A_1394, %swap3A_1395] {strides = array<i32>} : memref<16x128xf32, #tpu.memory_space<vmem>>, vector<1x16xf32>,
      %swap3A_1397 = vector.shape_cast %swap3A_1396 : vector<1x16xf32> to vector<16xf32>
      %swap3A_1398 = vector.shape_cast %mul3A_1392 : vector<16xf32> to vector<1x16xf32>
      tpu.vector_store %arg14[%swap3A_1394, %swap3A_1395], %swap3A_1398 {strides = array<i32>} : memref<16x128xf32, #tpu.memory_space<vmem>>, vector<1x16xf32>,
      %slice3A_1399 = vector.extract_strided_slice %get3A_115 {offsets = [13], sizes = [1], strides = [1]} : vector<16xf32> to vector<1xf32>
      %squeeze3A_1400 = vector.extract %slice3A_1399[0] : f32 from vector<1xf32>
      %broadcast_in_dim3A_1401 = vector.broadcast %squeeze3A_1400 : f32 to vector<16xf32>
      %get3A_1402 = arith.constant 13 : i32
      %get3A_1403 = arith.index_cast %get3A_1402 : i32 to index
      %get3A_1404 = arith.constant 0 : index
      %get3A_1405 = tpu.vector_load %arg14[%get3A_1403, %get3A_1404] {strides = array<i32>} : memref<16x128xf32, #tpu.memory_space<vmem>>, vector<1x16xf32>,
      %get3A_1406 = vector.shape_cast %get3A_1405 : vector<1x16xf32> to vector<16xf32>
      %mul3A_1407 = arith.mulf %get3A_1406, %broadcast_in_dim3A_1401 : vector<16xf32>
      %swap3A_1408 = arith.constant 13 : i32
      %swap3A_1409 = arith.index_cast %swap3A_1408 : i32 to index
      %swap3A_1410 = arith.constant 0 : index
      %swap3A_1411 = tpu.vector_load %arg14[%swap3A_1409, %swap3A_1410] {strides = array<i32>} : memref<16x128xf32, #tpu.memory_space<vmem>>, vector<1x16xf32>,
      %swap3A_1412 = vector.shape_cast %swap3A_1411 : vector<1x16xf32> to vector<16xf32>
      %swap3A_1413 = vector.shape_cast %mul3A_1407 : vector<16xf32> to vector<1x16xf32>
      tpu.vector_store %arg14[%swap3A_1409, %swap3A_1410], %swap3A_1413 {strides = array<i32>} : memref<16x128xf32, #tpu.memory_space<vmem>>, vector<1x16xf32>,
      %get3A_1414 = arith.constant 13 : i32
      %get3A_1415 = arith.index_cast %get3A_1414 : i32 to index
      %get3A_1416 = arith.constant 16 : index
      %get3A_1417 = tpu.vector_load %arg14[%get3A_1415, %get3A_1416] {strides = array<i32>} : memref<16x128xf32, #tpu.memory_space<vmem>>, vector<1x16xf32>,
      %get3A_1418 = vector.shape_cast %get3A_1417 : vector<1x16xf32> to vector<16xf32>
      %mul3A_1419 = arith.mulf %get3A_1418, %broadcast_in_dim3A_1401 : vector<16xf32>
      %swap3A_1420 = arith.constant 13 : i32
      %swap3A_1421 = arith.index_cast %swap3A_1420 : i32 to index
      %swap3A_1422 = arith.constant 16 : index
      %swap3A_1423 = tpu.vector_load %arg14[%swap3A_1421, %swap3A_1422] {strides = array<i32>} : memref<16x128xf32, #tpu.memory_space<vmem>>, vector<1x16xf32>,
      %swap3A_1424 = vector.shape_cast %swap3A_1423 : vector<1x16xf32> to vector<16xf32>
      %swap3A_1425 = vector.shape_cast %mul3A_1419 : vector<16xf32> to vector<1x16xf32>
      tpu.vector_store %arg14[%swap3A_1421, %swap3A_1422], %swap3A_1425 {strides = array<i32>} : memref<16x128xf32, #tpu.memory_space<vmem>>, vector<1x16xf32>,
      %get3A_1426 = arith.constant 13 : i32
      %get3A_1427 = arith.index_cast %get3A_1426 : i32 to index
      %get3A_1428 = arith.constant 32 : index
      %get3A_1429 = tpu.vector_load %arg14[%get3A_1427, %get3A_1428] {strides = array<i32>} : memref<16x128xf32, #tpu.memory_space<vmem>>, vector<1x16xf32>,
      %get3A_1430 = vector.shape_cast %get3A_1429 : vector<1x16xf32> to vector<16xf32>
      %mul3A_1431 = arith.mulf %get3A_1430, %broadcast_in_dim3A_1401 : vector<16xf32>
      %swap3A_1432 = arith.constant 13 : i32
      %swap3A_1433 = arith.index_cast %swap3A_1432 : i32 to index
      %swap3A_1434 = arith.constant 32 : index
      %swap3A_1435 = tpu.vector_load %arg14[%swap3A_1433, %swap3A_1434] {strides = array<i32>} : memref<16x128xf32, #tpu.memory_space<vmem>>, vector<1x16xf32>,
      %swap3A_1436 = vector.shape_cast %swap3A_1435 : vector<1x16xf32> to vector<16xf32>
      %swap3A_1437 = vector.shape_cast %mul3A_1431 : vector<16xf32> to vector<1x16xf32>
      tpu.vector_store %arg14[%swap3A_1433, %swap3A_1434], %swap3A_1437 {strides = array<i32>} : memref<16x128xf32, #tpu.memory_space<vmem>>, vector<1x16xf32>,
      %get3A_1438 = arith.constant 13 : i32
      %get3A_1439 = arith.index_cast %get3A_1438 : i32 to index
      %get3A_1440 = arith.constant 48 : index
      %get3A_1441 = tpu.vector_load %arg14[%get3A_1439, %get3A_1440] {strides = array<i32>} : memref<16x128xf32, #tpu.memory_space<vmem>>, vector<1x16xf32>,
      %get3A_1442 = vector.shape_cast %get3A_1441 : vector<1x16xf32> to vector<16xf32>
      %mul3A_1443 = arith.mulf %get3A_1442, %broadcast_in_dim3A_1401 : vector<16xf32>
      %swap3A_1444 = arith.constant 13 : i32
      %swap3A_1445 = arith.index_cast %swap3A_1444 : i32 to index
      %swap3A_1446 = arith.constant 48 : index
      %swap3A_1447 = tpu.vector_load %arg14[%swap3A_1445, %swap3A_1446] {strides = array<i32>} : memref<16x128xf32, #tpu.memory_space<vmem>>, vector<1x16xf32>,
      %swap3A_1448 = vector.shape_cast %swap3A_1447 : vector<1x16xf32> to vector<16xf32>
      %swap3A_1449 = vector.shape_cast %mul3A_1443 : vector<16xf32> to vector<1x16xf32>
      tpu.vector_store %arg14[%swap3A_1445, %swap3A_1446], %swap3A_1449 {strides = array<i32>} : memref<16x128xf32, #tpu.memory_space<vmem>>, vector<1x16xf32>,
      %get3A_1450 = arith.constant 13 : i32
      %get3A_1451 = arith.index_cast %get3A_1450 : i32 to index
      %get3A_1452 = arith.constant 64 : index
      %get3A_1453 = tpu.vector_load %arg14[%get3A_1451, %get3A_1452] {strides = array<i32>} : memref<16x128xf32, #tpu.memory_space<vmem>>, vector<1x16xf32>,
      %get3A_1454 = vector.shape_cast %get3A_1453 : vector<1x16xf32> to vector<16xf32>
      %mul3A_1455 = arith.mulf %get3A_1454, %broadcast_in_dim3A_1401 : vector<16xf32>
      %swap3A_1456 = arith.constant 13 : i32
      %swap3A_1457 = arith.index_cast %swap3A_1456 : i32 to index
      %swap3A_1458 = arith.constant 64 : index
      %swap3A_1459 = tpu.vector_load %arg14[%swap3A_1457, %swap3A_1458] {strides = array<i32>} : memref<16x128xf32, #tpu.memory_space<vmem>>, vector<1x16xf32>,
      %swap3A_1460 = vector.shape_cast %swap3A_1459 : vector<1x16xf32> to vector<16xf32>
      %swap3A_1461 = vector.shape_cast %mul3A_1455 : vector<16xf32> to vector<1x16xf32>
      tpu.vector_store %arg14[%swap3A_1457, %swap3A_1458], %swap3A_1461 {strides = array<i32>} : memref<16x128xf32, #tpu.memory_space<vmem>>, vector<1x16xf32>,
      %get3A_1462 = arith.constant 13 : i32
      %get3A_1463 = arith.index_cast %get3A_1462 : i32 to index
      %get3A_1464 = arith.constant 80 : index
      %get3A_1465 = tpu.vector_load %arg14[%get3A_1463, %get3A_1464] {strides = array<i32>} : memref<16x128xf32, #tpu.memory_space<vmem>>, vector<1x16xf32>,
      %get3A_1466 = vector.shape_cast %get3A_1465 : vector<1x16xf32> to vector<16xf32>
      %mul3A_1467 = arith.mulf %get3A_1466, %broadcast_in_dim3A_1401 : vector<16xf32>
      %swap3A_1468 = arith.constant 13 : i32
      %swap3A_1469 = arith.index_cast %swap3A_1468 : i32 to index
      %swap3A_1470 = arith.constant 80 : index
      %swap3A_1471 = tpu.vector_load %arg14[%swap3A_1469, %swap3A_1470] {strides = array<i32>} : memref<16x128xf32, #tpu.memory_space<vmem>>, vector<1x16xf32>,
      %swap3A_1472 = vector.shape_cast %swap3A_1471 : vector<1x16xf32> to vector<16xf32>
      %swap3A_1473 = vector.shape_cast %mul3A_1467 : vector<16xf32> to vector<1x16xf32>
      tpu.vector_store %arg14[%swap3A_1469, %swap3A_1470], %swap3A_1473 {strides = array<i32>} : memref<16x128xf32, #tpu.memory_space<vmem>>, vector<1x16xf32>,
      %get3A_1474 = arith.constant 13 : i32
      %get3A_1475 = arith.index_cast %get3A_1474 : i32 to index
      %get3A_1476 = arith.constant 96 : index
      %get3A_1477 = tpu.vector_load %arg14[%get3A_1475, %get3A_1476] {strides = array<i32>} : memref<16x128xf32, #tpu.memory_space<vmem>>, vector<1x16xf32>,
      %get3A_1478 = vector.shape_cast %get3A_1477 : vector<1x16xf32> to vector<16xf32>
      %mul3A_1479 = arith.mulf %get3A_1478, %broadcast_in_dim3A_1401 : vector<16xf32>
      %swap3A_1480 = arith.constant 13 : i32
      %swap3A_1481 = arith.index_cast %swap3A_1480 : i32 to index
      %swap3A_1482 = arith.constant 96 : index
      %swap3A_1483 = tpu.vector_load %arg14[%swap3A_1481, %swap3A_1482] {strides = array<i32>} : memref<16x128xf32, #tpu.memory_space<vmem>>, vector<1x16xf32>,
      %swap3A_1484 = vector.shape_cast %swap3A_1483 : vector<1x16xf32> to vector<16xf32>
      %swap3A_1485 = vector.shape_cast %mul3A_1479 : vector<16xf32> to vector<1x16xf32>
      tpu.vector_store %arg14[%swap3A_1481, %swap3A_1482], %swap3A_1485 {strides = array<i32>} : memref<16x128xf32, #tpu.memory_space<vmem>>, vector<1x16xf32>,
      %get3A_1486 = arith.constant 13 : i32
      %get3A_1487 = arith.index_cast %get3A_1486 : i32 to index
      %get3A_1488 = arith.constant 112 : index
      %get3A_1489 = tpu.vector_load %arg14[%get3A_1487, %get3A_1488] {strides = array<i32>} : memref<16x128xf32, #tpu.memory_space<vmem>>, vector<1x16xf32>,
      %get3A_1490 = vector.shape_cast %get3A_1489 : vector<1x16xf32> to vector<16xf32>
      %mul3A_1491 = arith.mulf %get3A_1490, %broadcast_in_dim3A_1401 : vector<16xf32>
      %swap3A_1492 = arith.constant 13 : i32
      %swap3A_1493 = arith.index_cast %swap3A_1492 : i32 to index
      %swap3A_1494 = arith.constant 112 : index
      %swap3A_1495 = tpu.vector_load %arg14[%swap3A_1493, %swap3A_1494] {strides = array<i32>} : memref<16x128xf32, #tpu.memory_space<vmem>>, vector<1x16xf32>,
      %swap3A_1496 = vector.shape_cast %swap3A_1495 : vector<1x16xf32> to vector<16xf32>
      %swap3A_1497 = vector.shape_cast %mul3A_1491 : vector<16xf32> to vector<1x16xf32>
      tpu.vector_store %arg14[%swap3A_1493, %swap3A_1494], %swap3A_1497 {strides = array<i32>} : memref<16x128xf32, #tpu.memory_space<vmem>>, vector<1x16xf32>,
      %slice3A_1498 = vector.extract_strided_slice %get3A_115 {offsets = [14], sizes = [1], strides = [1]} : vector<16xf32> to vector<1xf32>
      %squeeze3A_1499 = vector.extract %slice3A_1498[0] : f32 from vector<1xf32>
      %broadcast_in_dim3A_1500 = vector.broadcast %squeeze3A_1499 : f32 to vector<16xf32>
      %get3A_1501 = arith.constant 14 : i32
      %get3A_1502 = arith.index_cast %get3A_1501 : i32 to index
      %get3A_1503 = arith.constant 0 : index
      %get3A_1504 = tpu.vector_load %arg14[%get3A_1502, %get3A_1503] {strides = array<i32>} : memref<16x128xf32, #tpu.memory_space<vmem>>, vector<1x16xf32>,
      %get3A_1505 = vector.shape_cast %get3A_1504 : vector<1x16xf32> to vector<16xf32>
      %mul3A_1506 = arith.mulf %get3A_1505, %broadcast_in_dim3A_1500 : vector<16xf32>
      %swap3A_1507 = arith.constant 14 : i32
      %swap3A_1508 = arith.index_cast %swap3A_1507 : i32 to index
      %swap3A_1509 = arith.constant 0 : index
      %swap3A_1510 = tpu.vector_load %arg14[%swap3A_1508, %swap3A_1509] {strides = array<i32>} : memref<16x128xf32, #tpu.memory_space<vmem>>, vector<1x16xf32>,
      %swap3A_1511 = vector.shape_cast %swap3A_1510 : vector<1x16xf32> to vector<16xf32>
      %swap3A_1512 = vector.shape_cast %mul3A_1506 : vector<16xf32> to vector<1x16xf32>
      tpu.vector_store %arg14[%swap3A_1508, %swap3A_1509], %swap3A_1512 {strides = array<i32>} : memref<16x128xf32, #tpu.memory_space<vmem>>, vector<1x16xf32>,
      %get3A_1513 = arith.constant 14 : i32
      %get3A_1514 = arith.index_cast %get3A_1513 : i32 to index
      %get3A_1515 = arith.constant 16 : index
      %get3A_1516 = tpu.vector_load %arg14[%get3A_1514, %get3A_1515] {strides = array<i32>} : memref<16x128xf32, #tpu.memory_space<vmem>>, vector<1x16xf32>,
      %get3A_1517 = vector.shape_cast %get3A_1516 : vector<1x16xf32> to vector<16xf32>
      %mul3A_1518 = arith.mulf %get3A_1517, %broadcast_in_dim3A_1500 : vector<16xf32>
      %swap3A_1519 = arith.constant 14 : i32
      %swap3A_1520 = arith.index_cast %swap3A_1519 : i32 to index
      %swap3A_1521 = arith.constant 16 : index
      %swap3A_1522 = tpu.vector_load %arg14[%swap3A_1520, %swap3A_1521] {strides = array<i32>} : memref<16x128xf32, #tpu.memory_space<vmem>>, vector<1x16xf32>,
      %swap3A_1523 = vector.shape_cast %swap3A_1522 : vector<1x16xf32> to vector<16xf32>
      %swap3A_1524 = vector.shape_cast %mul3A_1518 : vector<16xf32> to vector<1x16xf32>
      tpu.vector_store %arg14[%swap3A_1520, %swap3A_1521], %swap3A_1524 {strides = array<i32>} : memref<16x128xf32, #tpu.memory_space<vmem>>, vector<1x16xf32>,
      %get3A_1525 = arith.constant 14 : i32
      %get3A_1526 = arith.index_cast %get3A_1525 : i32 to index
      %get3A_1527 = arith.constant 32 : index
      %get3A_1528 = tpu.vector_load %arg14[%get3A_1526, %get3A_1527] {strides = array<i32>} : memref<16x128xf32, #tpu.memory_space<vmem>>, vector<1x16xf32>,
      %get3A_1529 = vector.shape_cast %get3A_1528 : vector<1x16xf32> to vector<16xf32>
      %mul3A_1530 = arith.mulf %get3A_1529, %broadcast_in_dim3A_1500 : vector<16xf32>
      %swap3A_1531 = arith.constant 14 : i32
      %swap3A_1532 = arith.index_cast %swap3A_1531 : i32 to index
      %swap3A_1533 = arith.constant 32 : index
      %swap3A_1534 = tpu.vector_load %arg14[%swap3A_1532, %swap3A_1533] {strides = array<i32>} : memref<16x128xf32, #tpu.memory_space<vmem>>, vector<1x16xf32>,
      %swap3A_1535 = vector.shape_cast %swap3A_1534 : vector<1x16xf32> to vector<16xf32>
      %swap3A_1536 = vector.shape_cast %mul3A_1530 : vector<16xf32> to vector<1x16xf32>
      tpu.vector_store %arg14[%swap3A_1532, %swap3A_1533], %swap3A_1536 {strides = array<i32>} : memref<16x128xf32, #tpu.memory_space<vmem>>, vector<1x16xf32>,
      %get3A_1537 = arith.constant 14 : i32
      %get3A_1538 = arith.index_cast %get3A_1537 : i32 to index
      %get3A_1539 = arith.constant 48 : index
      %get3A_1540 = tpu.vector_load %arg14[%get3A_1538, %get3A_1539] {strides = array<i32>} : memref<16x128xf32, #tpu.memory_space<vmem>>, vector<1x16xf32>,
      %get3A_1541 = vector.shape_cast %get3A_1540 : vector<1x16xf32> to vector<16xf32>
      %mul3A_1542 = arith.mulf %get3A_1541, %broadcast_in_dim3A_1500 : vector<16xf32>
      %swap3A_1543 = arith.constant 14 : i32
      %swap3A_1544 = arith.index_cast %swap3A_1543 : i32 to index
      %swap3A_1545 = arith.constant 48 : index
      %swap3A_1546 = tpu.vector_load %arg14[%swap3A_1544, %swap3A_1545] {strides = array<i32>} : memref<16x128xf32, #tpu.memory_space<vmem>>, vector<1x16xf32>,
      %swap3A_1547 = vector.shape_cast %swap3A_1546 : vector<1x16xf32> to vector<16xf32>
      %swap3A_1548 = vector.shape_cast %mul3A_1542 : vector<16xf32> to vector<1x16xf32>
      tpu.vector_store %arg14[%swap3A_1544, %swap3A_1545], %swap3A_1548 {strides = array<i32>} : memref<16x128xf32, #tpu.memory_space<vmem>>, vector<1x16xf32>,
      %get3A_1549 = arith.constant 14 : i32
      %get3A_1550 = arith.index_cast %get3A_1549 : i32 to index
      %get3A_1551 = arith.constant 64 : index
      %get3A_1552 = tpu.vector_load %arg14[%get3A_1550, %get3A_1551] {strides = array<i32>} : memref<16x128xf32, #tpu.memory_space<vmem>>, vector<1x16xf32>,
      %get3A_1553 = vector.shape_cast %get3A_1552 : vector<1x16xf32> to vector<16xf32>
      %mul3A_1554 = arith.mulf %get3A_1553, %broadcast_in_dim3A_1500 : vector<16xf32>
      %swap3A_1555 = arith.constant 14 : i32
      %swap3A_1556 = arith.index_cast %swap3A_1555 : i32 to index
      %swap3A_1557 = arith.constant 64 : index
      %swap3A_1558 = tpu.vector_load %arg14[%swap3A_1556, %swap3A_1557] {strides = array<i32>} : memref<16x128xf32, #tpu.memory_space<vmem>>, vector<1x16xf32>,
      %swap3A_1559 = vector.shape_cast %swap3A_1558 : vector<1x16xf32> to vector<16xf32>
      %swap3A_1560 = vector.shape_cast %mul3A_1554 : vector<16xf32> to vector<1x16xf32>
      tpu.vector_store %arg14[%swap3A_1556, %swap3A_1557], %swap3A_1560 {strides = array<i32>} : memref<16x128xf32, #tpu.memory_space<vmem>>, vector<1x16xf32>,
      %get3A_1561 = arith.constant 14 : i32
      %get3A_1562 = arith.index_cast %get3A_1561 : i32 to index
      %get3A_1563 = arith.constant 80 : index
      %get3A_1564 = tpu.vector_load %arg14[%get3A_1562, %get3A_1563] {strides = array<i32>} : memref<16x128xf32, #tpu.memory_space<vmem>>, vector<1x16xf32>,
      %get3A_1565 = vector.shape_cast %get3A_1564 : vector<1x16xf32> to vector<16xf32>
      %mul3A_1566 = arith.mulf %get3A_1565, %broadcast_in_dim3A_1500 : vector<16xf32>
      %swap3A_1567 = arith.constant 14 : i32
      %swap3A_1568 = arith.index_cast %swap3A_1567 : i32 to index
      %swap3A_1569 = arith.constant 80 : index
      %swap3A_1570 = tpu.vector_load %arg14[%swap3A_1568, %swap3A_1569] {strides = array<i32>} : memref<16x128xf32, #tpu.memory_space<vmem>>, vector<1x16xf32>,
      %swap3A_1571 = vector.shape_cast %swap3A_1570 : vector<1x16xf32> to vector<16xf32>
      %swap3A_1572 = vector.shape_cast %mul3A_1566 : vector<16xf32> to vector<1x16xf32>
      tpu.vector_store %arg14[%swap3A_1568, %swap3A_1569], %swap3A_1572 {strides = array<i32>} : memref<16x128xf32, #tpu.memory_space<vmem>>, vector<1x16xf32>,
      %get3A_1573 = arith.constant 14 : i32
      %get3A_1574 = arith.index_cast %get3A_1573 : i32 to index
      %get3A_1575 = arith.constant 96 : index
      %get3A_1576 = tpu.vector_load %arg14[%get3A_1574, %get3A_1575] {strides = array<i32>} : memref<16x128xf32, #tpu.memory_space<vmem>>, vector<1x16xf32>,
      %get3A_1577 = vector.shape_cast %get3A_1576 : vector<1x16xf32> to vector<16xf32>
      %mul3A_1578 = arith.mulf %get3A_1577, %broadcast_in_dim3A_1500 : vector<16xf32>
      %swap3A_1579 = arith.constant 14 : i32
      %swap3A_1580 = arith.index_cast %swap3A_1579 : i32 to index
      %swap3A_1581 = arith.constant 96 : index
      %swap3A_1582 = tpu.vector_load %arg14[%swap3A_1580, %swap3A_1581] {strides = array<i32>} : memref<16x128xf32, #tpu.memory_space<vmem>>, vector<1x16xf32>,
      %swap3A_1583 = vector.shape_cast %swap3A_1582 : vector<1x16xf32> to vector<16xf32>
      %swap3A_1584 = vector.shape_cast %mul3A_1578 : vector<16xf32> to vector<1x16xf32>
      tpu.vector_store %arg14[%swap3A_1580, %swap3A_1581], %swap3A_1584 {strides = array<i32>} : memref<16x128xf32, #tpu.memory_space<vmem>>, vector<1x16xf32>,
      %get3A_1585 = arith.constant 14 : i32
      %get3A_1586 = arith.index_cast %get3A_1585 : i32 to index
      %get3A_1587 = arith.constant 112 : index
      %get3A_1588 = tpu.vector_load %arg14[%get3A_1586, %get3A_1587] {strides = array<i32>} : memref<16x128xf32, #tpu.memory_space<vmem>>, vector<1x16xf32>,
      %get3A_1589 = vector.shape_cast %get3A_1588 : vector<1x16xf32> to vector<16xf32>
      %mul3A_1590 = arith.mulf %get3A_1589, %broadcast_in_dim3A_1500 : vector<16xf32>
      %swap3A_1591 = arith.constant 14 : i32
      %swap3A_1592 = arith.index_cast %swap3A_1591 : i32 to index
      %swap3A_1593 = arith.constant 112 : index
      %swap3A_1594 = tpu.vector_load %arg14[%swap3A_1592, %swap3A_1593] {strides = array<i32>} : memref<16x128xf32, #tpu.memory_space<vmem>>, vector<1x16xf32>,
      %swap3A_1595 = vector.shape_cast %swap3A_1594 : vector<1x16xf32> to vector<16xf32>
      %swap3A_1596 = vector.shape_cast %mul3A_1590 : vector<16xf32> to vector<1x16xf32>
      tpu.vector_store %arg14[%swap3A_1592, %swap3A_1593], %swap3A_1596 {strides = array<i32>} : memref<16x128xf32, #tpu.memory_space<vmem>>, vector<1x16xf32>,
      %slice3A_1597 = vector.extract_strided_slice %get3A_115 {offsets = [15], sizes = [1], strides = [1]} : vector<16xf32> to vector<1xf32>
      %squeeze3A_1598 = vector.extract %slice3A_1597[0] : f32 from vector<1xf32>
      %broadcast_in_dim3A_1599 = vector.broadcast %squeeze3A_1598 : f32 to vector<16xf32>
      %get3A_1600 = arith.constant 15 : i32
      %get3A_1601 = arith.index_cast %get3A_1600 : i32 to index
      %get3A_1602 = arith.constant 0 : index
      %get3A_1603 = tpu.vector_load %arg14[%get3A_1601, %get3A_1602] {strides = array<i32>} : memref<16x128xf32, #tpu.memory_space<vmem>>, vector<1x16xf32>,
      %get3A_1604 = vector.shape_cast %get3A_1603 : vector<1x16xf32> to vector<16xf32>
      %mul3A_1605 = arith.mulf %get3A_1604, %broadcast_in_dim3A_1599 : vector<16xf32>
      %swap3A_1606 = arith.constant 15 : i32
      %swap3A_1607 = arith.index_cast %swap3A_1606 : i32 to index
      %swap3A_1608 = arith.constant 0 : index
      %swap3A_1609 = tpu.vector_load %arg14[%swap3A_1607, %swap3A_1608] {strides = array<i32>} : memref<16x128xf32, #tpu.memory_space<vmem>>, vector<1x16xf32>,
      %swap3A_1610 = vector.shape_cast %swap3A_1609 : vector<1x16xf32> to vector<16xf32>
      %swap3A_1611 = vector.shape_cast %mul3A_1605 : vector<16xf32> to vector<1x16xf32>
      tpu.vector_store %arg14[%swap3A_1607, %swap3A_1608], %swap3A_1611 {strides = array<i32>} : memref<16x128xf32, #tpu.memory_space<vmem>>, vector<1x16xf32>,
      %get3A_1612 = arith.constant 15 : i32
      %get3A_1613 = arith.index_cast %get3A_1612 : i32 to index
      %get3A_1614 = arith.constant 16 : index
      %get3A_1615 = tpu.vector_load %arg14[%get3A_1613, %get3A_1614] {strides = array<i32>} : memref<16x128xf32, #tpu.memory_space<vmem>>, vector<1x16xf32>,
      %get3A_1616 = vector.shape_cast %get3A_1615 : vector<1x16xf32> to vector<16xf32>
      %mul3A_1617 = arith.mulf %get3A_1616, %broadcast_in_dim3A_1599 : vector<16xf32>
      %swap3A_1618 = arith.constant 15 : i32
      %swap3A_1619 = arith.index_cast %swap3A_1618 : i32 to index
      %swap3A_1620 = arith.constant 16 : index
      %swap3A_1621 = tpu.vector_load %arg14[%swap3A_1619, %swap3A_1620] {strides = array<i32>} : memref<16x128xf32, #tpu.memory_space<vmem>>, vector<1x16xf32>,
      %swap3A_1622 = vector.shape_cast %swap3A_1621 : vector<1x16xf32> to vector<16xf32>
      %swap3A_1623 = vector.shape_cast %mul3A_1617 : vector<16xf32> to vector<1x16xf32>
      tpu.vector_store %arg14[%swap3A_1619, %swap3A_1620], %swap3A_1623 {strides = array<i32>} : memref<16x128xf32, #tpu.memory_space<vmem>>, vector<1x16xf32>,
      %get3A_1624 = arith.constant 15 : i32
      %get3A_1625 = arith.index_cast %get3A_1624 : i32 to index
      %get3A_1626 = arith.constant 32 : index
      %get3A_1627 = tpu.vector_load %arg14[%get3A_1625, %get3A_1626] {strides = array<i32>} : memref<16x128xf32, #tpu.memory_space<vmem>>, vector<1x16xf32>,
      %get3A_1628 = vector.shape_cast %get3A_1627 : vector<1x16xf32> to vector<16xf32>
      %mul3A_1629 = arith.mulf %get3A_1628, %broadcast_in_dim3A_1599 : vector<16xf32>
      %swap3A_1630 = arith.constant 15 : i32
      %swap3A_1631 = arith.index_cast %swap3A_1630 : i32 to index
      %swap3A_1632 = arith.constant 32 : index
      %swap3A_1633 = tpu.vector_load %arg14[%swap3A_1631, %swap3A_1632] {strides = array<i32>} : memref<16x128xf32, #tpu.memory_space<vmem>>, vector<1x16xf32>,
      %swap3A_1634 = vector.shape_cast %swap3A_1633 : vector<1x16xf32> to vector<16xf32>
      %swap3A_1635 = vector.shape_cast %mul3A_1629 : vector<16xf32> to vector<1x16xf32>
      tpu.vector_store %arg14[%swap3A_1631, %swap3A_1632], %swap3A_1635 {strides = array<i32>} : memref<16x128xf32, #tpu.memory_space<vmem>>, vector<1x16xf32>,
      %get3A_1636 = arith.constant 15 : i32
      %get3A_1637 = arith.index_cast %get3A_1636 : i32 to index
      %get3A_1638 = arith.constant 48 : index
      %get3A_1639 = tpu.vector_load %arg14[%get3A_1637, %get3A_1638] {strides = array<i32>} : memref<16x128xf32, #tpu.memory_space<vmem>>, vector<1x16xf32>,
      %get3A_1640 = vector.shape_cast %get3A_1639 : vector<1x16xf32> to vector<16xf32>
      %mul3A_1641 = arith.mulf %get3A_1640, %broadcast_in_dim3A_1599 : vector<16xf32>
      %swap3A_1642 = arith.constant 15 : i32
      %swap3A_1643 = arith.index_cast %swap3A_1642 : i32 to index
      %swap3A_1644 = arith.constant 48 : index
      %swap3A_1645 = tpu.vector_load %arg14[%swap3A_1643, %swap3A_1644] {strides = array<i32>} : memref<16x128xf32, #tpu.memory_space<vmem>>, vector<1x16xf32>,
      %swap3A_1646 = vector.shape_cast %swap3A_1645 : vector<1x16xf32> to vector<16xf32>
      %swap3A_1647 = vector.shape_cast %mul3A_1641 : vector<16xf32> to vector<1x16xf32>
      tpu.vector_store %arg14[%swap3A_1643, %swap3A_1644], %swap3A_1647 {strides = array<i32>} : memref<16x128xf32, #tpu.memory_space<vmem>>, vector<1x16xf32>,
      %get3A_1648 = arith.constant 15 : i32
      %get3A_1649 = arith.index_cast %get3A_1648 : i32 to index
      %get3A_1650 = arith.constant 64 : index
      %get3A_1651 = tpu.vector_load %arg14[%get3A_1649, %get3A_1650] {strides = array<i32>} : memref<16x128xf32, #tpu.memory_space<vmem>>, vector<1x16xf32>,
      %get3A_1652 = vector.shape_cast %get3A_1651 : vector<1x16xf32> to vector<16xf32>
      %mul3A_1653 = arith.mulf %get3A_1652, %broadcast_in_dim3A_1599 : vector<16xf32>
      %swap3A_1654 = arith.constant 15 : i32
      %swap3A_1655 = arith.index_cast %swap3A_1654 : i32 to index
      %swap3A_1656 = arith.constant 64 : index
      %swap3A_1657 = tpu.vector_load %arg14[%swap3A_1655, %swap3A_1656] {strides = array<i32>} : memref<16x128xf32, #tpu.memory_space<vmem>>, vector<1x16xf32>,
      %swap3A_1658 = vector.shape_cast %swap3A_1657 : vector<1x16xf32> to vector<16xf32>
      %swap3A_1659 = vector.shape_cast %mul3A_1653 : vector<16xf32> to vector<1x16xf32>
      tpu.vector_store %arg14[%swap3A_1655, %swap3A_1656], %swap3A_1659 {strides = array<i32>} : memref<16x128xf32, #tpu.memory_space<vmem>>, vector<1x16xf32>,
      %get3A_1660 = arith.constant 15 : i32
      %get3A_1661 = arith.index_cast %get3A_1660 : i32 to index
      %get3A_1662 = arith.constant 80 : index
      %get3A_1663 = tpu.vector_load %arg14[%get3A_1661, %get3A_1662] {strides = array<i32>} : memref<16x128xf32, #tpu.memory_space<vmem>>, vector<1x16xf32>,
      %get3A_1664 = vector.shape_cast %get3A_1663 : vector<1x16xf32> to vector<16xf32>
      %mul3A_1665 = arith.mulf %get3A_1664, %broadcast_in_dim3A_1599 : vector<16xf32>
      %swap3A_1666 = arith.constant 15 : i32
      %swap3A_1667 = arith.index_cast %swap3A_1666 : i32 to index
      %swap3A_1668 = arith.constant 80 : index
      %swap3A_1669 = tpu.vector_load %arg14[%swap3A_1667, %swap3A_1668] {strides = array<i32>} : memref<16x128xf32, #tpu.memory_space<vmem>>, vector<1x16xf32>,
      %swap3A_1670 = vector.shape_cast %swap3A_1669 : vector<1x16xf32> to vector<16xf32>
      %swap3A_1671 = vector.shape_cast %mul3A_1665 : vector<16xf32> to vector<1x16xf32>
      tpu.vector_store %arg14[%swap3A_1667, %swap3A_1668], %swap3A_1671 {strides = array<i32>} : memref<16x128xf32, #tpu.memory_space<vmem>>, vector<1x16xf32>,
      %get3A_1672 = arith.constant 15 : i32
      %get3A_1673 = arith.index_cast %get3A_1672 : i32 to index
      %get3A_1674 = arith.constant 96 : index
      %get3A_1675 = tpu.vector_load %arg14[%get3A_1673, %get3A_1674] {strides = array<i32>} : memref<16x128xf32, #tpu.memory_space<vmem>>, vector<1x16xf32>,
      %get3A_1676 = vector.shape_cast %get3A_1675 : vector<1x16xf32> to vector<16xf32>
      %mul3A_1677 = arith.mulf %get3A_1676, %broadcast_in_dim3A_1599 : vector<16xf32>
      %swap3A_1678 = arith.constant 15 : i32
      %swap3A_1679 = arith.index_cast %swap3A_1678 : i32 to index
      %swap3A_1680 = arith.constant 96 : index
      %swap3A_1681 = tpu.vector_load %arg14[%swap3A_1679, %swap3A_1680] {strides = array<i32>} : memref<16x128xf32, #tpu.memory_space<vmem>>, vector<1x16xf32>,
      %swap3A_1682 = vector.shape_cast %swap3A_1681 : vector<1x16xf32> to vector<16xf32>
      %swap3A_1683 = vector.shape_cast %mul3A_1677 : vector<16xf32> to vector<1x16xf32>
      tpu.vector_store %arg14[%swap3A_1679, %swap3A_1680], %swap3A_1683 {strides = array<i32>} : memref<16x128xf32, #tpu.memory_space<vmem>>, vector<1x16xf32>,
      %get3A_1684 = arith.constant 15 : i32
      %get3A_1685 = arith.index_cast %get3A_1684 : i32 to index
      %get3A_1686 = arith.constant 112 : index
      %get3A_1687 = tpu.vector_load %arg14[%get3A_1685, %get3A_1686] {strides = array<i32>} : memref<16x128xf32, #tpu.memory_space<vmem>>, vector<1x16xf32>,
      %get3A_1688 = vector.shape_cast %get3A_1687 : vector<1x16xf32> to vector<16xf32>
      %mul3A_1689 = arith.mulf %get3A_1688, %broadcast_in_dim3A_1599 : vector<16xf32>
      %swap3A_1690 = arith.constant 15 : i32
      %swap3A_1691 = arith.index_cast %swap3A_1690 : i32 to index
      %swap3A_1692 = arith.constant 112 : index
      %swap3A_1693 = tpu.vector_load %arg14[%swap3A_1691, %swap3A_1692] {strides = array<i32>} : memref<16x128xf32, #tpu.memory_space<vmem>>, vector<1x16xf32>,
      %swap3A_1694 = vector.shape_cast %swap3A_1693 : vector<1x16xf32> to vector<16xf32>
      %swap3A_1695 = vector.shape_cast %mul3A_1689 : vector<16xf32> to vector<1x16xf32>
      tpu.vector_store %arg14[%swap3A_1691, %swap3A_1692], %swap3A_1695 {strides = array<i32>} : memref<16x128xf32, #tpu.memory_space<vmem>>, vector<1x16xf32>,
      "tpu.region"() ({
        %run_scoped3A = tpu.sem_alloc : memref<!tpu.dma_semaphore, #tpu.memory_space<semaphore_mem>>
        %dma_start3A = arith.constant 0 : i32
        %dma_start3A_1696 = tpu.memref_slice %arg8[%add3A_111, %dma_start3A] : memref<10000x128xf32, #tpu.memory_space<hbm>> -> memref<16x128xf32, #tpu.memory_space<hbm>>
        %dma_start3A_1697 = arith.constant 0 : i32
        %dma_start3A_1698 = tpu.memref_slice %arg8[%add3A_111, %dma_start3A_1697] : memref<10000x128xf32, #tpu.memory_space<hbm>> -> memref<16x128xf32, #tpu.memory_space<hbm>>
        tpu.enqueue_dma source(%arg14 : memref<16x128xf32, #tpu.memory_space<vmem>>) target(%dma_start3A_1698 : memref<16x128xf32, #tpu.memory_space<hbm>>) target_semaphore(%run_scoped3A : memref<!tpu.dma_semaphore, #tpu.memory_space<semaphore_mem>>)
        %dma_wait3A = arith.constant 0 : i32
        %dma_wait3A_1699 = tpu.memref_slice %arg8[%add3A_111, %dma_wait3A] : memref<10000x128xf32, #tpu.memory_space<hbm>> -> memref<16x128xf32, #tpu.memory_space<hbm>>
        %dma_wait3A_1700 = arith.constant 0 : i32
        %dma_wait3A_1701 = tpu.memref_slice %arg8[%add3A_111, %dma_wait3A_1700] : memref<10000x128xf32, #tpu.memory_space<hbm>> -> memref<16x128xf32, #tpu.memory_space<hbm>>
        tpu.wait_dma2 semaphore(%run_scoped3A : memref<!tpu.dma_semaphore, #tpu.memory_space<semaphore_mem>>) src(%arg14 : memref<16x128xf32, #tpu.memory_space<vmem>>) dst(%dma_wait3A_1701 : memref<16x128xf32, #tpu.memory_space<hbm>>)
        tpu.yield
      }) : () -> ()
    }
    %barrier3A_79 = arith.constant 0 : index
    tpu.barrier barrier_id(%barrier3A_79)
    "tpu.region"() ({
      %run_scoped3A = tpu.sem_alloc : memref<!tpu.dma_semaphore, #tpu.memory_space<semaphore_mem>>
      %dma_start3A = arith.constant 0 : i32
      %dma_start3A_106 = arith.constant 0 : i32
      %dma_start3A_107 = tpu.memref_slice %arg3[%add3A, %dma_start3A, %dma_start3A_106] : memref<32x79x128xi32, #tpu.memory_space<hbm>> -> memref<1x79x128xi32, #tpu.memory_space<hbm>>
      %dma_start3A_108 = tpu.memref_squeeze %dma_start3A_107 : memref<1x79x128xi32, #tpu.memory_space<hbm>> -> memref<79x128xi32, #tpu.memory_space<hbm>>
      %dma_start3A_109 = arith.constant 0 : i32
      %dma_start3A_110 = arith.constant 0 : i32
      %dma_start3A_111 = tpu.memref_slice %arg3[%add3A, %dma_start3A_109, %dma_start3A_110] : memref<32x79x128xi32, #tpu.memory_space<hbm>> -> memref<1x79x128xi32, #tpu.memory_space<hbm>>
      %dma_start3A_112 = tpu.memref_squeeze %dma_start3A_111 : memref<1x79x128xi32, #tpu.memory_space<hbm>> -> memref<79x128xi32, #tpu.memory_space<hbm>>
      tpu.enqueue_dma source(%dma_start3A_112 : memref<79x128xi32, #tpu.memory_space<hbm>>) target(%arg11 : memref<79x128xi32, #tpu.memory_space<vmem>>) target_semaphore(%run_scoped3A : memref<!tpu.dma_semaphore, #tpu.memory_space<semaphore_mem>>)
      %dma_wait3A = arith.constant 0 : i32
      %dma_wait3A_113 = arith.constant 0 : i32
      %dma_wait3A_114 = tpu.memref_slice %arg3[%add3A, %dma_wait3A, %dma_wait3A_113] : memref<32x79x128xi32, #tpu.memory_space<hbm>> -> memref<1x79x128xi32, #tpu.memory_space<hbm>>
      %dma_wait3A_115 = tpu.memref_squeeze %dma_wait3A_114 : memref<1x79x128xi32, #tpu.memory_space<hbm>> -> memref<79x128xi32, #tpu.memory_space<hbm>>
      %dma_wait3A_116 = arith.constant 0 : i32
      %dma_wait3A_117 = arith.constant 0 : i32
      %dma_wait3A_118 = tpu.memref_slice %arg3[%add3A, %dma_wait3A_116, %dma_wait3A_117] : memref<32x79x128xi32, #tpu.memory_space<hbm>> -> memref<1x79x128xi32, #tpu.memory_space<hbm>>
      %dma_wait3A_119 = tpu.memref_squeeze %dma_wait3A_118 : memref<1x79x128xi32, #tpu.memory_space<hbm>> -> memref<79x128xi32, #tpu.memory_space<hbm>>
      tpu.wait_dma2 semaphore(%run_scoped3A : memref<!tpu.dma_semaphore, #tpu.memory_space<semaphore_mem>>) src(%dma_wait3A_119 : memref<79x128xi32, #tpu.memory_space<hbm>>) dst(%arg11 : memref<79x128xi32, #tpu.memory_space<vmem>>)
      tpu.yield
    }) : () -> ()
    "tpu.region"() ({
      %run_scoped3A = tpu.sem_alloc : memref<!tpu.dma_semaphore, #tpu.memory_space<semaphore_mem>>
      %dma_start3A = arith.constant 0 : i32
      %dma_start3A_106 = arith.constant 0 : i32
      %dma_start3A_107 = tpu.memref_slice %arg4[%add3A, %dma_start3A, %dma_start3A_106] : memref<32x79x128xi32, #tpu.memory_space<hbm>> -> memref<1x79x128xi32, #tpu.memory_space<hbm>>
      %dma_start3A_108 = tpu.memref_squeeze %dma_start3A_107 : memref<1x79x128xi32, #tpu.memory_space<hbm>> -> memref<79x128xi32, #tpu.memory_space<hbm>>
      %dma_start3A_109 = arith.constant 0 : i32
      %dma_start3A_110 = arith.constant 0 : i32
      %dma_start3A_111 = tpu.memref_slice %arg4[%add3A, %dma_start3A_109, %dma_start3A_110] : memref<32x79x128xi32, #tpu.memory_space<hbm>> -> memref<1x79x128xi32, #tpu.memory_space<hbm>>
      %dma_start3A_112 = tpu.memref_squeeze %dma_start3A_111 : memref<1x79x128xi32, #tpu.memory_space<hbm>> -> memref<79x128xi32, #tpu.memory_space<hbm>>
      tpu.enqueue_dma source(%dma_start3A_112 : memref<79x128xi32, #tpu.memory_space<hbm>>) target(%arg12 : memref<79x128xi32, #tpu.memory_space<vmem>>) target_semaphore(%run_scoped3A : memref<!tpu.dma_semaphore, #tpu.memory_space<semaphore_mem>>)
      %dma_wait3A = arith.constant 0 : i32
      %dma_wait3A_113 = arith.constant 0 : i32
      %dma_wait3A_114 = tpu.memref_slice %arg4[%add3A, %dma_wait3A, %dma_wait3A_113] : memref<32x79x128xi32, #tpu.memory_space<hbm>> -> memref<1x79x128xi32, #tpu.memory_space<hbm>>
      %dma_wait3A_115 = tpu.memref_squeeze %dma_wait3A_114 : memref<1x79x128xi32, #tpu.memory_space<hbm>> -> memref<79x128xi32, #tpu.memory_space<hbm>>
      %dma_wait3A_116 = arith.constant 0 : i32
      %dma_wait3A_117 = arith.constant 0 : i32
      %dma_wait3A_118 = tpu.memref_slice %arg4[%add3A, %dma_wait3A_116, %dma_wait3A_117] : memref<32x79x128xi32, #tpu.memory_space<hbm>> -> memref<1x79x128xi32, #tpu.memory_space<hbm>>
      %dma_wait3A_119 = tpu.memref_squeeze %dma_wait3A_118 : memref<1x79x128xi32, #tpu.memory_space<hbm>> -> memref<79x128xi32, #tpu.memory_space<hbm>>
      tpu.wait_dma2 semaphore(%run_scoped3A : memref<!tpu.dma_semaphore, #tpu.memory_space<semaphore_mem>>) src(%dma_wait3A_119 : memref<79x128xi32, #tpu.memory_space<hbm>>) dst(%arg12 : memref<79x128xi32, #tpu.memory_space<vmem>>)
      tpu.yield
    }) : () -> ()
    %scan3A_80 = arith.constant 0 : i32
    %scan3A_81 = arith.constant 79 : i32
    %scan3A_82 = arith.addi %scan3A_80, %scan3A_81 : i32
    %scan3A_83 = arith.constant 1 : i32
    scf.for %scan3A_106 = %scan3A_80 to %scan3A_82 step %scan3A_83  : i32 {
      %mul3A_107 = arith.constant 1 : i32
      %mul3A_108 = arith.muli %scan3A_106, %mul3A_107 : i32
      %add3A_109 = arith.constant 0 : i32
      %add3A_110 = arith.addi %add3A_109, %mul3A_108 : i32
      %dma_start3A = arith.constant 0 : i32
      %dma_start3A_111 = tpu.memref_slice %arg11[%add3A_110, %dma_start3A] : memref<79x128xi32, #tpu.memory_space<vmem>> -> memref<1x128xi32, #tpu.memory_space<vmem>>
      %dma_start3A_112 = tpu.memref_squeeze %dma_start3A_111 : memref<1x128xi32, #tpu.memory_space<vmem>> -> memref<128xi32, #tpu.memory_space<vmem>>
      %dma_start3A_113 = arith.constant 0 : i32
      %dma_start3A_114 = arith.constant 0 : i32
      %dma_start3A_115 = tpu.memref_slice %arg8[%dma_start3A_113, %dma_start3A_114] : memref<10000x128xf32, #tpu.memory_space<hbm>> -> memref<10000x128xf32, #tpu.memory_space<hbm>>
      tpu.enqueue_indirect_dma source(%dma_start3A_115 : memref<10000x128xf32, #tpu.memory_space<hbm>>) target(%arg13 : memref<128x128xf32, #tpu.memory_space<vmem>>) offsets(%dma_start3A_112 : memref<128xi32, #tpu.memory_space<vmem>>) semaphore(%arg21 : memref<!tpu.dma_semaphore, #tpu.memory_space<semaphore_mem>>)
      %dma_wait3A = arith.constant 0 : i32
      %dma_wait3A_116 = tpu.memref_slice %arg11[%add3A_110, %dma_wait3A] : memref<79x128xi32, #tpu.memory_space<vmem>> -> memref<1x128xi32, #tpu.memory_space<vmem>>
      %dma_wait3A_117 = tpu.memref_squeeze %dma_wait3A_116 : memref<1x128xi32, #tpu.memory_space<vmem>> -> memref<128xi32, #tpu.memory_space<vmem>>
      %dma_wait3A_118 = arith.constant 0 : i32
      %dma_wait3A_119 = arith.constant 0 : i32
      %dma_wait3A_120 = tpu.memref_slice %arg8[%dma_wait3A_118, %dma_wait3A_119] : memref<10000x128xf32, #tpu.memory_space<hbm>> -> memref<10000x128xf32, #tpu.memory_space<hbm>>
      tpu.wait_indirect_dma semaphore(%arg21 : memref<!tpu.dma_semaphore, #tpu.memory_space<semaphore_mem>>) src(%dma_wait3A_120 : memref<10000x128xf32, #tpu.memory_space<hbm>>) dst(%arg13 : memref<128x128xf32, #tpu.memory_space<vmem>>)
      "tpu.region"() ({
        %run_scoped3A = tpu.sem_alloc : memref<!tpu.dma_semaphore, #tpu.memory_space<semaphore_mem>>
        %dma_start3A_121 = arith.constant 0 : i32
        %dma_start3A_122 = tpu.memref_slice %arg12[%add3A_110, %dma_start3A_121] : memref<79x128xi32, #tpu.memory_space<vmem>> -> memref<1x128xi32, #tpu.memory_space<vmem>>
        %dma_start3A_123 = tpu.memref_squeeze %dma_start3A_122 : memref<1x128xi32, #tpu.memory_space<vmem>> -> memref<128xi32, #tpu.memory_space<vmem>>
        %dma_start3A_124 = arith.constant 0 : i32
        %dma_start3A_125 = arith.constant 0 : i32
        %dma_start3A_126 = tpu.memref_slice %arg19[%dma_start3A_124, %dma_start3A_125] : memref<10240x128xf32, #tpu.memory_space<vmem_shared>> -> memref<10240x128xf32, #tpu.memory_space<vmem_shared>>
        tpu.enqueue_indirect_dma source(%arg13 : memref<128x128xf32, #tpu.memory_space<vmem>>) target(%dma_start3A_126 : memref<10240x128xf32, #tpu.memory_space<vmem_shared>>) offsets(%dma_start3A_123 : memref<128xi32, #tpu.memory_space<vmem>>) semaphore(%run_scoped3A : memref<!tpu.dma_semaphore, #tpu.memory_space<semaphore_mem>>) {add = true}
        %dma_wait3A_127 = arith.constant 0 : i32
        %dma_wait3A_128 = tpu.memref_slice %arg12[%add3A_110, %dma_wait3A_127] : memref<79x128xi32, #tpu.memory_space<vmem>> -> memref<1x128xi32, #tpu.memory_space<vmem>>
        %dma_wait3A_129 = tpu.memref_squeeze %dma_wait3A_128 : memref<1x128xi32, #tpu.memory_space<vmem>> -> memref<128xi32, #tpu.memory_space<vmem>>
        %dma_wait3A_130 = arith.constant 0 : i32
        %dma_wait3A_131 = arith.constant 0 : i32
        %dma_wait3A_132 = tpu.memref_slice %arg19[%dma_wait3A_130, %dma_wait3A_131] : memref<10240x128xf32, #tpu.memory_space<vmem_shared>> -> memref<10240x128xf32, #tpu.memory_space<vmem_shared>>
        tpu.wait_indirect_dma semaphore(%run_scoped3A : memref<!tpu.dma_semaphore, #tpu.memory_space<semaphore_mem>>) src(%arg13 : memref<128x128xf32, #tpu.memory_space<vmem>>) dst(%dma_wait3A_132 : memref<10240x128xf32, #tpu.memory_space<vmem_shared>>)
        tpu.yield
      }) : () -> ()
    }
    %scan3A_84 = arith.constant 79 : i32
    %barrier3A_85 = arith.constant 0 : index
    tpu.barrier barrier_id(%barrier3A_85)
    %add3A_86 = arith.constant 0 : i32
    %add3A_87 = arith.addi %mul3A_2, %add3A_86 : i32
    "tpu.region"() ({
      %run_scoped3A = tpu.sem_alloc : memref<!tpu.dma_semaphore, #tpu.memory_space<semaphore_mem>>
      %dma_start3A = arith.constant 0 : i32
      %dma_start3A_106 = tpu.memref_slice %arg19[%add3A_87, %dma_start3A] : memref<10240x128xf32, #tpu.memory_space<vmem_shared>> -> memref<128x128xf32, #tpu.memory_space<vmem_shared>>
      %dma_start3A_107 = arith.constant 0 : i32
      %dma_start3A_108 = tpu.memref_slice %arg19[%add3A_87, %dma_start3A_107] : memref<10240x128xf32, #tpu.memory_space<vmem_shared>> -> memref<128x128xf32, #tpu.memory_space<vmem_shared>>
      tpu.enqueue_dma source(%dma_start3A_108 : memref<128x128xf32, #tpu.memory_space<vmem_shared>>) target(%arg13 : memref<128x128xf32, #tpu.memory_space<vmem>>) target_semaphore(%run_scoped3A : memref<!tpu.dma_semaphore, #tpu.memory_space<semaphore_mem>>)
      %dma_wait3A = arith.constant 0 : i32
      %dma_wait3A_109 = tpu.memref_slice %arg19[%add3A_87, %dma_wait3A] : memref<10240x128xf32, #tpu.memory_space<vmem_shared>> -> memref<128x128xf32, #tpu.memory_space<vmem_shared>>
      %dma_wait3A_110 = arith.constant 0 : i32
      %dma_wait3A_111 = tpu.memref_slice %arg19[%add3A_87, %dma_wait3A_110] : memref<10240x128xf32, #tpu.memory_space<vmem_shared>> -> memref<128x128xf32, #tpu.memory_space<vmem_shared>>
      tpu.wait_dma2 semaphore(%run_scoped3A : memref<!tpu.dma_semaphore, #tpu.memory_space<semaphore_mem>>) src(%dma_wait3A_111 : memref<128x128xf32, #tpu.memory_space<vmem_shared>>) dst(%arg13 : memref<128x128xf32, #tpu.memory_space<vmem>>)
      tpu.yield
    }) : () -> ()
    %add3A_88 = arith.constant 0 : i32
    %add3A_89 = arith.addi %mul3A_2, %add3A_88 : i32
    "tpu.region"() ({
      %run_scoped3A = tpu.sem_alloc : memref<!tpu.dma_semaphore, #tpu.memory_space<semaphore_mem>>
      %dma_start3A = arith.constant 0 : i32
      %dma_start3A_106 = tpu.memref_slice %arg9[%arg0, %add3A_89, %dma_start3A] : memref<2x10240x128xf32, #tpu.memory_space<hbm>> -> memref<1x128x128xf32, #tpu.memory_space<hbm>>
      %dma_start3A_107 = tpu.memref_squeeze %dma_start3A_106 : memref<1x128x128xf32, #tpu.memory_space<hbm>> -> memref<128x128xf32, #tpu.memory_space<hbm>>
      %dma_start3A_108 = arith.constant 0 : i32
      %dma_start3A_109 = tpu.memref_slice %arg9[%arg0, %add3A_89, %dma_start3A_108] : memref<2x10240x128xf32, #tpu.memory_space<hbm>> -> memref<1x128x128xf32, #tpu.memory_space<hbm>>
      %dma_start3A_110 = tpu.memref_squeeze %dma_start3A_109 : memref<1x128x128xf32, #tpu.memory_space<hbm>> -> memref<128x128xf32, #tpu.memory_space<hbm>>
      tpu.enqueue_dma source(%arg13 : memref<128x128xf32, #tpu.memory_space<vmem>>) target(%dma_start3A_110 : memref<128x128xf32, #tpu.memory_space<hbm>>) target_semaphore(%run_scoped3A : memref<!tpu.dma_semaphore, #tpu.memory_space<semaphore_mem>>)
      %dma_wait3A = arith.constant 0 : i32
      %dma_wait3A_111 = tpu.memref_slice %arg9[%arg0, %add3A_89, %dma_wait3A] : memref<2x10240x128xf32, #tpu.memory_space<hbm>> -> memref<1x128x128xf32, #tpu.memory_space<hbm>>
      %dma_wait3A_112 = tpu.memref_squeeze %dma_wait3A_111 : memref<1x128x128xf32, #tpu.memory_space<hbm>> -> memref<128x128xf32, #tpu.memory_space<hbm>>
      %dma_wait3A_113 = arith.constant 0 : i32
      %dma_wait3A_114 = tpu.memref_slice %arg9[%arg0, %add3A_89, %dma_wait3A_113] : memref<2x10240x128xf32, #tpu.memory_space<hbm>> -> memref<1x128x128xf32, #tpu.memory_space<hbm>>
      %dma_wait3A_115 = tpu.memref_squeeze %dma_wait3A_114 : memref<1x128x128xf32, #tpu.memory_space<hbm>> -> memref<128x128xf32, #tpu.memory_space<hbm>>
      tpu.wait_dma2 semaphore(%run_scoped3A : memref<!tpu.dma_semaphore, #tpu.memory_space<semaphore_mem>>) src(%arg13 : memref<128x128xf32, #tpu.memory_space<vmem>>) dst(%dma_wait3A_115 : memref<128x128xf32, #tpu.memory_space<hbm>>)
      tpu.yield
    }) : () -> ()
    %add3A_90 = arith.constant 128 : i32
    %add3A_91 = arith.addi %mul3A_2, %add3A_90 : i32
    "tpu.region"() ({
      %run_scoped3A = tpu.sem_alloc : memref<!tpu.dma_semaphore, #tpu.memory_space<semaphore_mem>>
      %dma_start3A = arith.constant 0 : i32
      %dma_start3A_106 = tpu.memref_slice %arg19[%add3A_91, %dma_start3A] : memref<10240x128xf32, #tpu.memory_space<vmem_shared>> -> memref<128x128xf32, #tpu.memory_space<vmem_shared>>
      %dma_start3A_107 = arith.constant 0 : i32
      %dma_start3A_108 = tpu.memref_slice %arg19[%add3A_91, %dma_start3A_107] : memref<10240x128xf32, #tpu.memory_space<vmem_shared>> -> memref<128x128xf32, #tpu.memory_space<vmem_shared>>
      tpu.enqueue_dma source(%dma_start3A_108 : memref<128x128xf32, #tpu.memory_space<vmem_shared>>) target(%arg13 : memref<128x128xf32, #tpu.memory_space<vmem>>) target_semaphore(%run_scoped3A : memref<!tpu.dma_semaphore, #tpu.memory_space<semaphore_mem>>)
      %dma_wait3A = arith.constant 0 : i32
      %dma_wait3A_109 = tpu.memref_slice %arg19[%add3A_91, %dma_wait3A] : memref<10240x128xf32, #tpu.memory_space<vmem_shared>> -> memref<128x128xf32, #tpu.memory_space<vmem_shared>>
      %dma_wait3A_110 = arith.constant 0 : i32
      %dma_wait3A_111 = tpu.memref_slice %arg19[%add3A_91, %dma_wait3A_110] : memref<10240x128xf32, #tpu.memory_space<vmem_shared>> -> memref<128x128xf32, #tpu.memory_space<vmem_shared>>
      tpu.wait_dma2 semaphore(%run_scoped3A : memref<!tpu.dma_semaphore, #tpu.memory_space<semaphore_mem>>) src(%dma_wait3A_111 : memref<128x128xf32, #tpu.memory_space<vmem_shared>>) dst(%arg13 : memref<128x128xf32, #tpu.memory_space<vmem>>)
      tpu.yield
    }) : () -> ()
    %add3A_92 = arith.constant 128 : i32
    %add3A_93 = arith.addi %mul3A_2, %add3A_92 : i32
    "tpu.region"() ({
      %run_scoped3A = tpu.sem_alloc : memref<!tpu.dma_semaphore, #tpu.memory_space<semaphore_mem>>
      %dma_start3A = arith.constant 0 : i32
      %dma_start3A_106 = tpu.memref_slice %arg9[%arg0, %add3A_93, %dma_start3A] : memref<2x10240x128xf32, #tpu.memory_space<hbm>> -> memref<1x128x128xf32, #tpu.memory_space<hbm>>
      %dma_start3A_107 = tpu.memref_squeeze %dma_start3A_106 : memref<1x128x128xf32, #tpu.memory_space<hbm>> -> memref<128x128xf32, #tpu.memory_space<hbm>>
      %dma_start3A_108 = arith.constant 0 : i32
      %dma_start3A_109 = tpu.memref_slice %arg9[%arg0, %add3A_93, %dma_start3A_108] : memref<2x10240x128xf32, #tpu.memory_space<hbm>> -> memref<1x128x128xf32, #tpu.memory_space<hbm>>
      %dma_start3A_110 = tpu.memref_squeeze %dma_start3A_109 : memref<1x128x128xf32, #tpu.memory_space<hbm>> -> memref<128x128xf32, #tpu.memory_space<hbm>>
      tpu.enqueue_dma source(%arg13 : memref<128x128xf32, #tpu.memory_space<vmem>>) target(%dma_start3A_110 : memref<128x128xf32, #tpu.memory_space<hbm>>) target_semaphore(%run_scoped3A : memref<!tpu.dma_semaphore, #tpu.memory_space<semaphore_mem>>)
      %dma_wait3A = arith.constant 0 : i32
      %dma_wait3A_111 = tpu.memref_slice %arg9[%arg0, %add3A_93, %dma_wait3A] : memref<2x10240x128xf32, #tpu.memory_space<hbm>> -> memref<1x128x128xf32, #tpu.memory_space<hbm>>
      %dma_wait3A_112 = tpu.memref_squeeze %dma_wait3A_111 : memref<1x128x128xf32, #tpu.memory_space<hbm>> -> memref<128x128xf32, #tpu.memory_space<hbm>>
      %dma_wait3A_113 = arith.constant 0 : i32
      %dma_wait3A_114 = tpu.memref_slice %arg9[%arg0, %add3A_93, %dma_wait3A_113] : memref<2x10240x128xf32, #tpu.memory_space<hbm>> -> memref<1x128x128xf32, #tpu.memory_space<hbm>>
      %dma_wait3A_115 = tpu.memref_squeeze %dma_wait3A_114 : memref<1x128x128xf32, #tpu.memory_space<hbm>> -> memref<128x128xf32, #tpu.memory_space<hbm>>
      tpu.wait_dma2 semaphore(%run_scoped3A : memref<!tpu.dma_semaphore, #tpu.memory_space<semaphore_mem>>) src(%arg13 : memref<128x128xf32, #tpu.memory_space<vmem>>) dst(%dma_wait3A_115 : memref<128x128xf32, #tpu.memory_space<hbm>>)
      tpu.yield
    }) : () -> ()
    %add3A_94 = arith.constant 256 : i32
    %add3A_95 = arith.addi %mul3A_2, %add3A_94 : i32
    "tpu.region"() ({
      %run_scoped3A = tpu.sem_alloc : memref<!tpu.dma_semaphore, #tpu.memory_space<semaphore_mem>>
      %dma_start3A = arith.constant 0 : i32
      %dma_start3A_106 = tpu.memref_slice %arg19[%add3A_95, %dma_start3A] : memref<10240x128xf32, #tpu.memory_space<vmem_shared>> -> memref<128x128xf32, #tpu.memory_space<vmem_shared>>
      %dma_start3A_107 = arith.constant 0 : i32
      %dma_start3A_108 = tpu.memref_slice %arg19[%add3A_95, %dma_start3A_107] : memref<10240x128xf32, #tpu.memory_space<vmem_shared>> -> memref<128x128xf32, #tpu.memory_space<vmem_shared>>
      tpu.enqueue_dma source(%dma_start3A_108 : memref<128x128xf32, #tpu.memory_space<vmem_shared>>) target(%arg13 : memref<128x128xf32, #tpu.memory_space<vmem>>) target_semaphore(%run_scoped3A : memref<!tpu.dma_semaphore, #tpu.memory_space<semaphore_mem>>)
      %dma_wait3A = arith.constant 0 : i32
      %dma_wait3A_109 = tpu.memref_slice %arg19[%add3A_95, %dma_wait3A] : memref<10240x128xf32, #tpu.memory_space<vmem_shared>> -> memref<128x128xf32, #tpu.memory_space<vmem_shared>>
      %dma_wait3A_110 = arith.constant 0 : i32
      %dma_wait3A_111 = tpu.memref_slice %arg19[%add3A_95, %dma_wait3A_110] : memref<10240x128xf32, #tpu.memory_space<vmem_shared>> -> memref<128x128xf32, #tpu.memory_space<vmem_shared>>
      tpu.wait_dma2 semaphore(%run_scoped3A : memref<!tpu.dma_semaphore, #tpu.memory_space<semaphore_mem>>) src(%dma_wait3A_111 : memref<128x128xf32, #tpu.memory_space<vmem_shared>>) dst(%arg13 : memref<128x128xf32, #tpu.memory_space<vmem>>)
      tpu.yield
    }) : () -> ()
    %add3A_96 = arith.constant 256 : i32
    %add3A_97 = arith.addi %mul3A_2, %add3A_96 : i32
    "tpu.region"() ({
      %run_scoped3A = tpu.sem_alloc : memref<!tpu.dma_semaphore, #tpu.memory_space<semaphore_mem>>
      %dma_start3A = arith.constant 0 : i32
      %dma_start3A_106 = tpu.memref_slice %arg9[%arg0, %add3A_97, %dma_start3A] : memref<2x10240x128xf32, #tpu.memory_space<hbm>> -> memref<1x128x128xf32, #tpu.memory_space<hbm>>
      %dma_start3A_107 = tpu.memref_squeeze %dma_start3A_106 : memref<1x128x128xf32, #tpu.memory_space<hbm>> -> memref<128x128xf32, #tpu.memory_space<hbm>>
      %dma_start3A_108 = arith.constant 0 : i32
      %dma_start3A_109 = tpu.memref_slice %arg9[%arg0, %add3A_97, %dma_start3A_108] : memref<2x10240x128xf32, #tpu.memory_space<hbm>> -> memref<1x128x128xf32, #tpu.memory_space<hbm>>
      %dma_start3A_110 = tpu.memref_squeeze %dma_start3A_109 : memref<1x128x128xf32, #tpu.memory_space<hbm>> -> memref<128x128xf32, #tpu.memory_space<hbm>>
      tpu.enqueue_dma source(%arg13 : memref<128x128xf32, #tpu.memory_space<vmem>>) target(%dma_start3A_110 : memref<128x128xf32, #tpu.memory_space<hbm>>) target_semaphore(%run_scoped3A : memref<!tpu.dma_semaphore, #tpu.memory_space<semaphore_mem>>)
      %dma_wait3A = arith.constant 0 : i32
      %dma_wait3A_111 = tpu.memref_slice %arg9[%arg0, %add3A_97, %dma_wait3A] : memref<2x10240x128xf32, #tpu.memory_space<hbm>> -> memref<1x128x128xf32, #tpu.memory_space<hbm>>
      %dma_wait3A_112 = tpu.memref_squeeze %dma_wait3A_111 : memref<1x128x128xf32, #tpu.memory_space<hbm>> -> memref<128x128xf32, #tpu.memory_space<hbm>>
      %dma_wait3A_113 = arith.constant 0 : i32
      %dma_wait3A_114 = tpu.memref_slice %arg9[%arg0, %add3A_97, %dma_wait3A_113] : memref<2x10240x128xf32, #tpu.memory_space<hbm>> -> memref<1x128x128xf32, #tpu.memory_space<hbm>>
      %dma_wait3A_115 = tpu.memref_squeeze %dma_wait3A_114 : memref<1x128x128xf32, #tpu.memory_space<hbm>> -> memref<128x128xf32, #tpu.memory_space<hbm>>
      tpu.wait_dma2 semaphore(%run_scoped3A : memref<!tpu.dma_semaphore, #tpu.memory_space<semaphore_mem>>) src(%arg13 : memref<128x128xf32, #tpu.memory_space<vmem>>) dst(%dma_wait3A_115 : memref<128x128xf32, #tpu.memory_space<hbm>>)
      tpu.yield
    }) : () -> ()
    %add3A_98 = arith.constant 384 : i32
    %add3A_99 = arith.addi %mul3A_2, %add3A_98 : i32
    "tpu.region"() ({
      %run_scoped3A = tpu.sem_alloc : memref<!tpu.dma_semaphore, #tpu.memory_space<semaphore_mem>>
      %dma_start3A = arith.constant 0 : i32
      %dma_start3A_106 = tpu.memref_slice %arg19[%add3A_99, %dma_start3A] : memref<10240x128xf32, #tpu.memory_space<vmem_shared>> -> memref<128x128xf32, #tpu.memory_space<vmem_shared>>
      %dma_start3A_107 = arith.constant 0 : i32
      %dma_start3A_108 = tpu.memref_slice %arg19[%add3A_99, %dma_start3A_107] : memref<10240x128xf32, #tpu.memory_space<vmem_shared>> -> memref<128x128xf32, #tpu.memory_space<vmem_shared>>
      tpu.enqueue_dma source(%dma_start3A_108 : memref<128x128xf32, #tpu.memory_space<vmem_shared>>) target(%arg13 : memref<128x128xf32, #tpu.memory_space<vmem>>) target_semaphore(%run_scoped3A : memref<!tpu.dma_semaphore, #tpu.memory_space<semaphore_mem>>)
      %dma_wait3A = arith.constant 0 : i32
      %dma_wait3A_109 = tpu.memref_slice %arg19[%add3A_99, %dma_wait3A] : memref<10240x128xf32, #tpu.memory_space<vmem_shared>> -> memref<128x128xf32, #tpu.memory_space<vmem_shared>>
      %dma_wait3A_110 = arith.constant 0 : i32
      %dma_wait3A_111 = tpu.memref_slice %arg19[%add3A_99, %dma_wait3A_110] : memref<10240x128xf32, #tpu.memory_space<vmem_shared>> -> memref<128x128xf32, #tpu.memory_space<vmem_shared>>
      tpu.wait_dma2 semaphore(%run_scoped3A : memref<!tpu.dma_semaphore, #tpu.memory_space<semaphore_mem>>) src(%dma_wait3A_111 : memref<128x128xf32, #tpu.memory_space<vmem_shared>>) dst(%arg13 : memref<128x128xf32, #tpu.memory_space<vmem>>)
      tpu.yield
    }) : () -> ()
    %add3A_100 = arith.constant 384 : i32
    %add3A_101 = arith.addi %mul3A_2, %add3A_100 : i32
    "tpu.region"() ({
      %run_scoped3A = tpu.sem_alloc : memref<!tpu.dma_semaphore, #tpu.memory_space<semaphore_mem>>
      %dma_start3A = arith.constant 0 : i32
      %dma_start3A_106 = tpu.memref_slice %arg9[%arg0, %add3A_101, %dma_start3A] : memref<2x10240x128xf32, #tpu.memory_space<hbm>> -> memref<1x128x128xf32, #tpu.memory_space<hbm>>
      %dma_start3A_107 = tpu.memref_squeeze %dma_start3A_106 : memref<1x128x128xf32, #tpu.memory_space<hbm>> -> memref<128x128xf32, #tpu.memory_space<hbm>>
      %dma_start3A_108 = arith.constant 0 : i32
      %dma_start3A_109 = tpu.memref_slice %arg9[%arg0, %add3A_101, %dma_start3A_108] : memref<2x10240x128xf32, #tpu.memory_space<hbm>> -> memref<1x128x128xf32, #tpu.memory_space<hbm>>
      %dma_start3A_110 = tpu.memref_squeeze %dma_start3A_109 : memref<1x128x128xf32, #tpu.memory_space<hbm>> -> memref<128x128xf32, #tpu.memory_space<hbm>>
      tpu.enqueue_dma source(%arg13 : memref<128x128xf32, #tpu.memory_space<vmem>>) target(%dma_start3A_110 : memref<128x128xf32, #tpu.memory_space<hbm>>) target_semaphore(%run_scoped3A : memref<!tpu.dma_semaphore, #tpu.memory_space<semaphore_mem>>)
      %dma_wait3A = arith.constant 0 : i32
      %dma_wait3A_111 = tpu.memref_slice %arg9[%arg0, %add3A_101, %dma_wait3A] : memref<2x10240x128xf32, #tpu.memory_space<hbm>> -> memref<1x128x128xf32, #tpu.memory_space<hbm>>
      %dma_wait3A_112 = tpu.memref_squeeze %dma_wait3A_111 : memref<1x128x128xf32, #tpu.memory_space<hbm>> -> memref<128x128xf32, #tpu.memory_space<hbm>>
      %dma_wait3A_113 = arith.constant 0 : i32
      %dma_wait3A_114 = tpu.memref_slice %arg9[%arg0, %add3A_101, %dma_wait3A_113] : memref<2x10240x128xf32, #tpu.memory_space<hbm>> -> memref<1x128x128xf32, #tpu.memory_space<hbm>>
      %dma_wait3A_115 = tpu.memref_squeeze %dma_wait3A_114 : memref<1x128x128xf32, #tpu.memory_space<hbm>> -> memref<128x128xf32, #tpu.memory_space<hbm>>
      tpu.wait_dma2 semaphore(%run_scoped3A : memref<!tpu.dma_semaphore, #tpu.memory_space<semaphore_mem>>) src(%arg13 : memref<128x128xf32, #tpu.memory_space<vmem>>) dst(%dma_wait3A_115 : memref<128x128xf32, #tpu.memory_space<hbm>>)
      tpu.yield
    }) : () -> ()
    %add3A_102 = arith.constant 512 : i32
    %add3A_103 = arith.addi %mul3A_2, %add3A_102 : i32
    "tpu.region"() ({
      %run_scoped3A = tpu.sem_alloc : memref<!tpu.dma_semaphore, #tpu.memory_space<semaphore_mem>>
      %dma_start3A = arith.constant 0 : i32
      %dma_start3A_106 = tpu.memref_slice %arg19[%add3A_103, %dma_start3A] : memref<10240x128xf32, #tpu.memory_space<vmem_shared>> -> memref<128x128xf32, #tpu.memory_space<vmem_shared>>
      %dma_start3A_107 = arith.constant 0 : i32
      %dma_start3A_108 = tpu.memref_slice %arg19[%add3A_103, %dma_start3A_107] : memref<10240x128xf32, #tpu.memory_space<vmem_shared>> -> memref<128x128xf32, #tpu.memory_space<vmem_shared>>
      tpu.enqueue_dma source(%dma_start3A_108 : memref<128x128xf32, #tpu.memory_space<vmem_shared>>) target(%arg13 : memref<128x128xf32, #tpu.memory_space<vmem>>) target_semaphore(%run_scoped3A : memref<!tpu.dma_semaphore, #tpu.memory_space<semaphore_mem>>)
      %dma_wait3A = arith.constant 0 : i32
      %dma_wait3A_109 = tpu.memref_slice %arg19[%add3A_103, %dma_wait3A] : memref<10240x128xf32, #tpu.memory_space<vmem_shared>> -> memref<128x128xf32, #tpu.memory_space<vmem_shared>>
      %dma_wait3A_110 = arith.constant 0 : i32
      %dma_wait3A_111 = tpu.memref_slice %arg19[%add3A_103, %dma_wait3A_110] : memref<10240x128xf32, #tpu.memory_space<vmem_shared>> -> memref<128x128xf32, #tpu.memory_space<vmem_shared>>
      tpu.wait_dma2 semaphore(%run_scoped3A : memref<!tpu.dma_semaphore, #tpu.memory_space<semaphore_mem>>) src(%dma_wait3A_111 : memref<128x128xf32, #tpu.memory_space<vmem_shared>>) dst(%arg13 : memref<128x128xf32, #tpu.memory_space<vmem>>)
      tpu.yield
    }) : () -> ()
    %add3A_104 = arith.constant 512 : i32
    %add3A_105 = arith.addi %mul3A_2, %add3A_104 : i32
    "tpu.region"() ({
      %run_scoped3A = tpu.sem_alloc : memref<!tpu.dma_semaphore, #tpu.memory_space<semaphore_mem>>
      %dma_start3A = arith.constant 0 : i32
      %dma_start3A_106 = tpu.memref_slice %arg9[%arg0, %add3A_105, %dma_start3A] : memref<2x10240x128xf32, #tpu.memory_space<hbm>> -> memref<1x128x128xf32, #tpu.memory_space<hbm>>
      %dma_start3A_107 = tpu.memref_squeeze %dma_start3A_106 : memref<1x128x128xf32, #tpu.memory_space<hbm>> -> memref<128x128xf32, #tpu.memory_space<hbm>>
      %dma_start3A_108 = arith.constant 0 : i32
      %dma_start3A_109 = tpu.memref_slice %arg9[%arg0, %add3A_105, %dma_start3A_108] : memref<2x10240x128xf32, #tpu.memory_space<hbm>> -> memref<1x128x128xf32, #tpu.memory_space<hbm>>
      %dma_start3A_110 = tpu.memref_squeeze %dma_start3A_109 : memref<1x128x128xf32, #tpu.memory_space<hbm>> -> memref<128x128xf32, #tpu.memory_space<hbm>>
      tpu.enqueue_dma source(%arg13 : memref<128x128xf32, #tpu.memory_space<vmem>>) target(%dma_start3A_110 : memref<128x128xf32, #tpu.memory_space<hbm>>) target_semaphore(%run_scoped3A : memref<!tpu.dma_semaphore, #tpu.memory_space<semaphore_mem>>)
      %dma_wait3A = arith.constant 0 : i32
      %dma_wait3A_111 = tpu.memref_slice %arg9[%arg0, %add3A_105, %dma_wait3A] : memref<2x10240x128xf32, #tpu.memory_space<hbm>> -> memref<1x128x128xf32, #tpu.memory_space<hbm>>
      %dma_wait3A_112 = tpu.memref_squeeze %dma_wait3A_111 : memref<1x128x128xf32, #tpu.memory_space<hbm>> -> memref<128x128xf32, #tpu.memory_space<hbm>>
      %dma_wait3A_113 = arith.constant 0 : i32
      %dma_wait3A_114 = tpu.memref_slice %arg9[%arg0, %add3A_105, %dma_wait3A_113] : memref<2x10240x128xf32, #tpu.memory_space<hbm>> -> memref<1x128x128xf32, #tpu.memory_space<hbm>>
      %dma_wait3A_115 = tpu.memref_squeeze %dma_wait3A_114 : memref<1x128x128xf32, #tpu.memory_space<hbm>> -> memref<128x128xf32, #tpu.memory_space<hbm>>
      tpu.wait_dma2 semaphore(%run_scoped3A : memref<!tpu.dma_semaphore, #tpu.memory_space<semaphore_mem>>) src(%arg13 : memref<128x128xf32, #tpu.memory_space<vmem>>) dst(%dma_wait3A_115 : memref<128x128xf32, #tpu.memory_space<hbm>>)
      tpu.yield
    }) : () -> ()
    return
  }
}

module attributes {stable_mosaic.version = 14 : i64} {
  func.func @_tc_embed_body(%arg0: memref<2x10240x128xf32, #tpu.memory_space<vmem>>, %arg1: memref<2x10240xf32, #tpu.memory_space<vmem>>, %arg2: memref<128x128xf32, #tpu.memory_space<vmem>>, %arg3: memref<10000x128xf32, #tpu.memory_space<vmem>>, %arg4: memref<1x1xf32, #tpu.memory_space<vmem>>) attributes {dimension_semantics = [], scalar_prefetch = 0 : i64, scratch_operands = 0 : i64, tpu.core_type = #tpu.core_type<tc>} {
    %get3A = arith.constant 0 : index
    %get3A_0 = arith.constant 0 : index
    %get3A_1 = arith.constant 0 : index
    %get3A_2 = vector.load %arg0[%get3A, %get3A_0, %get3A_1] : memref<2x10240x128xf32, #tpu.memory_space<vmem>>, vector<1x10000x128xf32>
    %get3A_3 = vector.shape_cast %get3A_2 : vector<1x10000x128xf32> to vector<10000x128xf32>
    %get3A_4 = arith.constant 1 : index
    %get3A_5 = arith.constant 0 : index
    %get3A_6 = arith.constant 0 : index
    %get3A_7 = vector.load %arg0[%get3A_4, %get3A_5, %get3A_6] : memref<2x10240x128xf32, #tpu.memory_space<vmem>>, vector<1x10000x128xf32>
    %get3A_8 = vector.shape_cast %get3A_7 : vector<1x10000x128xf32> to vector<10000x128xf32>
    %add3A = arith.addf %get3A_3, %get3A_8 : vector<10000x128xf32>
    %get3A_9 = arith.constant 0 : index
    %get3A_10 = arith.constant 0 : index
    %get3A_11 = vector.load %arg1[%get3A_9, %get3A_10] : memref<2x10240xf32, #tpu.memory_space<vmem>>, vector<1x10000xf32>
    %get3A_12 = vector.shape_cast %get3A_11 : vector<1x10000xf32> to vector<10000xf32>
    %broadcast_in_dim3A = vector.shape_cast %get3A_12 : vector<10000xf32> to vector<10000x1xf32>
    %mul3A = vector.broadcast %broadcast_in_dim3A : vector<10000x1xf32> to vector<10000x128xf32>
    %mul3A_13 = arith.mulf %add3A, %mul3A : vector<10000x128xf32>
    %get3A_14 = arith.constant 0 : index
    %get3A_15 = arith.constant 0 : index
    %get3A_16 = vector.load %arg2[%get3A_14, %get3A_15] : memref<128x128xf32, #tpu.memory_space<vmem>>, vector<128x128xf32>
    %dot_general3A = arith.constant dense<0.000000e+00> : vector<10000x128xf32>
    %dot_general3A_17 = tpu.matmul %mul3A_13, %get3A_16, %dot_general3A {dimension_numbers = #tpu.dot_dimension_numbers<[1], [0], [0], [1], [0, 0, 1, 1], [], []>, transpose_lhs_hint = false} : vector<10000x128xf32>, vector<128x128xf32>, vector<10000x128xf32> -> vector<10000x128xf32>
    %tanh3A = math.tanh %dot_general3A_17 : vector<10000x128xf32>
    %mul3A_18 = arith.mulf %tanh3A, %tanh3A : vector<10000x128xf32>
    %reduce_sum3A = arith.constant dense<0.000000e+00> : vector<10000xf32>
    %reduce_sum3A_19 = vector.multi_reduction <add>, %mul3A_18, %reduce_sum3A [1] : vector<10000x128xf32> to vector<10000xf32>
    %broadcast_in_dim3A_20 = vector.shape_cast %reduce_sum3A_19 : vector<10000xf32> to vector<10000x1xf32>
    %add3A_21 = arith.constant 9.99999996E-13 : f32
    %add3A_22 = vector.broadcast %add3A_21 : f32 to vector<10000x1xf32>
    %add3A_23 = arith.addf %broadcast_in_dim3A_20, %add3A_22 : vector<10000x1xf32>
    %rsqrt3A = math.rsqrt %add3A_23 : vector<10000x1xf32>
    %mul3A_24 = vector.broadcast %rsqrt3A : vector<10000x1xf32> to vector<10000x128xf32>
    %mul3A_25 = arith.mulf %tanh3A, %mul3A_24 : vector<10000x128xf32>
    %swap3A = arith.constant 0 : index
    %swap3A_26 = arith.constant 0 : index
    %swap3A_27 = vector.load %arg3[%swap3A, %swap3A_26] : memref<10000x128xf32, #tpu.memory_space<vmem>>, vector<10000x128xf32>
    tpu.vector_store %arg3[%swap3A, %swap3A_26], %mul3A_25 {strides = array<i32>} : memref<10000x128xf32, #tpu.memory_space<vmem>>, vector<10000x128xf32>,
    %mul3A_28 = arith.mulf %mul3A_25, %mul3A_25 : vector<10000x128xf32>
    %reduce_sum3A_29 = vector.shape_cast %mul3A_28 : vector<10000x128xf32> to vector<1x10000x128xf32>
    %reduce_sum3A_30 = arith.constant dense<0.000000e+00> : vector<1xf32>
    %reduce_sum3A_31 = vector.multi_reduction <add>, %reduce_sum3A_29, %reduce_sum3A_30 [1, 2] : vector<1x10000x128xf32> to vector<1xf32>
    %reduce_sum3A_32 = vector.shape_cast %reduce_sum3A_31 : vector<1xf32> to vector<1x1x1xf32>
    %reduce_sum3A_33 = vector.extract %reduce_sum3A_32[0, 0, 0] : f32 from vector<1x1x1xf32>
    %reshape3A = vector.broadcast %reduce_sum3A_33 : f32 to vector<1x1xf32>
    %swap3A_34 = arith.constant 0 : index
    %swap3A_35 = arith.constant 0 : index
    %swap3A_36 = vector.load %arg4[%swap3A_34, %swap3A_35] : memref<1x1xf32, #tpu.memory_space<vmem>>, vector<1x1xf32>
    tpu.vector_store %arg4[%swap3A_34, %swap3A_35], %reshape3A {strides = array<i32>} : memref<1x1xf32, #tpu.memory_space<vmem>>, vector<1x1xf32>,
    return
  }
}

module attributes {stable_mosaic.version = 14 : i64} {
  func.func @_tc_loss_body(%arg0: memref<3x1024x128xf32, #tpu.memory_space<vmem>>, %arg1: memref<1x1xf32, #tpu.memory_space<vmem>>, %arg2: memref<1x1xf32, #tpu.memory_space<vmem>>) attributes {dimension_semantics = [], scalar_prefetch = 0 : i64, scratch_operands = 0 : i64, tpu.core_type = #tpu.core_type<tc>} {
    %get3A = arith.constant 0 : index
    %get3A_0 = arith.constant 0 : index
    %get3A_1 = arith.constant 0 : index
    %get3A_2 = vector.load %arg0[%get3A, %get3A_0, %get3A_1] : memref<3x1024x128xf32, #tpu.memory_space<vmem>>, vector<1x1024x128xf32>
    %get3A_3 = vector.shape_cast %get3A_2 : vector<1x1024x128xf32> to vector<1024x128xf32>
    %get3A_4 = arith.constant 1 : index
    %get3A_5 = arith.constant 0 : index
    %get3A_6 = arith.constant 0 : index
    %get3A_7 = vector.load %arg0[%get3A_4, %get3A_5, %get3A_6] : memref<3x1024x128xf32, #tpu.memory_space<vmem>>, vector<1x1024x128xf32>
    %get3A_8 = vector.shape_cast %get3A_7 : vector<1x1024x128xf32> to vector<1024x128xf32>
    %get3A_9 = arith.constant 2 : index
    %get3A_10 = arith.constant 0 : index
    %get3A_11 = arith.constant 0 : index
    %get3A_12 = vector.load %arg0[%get3A_9, %get3A_10, %get3A_11] : memref<3x1024x128xf32, #tpu.memory_space<vmem>>, vector<1x1024x128xf32>
    %get3A_13 = vector.shape_cast %get3A_12 : vector<1x1024x128xf32> to vector<1024x128xf32>
    %mul3A = arith.mulf %get3A_3, %get3A_8 : vector<1024x128xf32>
    %reduce_sum3A = arith.constant dense<0.000000e+00> : vector<1024xf32>
    %reduce_sum3A_14 = vector.multi_reduction <add>, %mul3A, %reduce_sum3A [1] : vector<1024x128xf32> to vector<1024xf32>
    %mul3A_15 = arith.mulf %get3A_3, %get3A_13 : vector<1024x128xf32>
    %reduce_sum3A_16 = arith.constant dense<0.000000e+00> : vector<1024xf32>
    %reduce_sum3A_17 = vector.multi_reduction <add>, %mul3A_15, %reduce_sum3A_16 [1] : vector<1024x128xf32> to vector<1024xf32>
    %sub3A = arith.subf %reduce_sum3A_14, %reduce_sum3A_17 : vector<1024xf32>
    %neg3A = arith.constant 0.000000e+00 : f32
    %neg3A_18 = vector.broadcast %neg3A : f32 to vector<1024xf32>
    %neg3A_19 = arith.subf %neg3A_18, %sub3A : vector<1024xf32>
    %exp3A = math.exp %neg3A_19 : vector<1024xf32>
    %add3A = arith.constant 1.000000e+00 : f32
    %add3A_20 = vector.broadcast %add3A : f32 to vector<1024xf32>
    %add3A_21 = arith.addf %add3A_20, %exp3A : vector<1024xf32>
    %div3A = arith.constant 1.000000e+00 : f32
    %div3A_22 = vector.broadcast %div3A : f32 to vector<1024xf32>
    %div3A_23 = arith.divf %div3A_22, %add3A_21 : vector<1024xf32>
    %add3A_24 = arith.constant 9.99999996E-13 : f32
    %add3A_25 = vector.broadcast %add3A_24 : f32 to vector<1024xf32>
    %add3A_26 = arith.addf %div3A_23, %add3A_25 : vector<1024xf32>
    %log3A = math.log %add3A_26 : vector<1024xf32>
    %neg3A_27 = arith.constant 0.000000e+00 : f32
    %neg3A_28 = vector.broadcast %neg3A_27 : f32 to vector<1024xf32>
    %neg3A_29 = arith.subf %neg3A_28, %log3A : vector<1024xf32>
    %reduce_sum3A_30 = vector.shape_cast %neg3A_29 : vector<1024xf32> to vector<1x1024xf32>
    %reduce_sum3A_31 = arith.constant dense<0.000000e+00> : vector<1xf32>
    %reduce_sum3A_32 = vector.multi_reduction <add>, %reduce_sum3A_30, %reduce_sum3A_31 [1] : vector<1x1024xf32> to vector<1xf32>
    %reduce_sum3A_33 = vector.shape_cast %reduce_sum3A_32 : vector<1xf32> to vector<1x1xf32>
    %reduce_sum3A_34 = vector.extract %reduce_sum3A_33[0, 0] : f32 from vector<1x1xf32>
    %get3A_35 = arith.constant 0 : index
    %get3A_36 = arith.constant 0 : index
    %get3A_37 = vector.load %arg1[%get3A_35, %get3A_36] : memref<1x1xf32, #tpu.memory_space<vmem>>, vector<1x1xf32>
    %get3A_38 = vector.extract %get3A_37[0, 0] : f32 from vector<1x1xf32>
    %mul3A_39 = arith.constant 2.500000e-04 : f32
    %mul3A_40 = arith.mulf %mul3A_39, %get3A_38 : f32
    %add3A_41 = arith.addf %reduce_sum3A_34, %mul3A_40 : f32
    %div3A_42 = arith.constant 1.024000e+03 : f32
    %div3A_43 = arith.divf %add3A_41, %div3A_42 : f32
    %reshape3A = vector.broadcast %div3A_43 : f32 to vector<1x1xf32>
    %swap3A = arith.constant 0 : index
    %swap3A_44 = arith.constant 0 : index
    %swap3A_45 = vector.load %arg2[%swap3A, %swap3A_44] : memref<1x1xf32, #tpu.memory_space<vmem>>, vector<1x1xf32>
    tpu.vector_store %arg2[%swap3A, %swap3A_44], %reshape3A {strides = array<i32>} : memref<1x1xf32, #tpu.memory_space<vmem>>, vector<1x1xf32>,
    return
  }
}

</mosaic_0001>

<sc_bundles>
// kernel: kernel.6.cloned.1.call-start
scs
__scs_entry_jumppad:
0x0: {  	(pc) =	sbr.rel $0x88, $3  }
0x1: {  	(tag) =	ssettag $0x0;
	lr =	simm.s32 $0x1  }
0x2: {  	[smem:$0x3F9B] =	sst lr;
	_ =	strace $0xD0000000  }
0x3: {  	_ = 	snop  }
0x4: {  	_ = 	snop  }
0x5: {  	_ = 	snop  }
0x6: {  	_ = 	snop  }
0x7: {  	_ = 	snop  }
__scs_overlays_trampoline_lowered:
0x8: {  	[smem:$0x3FAA] =	sst s0  }
0x9: {  	[smem:$0x3FAB] =	sst s1  }
0xa: {  	[smem:$0x3FAC] =	sst s2  }
0xb: {  	[smem:$0x3FAD] =	sst s3  }
0xc: {  	[smem:$0x3FAE] =	sst s4  }
0xd: {  	[smem:$0x3FAF] =	sst s5  }
0xe: {  	[smem:$0x3FB0] =	sst s6  }
0xf: {  	[smem:$0x3FB1] =	sst s7  }
0x10: {  	[smem:$0x3FB2] =	sst s8  }
0x11: {  	[smem:$0x3FB3] =	sst s9;
	s0 =	simm.s32 @!p0 $0x0  }
0x12: {  	s1 =	sld [smem:$0x3F99];
	s0 =	simm.s32 @p0 $0x1  }
0x13: {  	[smem:$0x3FB4] =	sst s0;
	s0 =	simm.s32 @!p1 $0x0  }
0x14: {  	s2 =	sld [smem:$0x3F98];
	s0 =	simm.s32 @p1 $0x1  }
0x15: {  	[smem:$0x3FB5] =	sst s0;
	s0 =	simm.s32 @!p2 $0x0  }
0x16: {  	s3 =	sld [smem:$0x3FDB];
	s0 =	simm.s32 @p2 $0x1  }
0x17: {  	s4 =	simm.s32 $0x1BF5;
	[smem:$0x3FB7] =	sst s0  }
0x18: {  	s0 =	sld [smem:$0x3F9A];
	_ =	swait.ge [sflag:s4], $0x0  }
0x19: {  	s7 =	sld [smem:$0x3F9B]  }
0x1a: {  	s8 =	sadd.s32 $0xFFFFE003, lr  }
0x1b: {  	s9 =	sadd.s32 $0xFFFFFEF7, lr;
	s5 =	simm.s32 $0xFFFFFFFF;
	p2 =	slt.u32 s8, $0xFFFFF086  }
0x1c: {  	p1 =	slt.u32 s9, $0xF7A;
	s5 =	simm.s32 @!p2 $0x0  }
0x1d: {  	s5 =	simm.s32 @p1 $0x1;
	p0 =	seq.s32 s7, s2  }
0x1e: {  	s7 =	smul.u32 @!p0 $0xF7A, s2;
	p2 =	seq.s32 @!p0 s5, $0x0  }
0x1f: {  	s9 =	smul.u32 $0xF7A, s1;
	s8 =	simm.s32 @!p0 $0x1BF5;
	p2 =	por !p2, p0  }
0x20: {  	[sflag:s8] =	ssyncset.s32 @!p0 $0xFFFFF086;
	s6 =	sadd.s32 @!p0 s3, s7;
	s7 =	simm.s32 @!p0 $0x108  }
0x21: {  	s3 =	sadd.s32 s3, s9;
	s6 =	sadd.s32 @!p0 $0x88, s6;
	s7 =	simm.s32 @p2 $0x1082  }
0x22: {  	[simem:s7], [sflag:s8] =	dma.local @!p0 [hbm:s6], $0xF7A  }
0x23: {  	s9 =	sor.u32 $0xD0000000, s2;
	s6 =	simm.s32 $0x108;
	_ =	swait.ge @!p0 [sflag:s8], $0x0  }
0x24: {  	s3 =	sadd.s32 $0x88, s3;
	s6 =	simm.s32 @!p1 $0x1082;
	[sflag:s4] =	ssyncset.s32 $0xFFFFF086  }
0x25: {  	[simem:s6], [sflag:s4] =	dma.local [hbm:s3], $0xF7A  }
0x26: {  	[smem:$0x3F9B] =	sst s1;
	(tag) =	ssettag s2;
	_ =	strace s9  }
0x27: {  	s1 =	sld [smem:$0x3FAB]  }
0x28: {  	s2 =	sld [smem:$0x3FAC]  }
0x29: {  	s4 =	sld [smem:$0x3FAE]  }
0x2a: {  	p0 =	seq.s32 s5, $0x0;
	s5 =	sld [smem:$0x3FAF]  }
0x2b: {  	s6 =	sld [smem:$0x3FB0]  }
0x2c: {  	s7 =	sld [smem:$0x3FB1]  }
0x2d: {  	s3 =	simm.s32 $0x108;
	s8 =	sld [smem:$0x3FB2]  }
0x2e: {  	s3 =	simm.s32 @!p0 $0x1082;
	s9 =	sld [smem:$0x3FB3]  }
0x2f: {  	lr =	sadd.s32 s0, s3;
	s0 =	sld [smem:$0x3FAA]  }
0x30: {  	s3 =	sld [smem:$0x3FAD]  }
0x31: {  	[smem:$0x3FB6] =	sst s10  }
0x32: {  	s10 =	sld [smem:$0x3FB4];
	_ =	sdelay $0x3  }
0x33: {  	p0 =	seq.s32 s10, $0x1;
	s10 =	sld [smem:$0x3FB6];
	_ =	sdelay $0x3  }
0x34: {  	[smem:$0x3FB6] =	sst s10  }
0x35: {  	s10 =	sld [smem:$0x3FB5];
	_ =	sdelay $0x3  }
0x36: {  	p1 =	seq.s32 s10, $0x1;
	s10 =	sld [smem:$0x3FB6];
	_ =	sdelay $0x3  }
0x37: {  	[smem:$0x3FB6] =	sst s10  }
0x38: {  	s10 =	sld [smem:$0x3FB7]  }
0x39: {  	_ = 	snop;
	(pc) =	sbr.ind lr, $3  }
0x3a: {  	_ = 	snop  }
0x3b: {  	_ = 	snop  }
0x3c: {  	p2 =	seq.s32 s10, $0x1;
	s10 =	sld [smem:$0x3FB6]  }
0x3d: {  	_ =	shalt  }
0x3e: {  	_ =	shalt  }
0x3f: {  	_ =	shalt  }
0x40: {  	_ =	shalt  }
0x41: {  	_ =	shalt  }
0x42: {  	_ =	shalt  }
0x43: {  	_ =	shalt  }
0x44: {  	_ =	shalt  }
0x45: {  	_ =	shalt  }
0x46: {  	_ =	shalt  }
0x47: {  	_ =	shalt  }
0x48: {  	_ =	shalt  }
0x49: {  	_ =	shalt  }
0x4a: {  	_ =	shalt  }
0x4b: {  	_ =	shalt  }
0x4c: {  	_ =	shalt  }
0x4d: {  	_ =	shalt  }
0x4e: {  	_ =	shalt  }
0x4f: {  	_ =	shalt  }
0x50: {  	_ =	shalt  }
0x51: {  	_ =	shalt  }
0x52: {  	_ =	shalt  }
0x53: {  	_ =	shalt  }
0x54: {  	_ =	shalt  }
0x55: {  	_ =	shalt  }
0x56: {  	_ =	shalt  }
0x57: {  	_ =	shalt  }
0x58: {  	_ =	shalt  }
0x59: {  	_ =	shalt  }
0x5a: {  	_ =	shalt  }
0x5b: {  	_ =	shalt  }
0x5c: {  	_ =	shalt  }
0x5d: {  	_ =	shalt  }
0x5e: {  	_ =	shalt  }
0x5f: {  	_ =	shalt  }
0x60: {  	_ =	shalt  }
0x61: {  	_ =	shalt  }
0x62: {  	_ =	shalt  }
0x63: {  	_ =	shalt  }
0x64: {  	_ =	shalt  }
0x65: {  	_ =	shalt  }
0x66: {  	_ =	shalt  }
0x67: {  	_ =	shalt  }
0x68: {  	_ =	shalt  }
0x69: {  	_ =	shalt  }
0x6a: {  	_ =	shalt  }
0x6b: {  	_ =	shalt  }
0x6c: {  	_ =	shalt  }
0x6d: {  	_ =	shalt  }
0x6e: {  	_ =	shalt  }
0x6f: {  	_ =	shalt  }
0x70: {  	_ =	shalt  }
0x71: {  	_ =	shalt  }
0x72: {  	_ =	shalt  }
0x73: {  	_ =	shalt  }
0x74: {  	_ =	shalt  }
0x75: {  	_ =	shalt  }
0x76: {  	_ =	shalt  }
0x77: {  	_ =	shalt  }
0x78: {  	_ =	shalt  }
0x79: {  	_ =	shalt  }
0x7a: {  	_ =	shalt  }
0x7b: {  	_ =	shalt  }
0x7c: {  	_ =	shalt  }
0x7d: {  	_ =	shalt  }
0x7e: {  	_ =	shalt  }
0x7f: {  	_ =	shalt  }
0x80: {  	_ =	shalt  }
0x81: {  	_ =	shalt  }
0x82: {  	_ =	shalt  }
0x83: {  	_ =	shalt  }
0x84: {  	_ =	shalt  }
0x85: {  	_ =	shalt  }
0x86: {  	_ =	shalt  }
0x87: {  	_ =	shalt  }
.Lfunc_end0:
.L_simem_size_0:
called_computation_lowered:
.L_overlay_start_0:
0x88: {  	s2 =	sld [smem:$0x3FD9]  }
0x89: {  	s3 =	sld [smem:$0x3FFE];
	_ =	sdelay $0x1  }
0x8a: {  	s1 =	srdreg.scid  }
0x8b: {  	s0 =	sand.u32 $0x1, s1  }
0x8c: {  	s17 =	sshll.u32 s0, $0xA;
	s2 =	sadd.s32 s3, s2  }
0x8d: {  	s2 =	sadd.s32 s2, s17  }
0x8e: {  	[smem:$0x3FC2] =	sst s2  }
0x8f: {  	_ = 	snop  }
0x90: {  	s2 =	sld [smem:$0x3FC9]  }
0x91: {  	s18 =	sld [smem:$0x3FD0];
	(tm) =	ssettm $0x1  }
0x92: {  	s4 =	sld [smem:$0x3FFB];
	_ =	sdelay $0x3  }
0x93: {  	_ =	strace s4  }
0x94: {  	s4 =	sld [smem:$0x3FFC];
	_ =	sdelay $0x3  }
0x95: {  	_ =	strace s4  }
0x96: {  	s4 =	sld [smem:$0x3FFD];
	_ =	sdelay $0x3  }
0x97: {  	_ =	strace s4  }
0x98: {  	_ =	strace $0x8FFFFFFF  }
0x99: {  	s19 =	sld [smem:$0x3FDB];
	_ =	sdelay $0x1  }
0x9a: {  	s5 =	simm.s32 $_scs_section_size  }
0x9b: {  	s6 =	simm.s32 $_size__tile_overlayer_lowered;
	s7 =	simm.s32 $_tile_overlayer_lowered  }
0x9c: {  	s22 =	simm.s32 $0x1BFF;
	s21 =	sshll.u32 s7, $0x1;
	s4 =	sadd.s32 s5, s19  }
0x9d: {  	s8 =	simm.s32 $0x0;
	s20 =	sshll.u32 s6, $0x1;
	s6 =	sadd.s32 s21, s4  }
0x9e: {  	[timem:s8], [sflag:s22] =	dma.local [hbm:s6], s20  }
0x9f: {  	_ =	swait.ge [sflag:s22], s20  }
0xa0: {  	s5 =	ssub.s32 $0x0, s20;
	[sflag:s22] =	ssyncset.done $0x0  }
0xa1: {  	[sflag:s22] =	ssyncadd.s32 s5;
	_ =	sdelay $0x1  }
0xa2: {  	s23 =	simm.s32 $0x1B8B  }
0xa3: {  	_ =	swait.ge [sflag:s23], $0x1  }
0xa4: {  	[sflag:s23] =	ssyncset.done $0x0  }
0xa5: {  	s25 =	simm.s32 $0x1B8E;
	s24 =	sld [smem:$0x3FFE];
	[sflag:s23] =	ssyncadd.s32 $0xFFFFFFFF  }
0xa6: {  	s26 =	simm.s32 $execute0_lowered;
	[smem:$0x3FD2] =	sst s25  }
0xa7: {  	s6 =	sshll.u32 s26, $0x1;
	_ =	strace $0x80000046;
	[dreg:$0x1] =	wrdreg $0xFFFFFFFF  }
0xa8: {  	s28 =	simm.s32 $_size_execute0_lowered;
	s4 =	sadd.s32 s4, s6;
	[dreg:$0x0] =	wrdreg $0x0  }
0xa9: {  	s6 =	sshll.u32 s28, $0x1;
	[dreg:$0x2] =	wrdreg s4  }
0xaa: {  	[dreg:$0x3] =	wrdreg s6  }
0xab: {  	[dreg:$0x4] =	wrdreg $0xC0  }
0xac: {  	_ =	task [dreg:s8], $0x5FFFF  }
0xad: {  	[dreg:$0x1] =	wrdreg $0xFFFFFFFF  }
0xae: {  	[dreg:$0x0] =	wrdreg $0x60  }
0xaf: {  	[dreg:$0x2] =	wrdreg s2  }
0xb0: {  	[dreg:$0x3] =	wrdreg s24  }
0xb1: {  	[dreg:$0x4] =	wrdreg s18  }
0xb2: {  	[dreg:$0x5] =	wrdreg $0xA0000  }
0xb3: {  	[dreg:$0x6] =	wrdreg $0x1E0000  }
0xb4: {  	[dreg:$0x7] =	wrdreg $0x9  }
0xb5: {  	_ =	task.clear_ibuf [dreg:s8], $0x8FFFF;
	_ =	strace $0x90000046  }
0xb6: {  	s29 =	simm.s32 $0x9;
	_ =	strace $0x80000048  }
0xb7: {  	_ =	swait.ge [sflag:s29], $0x1  }
0xb8: {  	[sflag:s29] =	ssyncadd.s32 $0xFFFFFFFF  }
0xb9: {  	_ =	strace $0x90000048  }
0xba: {  	_ =	sfence  }
0xbb: {  	s30 =	sld [smem:$0x0];
	_ =	sdelay $0x2  }
0xbc: {  	s31 =	sshll.u32 s1, $0xD;
	s1 =	sshrl.u32 s1, $0x2  }
0xbd: {  	s3 =	sand.u32 $0x4000, s31;
	s1 =	sadd.s32 s1, s30  }
0xbe: {  	s0 =	sor.u32 s3, s0;
	s1 =	sshll.u32 s1, $0x11  }
0xbf: {  	s0 =	sor.u32 s1, s0  }
0xc0: {  	s0 =	sadd.s32 $0x8F2B, s0  }
0xc1: {  	[sflag:s0] =	ssyncadd.remote.s32 $0x1  }
0xc2: {  	_ =	sfence.sel $0xFFFF  }
0xc3: {  	[dreg:$0x0] =	wrdreg $0xFFFFFFFF;
	(pc) =	sbr.abs _section_cstart, $3  }
0xc4: {  	[dreg:$0x1] =	wrdreg $0xFFFFFFFF  }
0xc5: {  	_ =	task.clear_ibuf [dreg:s8], $0x2FFFF;
	_ =	strace $0x9FFFFFFF  }
0xc6: {  	(tm) =	ssettm $0x7FFFFFFF  }
0xc7: {  	_ =	shalt  }
tec
execute0_lowered:
.L_overlay_start_1:
0x0: {  	(tag) =	ssettag $0x1  }
0x1: {  	s0 =	rddreg [dreg:$0x0]  }
0x2: {  	s1 =	rddreg [dreg:$0x1]  }
0x3: {  	s3 =	rddreg [dreg:$0x3];
	s19 =	stileid.u32  }
0x4: {  	s2 =	srdreg.scid;
	s7 =	smul.u32 $0x500, s19  }
0x5: {  	s4 =	rddreg [dreg:$0x4];
	s5 =	simm.s32 $0x0;
	s12 =	smul.u32 $0x280, s19  }
0x6: {  	s31 =	simm.s32 $0x2;
	s2 =	sand.u32 $0x1, s2;
	s14 =	smul.u32 $0x14000, s19  }
0x7: {  	s6 =	sshll.u32 s19, $0x1;
	[smem:$0x7FF] =	sst s5;
	s24 =	smul.u32 $0x2800, s19  }
0x8: {  	s8 =	sadd.s32 $0xB000, s1;
	s22 =	smul.u32 $0x50000, s19;
	s6 =	sor.u32 s2, s6  }
0x9: {  	s10 =	sshll.u32 s2, $0x7;
	s11 =	ssub.s32 $0x2, s2;
	s2 =	smul.u32 $0x140000, s2  }
0xa: {  	s9 =	sadd.s32 $0x3CC00, s1;
	_ =	strace $0x80000047;
	s6 =	smul.u32 $0x500, s6  }
0xb: {  	s10 =	sor.u32 s10, s7;
	s13 =	sshrl.u32 s11, $0x1;
	s26 =	sshll.u32 s12, $0x7  }
0xc: {  	s16 =	sshrl.u32 s24, $0x3;
	s7 =	sadd.s32 s8, s7;
	s19 =	sadd.s32 s12, s4  }
0xd: {  	s10 =	sshrl.u32 s10, $0x3;
	s11 =	ssub.s32 s11, s13;
	s17 =	sadd.s32 $0x4000, s26  }
0xe: {  	s18 =	sadd.s32 $0x8000, s26;
	s20 =	sadd.s32 $0xC000, s26;
	s14 =	sadd.s32 s14, s2  }
0xf: {  	s13 =	sadd.s32 $0x10000, s26;
	[dreg:$0xb] =	wrdreg s7;
	s23 =	sadd.s32 s8, s16  }
0x10: {  	s26 =	sadd.s32 $0x15800, s1;
	s7 =	simm.s32 $0x1;
	s15 =	sadd.s32 s2, s17  }
0x11: {  	s14 =	sshrl.u32 s14, $0x3;
	s29 =	sadd.s32 s2, s18;
	s30 =	sadd.s32 s2, s20  }
0x12: {  	s2 =	sadd.s32 s2, s13;
	s8 =	sadd.s32 s8, s6;
	s6 =	sadd.s32 s6, s1  }
0x13: {  	s25 =	sadd.s32 s10, s1;
	[dreg:$0xd] =	wrdreg s26;
	s17 =	sadd.s32 s17, s3  }
0x14: {  	s18 =	sadd.s32 s18, s3;
	s20 =	sadd.s32 s20, s3;
	s26 =	smax.u32 s11, $0x1  }
0x15: {  	s15 =	sshrl.u32 s15, $0x3;
	s14 =	sadd.s32 s9, s14;
	[dreg:$0xc] =	wrdreg s8  }
0x16: {  	s2 =	sshrl.u32 s2, $0x3;
	s8 =	simm.s32 $0x9000;
	[dreg:$0x6] =	wrdreg s14  }
0x17: {  	s28 =	sadd.s32 s9, s15;
	s14 =	sshrl.u32 s29, $0x3;
	s15 =	sshrl.u32 s30, $0x3  }
0x18: {  	s2 =	sadd.s32 s9, s2;
	s29 =	ssub.s32 $0x2710, s12;
	s30 =	sadd.s32 $0x5000, s23  }
0x19: {  	s23 =	sadd.s32 $0x8CC00, s25;
	s25 =	sadd.s32 $0x1000, s6;
	[dreg:$0x7] =	wrdreg s28  }
0x1a: {  	s12 =	sadd.s32 s24, s0;
	s0 =	simm.s32 $0x5000;
	[dreg:$0xa] =	wrdreg s2  }
0x1b: {  	s6 =	simm.s32 $0x80;
	s14 =	sadd.s32 s9, s14;
	[dreg:$0xf] =	wrdreg s30  }
0x1c: {  	s21 =	sadd.s32 s9, s15;
	s2 =	sshrl.u32 s22, $0x2;
	[dreg:$0x8] =	wrdreg s14  }
0x1d: {  	s28 =	sadd.s32 $0x15000, s1;
	s15 =	sadd.s32 $0x15A00, s1;
	[dreg:$0x9] =	wrdreg s21  }
0x1e: {  	s1 =	smin.u32 s29, $0x280;
	s9 =	simm.s32 $0x0;
	[dreg:$0xe] =	wrdreg s28  }
0x1f: {  	s16 =	sadd.s32 s2, s3;
	s21 =	sadd.s32 s13, s3;
	s13 =	sshrl.u32 s1, $0x4  }
0x20: {  	s11 =	sadd.s32 s24, s15;
	s2 =	simm.s32 $0x9D00;
	s1 =	simm.s32 $0x2800  }
.LBB2_1:
0x21: {  	s10 =	rddreg [dreg:$0xd];
	s14 =	simm.s32 $0x9D80  }
0x22: {  	[tilespmem:s14], [sflag:$0x2] =	stream.linear.gather [hbm4b:s10+s5], $0x280, $0x38;
	[tilespmem:$0x1E280] =	vst v63  }
0x23: {  	_ =	swait.ge [sflag:s31], $0x280  }
0x24: {  	[sflag:s31] =	ssyncset.done $0x0  }
0x25: {  	[sflag:s31] =	ssyncadd.s32 $0xFFFFFD80  }
0x26: {  	s28 =	rddreg [dreg:$0x2]  }
0x27: {  	[tilespmem:s2], [sflag:$0x2] =	stream.linear.gather [hbm4b:s28+s5], $0x80, $0x38;
	[tilespmem:$0x1E280] =	vst v63  }
0x28: {  	_ =	swait.ge [sflag:s31], $0x80  }
0x29: {  	[sflag:s31] =	ssyncset.done $0x0  }
0x2a: {  	s29 =	rddreg [dreg:$0xe];
	[sflag:s31] =	ssyncadd.s32 $0xFFFFFF80  }
0x2b: {  	[tilespmem:s0], [sflag:$0x2] =	stream.linear.gather [hbm4b:s29+s5], $0x4000, $0x38;
	[tilespmem:$0x1E280] =	vst v63  }
0x2c: {  	_ =	swait.ge [sflag:s31], $0x4000  }
0x2d: {  	[sflag:s31] =	ssyncset.done $0x0  }
0x2e: {  	[sflag:s31] =	ssyncadd.s32 $0xFFFFC000  }
0x2f: {  	[spmem:s19] =	stream.linear.scatter [tilespmem:s14], [sflag:$0x2], $0x280, $0x38;
	[tilespmem:$0x1E280] =	vst v63  }
0x30: {  	_ =	swait.ge [sflag:s31], $0x280  }
0x31: {  	[sflag:s31] =	ssyncset.done $0x0  }
0x32: {  	[sflag:s31] =	ssyncadd.s32 $0xFFFFFD80  }
0x33: {  	[spmem:s16] =	stream.linear.scatter [tilespmem:s0], [sflag:$0x2], $0x4000, $0x38;
	[tilespmem:$0x1E280] =	vst v63  }
0x34: {  	_ =	swait.ge [sflag:s31], $0x4000  }
0x35: {  	[sflag:s31] =	ssyncset.done $0x0  }
0x36: {  	[sflag:s31] =	ssyncadd.s32 $0xFFFFC000  }
0x37: {  	[spmem:s17] =	stream.linear.scatter [tilespmem:s0], [sflag:$0x2], $0x4000, $0x38;
	[tilespmem:$0x1E280] =	vst v63  }
0x38: {  	_ =	swait.ge [sflag:s31], $0x4000  }
0x39: {  	[sflag:s31] =	ssyncset.done $0x0  }
0x3a: {  	[sflag:s31] =	ssyncadd.s32 $0xFFFFC000  }
0x3b: {  	[spmem:s18] =	stream.linear.scatter [tilespmem:s0], [sflag:$0x2], $0x4000, $0x38;
	[tilespmem:$0x1E280] =	vst v63  }
0x3c: {  	_ =	swait.ge [sflag:s31], $0x4000  }
0x3d: {  	[sflag:s31] =	ssyncset.done $0x0  }
0x3e: {  	[sflag:s31] =	ssyncadd.s32 $0xFFFFC000  }
0x3f: {  	[spmem:s20] =	stream.linear.scatter [tilespmem:s0], [sflag:$0x2], $0x4000, $0x38;
	[tilespmem:$0x1E280] =	vst v63  }
0x40: {  	_ =	swait.ge [sflag:s31], $0x4000  }
0x41: {  	[sflag:s31] =	ssyncset.done $0x0  }
0x42: {  	[sflag:s31] =	ssyncadd.s32 $0xFFFFC000  }
0x43: {  	[spmem:s21] =	stream.linear.scatter [tilespmem:s0], [sflag:$0x2], $0x4000, $0x38;
	[tilespmem:$0x1E280] =	vst v63  }
0x44: {  	_ =	swait.ge [sflag:s31], $0x4000  }
0x45: {  	[sflag:s31] =	ssyncset.done $0x0  }
0x46: {  	[sflag:s31] =	ssyncadd.s32 $0xFFFFC000  }
0x47: {  	[bflag:$0x0] =	sbarrier.arrive $0xFFFF  }
0x48: {  	s30 =	rddreg [dreg:$0xb]  }
0x49: {  	[tilespmem:s1], [sflag:$0x2] =	stream.linear.gather [hbm4b:s30+s5], $0x2780, $0x38;
	[tilespmem:$0x1E280] =	vst v63  }
0x4a: {  	_ =	swait.ge [sflag:s31], $0x2780  }
0x4b: {  	[sflag:s31] =	ssyncset.done $0x0  }
0x4c: {  	s10 =	simm.s32 $0x0;
	[sflag:s31] =	ssyncadd.s32 $0xFFFFD880  }
.LBB2_2:
0x4d: {  	p0 =	sne.s32 s10, $0x9C00  }
.Ltmp0:
0x4e: {  	_ = 	snop;
	(pc) =	sbr.rel @p0 .LBB2_2-.Ltmp0, $4  }
0x4f: {  	_ = 	snop  }
0x50: {  	s14 =	sshra.s32 s10, $0x2  }
0x51: {  	s10 =	sadd.s32 $0x200, s10;
	s14 =	sadd.s32 $0x2800, s14  }
0x52: {  	[spmem:s4] =	stream.indirect.scatter.add.f32 [tilespmem:s2], [sflag:$0x1], $0x1, s14, s6, $0xb8;
	[tilespmem:$0x1E280] =	vst v63  }
0x53: {  	_ =	swait.ge [sflag:s7], $0x80  }
0x54: {  	s10 =	simm.s32 $0x4E;
	[sflag:s7] =	ssyncset.done $0x0  }
.LBB2_4:
0x55: {  	p0 =	sne.s32 s10, $0x1;
	s10 =	sadd.s32 $0xFFFFFFFF, s10;
	[sflag:s7] =	ssyncadd.s32 $0xFFFFFF80  }
.Ltmp1:
0x56: {  	(pc) =	sbr.rel @p0 .LBB2_4-.Ltmp1, $3  }
0x57: {  	_ =	sdelay $0x1  }
0x58: {  	_ =	swait.ge [sflag:s7], $0x80  }
0x59: {  	[sflag:s7] =	ssyncset.done $0x0  }
0x5a: {  	[sflag:s7] =	ssyncadd.s32 $0xFFFFFF80;
	s10 =	simm.s32 $0x0;
	s14 =	rddreg [dreg:$0xf]  }
0x5b: {  	[tilespmem:s1], [sflag:$0x2] =	stream.linear.gather [hbm4b:s14+s10], $0x2780, $0x38;
	[tilespmem:$0x1E280] =	vst v63  }
0x5c: {  	_ =	swait.ge [sflag:s31], $0x2780  }
0x5d: {  	[sflag:s31] =	ssyncset.done $0x0  }
0x5e: {  	[sflag:s31] =	ssyncadd.s32 $0xFFFFD880  }
.LBB2_6:
0x5f: {  	p0 =	sne.s32 s10, $0x9C00  }
.Ltmp2:
0x60: {  	_ = 	snop;
	(pc) =	sbr.rel @p0 .LBB2_6-.Ltmp2, $4  }
0x61: {  	_ = 	snop  }
0x62: {  	s14 =	sshra.s32 s10, $0x2  }
0x63: {  	s10 =	sadd.s32 $0x200, s10;
	s14 =	sadd.s32 $0x2800, s14  }
0x64: {  	[spmem:s4] =	stream.indirect.scatter.add.f32 [tilespmem:s2], [sflag:$0x1], $0x1, s14, s6, $0xb8;
	[tilespmem:$0x1E280] =	vst v63  }
0x65: {  	_ =	swait.ge [sflag:s7], $0x80  }
0x66: {  	s10 =	simm.s32 $0x4E;
	[sflag:s7] =	ssyncset.done $0x0  }
.LBB2_8:
0x67: {  	p0 =	sne.s32 s10, $0x1;
	s10 =	sadd.s32 $0xFFFFFFFF, s10;
	[sflag:s7] =	ssyncadd.s32 $0xFFFFFF80  }
.Ltmp3:
0x68: {  	(pc) =	sbr.rel @p0 .LBB2_8-.Ltmp3, $3  }
0x69: {  	_ =	sdelay $0x1  }
0x6a: {  	_ =	swait.ge [sflag:s7], $0x80  }
0x6b: {  	[sflag:s7] =	ssyncset.done $0x0  }
0x6c: {  	[sflag:s7] =	ssyncadd.s32 $0xFFFFFF80  }
0x6d: {  	s10 =	simm.s32 $0x9800;
	[bflag:$0x0] =	sbarrier.arrive $0xFFFF  }
0x6e: {  	[tilespmem:s10], [sflag:$0x2] =	stream.linear.gather [spmem:s19], $0x280, $0x38;
	[tilespmem:$0x1E280] =	vst v63  }
0x6f: {  	_ =	swait.ge [sflag:s31], $0x280  }
0x70: {  	[sflag:s31] =	ssyncset.done $0x0  }
0x71: {  	s24 =	simm.s32 $0x0;
	[sflag:s31] =	ssyncadd.s32 $0xFFFFFD80  }
0x72: {  	v0 =	vld [tilespmem:s24+$0x9800];
	_ =	sdelay $0x4  }
0x73: {  	s10 =	simm.s32 $0x10;
	v0 =	vmax.f32 v0, $1.000000000e+00  }
0x74: {  	v1 =	vld [tilespmem:s10+$0x9800];
	v2 =	vshra.s32 v0, $0x1;
	v6 =	vmul.f32 $5.000000000e-01, v0  }
0x75: {  	v2 =	vsub.s32 $0x5F3759DF, v2  }
0x76: {  	v0 =	vmul.f32 v2, v6;
	_ =	sdelay $0x1  }
0x77: {  	s28 =	simm.s32 $0x20;
	v3 =	vmul.f32 v2, v0  }
0x78: {  	v0 =	vmax.f32 v1, $1.000000000e+00;
	v1 =	vld [tilespmem:s28+$0x9800]  }
0x79: {  	v4 =	vshra.s32 v0, $0x1;
	v0 =	vmul.f32 $5.000000000e-01, v0;
	v3 =	vsub.f32 $1.500000000e+00, v3  }
0x7a: {  	v4 =	vsub.s32 $0x5F3759DF, v4  }
0x7b: {  	v5 =	vmul.f32 v4, v0;
	v3 =	vmul.f32 v2, v3;
	_ =	sdelay $0x1  }
0x7c: {  	s29 =	simm.s32 $0x30;
	v1 =	vmax.f32 v1, $1.000000000e+00;
	v5 =	vmul.f32 v4, v5;
	v7 =	vmul.f32 v3, v6  }
0x7d: {  	v8 =	vld [tilespmem:s29+$0x9800];
	v9 =	vshra.s32 v1, $0x1;
	v2 =	vmul.f32 $5.000000000e-01, v1  }
0x7e: {  	v1 =	vsub.f32 $1.500000000e+00, v5;
	v5 =	vmul.f32 v7, v3;
	v7 =	vsub.s32 $0x5F3759DF, v9  }
0x7f: {  	v9 =	vmul.f32 v7, v2  }
0x80: {  	v4 =	vmul.f32 v4, v1;
	v1 =	vsub.f32 $1.500000000e+00, v5  }
0x81: {  	v5 =	vmul.f32 v7, v9  }
0x82: {  	s14 =	simm.s32 $0x40;
	v8 =	vmax.f32 v8, $1.000000000e+00;
	v9 =	vmul.f32 v4, v0;
	v1 =	vmul.f32 v1, v3  }
0x83: {  	v10 =	vshra.s32 v8, $0x1;
	v3 =	vmul.f32 $5.000000000e-01, v8;
	v8 =	vld [tilespmem:s14+$0x9800];
	v11 =	vsub.f32 $1.500000000e+00, v5  }
0x84: {  	v9 =	vmul.f32 v9, v4;
	v5 =	vsub.s32 $0x5F3759DF, v10;
	v12 =	vmul.f32 v1, v6  }
0x85: {  	v10 =	vmul.f32 v5, v3  }
0x86: {  	s30 =	simm.s32 $0x140;
	v6 =	vmul.f32 v7, v11;
	v9 =	vsub.f32 $1.500000000e+00, v9;
	v7 =	vmul.f32 v12, v1  }
.LBB2_10:
0x87: {  	s22 =	smov.u32 s29  }
0x88: {  	v11 =	vmax.f32 v8, $1.000000000e+00;
	v10 =	vmul.f32 v5, v10;
	v12 =	vmul.f32 v6, v2;
	s29 =	smov.u32 s14;
	s14 =	sshra.s32 s30, $0x2;
	p0 =	sne.s32 s30, $0x9C0  }
.Ltmp4:
0x89: {  	v8 =	vld [tilespmem:s14+$0x9800];
	v13 =	vshra.s32 v11, $0x1;
	v9 =	vmul.f32 v9, v4;
	v7 =	vsub.f32 $1.500000000e+00, v7;
	v4 =	vmovc v6;
	(pc) =	sbr.rel @p0 .LBB2_10-.Ltmp4, $4  }
0x8a: {  	s30 =	sadd.s32 $0x40, s30;
	v11 =	vmul.f32 $5.000000000e-01, v11;
	v6 =	vsub.f32 $1.500000000e+00, v10;
	v12 =	vmul.f32 v12, v4  }
0x8b: {  	v13 =	vsub.s32 $0x5F3759DF, v13;
	v14 =	vmul.f32 v9, v0;
	v15 =	vmul.f32 v7, v1;
	v1 =	vmovc v9;
	v0 =	vmovc v2  }
0x8c: {  	v10 =	vmul.f32 v13, v11;
	v2 =	vmovc v3;
	v3 =	vmovc v11;
	v6 =	vmul.f32 v5, v6;
	v5 =	vmov v13  }
0x8d: {  	v9 =	vsub.f32 $1.500000000e+00, v12;
	v7 =	vmul.f32 v14, v1;
	[tilespmem:s24+$0x9A80] =	vst v15;
	s24 =	smov.u32 s10;
	s10 =	smov.u32 s28;
	s28 =	smov.u32 s22  }
0x8e: {  	v8 =	vmax.f32 v8, $1.000000000e+00  }
0x8f: {  	v11 =	vshra.s32 v8, $0x1;
	v8 =	vmul.f32 $5.000000000e-01, v8  }
0x90: {  	v11 =	vsub.s32 $0x5F3759DF, v11  }
0x91: {  	v12 =	vmul.f32 v11, v8  }
0x92: {  	v10 =	vmul.f32 v5, v10  }
0x93: {  	v12 =	vmul.f32 v11, v12  }
0x94: {  	v10 =	vsub.f32 $1.500000000e+00, v10  }
0x95: {  	v12 =	vsub.f32 $1.500000000e+00, v12  }
0x96: {  	v50 =	vmul.f32 v5, v10  }
0x97: {  	v51 =	vmul.f32 v6, v2;
	v11 =	vmul.f32 v11, v12  }
0x98: {  	v52 =	vmul.f32 v50, v3  }
0x99: {  	v10 =	vmul.f32 v51, v6;
	v13 =	vmul.f32 v11, v8  }
0x9a: {  	v12 =	vmul.f32 v52, v50  }
0x9b: {  	v10 =	vsub.f32 $1.500000000e+00, v10;
	v13 =	vmul.f32 v13, v11  }
0x9c: {  	v4 =	vmul.f32 v9, v4;
	v53 =	vsub.f32 $1.500000000e+00, v12  }
0x9d: {  	v54 =	vmul.f32 v10, v6;
	v55 =	vsub.f32 $1.500000000e+00, v13  }
0x9e: {  	v0 =	vmul.f32 v4, v0;
	v5 =	vmul.f32 v53, v50  }
0x9f: {  	v56 =	vmul.f32 v54, v2;
	v57 =	vmul.f32 v55, v11  }
0xa0: {  	v0 =	vmul.f32 v0, v4;
	v58 =	vmul.f32 v5, v3  }
0xa1: {  	v7 =	vsub.f32 $1.500000000e+00, v7;
	v2 =	vmul.f32 v56, v54;
	v8 =	vmul.f32 v57, v8  }
0xa2: {  	v0 =	vsub.f32 $1.500000000e+00, v0;
	v3 =	vmul.f32 v58, v5  }
0xa3: {  	v1 =	vmul.f32 v7, v1;
	v2 =	vsub.f32 $1.500000000e+00, v2;
	v59 =	vmul.f32 v8, v57  }
0xa4: {  	v0 =	vmul.f32 v0, v4;
	v3 =	vsub.f32 $1.500000000e+00, v3  }
0xa5: {  	[tilespmem:s24+$0x9A80] =	vst v1;
	v60 =	vmul.f32 v2, v54;
	v61 =	vsub.f32 $1.500000000e+00, v59  }
0xa6: {  	[tilespmem:s10+$0x9A80] =	vst v0;
	v62 =	vmul.f32 v3, v5  }
0xa7: {  	[tilespmem:s28+$0x9A80] =	vst v60;
	v63 =	vmul.f32 v61, v57  }
0xa8: {  	[tilespmem:s29+$0x9A80] =	vst v62  }
0xa9: {  	s30 =	simm.s32 $0x100;
	s10 =	simm.s32 $0x9A80;
	[tilespmem:s14+$0x9A80] =	vst v63  }
0xaa: {  	[hbm4b:s23+s6] =	stream.strided.scatter [tilespmem:s10], [sflag:$0x2], $0x280, s30, s6, $0x38;
	[tilespmem:$0x1E280] =	vst v63  }
0xab: {  	_ =	swait.ge [sflag:s31], $0x280  }
0xac: {  	s24 =	smov.u32 s13;
	[sflag:s31] =	ssyncset.done $0x0  }
0xad: {  	s28 =	smov.u32 s12;
	s29 =	smov.u32 s11;
	[sflag:s31] =	ssyncadd.s32 $0xFFFFFD80  }
.LBB2_12:
0xae: {  	[tilespmem:s8], [sflag:$0x2] =	stream.linear.gather [hbm4b:s28+s5], $0x800, $0x38;
	[tilespmem:$0x1E280] =	vst v63  }
0xaf: {  	_ =	swait.ge [sflag:s31], $0x800  }
0xb0: {  	[sflag:s31] =	ssyncset.done $0x0  }
0xb1: {  	[sflag:s31] =	ssyncadd.s32 $0xFFFFF800  }
0xb2: {  	v0 =	vld [tilespmem:s10+$0x0];
	_ =	sdelay $0x1  }
0xb3: {  	v1 =	vld [tilespmem:$0x9000]  }
0xb4: {  	v2 =	vld [tilespmem:$0x9010]  }
0xb5: {  	v3 =	vld [tilespmem:$0x9020]  }
0xb6: {  	v5 =	vld [tilespmem:$0x9030];
	v4 =	vbroadcast v0, $0x0  }
0xb7: {  	v6 =	vld [tilespmem:$0x9040]  }
0xb8: {  	v7 =	vld [tilespmem:$0x9050];
	v1 =	vmul.f32 v4, v1  }
0xb9: {  	v8 =	vld [tilespmem:$0x9060];
	v2 =	vmul.f32 v2, v4  }
0xba: {  	v14 =	vld [tilespmem:$0x9070];
	v13 =	vmul.f32 v3, v4;
	[tilespmem:$0x9000] =	vst v1  }
0xbb: {  	v16 =	vld [tilespmem:$0x9080];
	v15 =	vmul.f32 v5, v4;
	[tilespmem:$0x9010] =	vst v2  }
0xbc: {  	v18 =	vld [tilespmem:$0x9090];
	v17 =	vmul.f32 v6, v4;
	[tilespmem:$0x9020] =	vst v13  }
0xbd: {  	v20 =	vld [tilespmem:$0x90A0];
	v19 =	vmul.f32 v7, v4;
	[tilespmem:$0x9030] =	vst v15  }
0xbe: {  	v9 =	vld [tilespmem:$0x90B0];
	v22 =	vbroadcast v0, $0x1;
	v21 =	vmul.f32 v8, v4;
	[tilespmem:$0x9040] =	vst v17  }
0xbf: {  	v24 =	vld [tilespmem:$0x90C0];
	v23 =	vmul.f32 v14, v4;
	[tilespmem:$0x9050] =	vst v19  }
0xc0: {  	v26 =	vld [tilespmem:$0x90D0];
	v25 =	vmul.f32 v16, v22;
	[tilespmem:$0x9060] =	vst v21  }
0xc1: {  	v28 =	vld [tilespmem:$0x90E0];
	v27 =	vmul.f32 v18, v22;
	[tilespmem:$0x9070] =	vst v23  }
0xc2: {  	v30 =	vld [tilespmem:$0x90F0];
	v29 =	vmul.f32 v20, v22;
	[tilespmem:$0x9080] =	vst v25  }
0xc3: {  	v32 =	vld [tilespmem:$0x9100];
	v31 =	vmul.f32 v9, v22;
	[tilespmem:$0x9090] =	vst v27  }
0xc4: {  	v34 =	vld [tilespmem:$0x9110];
	v33 =	vmul.f32 v24, v22;
	[tilespmem:$0x90A0] =	vst v29  }
0xc5: {  	v36 =	vld [tilespmem:$0x9120];
	v35 =	vmul.f32 v26, v22;
	[tilespmem:$0x90B0] =	vst v31  }
0xc6: {  	v39 =	vld [tilespmem:$0x9130];
	v38 =	vbroadcast v0, $0x2;
	v37 =	vmul.f32 v28, v22;
	[tilespmem:$0x90C0] =	vst v33  }
0xc7: {  	v41 =	vld [tilespmem:$0x9140];
	v40 =	vmul.f32 v30, v22;
	[tilespmem:$0x90D0] =	vst v35  }
0xc8: {  	v43 =	vld [tilespmem:$0x9150];
	v42 =	vmul.f32 v32, v38;
	[tilespmem:$0x90E0] =	vst v37  }
0xc9: {  	v45 =	vld [tilespmem:$0x9160];
	v44 =	vmul.f32 v34, v38;
	[tilespmem:$0x90F0] =	vst v40  }
0xca: {  	v47 =	vld [tilespmem:$0x9170];
	v46 =	vmul.f32 v36, v38;
	[tilespmem:$0x9100] =	vst v42  }
0xcb: {  	v49 =	vld [tilespmem:$0x9180];
	v48 =	vmul.f32 v39, v38;
	[tilespmem:$0x9110] =	vst v44  }
0xcc: {  	v51 =	vld [tilespmem:$0x9190];
	v50 =	vmul.f32 v41, v38;
	[tilespmem:$0x9120] =	vst v46  }
0xcd: {  	v53 =	vld [tilespmem:$0x91A0];
	v52 =	vmul.f32 v43, v38;
	[tilespmem:$0x9130] =	vst v48  }
0xce: {  	v12 =	vld [tilespmem:$0x91F0];
	v55 =	vbroadcast v0, $0x3;
	v54 =	vmul.f32 v45, v38;
	[tilespmem:$0x9140] =	vst v50  }
0xcf: {  	v56 =	vld [tilespmem:$0x91B0];
	v57 =	vmul.f32 v47, v38;
	[tilespmem:$0x9150] =	vst v52  }
0xd0: {  	v58 =	vld [tilespmem:$0x91C0];
	v59 =	vmul.f32 v49, v55;
	[tilespmem:$0x9160] =	vst v54  }
0xd1: {  	v60 =	vld [tilespmem:$0x91D0];
	v61 =	vmul.f32 v51, v55;
	[tilespmem:$0x9170] =	vst v57  }
0xd2: {  	v62 =	vld [tilespmem:$0x91E0];
	v63 =	vmul.f32 v53, v55;
	[tilespmem:$0x9180] =	vst v59  }
0xd3: {  	v14 =	vld [tilespmem:$0x9200];
	v22 =	vmul.f32 v12, v55;
	[tilespmem:$0x9190] =	vst v61  }
0xd4: {  	v16 =	vld [tilespmem:$0x9210];
	v13 =	vmul.f32 v56, v55;
	[tilespmem:$0x91A0] =	vst v63  }
0xd5: {  	v18 =	vld [tilespmem:$0x9220];
	v15 =	vmul.f32 v58, v55;
	[tilespmem:$0x91F0] =	vst v22  }
0xd6: {  	v20 =	vbroadcast v0, $0x4;
	v38 =	vld [tilespmem:$0x92B0];
	v17 =	vmul.f32 v60, v55;
	[tilespmem:$0x91B0] =	vst v13  }
0xd7: {  	v19 =	vmul.f32 v62, v55;
	v21 =	vld [tilespmem:$0x9230];
	[tilespmem:$0x91C0] =	vst v15  }
0xd8: {  	v23 =	vld [tilespmem:$0x9240];
	[tilespmem:$0x91D0] =	vst v17;
	v24 =	vmul.f32 v14, v20  }
0xd9: {  	v25 =	vld [tilespmem:$0x9250];
	v37 =	vbroadcast v0, $0x5;
	[tilespmem:$0x91E0] =	vst v19;
	v26 =	vmul.f32 v16, v20  }
0xda: {  	v27 =	vld [tilespmem:$0x9260];
	v28 =	vmul.f32 v18, v20;
	[tilespmem:$0x9200] =	vst v24  }
0xdb: {  	v29 =	vld [tilespmem:$0x9270];
	v47 =	vmul.f32 v38, v37;
	[tilespmem:$0x9210] =	vst v26  }
0xdc: {  	v31 =	vld [tilespmem:$0x9280];
	v30 =	vmul.f32 v21, v20;
	[tilespmem:$0x9220] =	vst v28  }
0xdd: {  	v33 =	vld [tilespmem:$0x9290];
	v32 =	vmul.f32 v23, v20;
	[tilespmem:$0x92B0] =	vst v47  }
0xde: {  	v35 =	vld [tilespmem:$0x92A0];
	v34 =	vmul.f32 v25, v20;
	[tilespmem:$0x9230] =	vst v30  }
0xdf: {  	v40 =	vld [tilespmem:$0x92C0];
	v36 =	vmul.f32 v27, v20;
	[tilespmem:$0x9240] =	vst v32  }
0xe0: {  	v42 =	vld [tilespmem:$0x92D0];
	v39 =	vmul.f32 v29, v20;
	[tilespmem:$0x9250] =	vst v34  }
0xe1: {  	v44 =	vld [tilespmem:$0x92E0];
	v41 =	vmul.f32 v31, v37;
	[tilespmem:$0x9260] =	vst v36  }
0xe2: {  	v46 =	vld [tilespmem:$0x92F0];
	v43 =	vmul.f32 v33, v37;
	[tilespmem:$0x9270] =	vst v39  }
0xe3: {  	v48 =	vld [tilespmem:$0x9300];
	v45 =	vmul.f32 v35, v37;
	[tilespmem:$0x9280] =	vst v41  }
0xe4: {  	v50 =	vld [tilespmem:$0x9310];
	v49 =	vmul.f32 v40, v37;
	[tilespmem:$0x9290] =	vst v43  }
0xe5: {  	v52 =	vld [tilespmem:$0x9320];
	v51 =	vmul.f32 v42, v37;
	[tilespmem:$0x92A0] =	vst v45  }
0xe6: {  	v54 =	vbroadcast v0, $0x6;
	v55 =	vld [tilespmem:$0x9330];
	v53 =	vmul.f32 v44, v37;
	[tilespmem:$0x92C0] =	vst v49  }
0xe7: {  	v57 =	vld [tilespmem:$0x9340];
	v56 =	vmul.f32 v46, v37;
	[tilespmem:$0x92D0] =	vst v51  }
0xe8: {  	v59 =	vld [tilespmem:$0x9350];
	v58 =	vmul.f32 v48, v54;
	[tilespmem:$0x92E0] =	vst v53  }
0xe9: {  	v61 =	vld [tilespmem:$0x9360];
	v60 =	vmul.f32 v50, v54;
	[tilespmem:$0x92F0] =	vst v56  }
0xea: {  	v63 =	vld [tilespmem:$0x9370];
	v62 =	vmul.f32 v52, v54;
	[tilespmem:$0x9300] =	vst v58  }
0xeb: {  	v22 =	vld [tilespmem:$0x93C0];
	v12 =	vmul.f32 v55, v54;
	[tilespmem:$0x9310] =	vst v60  }
0xec: {  	v13 =	vld [tilespmem:$0x9380];
	v14 =	vmul.f32 v57, v54;
	[tilespmem:$0x9320] =	vst v62  }
0xed: {  	v15 =	vld [tilespmem:$0x9390];
	v16 =	vmul.f32 v59, v54;
	[tilespmem:$0x9330] =	vst v12  }
0xee: {  	v17 =	vld [tilespmem:$0x93A0];
	v19 =	vbroadcast v0, $0x7;
	v18 =	vmul.f32 v61, v54;
	[tilespmem:$0x9340] =	vst v14  }
0xef: {  	v20 =	vld [tilespmem:$0x93B0];
	v21 =	vmul.f32 v63, v54;
	[tilespmem:$0x9350] =	vst v16  }
0xf0: {  	v24 =	vld [tilespmem:$0x93D0];
	v31 =	vmul.f32 v22, v19;
	[tilespmem:$0x9360] =	vst v18  }
0xf1: {  	v26 =	vld [tilespmem:$0x93E0];
	v23 =	vmul.f32 v13, v19;
	[tilespmem:$0x9370] =	vst v21  }
0xf2: {  	v28 =	vld [tilespmem:$0x93F0];
	v25 =	vmul.f32 v15, v19;
	[tilespmem:$0x93C0] =	vst v31  }
0xf3: {  	v37 =	vld [tilespmem:$0x9430];
	v27 =	vmul.f32 v17, v19;
	[tilespmem:$0x9380] =	vst v23  }
0xf4: {  	v47 =	vld [tilespmem:$0x9480];
	[tilespmem:$0x9390] =	vst v25;
	v29 =	vmul.f32 v20, v19  }
0xf5: {  	v54 =	vld [tilespmem:$0x94B0];
	[tilespmem:$0x93A0] =	vst v27;
	v33 =	vmul.f32 v24, v19  }
0xf6: {  	v30 =	vld [tilespmem:$0x9400];
	v36 =	vbroadcast v0, $0x8;
	v35 =	vmul.f32 v26, v19;
	[tilespmem:$0x93B0] =	vst v29  }
0xf7: {  	v32 =	vld [tilespmem:$0x9410];
	v53 =	vbroadcast v0, $0x9;
	v38 =	vmul.f32 v28, v19;
	[tilespmem:$0x93D0] =	vst v33  }
0xf8: {  	v34 =	vld [tilespmem:$0x9420];
	v46 =	vmul.f32 v37, v36;
	[tilespmem:$0x93E0] =	vst v35  }
0xf9: {  	v39 =	vld [tilespmem:$0x9440];
	v57 =	vmul.f32 v47, v53;
	[tilespmem:$0x93F0] =	vst v38  }
0xfa: {  	v41 =	vld [tilespmem:$0x9450];
	v63 =	vmul.f32 v54, v53;
	[tilespmem:$0x9430] =	vst v46  }
0xfb: {  	v43 =	vld [tilespmem:$0x9460];
	v40 =	vmul.f32 v30, v36;
	[tilespmem:$0x9480] =	vst v57  }
0xfc: {  	v45 =	vld [tilespmem:$0x9470];
	v42 =	vmul.f32 v32, v36;
	[tilespmem:$0x94B0] =	vst v63  }
0xfd: {  	v49 =	vld [tilespmem:$0x9490];
	v44 =	vmul.f32 v34, v36;
	[tilespmem:$0x9400] =	vst v40  }
0xfe: {  	v51 =	vld [tilespmem:$0x94A0];
	v48 =	vmul.f32 v39, v36;
	[tilespmem:$0x9410] =	vst v42  }
0xff: {  	v56 =	vld [tilespmem:$0x94C0];
	v50 =	vmul.f32 v41, v36;
	[tilespmem:$0x9420] =	vst v44  }
0x100: {  	v58 =	vld [tilespmem:$0x94D0];
	v52 =	vmul.f32 v43, v36;
	[tilespmem:$0x9440] =	vst v48  }
0x101: {  	v60 =	vld [tilespmem:$0x94E0];
	v55 =	vmul.f32 v45, v36;
	[tilespmem:$0x9450] =	vst v50  }
0x102: {  	v62 =	vld [tilespmem:$0x94F0];
	v59 =	vmul.f32 v49, v53;
	[tilespmem:$0x9460] =	vst v52  }
0x103: {  	v12 =	vld [tilespmem:$0x9500];
	v61 =	vmul.f32 v51, v53;
	[tilespmem:$0x9470] =	vst v55  }
0x104: {  	v14 =	vld [tilespmem:$0x9510];
	v13 =	vmul.f32 v56, v53;
	[tilespmem:$0x9490] =	vst v59  }
0x105: {  	v16 =	vld [tilespmem:$0x9520];
	v15 =	vmul.f32 v58, v53;
	[tilespmem:$0x94A0] =	vst v61  }
0x106: {  	v18 =	vbroadcast v0, $0xA;
	v21 =	vld [tilespmem:$0x9540];
	v17 =	vmul.f32 v60, v53;
	[tilespmem:$0x94C0] =	vst v13  }
0x107: {  	v23 =	vld [tilespmem:$0x9550];
	v20 =	vmul.f32 v62, v53;
	[tilespmem:$0x94D0] =	vst v15  }
0x108: {  	v25 =	vld [tilespmem:$0x9560];
	v22 =	vmul.f32 v12, v18;
	[tilespmem:$0x94E0] =	vst v17  }
0x109: {  	v27 =	vld [tilespmem:$0x9570];
	v24 =	vmul.f32 v14, v18;
	[tilespmem:$0x94F0] =	vst v20  }
0x10a: {  	v31 =	vld [tilespmem:$0x9590];
	v26 =	vmul.f32 v16, v18;
	[tilespmem:$0x9500] =	vst v22  }
0x10b: {  	v19 =	vld [tilespmem:$0x9530];
	v30 =	vmul.f32 v21, v18;
	[tilespmem:$0x9510] =	vst v24  }
0x10c: {  	v29 =	vld [tilespmem:$0x9580];
	[tilespmem:$0x9520] =	vst v26;
	v32 =	vmul.f32 v23, v18  }
0x10d: {  	v33 =	vld [tilespmem:$0x95A0];
	v35 =	vbroadcast v0, $0xB;
	[tilespmem:$0x9540] =	vst v30;
	v34 =	vmul.f32 v25, v18  }
0x10e: {  	v36 =	vld [tilespmem:$0x95B0];
	v37 =	vmul.f32 v27, v18;
	[tilespmem:$0x9550] =	vst v32  }
0x10f: {  	v38 =	vld [tilespmem:$0x95C0];
	v41 =	vmul.f32 v31, v35;
	[tilespmem:$0x9560] =	vst v34  }
0x110: {  	v46 =	vld [tilespmem:$0x9600];
	v28 =	vmul.f32 v19, v18;
	[tilespmem:$0x9570] =	vst v37  }
0x111: {  	v53 =	vld [tilespmem:$0x9630];
	[tilespmem:$0x9590] =	vst v41;
	v39 =	vmul.f32 v29, v35  }
0x112: {  	v57 =	vld [tilespmem:$0x9650];
	[tilespmem:$0x9530] =	vst v28;
	v43 =	vmul.f32 v33, v35  }
0x113: {  	v63 =	vld [tilespmem:$0x9680];
	v52 =	vbroadcast v0, $0xC;
	v45 =	vmul.f32 v36, v35;
	[tilespmem:$0x9580] =	vst v39  }
0x114: {  	v40 =	vld [tilespmem:$0x95D0];
	v47 =	vmul.f32 v38, v35;
	[tilespmem:$0x95A0] =	vst v43  }
0x115: {  	v42 =	vld [tilespmem:$0x95E0];
	v56 =	vmul.f32 v46, v52;
	[tilespmem:$0x95B0] =	vst v45  }
0x116: {  	v44 =	vld [tilespmem:$0x95F0];
	v17 =	vbroadcast v0, $0xD;
	v62 =	vmul.f32 v53, v52;
	[tilespmem:$0x95C0] =	vst v47  }
0x117: {  	v48 =	vld [tilespmem:$0x9610];
	v14 =	vmul.f32 v57, v52;
	[tilespmem:$0x9600] =	vst v56  }
0x118: {  	v50 =	vld [tilespmem:$0x9620];
	v21 =	vmul.f32 v63, v17;
	[tilespmem:$0x9630] =	vst v62  }
0x119: {  	v55 =	vld [tilespmem:$0x9640];
	v49 =	vmul.f32 v40, v35;
	[tilespmem:$0x9650] =	vst v14  }
0x11a: {  	v59 =	vld [tilespmem:$0x9660];
	v51 =	vmul.f32 v42, v35;
	[tilespmem:$0x9680] =	vst v21  }
0x11b: {  	v61 =	vld [tilespmem:$0x9670];
	v54 =	vmul.f32 v44, v35;
	[tilespmem:$0x95D0] =	vst v49  }
0x11c: {  	v13 =	vld [tilespmem:$0x9690];
	v58 =	vmul.f32 v48, v52;
	[tilespmem:$0x95E0] =	vst v51  }
0x11d: {  	v15 =	vld [tilespmem:$0x96A0];
	v60 =	vmul.f32 v50, v52;
	[tilespmem:$0x95F0] =	vst v54  }
0x11e: {  	v20 =	vld [tilespmem:$0x96C0];
	v12 =	vmul.f32 v55, v52;
	[tilespmem:$0x9610] =	vst v58  }
0x11f: {  	v22 =	vld [tilespmem:$0x96D0];
	v16 =	vmul.f32 v59, v52;
	[tilespmem:$0x9620] =	vst v60  }
0x120: {  	v24 =	vld [tilespmem:$0x96E0];
	v19 =	vmul.f32 v61, v52;
	[tilespmem:$0x9640] =	vst v12  }
0x121: {  	v26 =	vld [tilespmem:$0x96F0];
	v23 =	vmul.f32 v13, v17;
	[tilespmem:$0x9660] =	vst v16  }
0x122: {  	v30 =	vld [tilespmem:$0x9710];
	v25 =	vmul.f32 v15, v17;
	[tilespmem:$0x9670] =	vst v19  }
0x123: {  	v18 =	vld [tilespmem:$0x96B0];
	v29 =	vmul.f32 v20, v17;
	[tilespmem:$0x9690] =	vst v23  }
0x124: {  	v32 =	vld [tilespmem:$0x9720];
	v31 =	vmul.f32 v22, v17;
	[tilespmem:$0x96A0] =	vst v25  }
0x125: {  	v34 =	vbroadcast v0, $0xE;
	v37 =	vld [tilespmem:$0x9740];
	v33 =	vmul.f32 v24, v17;
	[tilespmem:$0x96C0] =	vst v29  }
0x126: {  	v41 =	vld [tilespmem:$0x9760];
	v36 =	vmul.f32 v26, v17;
	[tilespmem:$0x96D0] =	vst v31  }
0x127: {  	v28 =	vld [tilespmem:$0x9700];
	v40 =	vmul.f32 v30, v34;
	[tilespmem:$0x96E0] =	vst v33  }
0x128: {  	v53 =	vld [tilespmem:$0x97C0];
	v27 =	vmul.f32 v18, v17;
	[tilespmem:$0x96F0] =	vst v36  }
0x129: {  	v57 =	vld [tilespmem:$0x97E0];
	v42 =	vmul.f32 v32, v34;
	[tilespmem:$0x9710] =	vst v40  }
0x12a: {  	v35 =	vld [tilespmem:$0x9730];
	v46 =	vmul.f32 v37, v34;
	[tilespmem:$0x96B0] =	vst v27  }
0x12b: {  	v0 =	vbroadcast v0, $0xF;
	v39 =	vld [tilespmem:$0x9750];
	v50 =	vmul.f32 v41, v34;
	[tilespmem:$0x9720] =	vst v42  }
0x12c: {  	v43 =	vld [tilespmem:$0x9770];
	v38 =	vmul.f32 v28, v34;
	[tilespmem:$0x9740] =	vst v46  }
0x12d: {  	v45 =	vld [tilespmem:$0x9780];
	v61 =	vmul.f32 v53, v0;
	[tilespmem:$0x9760] =	vst v50  }
0x12e: {  	v47 =	vld [tilespmem:$0x9790];
	v63 =	vmul.f32 v57, v0;
	[tilespmem:$0x9700] =	vst v38  }
0x12f: {  	v55 =	vld [tilespmem:$0x97D0];
	v44 =	vmul.f32 v35, v34;
	[tilespmem:$0x97C0] =	vst v61  }
0x130: {  	v49 =	vld [tilespmem:$0x97A0];
	v48 =	vmul.f32 v39, v34;
	[tilespmem:$0x97E0] =	vst v63  }
0x131: {  	v51 =	vld [tilespmem:$0x97B0];
	v52 =	vmul.f32 v43, v34;
	[tilespmem:$0x9730] =	vst v44  }
0x132: {  	v59 =	vld [tilespmem:$0x97F0];
	v54 =	vmul.f32 v45, v0;
	[tilespmem:$0x9750] =	vst v48  }
0x133: {  	v56 =	vmul.f32 v47, v0;
	[tilespmem:$0x9770] =	vst v52  }
0x134: {  	v62 =	vmul.f32 v55, v0;
	[tilespmem:$0x9780] =	vst v54  }
0x135: {  	v58 =	vmul.f32 v49, v0;
	[tilespmem:$0x9790] =	vst v56  }
0x136: {  	v60 =	vmul.f32 v51, v0;
	[tilespmem:$0x97D0] =	vst v62  }
0x137: {  	v0 =	vmul.f32 v59, v0;
	[tilespmem:$0x97A0] =	vst v58  }
0x138: {  	p0 =	sne.s32 s24, $0x1;
	[tilespmem:$0x97B0] =	vst v60  }
.Ltmp5:
0x139: {  	[tilespmem:$0x97F0] =	vst v0;
	(pc) =	sbr.rel @p0 .LBB2_12-.Ltmp5, $4  }
0x13a: {  	[hbm4b:s29+s5] =	stream.linear.scatter [tilespmem:s8], [sflag:$0x2], $0x800, $0x38;
	[tilespmem:$0x1E280] =	vst v63  }
0x13b: {  	_ =	swait.ge [sflag:s31], $0x800  }
0x13c: {  	s28 =	sadd.s32 $0x100, s28;
	s24 =	sadd.s32 $0xFFFFFFFF, s24;
	[sflag:s31] =	ssyncset.done $0x0  }
0x13d: {  	s10 =	sadd.s32 $0x10, s10;
	s29 =	sadd.s32 $0x100, s29;
	[sflag:s31] =	ssyncadd.s32 $0xFFFFF800  }
0x13e: {  	[bflag:$0x0] =	sbarrier.arrive $0xFFFF;
	s10 =	simm.s32 $0x0  }
0x13f: {  	[tilespmem:s10], [sflag:$0x2] =	stream.linear.gather [hbm4b:s25+s10], $0x2780, $0x38;
	[tilespmem:$0x1E280] =	vst v63  }
0x140: {  	_ =	swait.ge [sflag:s31], $0x2780  }
0x141: {  	[sflag:s31] =	ssyncset.done $0x0  }
0x142: {  	s14 =	rddreg [dreg:$0xc];
	[sflag:s31] =	ssyncadd.s32 $0xFFFFD880  }
0x143: {  	[tilespmem:s1], [sflag:$0x2] =	stream.linear.gather [hbm4b:s14+s10], $0x2780, $0x38;
	[tilespmem:$0x1E280] =	vst v63  }
0x144: {  	_ =	swait.ge [sflag:s31], $0x2780  }
0x145: {  	[sflag:s31] =	ssyncset.done $0x0  }
0x146: {  	s29 =	simm.s32 $0x0;
	[sflag:s31] =	ssyncadd.s32 $0xFFFFD880  }
0x147: {  	[tilespmem:s0], [sflag:$0x1] =	stream.indirect.gather [hbm4b:s15+s6], $0x80, s29, s6, $0xb8;
	[tilespmem:$0x1E280] =	vst v63  }
0x148: {  	_ =	swait.ge [sflag:s7], $0x4000  }
0x149: {  	[sflag:s7] =	ssyncset.done $0x0  }
0x14a: {  	s30 =	simm.s32 $0x2800;
	[sflag:s7] =	ssyncadd.s32 $0xFFFFC000  }
0x14b: {  	[spmem:s3] =	stream.indirect.scatter.add.f32 [tilespmem:s0], [sflag:$0x2], $0x80, s30, s6, $0xb8;
	[tilespmem:$0x1E280] =	vst v63  }
0x14c: {  	_ =	swait.ge [sflag:s31], $0x4000  }
0x14d: {  	s10 =	simm.s32 $0x200;
	s14 =	simm.s32 $0x400;
	[sflag:s31] =	ssyncset.done $0x0  }
.LBB2_14:
0x14e: {  	s22 =	sshra.s32 s10, $0x2  }
0x14f: {  	[sflag:s31] =	ssyncadd.s32 $0xFFFFC000;
	s10 =	smov.u32 s14;
	s24 =	sadd.s32 $0x200, s14  }
0x150: {  	[tilespmem:s0], [sflag:$0x1] =	stream.indirect.gather [hbm4b:s15+s6], $0x80, s22, s6, $0xb8;
	[tilespmem:$0x1E280] =	vst v63  }
0x151: {  	p0 =	sne.s32 s14, $0x9C00;
	_ =	swait.ge [sflag:s7], $0x4000  }
.Ltmp6:
0x152: {  	[sflag:s7] =	ssyncset.done $0x0;
	(pc) =	sbr.rel @p0 .LBB2_14-.Ltmp6, $4  }
0x153: {  	s14 =	sadd.s32 $0x2800, s22;
	[sflag:s7] =	ssyncadd.s32 $0xFFFFC000  }
0x154: {  	[spmem:s3] =	stream.indirect.scatter.add.f32 [tilespmem:s0], [sflag:$0x2], $0x80, s14, s6, $0xb8;
	[tilespmem:$0x1E280] =	vst v63  }
0x155: {  	_ =	swait.ge [sflag:s31], $0x4000  }
0x156: {  	s14 =	smov.u32 s24;
	[sflag:s31] =	ssyncset.done $0x0  }
0x157: {  	s10 =	sshra.s32 s10, $0x2;
	[sflag:s31] =	ssyncadd.s32 $0xFFFFC000  }
0x158: {  	[tilespmem:s0], [sflag:$0x1] =	stream.indirect.gather [hbm4b:s15+s6], $0x80, s10, s6, $0xb8;
	[tilespmem:$0x1E280] =	vst v63  }
0x159: {  	_ =	swait.ge [sflag:s7], $0x4000  }
0x15a: {  	[sflag:s7] =	ssyncset.done $0x0  }
0x15b: {  	s10 =	sadd.s32 $0x2800, s10;
	[sflag:s7] =	ssyncadd.s32 $0xFFFFC000  }
0x15c: {  	[spmem:s3] =	stream.indirect.scatter.add.f32 [tilespmem:s0], [sflag:$0x2], $0x80, s10, s6, $0xb8;
	[tilespmem:$0x1E280] =	vst v63  }
0x15d: {  	_ =	swait.ge [sflag:s31], $0x4000  }
0x15e: {  	[sflag:s31] =	ssyncset.done $0x0  }
0x15f: {  	[sflag:s31] =	ssyncadd.s32 $0xFFFFC000  }
0x160: {  	[bflag:$0x0] =	sbarrier.arrive $0xFFFF  }
0x161: {  	[tilespmem:s0], [sflag:$0x2] =	stream.linear.gather [spmem:s16], $0x4000, $0x38;
	[tilespmem:$0x1E280] =	vst v63  }
0x162: {  	_ =	swait.ge [sflag:s31], $0x4000  }
0x163: {  	[sflag:s31] =	ssyncset.done $0x0  }
0x164: {  	s22 =	rddreg [dreg:$0x6];
	[sflag:s31] =	ssyncadd.s32 $0xFFFFC000  }
0x165: {  	[hbm4b:s22+s5] =	stream.linear.scatter [tilespmem:s0], [sflag:$0x2], $0x4000, $0x38;
	[tilespmem:$0x1E280] =	vst v63  }
0x166: {  	_ =	swait.ge [sflag:s31], $0x4000  }
0x167: {  	[sflag:s31] =	ssyncset.done $0x0  }
0x168: {  	[sflag:s31] =	ssyncadd.s32 $0xFFFFC000  }
0x169: {  	[tilespmem:s0], [sflag:$0x2] =	stream.linear.gather [spmem:s17], $0x4000, $0x38;
	[tilespmem:$0x1E280] =	vst v63  }
0x16a: {  	_ =	swait.ge [sflag:s31], $0x4000  }
0x16b: {  	[sflag:s31] =	ssyncset.done $0x0  }
0x16c: {  	s24 =	rddreg [dreg:$0x7];
	[sflag:s31] =	ssyncadd.s32 $0xFFFFC000  }
0x16d: {  	[hbm4b:s24+s5] =	stream.linear.scatter [tilespmem:s0], [sflag:$0x2], $0x4000, $0x38;
	[tilespmem:$0x1E280] =	vst v63  }
0x16e: {  	_ =	swait.ge [sflag:s31], $0x4000  }
0x16f: {  	[sflag:s31] =	ssyncset.done $0x0  }
0x170: {  	[sflag:s31] =	ssyncadd.s32 $0xFFFFC000  }
0x171: {  	[tilespmem:s0], [sflag:$0x2] =	stream.linear.gather [spmem:s18], $0x4000, $0x38;
	[tilespmem:$0x1E280] =	vst v63  }
0x172: {  	_ =	swait.ge [sflag:s31], $0x4000  }
0x173: {  	[sflag:s31] =	ssyncset.done $0x0  }
0x174: {  	s28 =	rddreg [dreg:$0x8];
	[sflag:s31] =	ssyncadd.s32 $0xFFFFC000  }
0x175: {  	[hbm4b:s28+s5] =	stream.linear.scatter [tilespmem:s0], [sflag:$0x2], $0x4000, $0x38;
	[tilespmem:$0x1E280] =	vst v63  }
0x176: {  	_ =	swait.ge [sflag:s31], $0x4000  }
0x177: {  	[sflag:s31] =	ssyncset.done $0x0  }
0x178: {  	[sflag:s31] =	ssyncadd.s32 $0xFFFFC000  }
0x179: {  	[tilespmem:s0], [sflag:$0x2] =	stream.linear.gather [spmem:s20], $0x4000, $0x38;
	[tilespmem:$0x1E280] =	vst v63  }
0x17a: {  	_ =	swait.ge [sflag:s31], $0x4000  }
0x17b: {  	[sflag:s31] =	ssyncset.done $0x0  }
0x17c: {  	s29 =	rddreg [dreg:$0x9];
	[sflag:s31] =	ssyncadd.s32 $0xFFFFC000  }
0x17d: {  	[hbm4b:s29+s5] =	stream.linear.scatter [tilespmem:s0], [sflag:$0x2], $0x4000, $0x38;
	[tilespmem:$0x1E280] =	vst v63  }
0x17e: {  	_ =	swait.ge [sflag:s31], $0x4000  }
0x17f: {  	[sflag:s31] =	ssyncset.done $0x0  }
0x180: {  	[sflag:s31] =	ssyncadd.s32 $0xFFFFC000  }
0x181: {  	[tilespmem:s0], [sflag:$0x2] =	stream.linear.gather [spmem:s21], $0x4000, $0x38;
	[tilespmem:$0x1E280] =	vst v63  }
0x182: {  	s9 =	sadd.s32 $0x1, s9;
	_ =	swait.ge [sflag:s31], $0x4000  }
0x183: {  	p0 =	sne.s32 s9, s26;
	[sflag:s31] =	ssyncset.done $0x0  }
.Ltmp7:
0x184: {  	s30 =	rddreg [dreg:$0xa];
	[sflag:s31] =	ssyncadd.s32 $0xFFFFC000;
	(pc) =	sbr.rel @p0 .LBB2_1-.Ltmp7, $4  }
0x185: {  	[hbm4b:s30+s5] =	stream.linear.scatter [tilespmem:s0], [sflag:$0x2], $0x4000, $0x38;
	[tilespmem:$0x1E280] =	vst v63  }
0x186: {  	_ =	swait.ge [sflag:s31], $0x4000  }
0x187: {  	[sflag:s31] =	ssyncset.done $0x0  }
0x188: {  	[sflag:s31] =	ssyncadd.s32 $0xFFFFC000  }
0x189: {  	_ =	sfence.sel $0x180000  }
0x18a: {  	[bflag:$0x0] =	sbarrier.arrive $0xFFFF  }
0x18b: {  	_ =	strace $0x90000047  }
0x18c: {  	s0 =	stileid.u32;
	[bflag:$0x2] =	sbarrier.arrive $0xFFFF  }
0x18d: {  	p0 =	sne.s32 s0, $0x0;
	s0 =	rddreg [dreg:$0x5]  }
0x18e: {  	s0 =	sadd.s32 @!p0 $0x100000, s0  }
0x18f: {  	[sflag:s0] =	ssyncadd.tile.s32 @!p0 $0x1;
	_ =	shalt  }
.Lfunc_end2:
_tile_overlayer_lowered:
.L_overlay_start_2:
0x190: {  	(tag) =	ssettag $0x2  }
0x191: {  	s0 =	rddreg [dreg:$0x0];
	s2 =	stileid.u32  }
0x192: {  	s1 =	rddreg [dreg:$0x1];
	p0 =	sne.s32 s2, $0x0  }
0x193: {  	s3 =	rddreg [dreg:$0x2];
	[bflag:$0x3] =	sbarrier.arrive $0xFFFF;
	s2 =	simm.s32 @!p0 $0x1C02  }
0x194: {  	[timem:s3], [sflag:s2] =	dma.local @!p0 [hbm:s0], s1  }
0x195: {  	s0 =	simm.s32 @!p0 $0x2  }
0x196: {  	_ =	swait.ge @!p0 [sflag:s0], s1  }
0x197: {  	s1 =	ssub.s32 @!p0 $0x0, s1;
	[sflag:s0] =	ssyncset.done @!p0 $0x0  }
0x198: {  	[sflag:s0] =	ssyncadd.s32 @!p0 s1  }
0x199: {  	[bflag:$0x3] =	sbarrier.arrive $0xFFFF  }
0x19a: {  	_ =	shalt  }

// kernel: kernel.9.cloned.1.call-start
scs
__scs_entry_jumppad:
0x0: {  	(pc) =	sbr.rel $0x88, $3  }
0x1: {  	(tag) =	ssettag $0x0;
	lr =	simm.s32 $0x1  }
0x2: {  	[smem:$0x3F9B] =	sst lr;
	_ =	strace $0xD0000000  }
0x3: {  	_ = 	snop  }
0x4: {  	_ = 	snop  }
0x5: {  	_ = 	snop  }
0x6: {  	_ = 	snop  }
0x7: {  	_ = 	snop  }
__scs_overlays_trampoline_lowered:
0x8: {  	[smem:$0x3FAA] =	sst s0  }
0x9: {  	[smem:$0x3FAB] =	sst s1  }
0xa: {  	[smem:$0x3FAC] =	sst s2  }
0xb: {  	[smem:$0x3FAD] =	sst s3  }
0xc: {  	[smem:$0x3FAE] =	sst s4  }
0xd: {  	[smem:$0x3FAF] =	sst s5  }
0xe: {  	[smem:$0x3FB0] =	sst s6  }
0xf: {  	[smem:$0x3FB1] =	sst s7  }
0x10: {  	[smem:$0x3FB2] =	sst s8  }
0x11: {  	[smem:$0x3FB3] =	sst s9;
	s0 =	simm.s32 @!p0 $0x0  }
0x12: {  	s1 =	sld [smem:$0x3F99];
	s0 =	simm.s32 @p0 $0x1  }
0x13: {  	[smem:$0x3FB4] =	sst s0;
	s0 =	simm.s32 @!p1 $0x0  }
0x14: {  	s2 =	sld [smem:$0x3F98];
	s0 =	simm.s32 @p1 $0x1  }
0x15: {  	[smem:$0x3FB5] =	sst s0;
	s0 =	simm.s32 @!p2 $0x0  }
0x16: {  	s3 =	sld [smem:$0x3FDB];
	s0 =	simm.s32 @p2 $0x1  }
0x17: {  	s4 =	simm.s32 $0x1BF5;
	[smem:$0x3FB7] =	sst s0  }
0x18: {  	s0 =	sld [smem:$0x3F9A];
	_ =	swait.ge [sflag:s4], $0x0  }
0x19: {  	s7 =	sld [smem:$0x3F9B]  }
0x1a: {  	s8 =	sadd.s32 $0xFFFFE003, lr  }
0x1b: {  	s9 =	sadd.s32 $0xFFFFFEF7, lr;
	s5 =	simm.s32 $0xFFFFFFFF;
	p2 =	slt.u32 s8, $0xFFFFF086  }
0x1c: {  	p1 =	slt.u32 s9, $0xF7A;
	s5 =	simm.s32 @!p2 $0x0  }
0x1d: {  	s5 =	simm.s32 @p1 $0x1;
	p0 =	seq.s32 s7, s2  }
0x1e: {  	s7 =	smul.u32 @!p0 $0xF7A, s2;
	p2 =	seq.s32 @!p0 s5, $0x0  }
0x1f: {  	s9 =	smul.u32 $0xF7A, s1;
	s8 =	simm.s32 @!p0 $0x1BF5;
	p2 =	por !p2, p0  }
0x20: {  	[sflag:s8] =	ssyncset.s32 @!p0 $0xFFFFF086;
	s6 =	sadd.s32 @!p0 s3, s7;
	s7 =	simm.s32 @!p0 $0x108  }
0x21: {  	s3 =	sadd.s32 s3, s9;
	s6 =	sadd.s32 @!p0 $0x88, s6;
	s7 =	simm.s32 @p2 $0x1082  }
0x22: {  	[simem:s7], [sflag:s8] =	dma.local @!p0 [hbm:s6], $0xF7A  }
0x23: {  	s9 =	sor.u32 $0xD0000000, s2;
	s6 =	simm.s32 $0x108;
	_ =	swait.ge @!p0 [sflag:s8], $0x0  }
0x24: {  	s3 =	sadd.s32 $0x88, s3;
	s6 =	simm.s32 @!p1 $0x1082;
	[sflag:s4] =	ssyncset.s32 $0xFFFFF086  }
0x25: {  	[simem:s6], [sflag:s4] =	dma.local [hbm:s3], $0xF7A  }
0x26: {  	[smem:$0x3F9B] =	sst s1;
	(tag) =	ssettag s2;
	_ =	strace s9  }
0x27: {  	s1 =	sld [smem:$0x3FAB]  }
0x28: {  	s2 =	sld [smem:$0x3FAC]  }
0x29: {  	s4 =	sld [smem:$0x3FAE]  }
0x2a: {  	p0 =	seq.s32 s5, $0x0;
	s5 =	sld [smem:$0x3FAF]  }
0x2b: {  	s6 =	sld [smem:$0x3FB0]  }
0x2c: {  	s7 =	sld [smem:$0x3FB1]  }
0x2d: {  	s3 =	simm.s32 $0x108;
	s8 =	sld [smem:$0x3FB2]  }
0x2e: {  	s3 =	simm.s32 @!p0 $0x1082;
	s9 =	sld [smem:$0x3FB3]  }
0x2f: {  	lr =	sadd.s32 s0, s3;
	s0 =	sld [smem:$0x3FAA]  }
0x30: {  	s3 =	sld [smem:$0x3FAD]  }
0x31: {  	[smem:$0x3FB6] =	sst s10  }
0x32: {  	s10 =	sld [smem:$0x3FB4];
	_ =	sdelay $0x3  }
0x33: {  	p0 =	seq.s32 s10, $0x1;
	s10 =	sld [smem:$0x3FB6];
	_ =	sdelay $0x3  }
0x34: {  	[smem:$0x3FB6] =	sst s10  }
0x35: {  	s10 =	sld [smem:$0x3FB5];
	_ =	sdelay $0x3  }
0x36: {  	p1 =	seq.s32 s10, $0x1;
	s10 =	sld [smem:$0x3FB6];
	_ =	sdelay $0x3  }
0x37: {  	[smem:$0x3FB6] =	sst s10  }
0x38: {  	s10 =	sld [smem:$0x3FB7]  }
0x39: {  	_ = 	snop;
	(pc) =	sbr.ind lr, $3  }
0x3a: {  	_ = 	snop  }
0x3b: {  	_ = 	snop  }
0x3c: {  	p2 =	seq.s32 s10, $0x1;
	s10 =	sld [smem:$0x3FB6]  }
0x3d: {  	_ =	shalt  }
0x3e: {  	_ =	shalt  }
0x3f: {  	_ =	shalt  }
0x40: {  	_ =	shalt  }
0x41: {  	_ =	shalt  }
0x42: {  	_ =	shalt  }
0x43: {  	_ =	shalt  }
0x44: {  	_ =	shalt  }
0x45: {  	_ =	shalt  }
0x46: {  	_ =	shalt  }
0x47: {  	_ =	shalt  }
0x48: {  	_ =	shalt  }
0x49: {  	_ =	shalt  }
0x4a: {  	_ =	shalt  }
0x4b: {  	_ =	shalt  }
0x4c: {  	_ =	shalt  }
0x4d: {  	_ =	shalt  }
0x4e: {  	_ =	shalt  }
0x4f: {  	_ =	shalt  }
0x50: {  	_ =	shalt  }
0x51: {  	_ =	shalt  }
0x52: {  	_ =	shalt  }
0x53: {  	_ =	shalt  }
0x54: {  	_ =	shalt  }
0x55: {  	_ =	shalt  }
0x56: {  	_ =	shalt  }
0x57: {  	_ =	shalt  }
0x58: {  	_ =	shalt  }
0x59: {  	_ =	shalt  }
0x5a: {  	_ =	shalt  }
0x5b: {  	_ =	shalt  }
0x5c: {  	_ =	shalt  }
0x5d: {  	_ =	shalt  }
0x5e: {  	_ =	shalt  }
0x5f: {  	_ =	shalt  }
0x60: {  	_ =	shalt  }
0x61: {  	_ =	shalt  }
0x62: {  	_ =	shalt  }
0x63: {  	_ =	shalt  }
0x64: {  	_ =	shalt  }
0x65: {  	_ =	shalt  }
0x66: {  	_ =	shalt  }
0x67: {  	_ =	shalt  }
0x68: {  	_ =	shalt  }
0x69: {  	_ =	shalt  }
0x6a: {  	_ =	shalt  }
0x6b: {  	_ =	shalt  }
0x6c: {  	_ =	shalt  }
0x6d: {  	_ =	shalt  }
0x6e: {  	_ =	shalt  }
0x6f: {  	_ =	shalt  }
0x70: {  	_ =	shalt  }
0x71: {  	_ =	shalt  }
0x72: {  	_ =	shalt  }
0x73: {  	_ =	shalt  }
0x74: {  	_ =	shalt  }
0x75: {  	_ =	shalt  }
0x76: {  	_ =	shalt  }
0x77: {  	_ =	shalt  }
0x78: {  	_ =	shalt  }
0x79: {  	_ =	shalt  }
0x7a: {  	_ =	shalt  }
0x7b: {  	_ =	shalt  }
0x7c: {  	_ =	shalt  }
0x7d: {  	_ =	shalt  }
0x7e: {  	_ =	shalt  }
0x7f: {  	_ =	shalt  }
0x80: {  	_ =	shalt  }
0x81: {  	_ =	shalt  }
0x82: {  	_ =	shalt  }
0x83: {  	_ =	shalt  }
0x84: {  	_ =	shalt  }
0x85: {  	_ =	shalt  }
0x86: {  	_ =	shalt  }
0x87: {  	_ =	shalt  }
.Lfunc_end0:
.L_simem_size_0:
called_computation.1_lowered:
.L_overlay_start_0:
0x88: {  	s2 =	sld [smem:$0x3FD9]  }
0x89: {  	s3 =	sld [smem:$0x3FFE];
	_ =	sdelay $0x1  }
0x8a: {  	s1 =	srdreg.scid  }
0x8b: {  	s0 =	sand.u32 $0x1, s1  }
0x8c: {  	s16 =	sshll.u32 s0, $0xA;
	s2 =	sadd.s32 s3, s2  }
0x8d: {  	s2 =	sadd.s32 s2, s16  }
0x8e: {  	[smem:$0x3FC2] =	sst s2  }
0x8f: {  	_ = 	snop  }
0x90: {  	(tm) =	ssettm $0x1  }
0x91: {  	s17 =	sld [smem:$0x3FFB];
	_ =	sdelay $0x3  }
0x92: {  	_ =	strace s17  }
0x93: {  	s2 =	sld [smem:$0x3FFC];
	_ =	sdelay $0x3  }
0x94: {  	_ =	strace s2  }
0x95: {  	s2 =	sld [smem:$0x3FFD];
	_ =	sdelay $0x3  }
0x96: {  	_ =	strace s2  }
0x97: {  	_ =	strace $0x8FFFFFFF  }
0x98: {  	s18 =	sld [smem:$0x3FDB];
	_ =	sdelay $0x1  }
0x99: {  	s19 =	simm.s32 $_scs_section_size  }
0x9a: {  	s4 =	simm.s32 $_size__tile_overlayer_lowered;
	s5 =	simm.s32 $_tile_overlayer_lowered  }
0x9b: {  	s22 =	simm.s32 $0x1BFF;
	s21 =	sshll.u32 s5, $0x1;
	s2 =	sadd.s32 s19, s18  }
0x9c: {  	s6 =	simm.s32 $0x0;
	s20 =	sshll.u32 s4, $0x1;
	s4 =	sadd.s32 s21, s2  }
0x9d: {  	[timem:s6], [sflag:s22] =	dma.local [hbm:s4], s20  }
0x9e: {  	_ =	swait.ge [sflag:s22], s20  }
0x9f: {  	s3 =	ssub.s32 $0x0, s20;
	[sflag:s22] =	ssyncset.done $0x0  }
0xa0: {  	[sflag:s22] =	ssyncadd.s32 s3;
	_ =	sdelay $0x1  }
0xa1: {  	s23 =	simm.s32 $0x1B8B  }
0xa2: {  	_ =	swait.ge [sflag:s23], $0x1  }
0xa3: {  	[sflag:s23] =	ssyncset.done $0x0  }
0xa4: {  	s25 =	simm.s32 $0x1B8E;
	s24 =	sld [smem:$0x3FFE];
	[sflag:s23] =	ssyncadd.s32 $0xFFFFFFFF  }
0xa5: {  	s26 =	simm.s32 $execute0_lowered;
	[smem:$0x3FD2] =	sst s25  }
0xa6: {  	s4 =	sshll.u32 s26, $0x1;
	_ =	strace $0x80000049;
	[dreg:$0x1] =	wrdreg $0xFFFFFFFF  }
0xa7: {  	s28 =	simm.s32 $_size_execute0_lowered;
	s2 =	sadd.s32 s2, s4;
	[dreg:$0x0] =	wrdreg $0x0  }
0xa8: {  	s4 =	sshll.u32 s28, $0x1;
	[dreg:$0x2] =	wrdreg s2  }
0xa9: {  	[dreg:$0x3] =	wrdreg s4  }
0xaa: {  	[dreg:$0x4] =	wrdreg $0xC0  }
0xab: {  	_ =	task [dreg:s6], $0x5FFFF  }
0xac: {  	[dreg:$0x1] =	wrdreg $0xFFFFFFFF  }
0xad: {  	[dreg:$0x0] =	wrdreg $0x60  }
0xae: {  	[dreg:$0x2] =	wrdreg s24  }
0xaf: {  	[dreg:$0x3] =	wrdreg $0x9  }
0xb0: {  	_ =	task.clear_ibuf [dreg:s6], $0x4FFFF;
	_ =	strace $0x90000049  }
0xb1: {  	s29 =	simm.s32 $0x9;
	_ =	strace $0x8000004B  }
0xb2: {  	_ =	swait.ge [sflag:s29], $0x1  }
0xb3: {  	[sflag:s29] =	ssyncadd.s32 $0xFFFFFFFF  }
0xb4: {  	_ =	strace $0x9000004B  }
0xb5: {  	_ =	sfence  }
0xb6: {  	s30 =	sld [smem:$0x0];
	_ =	sdelay $0x2  }
0xb7: {  	s31 =	sshll.u32 s1, $0xD;
	s1 =	sshrl.u32 s1, $0x2  }
0xb8: {  	s3 =	sand.u32 $0x4000, s31;
	s1 =	sadd.s32 s1, s30  }
0xb9: {  	s0 =	sor.u32 s3, s0;
	s1 =	sshll.u32 s1, $0x11  }
0xba: {  	s0 =	sor.u32 s1, s0  }
0xbb: {  	s0 =	sadd.s32 $0x8F2B, s0  }
0xbc: {  	[sflag:s0] =	ssyncadd.remote.s32 $0x1  }
0xbd: {  	_ =	sfence.sel $0xFFFF  }
0xbe: {  	[dreg:$0x0] =	wrdreg $0xFFFFFFFF;
	(pc) =	sbr.abs _section_cstart, $3  }
0xbf: {  	[dreg:$0x1] =	wrdreg $0xFFFFFFFF  }
0xc0: {  	_ =	task.clear_ibuf [dreg:s6], $0x2FFFF;
	_ =	strace $0x9FFFFFFF  }
0xc1: {  	(tm) =	ssettm $0x7FFFFFFF  }
tec
execute0_lowered:
.L_overlay_start_1:
0x0: {  	(tag) =	ssettag $0x1  }
0x1: {  	s1 =	srdreg.scid  }
0x2: {  	s0 =	stileid.u32;
	s13 =	sand.u32 $0x1, s1  }
0x3: {  	s29 =	sshll.u32 s0, $0x6;
	s2 =	sshll.u32 s13, $0x5  }
0x4: {  	s30 =	sshll.u32 s0, $0x8;
	s9 =	sor.u32 s2, s29  }
0x5: {  	s1 =	sand.u32 $0xE00, s30;
	s2 =	sand.u32 $0x60, s9  }
0x6: {  	s10 =	rddreg [dreg:$0x0];
	s3 =	sor.u32 s1, s2  }
0x7: {  	s1 =	rddreg [dreg:$0x1];
	s2 =	simm.s32 $0x0;
	s3 =	sshrl.u32 s3, $0x3  }
0x8: {  	[smem:$0x7FF] =	sst s2;
	s12 =	sadd.s32 s3, s10  }
0x9: {  	_ =	strace $0x8000004A;
	s3 =	simm.s32 $0x2;
	s4 =	sadd.s32 $0x8D600, s12  }
0xa: {  	[tilespmem:s2], [sflag:$0x2] =	stream.linear.gather [hbm4b:s4+s2], $0x20, $0x38;
	[tilespmem:$0x1080] =	vst v63  }
0xb: {  	_ =	swait.ge [sflag:s3], $0x20  }
0xc: {  	s6 =	simm.s32 $0x20;
	s7 =	simm.s32 $0x80;
	[sflag:s3] =	ssyncset.done $0x0  }
0xd: {  	s8 =	simm.s32 $0x1;
	s5 =	sadd.s32 $0x1200, s10;
	[sflag:s3] =	ssyncadd.s32 $0xFFFFFFE0  }
0xe: {  	[tilespmem:s7], [sflag:$0x1] =	stream.indirect.gather [hbm4b:s5+s6], $0x80, s2, s6, $0xb8;
	[tilespmem:$0x1080] =	vst v63  }
0xf: {  	s9 =	sshll.u32 s9, $0x4;
	_ =	swait.ge [sflag:s8], $0x1000  }
0x10: {  	s14 =	sadd.s32 s9, s10;
	[sflag:s8] =	ssyncset.done $0x0  }
0x11: {  	s9 =	sadd.s32 $0x28400, s14;
	[sflag:s8] =	ssyncadd.s32 $0xFFFFF000  }
0x12: {  	[hbm4b:s9+s2] =	stream.linear.scatter [tilespmem:s7], [sflag:$0x2], $0x1000, $0x38;
	[tilespmem:$0x1080] =	vst v63  }
0x13: {  	_ =	swait.ge [sflag:s3], $0x1000  }
0x14: {  	[sflag:s3] =	ssyncset.done $0x0  }
0x15: {  	s10 =	sadd.s32 $0x8D610, s12;
	[sflag:s3] =	ssyncadd.s32 $0xFFFFF000  }
0x16: {  	[tilespmem:s2], [sflag:$0x2] =	stream.linear.gather [hbm4b:s10+s2], $0x20, $0x38;
	[tilespmem:$0x1080] =	vst v63  }
0x17: {  	_ =	swait.ge [sflag:s3], $0x20  }
0x18: {  	[sflag:s3] =	ssyncset.done $0x0  }
0x19: {  	[sflag:s3] =	ssyncadd.s32 $0xFFFFFFE0  }
0x1a: {  	[tilespmem:s7], [sflag:$0x1] =	stream.indirect.gather [hbm4b:s5+s6], $0x80, s2, s6, $0xb8;
	[tilespmem:$0x1080] =	vst v63  }
0x1b: {  	_ =	swait.ge [sflag:s8], $0x1000  }
0x1c: {  	[sflag:s8] =	ssyncset.done $0x0  }
0x1d: {  	s11 =	sadd.s32 $0x2C400, s14;
	[sflag:s8] =	ssyncadd.s32 $0xFFFFF000  }
0x1e: {  	[hbm4b:s11+s2] =	stream.linear.scatter [tilespmem:s7], [sflag:$0x2], $0x1000, $0x38;
	[tilespmem:$0x1080] =	vst v63  }
0x1f: {  	_ =	swait.ge [sflag:s3], $0x1000  }
0x20: {  	[sflag:s3] =	ssyncset.done $0x0  }
0x21: {  	s13 =	ssub.s32 $0x2, s13;
	s12 =	sadd.s32 $0x8D620, s12;
	[sflag:s3] =	ssyncadd.s32 $0xFFFFF000  }
0x22: {  	[tilespmem:s2], [sflag:$0x2] =	stream.linear.gather [hbm4b:s12+s2], $0x20, $0x38;
	[tilespmem:$0x1080] =	vst v63  }
0x23: {  	s15 =	sshrl.u32 s13, $0x1;
	_ =	swait.ge [sflag:s3], $0x20  }
0x24: {  	s15 =	ssub.s32 s13, s15;
	[sflag:s3] =	ssyncset.done $0x0  }
0x25: {  	s31 =	smax.u32 s15, $0x1;
	[sflag:s3] =	ssyncadd.s32 $0xFFFFFFE0  }
0x26: {  	[tilespmem:s7], [sflag:$0x1] =	stream.indirect.gather [hbm4b:s5+s6], $0x80, s2, s6, $0xb8;
	[tilespmem:$0x1080] =	vst v63  }
0x27: {  	p0 =	sne.s32 s31, $0x1;
	_ =	swait.ge [sflag:s8], $0x1000  }
.Ltmp0:
0x28: {  	[sflag:s8] =	ssyncset.done $0x0;
	(pc) =	sbr.rel @!p0 .LBB2_2-.Ltmp0, $4  }
0x29: {  	s13 =	sadd.s32 $0x30400, s14;
	[sflag:s8] =	ssyncadd.s32 $0xFFFFF000  }
0x2a: {  	[hbm4b:s13+s2] =	stream.linear.scatter [tilespmem:s7], [sflag:$0x2], $0x1000, $0x38;
	[tilespmem:$0x1080] =	vst v63  }
0x2b: {  	_ =	swait.ge [sflag:s3], $0x1000  }
0x2c: {  	s14 =	sadd.s32 $0xFFFFFFFF, s31;
	[sflag:s3] =	ssyncset.done $0x0  }
.LBB2_1:
0x2d: {  	p0 =	sne.s32 s14, $0x1;
	s14 =	sadd.s32 $0xFFFFFFFF, s14;
	[sflag:s3] =	ssyncadd.s32 $0xFFFFF000  }
0x2e: {  	[tilespmem:s2], [sflag:$0x2] =	stream.linear.gather [hbm4b:s4+s2], $0x20, $0x38;
	[tilespmem:$0x1080] =	vst v63  }
0x2f: {  	_ =	swait.ge [sflag:s3], $0x20  }
0x30: {  	[sflag:s3] =	ssyncset.done $0x0  }
0x31: {  	[sflag:s3] =	ssyncadd.s32 $0xFFFFFFE0  }
0x32: {  	[tilespmem:s7], [sflag:$0x1] =	stream.indirect.gather [hbm4b:s5+s6], $0x80, s2, s6, $0xb8;
	[tilespmem:$0x1080] =	vst v63  }
0x33: {  	_ =	swait.ge [sflag:s8], $0x1000  }
0x34: {  	[sflag:s8] =	ssyncset.done $0x0  }
0x35: {  	[sflag:s8] =	ssyncadd.s32 $0xFFFFF000  }
0x36: {  	[hbm4b:s9+s2] =	stream.linear.scatter [tilespmem:s7], [sflag:$0x2], $0x1000, $0x38;
	[tilespmem:$0x1080] =	vst v63  }
0x37: {  	_ =	swait.ge [sflag:s3], $0x1000  }
0x38: {  	[sflag:s3] =	ssyncset.done $0x0  }
0x39: {  	[sflag:s3] =	ssyncadd.s32 $0xFFFFF000  }
0x3a: {  	[tilespmem:s2], [sflag:$0x2] =	stream.linear.gather [hbm4b:s10+s2], $0x20, $0x38;
	[tilespmem:$0x1080] =	vst v63  }
0x3b: {  	_ =	swait.ge [sflag:s3], $0x20  }
0x3c: {  	[sflag:s3] =	ssyncset.done $0x0  }
0x3d: {  	[sflag:s3] =	ssyncadd.s32 $0xFFFFFFE0  }
0x3e: {  	[tilespmem:s7], [sflag:$0x1] =	stream.indirect.gather [hbm4b:s5+s6], $0x80, s2, s6, $0xb8;
	[tilespmem:$0x1080] =	vst v63  }
0x3f: {  	_ =	swait.ge [sflag:s8], $0x1000  }
0x40: {  	[sflag:s8] =	ssyncset.done $0x0  }
0x41: {  	[sflag:s8] =	ssyncadd.s32 $0xFFFFF000  }
0x42: {  	[hbm4b:s11+s2] =	stream.linear.scatter [tilespmem:s7], [sflag:$0x2], $0x1000, $0x38;
	[tilespmem:$0x1080] =	vst v63  }
0x43: {  	_ =	swait.ge [sflag:s3], $0x1000  }
0x44: {  	[sflag:s3] =	ssyncset.done $0x0  }
0x45: {  	[sflag:s3] =	ssyncadd.s32 $0xFFFFF000  }
0x46: {  	[tilespmem:s2], [sflag:$0x2] =	stream.linear.gather [hbm4b:s12+s2], $0x20, $0x38;
	[tilespmem:$0x1080] =	vst v63  }
0x47: {  	_ =	swait.ge [sflag:s3], $0x20  }
0x48: {  	[sflag:s3] =	ssyncset.done $0x0  }
0x49: {  	[sflag:s3] =	ssyncadd.s32 $0xFFFFFFE0  }
0x4a: {  	[tilespmem:s7], [sflag:$0x1] =	stream.indirect.gather [hbm4b:s5+s6], $0x80, s2, s6, $0xb8;
	[tilespmem:$0x1080] =	vst v63  }
0x4b: {  	_ =	swait.ge [sflag:s8], $0x1000  }
.Ltmp1:
0x4c: {  	[sflag:s8] =	ssyncset.done $0x0;
	(pc) =	sbr.rel @p0 .LBB2_1-.Ltmp1, $4  }
0x4d: {  	[sflag:s8] =	ssyncadd.s32 $0xFFFFF000  }
0x4e: {  	[hbm4b:s13+s2] =	stream.linear.scatter [tilespmem:s7], [sflag:$0x2], $0x1000, $0x38;
	[tilespmem:$0x1080] =	vst v63  }
0x4f: {  	_ =	swait.ge [sflag:s3], $0x1000  }
0x50: {  	[sflag:s3] =	ssyncset.done $0x0  }
.LBB2_2:
0x51: {  	[sflag:s3] =	ssyncadd.s32 $0xFFFFF000  }
0x52: {  	_ =	sfence.sel $0x180000  }
0x53: {  	[bflag:$0x0] =	sbarrier.arrive $0xFFFF  }
0x54: {  	p0 =	sne.s32 s0, $0x0;
	_ =	strace $0x9000004A  }
0x55: {  	s0 =	sadd.s32 @!p0 $0x100000, s1;
	[bflag:$0x2] =	sbarrier.arrive $0xFFFF  }
0x56: {  	[sflag:s0] =	ssyncadd.tile.s32 @!p0 $0x1;
	_ =	shalt  }
.Lfunc_end2:
_tile_overlayer_lowered:
.L_overlay_start_2:
0x57: {  	(tag) =	ssettag $0x2  }
0x58: {  	s0 =	rddreg [dreg:$0x0];
	s2 =	stileid.u32  }
0x59: {  	s1 =	rddreg [dreg:$0x1];
	p0 =	sne.s32 s2, $0x0  }
0x5a: {  	s3 =	rddreg [dreg:$0x2];
	[bflag:$0x3] =	sbarrier.arrive $0xFFFF;
	s2 =	simm.s32 @!p0 $0x1C02  }
0x5b: {  	[timem:s3], [sflag:s2] =	dma.local @!p0 [hbm:s0], s1  }
0x5c: {  	s0 =	simm.s32 @!p0 $0x2  }
0x5d: {  	_ =	swait.ge @!p0 [sflag:s0], s1  }
0x5e: {  	s1 =	ssub.s32 @!p0 $0x0, s1;
	[sflag:s0] =	ssyncset.done @!p0 $0x0  }
0x5f: {  	[sflag:s0] =	ssyncadd.s32 @!p0 s1  }
0x60: {  	[bflag:$0x3] =	sbarrier.arrive $0xFFFF  }
0x61: {  	_ =	shalt  }

</sc_bundles>
